<compile_context>
chip_gen: v7x
topology: tpu7x:2x2x1
jax: 0.10.2.dev20260603
libtpu: 0.0.44.dev20260713+nightly
codegen_flags: <defaults>
</compile_context>

<pallas_src>
import functools

import jax
import jax.numpy as jnp
from jax import lax
from jax.experimental import pallas as pl
from jax.experimental.pallas import tpu as pltpu
from jax.experimental.pallas import tpu_sc as plsc

BSZ, NQ, WIDTH, KGT, NEDGE = 4, 1000, 320, 300, 3000
MIN_DIST = 12.0
KP = 384
NQP = 1024

_C0 = (((0,), (0,)), ((), ()))
_STD = (((1,), (0,)), ((), ()))


MROWS = 16
MPER = 160


def _sc_body(o_hbm, msk_out, onesv):
    wid = lax.axis_index("s") * 2 + lax.axis_index("c")

    @pl.when(wid < 25)
    def _():
        pltpu.sync_copy(o_hbm, onesv)
        base = wid * MPER

        def mbody(t, carry):
            start = pl.multiple_of(base + t * MROWS, MROWS)
            pltpu.sync_copy(onesv, msk_out.at[pl.ds(start, MROWS)])
            return carry

        lax.fori_loop(0, MPER // MROWS, mbody, 0)


def _sc_masks():
    f32 = jnp.float32
    mesh = plsc.VectorSubcoreMesh(core_axis_name="c", subcore_axis_name="s")
    k = functools.partial(
        pl.kernel, mesh=mesh,
        out_type=jax.ShapeDtypeStruct((BSZ * NQ, NQ), f32),
        scratch_types=[pltpu.VMEM((MROWS, NQ), f32)],
    )(_sc_body)
    return k(jnp.ones((MROWS, NQ), f32))



def _matcher_body(px_ref, py_ref, gx_ref, gy_ref, e0_ref, e1_ref,
                  adj_ref, dist_ref, mp_ref):
    f32, bf16 = jnp.float32, jnp.bfloat16
    b = pl.program_id(0)
    lane = lax.broadcasted_iota(jnp.int32, (1, NQP), 1)
    vid = lax.broadcasted_iota(jnp.int32, (1, KP), 1)

    @pl.when(b == 0)
    def _():
        dist_ref[...] = (jnp.abs(gx_ref[...] * WIDTH - px_ref[...] * WIDTH)
                         + jnp.abs(gy_ref[...] * WIDTH - py_ref[...] * WIDTH))

        CH = 20
        lane3 = lax.broadcasted_iota(jnp.int32, (1, 1, NQP), 2)

        def chunk(c, carry):
            used, mpacc = carry
            base = c * CH
            rows = dist_ref[pl.ds(base, CH)]
            rowm = jnp.where(used[None] > 0, jnp.inf, rows)
            m = jnp.min(rowm, axis=2, keepdims=True)
            ok = m < MIN_DIST
            cand = jnp.where((rowm == m) & ok, lane3, NQP)
            js = jnp.min(cand, axis=2, keepdims=True)

            okf = jnp.where(ok, 1.0, 0.0)
            fin = []
            for r in range(CH):
                j_r = js[r]
                ok_r = okf[r]
                conflict = jnp.zeros((BSZ, 1), f32)
                for jf in fin:
                    conflict = jnp.maximum(
                        conflict, jnp.where(j_r == jf, 1.0, 0.0))
                need_fix = conflict * ok_r

                def recompute():
                    row = dist_ref[pl.ds(base + r, 1)].reshape(BSZ, NQP)
                    rm = jnp.where(used > 0, jnp.inf, row)
                    m2 = jnp.min(rm, axis=1, keepdims=True)
                    ok2 = m2 < MIN_DIST
                    c2_ = jnp.where((rm == m2) & ok2, lane, NQP)
                    return (jnp.min(c2_, axis=1, keepdims=True),
                            jnp.where(ok2, 1.0, 0.0))

                j_new, ok_new = lax.cond(jnp.max(need_fix) > 0,
                                         recompute, lambda: (j_r, ok_r))
                fix = need_fix > 0
                j_f = jnp.where(fix, j_new, j_r)
                ok_f = jnp.where(fix, ok_new, ok_r)
                j_f = jnp.where(ok_f > 0, j_f, NQP)
                fin.append(j_f)
                used = jnp.where(lane == j_f, 1.0, used)
                mpacc = jnp.where((vid == base + r) & (ok_f > 0),
                                  j_f.astype(f32), mpacc)
            return used, mpacc

        _, mpacc = lax.fori_loop(
            0, KGT // CH, chunk,
            (jnp.zeros((BSZ, NQP), f32), jnp.full((BSZ, KP), -1.0, f32)))
        mp_ref[...] = mpacc

    r2 = lax.broadcasted_iota(jnp.int32, (KP, KP), 0)
    c2 = lax.broadcasted_iota(jnp.int32, (KP, KP), 1)
    eye = (r2 == c2).astype(f32)

    mp_row = mp_ref[pl.ds(b, 1), :]
    matched = (mp_row >= 0).astype(f32)
    qcol = lax.broadcasted_iota(jnp.int32, (NQP, 1), 0).astype(f32)
    PT = (qcol == mp_row).astype(bf16)

    e0 = e0_ref[0]
    e1 = e1_ref[0]
    oh0 = (e0 == vid).astype(bf16)
    oh1 = (e1 == vid).astype(bf16)
    adjv = jnp.minimum(
        lax.dot_general(oh0, oh1, _C0, preferred_element_type=f32), 1.0)

    ones_col = jnp.ones((KP, 1), f32)
    rowsum = jnp.dot(adjv, ones_col, preferred_element_type=f32)
    colsum = lax.dot_general(adjv, ones_col, _C0, preferred_element_type=f32)
    present = ((rowsum + colsum) > 0).astype(f32)

    le = (c2 <= r2).astype(f32)
    v2i = jnp.dot(le, present, preferred_element_type=f32) - 1.0
    Q = ((v2i == vid.astype(f32)) & (present > 0)).astype(bf16)

    adjv_bf = adjv.astype(bf16)
    m1 = lax.dot_general(Q, adjv_bf, _C0, preferred_element_type=f32)
    A = jnp.minimum(
        lax.dot_general(m1.astype(bf16), Q, _STD, preferred_element_type=f32),
        1.0)

    removed = 1.0 - matched
    S = jnp.minimum(A * removed + eye, 1.0).astype(bf16)
    for _ in range(9):
        S = jnp.minimum(
            lax.dot_general(S, S, _STD, preferred_element_type=f32),
            1.0).astype(bf16)
    reach = lax.dot_general(S, A.astype(bf16), _STD, preferred_element_type=f32)
    keep = (reach > 0).astype(bf16)

    t = lax.dot_general(PT, keep, _STD, preferred_element_type=f32)
    outm = lax.dot_general(t.astype(bf16), PT, (((1,), (1,)), ((), ())),
                           preferred_element_type=f32)
    adj_ref[0] = outm[:NQ, :NQ]


def kernel(pred_nodes, pred_heatmaps, gt_nodes, edges):
    del pred_heatmaps
    f32 = jnp.float32
    pad = jnp.full((BSZ, NQP - NQ), 1e9, f32)
    px = jnp.concatenate([pred_nodes[:, :, 0], pad], axis=1).reshape(1, BSZ, NQP)
    py = jnp.concatenate([pred_nodes[:, :, 1], pad], axis=1).reshape(1, BSZ, NQP)
    gx = gt_nodes[:, :, 0].T.reshape(KGT, BSZ, 1)
    gy = gt_nodes[:, :, 1].T.reshape(KGT, BSZ, 1)
    e0 = edges[:, :, 0].reshape(BSZ, NEDGE, 1)
    e1 = edges[:, :, 1].reshape(BSZ, NEDGE, 1)

    full = lambda shape: pl.BlockSpec(shape, lambda b: (0, 0, 0))
    perb = lambda shape: pl.BlockSpec((1,) + shape, lambda b: (b, 0, 0))

    masks = _sc_masks()
    adj, = pl.pallas_call(
        _matcher_body,
        grid=(BSZ,),
        in_specs=[
            full((1, BSZ, NQP)), full((1, BSZ, NQP)),
            full((KGT, BSZ, 1)), full((KGT, BSZ, 1)),
            perb((NEDGE, 1)), perb((NEDGE, 1)),
        ],
        out_specs=[perb((NQ, NQ))],
        out_shape=[jax.ShapeDtypeStruct((BSZ, NQ, NQ), f32)],
        scratch_shapes=[
            pltpu.VMEM((KGT, BSZ, NQP), f32),
            pltpu.VMEM((BSZ, KP), f32),
        ],
    )(px, py, gx, gy, e0, e1)
    return (adj, masks.reshape(BSZ, NQ, NQ))

# --- scband reference (transcript-rebuilt; emitter-appended) ---
"""Pipeline reference for scband-matcher-14998025798513 (READ-ONLY COPY).

The authoritative reference and input builder live on the scoring server;
editing this copy changes nothing except your own understanding.
"""

import jax, jax.numpy as jnp
from jax import lax
import numpy as np

BS, NQ, W, KGT, NE = 4, 1000, 320, 300, 3000
COST_NODES, COST_CLASS, MIN_DIST = 5.0, 3.0, 12.0


def setup_inputs(seed: int = 0):
    key = jax.random.key(seed)
    k1, k2, k3, k4 = jax.random.split(key, 4)
    return {
        "pred_nodes": jax.random.uniform(k1, (BS, NQ, 2), dtype=jnp.float32),
        "pred_heatmaps": jax.random.normal(k2, (BS, 1, W, W), dtype=jnp.float32),
        "gt_nodes": jax.random.uniform(k3, (BS, KGT, 2), dtype=jnp.float32),
        "edges": jax.random.randint(k4, (BS, NE, 2), 0, KGT, dtype=jnp.int32),
    }


def _edge_list_to_adj_matrix(edge_list, k):
    flat = edge_list.reshape(-1)
    present = jnp.zeros((k,), dtype=bool).at[flat].set(True)
    v2i = jnp.cumsum(present.astype(jnp.int32)) - 1
    adj = jnp.zeros((k, k), dtype=jnp.int32)
    adj = adj.at[v2i[edge_list[:, 0]], v2i[edge_list[:, 1]]].set(1)
    return adj


def _remove_vertices_and_redirect(adj, remove_mask):
    k = adj.shape[0]

    def body(t, a):
        v = k - 1 - t
        inc = a[:, v]
        out = a[v, :]
        new = jnp.maximum(a, inc[:, None] * out[None, :])
        new = new.at[v, :].set(0).at[:, v].set(0).at[v, v].set(1)
        return jnp.where(remove_mask[v], new, a)

    return lax.fori_loop(0, k, body, adj)


def _nearest_match(pred, gt, min_dist):
    # torch.cdist(gt, pred, p=1)
    dist = jnp.abs(gt[:, None, :] - pred[None, :, :]).sum(-1)
    k = gt.shape[0]

    def body(i, carry):
        d, mp = carry
        j = jnp.argmin(d[i])
        ok = d[i, j] < min_dist
        mp = mp.at[i].set(jnp.where(ok, j.astype(jnp.int32), mp[i]))
        d = jnp.where(ok, d.at[:, j].set(jnp.inf), d)
        return d, mp

    _, mp = lax.fori_loop(0, k, body, (dist, jnp.full((k,), -1, dtype=jnp.int32)))
    return mp


def reference(pred_nodes, pred_heatmaps, gt_nodes, edges):
    bs, nq = pred_nodes.shape[:2]
    width = pred_heatmaps.shape[2]
    out_nodes = pred_nodes.reshape(bs * nq, 2)
    tgt_nodes = gt_nodes.reshape(-1, 2)
    # cost_nodes = cdist(out_nodes, tgt_nodes, p=1)
    cost_nodes = jnp.sum(jnp.abs(out_nodes[:, None, :] - tgt_nodes[None, :, :]), axis=-1)
    heat = jax.nn.sigmoid(pred_heatmaps)
    coords = (pred_nodes * width).astype(jnp.int32)
    sel = [heat[b, 0][coords[b, :, 0], coords[b, :, 1]] for b in range(bs)]
    sel_desc = jnp.stack(sel, axis=0)
    sel_desc = jnp.stack([sel_desc, sel_desc], axis=2)
    tgt_ids = jnp.ones((tgt_nodes.shape[0],), dtype=jnp.int32)
    cost_class = -jnp.take(sel_desc.reshape(bs * nq, 2), tgt_ids, axis=1)
    C = (COST_NODES * cost_nodes + COST_CLASS * cost_class).reshape(bs, nq, -1)
    _ = C  # computed for faithfulness; 'Nearest' matcher path ignores C
    # Nearest matcher (data-dependent sizes expressed as fixed-shape masked ops)
    n = nq
    k = gt_nodes.shape[1]
    results, masks = [], []
    for b in range(bs):
        mp = _nearest_match(pred_nodes[b] * width, gt_nodes[b] * width, MIN_DIST)
        matched = mp >= 0
        adj_ori = _edge_list_to_adj_matrix(edges[b], k)
        adj_modi = _remove_vertices_and_redirect(adj_ori, ~matched)
        keep = (adj_modi == 1) & matched[:, None] & matched[None, :]
        pi = jnp.where(matched, mp, 0)
        rows = jnp.broadcast_to(pi[:, None], (k, k))
        cols = jnp.broadcast_to(pi[None, :], (k, k))
        adj = jnp.zeros((n, n), dtype=jnp.float32).at[rows, cols].max(keep.astype(jnp.float32))
        results.append(adj)
        masks.append(jnp.ones((n, n), dtype=jnp.float32))  # mask_type 'None' -> all-ones
    return (jnp.stack(results), jnp.stack(masks))

if __name__ == "__main__":
    import jax
    _d = setup_inputs()
    print(jax.jit(kernel)(*tuple(_d.values())))

</pallas_src>

<mosaic_0001>
#map = affine_map<(d0, d1) -> (0, 0)>
module attributes {stable_mosaic.version = 14 : i64} {
  func.func @_sc_body(%arg0: i32, %arg1: i32, %arg2: memref<16x1000xf32, #tpu.memory_space<hbm>>, %arg3: memref<4000x1000xf32, #tpu.memory_space<hbm>>, %arg4: memref<16x1000xf32, #tpu.memory_space<vmem>>) attributes {dimension_semantics = [#tpu.dimension_semantics<core_parallel>, #tpu.dimension_semantics<subcore_parallel>], iteration_bounds = array<i64: 2, 16>, scalar_prefetch = 0 : i64, scratch_operands = 1 : i64, tpu.core_type = #tpu.core_type<sc_vector_subcore>, window_params = [{transform_indices = #map}, {transform_indices = #map}]} {
    %mul3A = arith.constant 2 : i32
    %mul3A_0 = arith.muli %arg1, %mul3A : i32
    %add3A = arith.addi %mul3A_0, %arg0 : i32
    %lt3A = arith.constant 25 : i32
    %lt3A_1 = arith.cmpi slt, %add3A, %lt3A : i32
    %convert_element_type3A = arith.extui %lt3A_1 : i1 to i32
    %cond3A = arith.constant 0 : i32
    %cond3A_2 = arith.cmpi ne, %convert_element_type3A, %cond3A : i32
    scf.if %cond3A_2 {
      "tpu.region"() ({
        %run_scoped3A = tpu.sem_alloc : memref<!tpu.dma_semaphore, #tpu.memory_space<semaphore_mem>>
        tpu.enqueue_dma source(%arg2 : memref<16x1000xf32, #tpu.memory_space<hbm>>) target(%arg4 : memref<16x1000xf32, #tpu.memory_space<vmem>>) target_semaphore(%run_scoped3A : memref<!tpu.dma_semaphore, #tpu.memory_space<semaphore_mem>>)
        tpu.wait_dma2 semaphore(%run_scoped3A : memref<!tpu.dma_semaphore, #tpu.memory_space<semaphore_mem>>) src(%arg2 : memref<16x1000xf32, #tpu.memory_space<hbm>>) dst(%arg4 : memref<16x1000xf32, #tpu.memory_space<vmem>>)
        tpu.yield
      }) : () -> ()
      %mul3A_3 = arith.constant 160 : i32
      %mul3A_4 = arith.muli %add3A, %mul3A_3 : i32
      %scan3A = arith.constant 0 : i32
      %scan3A_5 = arith.constant 0 : i32
      %scan3A_6 = arith.constant 10 : i32
      %scan3A_7 = arith.addi %scan3A_5, %scan3A_6 : i32
      %scan3A_8 = arith.constant 1 : i32
      scf.for %scan3A_10 = %scan3A_5 to %scan3A_7 step %scan3A_8  : i32 {
        %mul3A_11 = arith.constant 16 : i32
        %mul3A_12 = arith.muli %scan3A_10, %mul3A_11 : i32
        %add3A_13 = arith.addi %mul3A_4, %mul3A_12 : i32
        %multiple_of3A = tpu.assume_multiple %add3A_13, 16 : i32
        "tpu.region"() ({
          %run_scoped3A = tpu.sem_alloc : memref<!tpu.dma_semaphore, #tpu.memory_space<semaphore_mem>>
          %dma_start3A = arith.constant 0 : i32
          %dma_start3A_14 = tpu.memref_slice %arg3[%multiple_of3A, %dma_start3A] : memref<4000x1000xf32, #tpu.memory_space<hbm>> -> memref<16x1000xf32, #tpu.memory_space<hbm>>
          %dma_start3A_15 = arith.constant 0 : i32
          %dma_start3A_16 = tpu.memref_slice %arg3[%multiple_of3A, %dma_start3A_15] : memref<4000x1000xf32, #tpu.memory_space<hbm>> -> memref<16x1000xf32, #tpu.memory_space<hbm>>
          tpu.enqueue_dma source(%arg4 : memref<16x1000xf32, #tpu.memory_space<vmem>>) target(%dma_start3A_16 : memref<16x1000xf32, #tpu.memory_space<hbm>>) target_semaphore(%run_scoped3A : memref<!tpu.dma_semaphore, #tpu.memory_space<semaphore_mem>>)
          %dma_wait3A = arith.constant 0 : i32
          %dma_wait3A_17 = tpu.memref_slice %arg3[%multiple_of3A, %dma_wait3A] : memref<4000x1000xf32, #tpu.memory_space<hbm>> -> memref<16x1000xf32, #tpu.memory_space<hbm>>
          %dma_wait3A_18 = arith.constant 0 : i32
          %dma_wait3A_19 = tpu.memref_slice %arg3[%multiple_of3A, %dma_wait3A_18] : memref<4000x1000xf32, #tpu.memory_space<hbm>> -> memref<16x1000xf32, #tpu.memory_space<hbm>>
          tpu.wait_dma2 semaphore(%run_scoped3A : memref<!tpu.dma_semaphore, #tpu.memory_space<semaphore_mem>>) src(%arg4 : memref<16x1000xf32, #tpu.memory_space<vmem>>) dst(%dma_wait3A_19 : memref<16x1000xf32, #tpu.memory_space<hbm>>)
          tpu.yield
        }) : () -> ()
      }
      %scan3A_9 = arith.constant 10 : i32
    } else {
    }
    return
  }
}

module attributes {stable_mosaic.version = 14 : i64} {
  func.func @_matcher_body(%arg0: i32, %arg1: memref<1x4x1024xf32, #tpu.memory_space<vmem>>, %arg2: memref<1x4x1024xf32, #tpu.memory_space<vmem>>, %arg3: memref<300x4x1xf32, #tpu.memory_space<vmem>>, %arg4: memref<300x4x1xf32, #tpu.memory_space<vmem>>, %arg5: memref<1x3000x1xi32, #tpu.memory_space<vmem>>, %arg6: memref<1x3000x1xi32, #tpu.memory_space<vmem>>, %arg7: memref<1x1000x1000xf32, #tpu.memory_space<vmem>>, %arg8: memref<300x4x1024xf32, #tpu.memory_space<vmem>>, %arg9: memref<4x384xf32, #tpu.memory_space<vmem>>) attributes {dimension_semantics = [#tpu.dimension_semantics<arbitrary>], iteration_bounds = array<i64: 4>, scalar_prefetch = 0 : i64, scratch_operands = 2 : i64, tpu.core_type = #tpu.core_type<tc>, window_params = [{pipeline_mode = #tpu.pipeline_mode<synchronous>, transform_indices = @transform_0, window_bounds = array<i64: 1, 4, 1024>}, {pipeline_mode = #tpu.pipeline_mode<synchronous>, transform_indices = @transform_1, window_bounds = array<i64: 1, 4, 1024>}, {pipeline_mode = #tpu.pipeline_mode<synchronous>, transform_indices = @transform_2, window_bounds = array<i64: 300, 4, 1>}, {pipeline_mode = #tpu.pipeline_mode<synchronous>, transform_indices = @transform_3, window_bounds = array<i64: 300, 4, 1>}, {transform_indices = @transform_4, window_bounds = array<i64: 1, 3000, 1>}, {transform_indices = @transform_5, window_bounds = array<i64: 1, 3000, 1>}, {transform_indices = @transform_6, window_bounds = array<i64: 1, 1000, 1000>}]} {
    %iota3A = tpu.iota {dimensions = array<i32: 1>} : vector<1x1024xi32>
    %iota3A_0 = tpu.iota {dimensions = array<i32: 1>} : vector<1x384xi32>
    %eq3A = arith.constant 0 : i32
    %eq3A_1 = arith.cmpi eq, %arg0, %eq3A : i32
    %convert_element_type3A = arith.extui %eq3A_1 : i1 to i32
    %cond3A = arith.constant 0 : i32
    %cond3A_2 = arith.cmpi ne, %convert_element_type3A, %cond3A : i32
    scf.if %cond3A_2 {
      %get3A_164 = arith.constant 0 : index
      %get3A_165 = arith.constant 0 : index
      %get3A_166 = arith.constant 0 : index
      %get3A_167 = vector.load %arg3[%get3A_164, %get3A_165, %get3A_166] : memref<300x4x1xf32, #tpu.memory_space<vmem>>, vector<300x4x1xf32>
      %mul3A_168 = arith.constant 3.200000e+02 : f32
      %mul3A_169 = vector.broadcast %mul3A_168 : f32 to vector<300x4x1xf32>
      %mul3A_170 = arith.mulf %get3A_167, %mul3A_169 : vector<300x4x1xf32>
      %get3A_171 = arith.constant 0 : index
      %get3A_172 = arith.constant 0 : index
      %get3A_173 = arith.constant 0 : index
      %get3A_174 = vector.load %arg1[%get3A_171, %get3A_172, %get3A_173] : memref<1x4x1024xf32, #tpu.memory_space<vmem>>, vector<1x4x1024xf32>
      %mul3A_175 = arith.constant 3.200000e+02 : f32
      %mul3A_176 = vector.broadcast %mul3A_175 : f32 to vector<1x4x1024xf32>
      %mul3A_177 = arith.mulf %get3A_174, %mul3A_176 : vector<1x4x1024xf32>
      %sub3A_178 = vector.broadcast %mul3A_170 : vector<300x4x1xf32> to vector<300x4x1024xf32>
      %sub3A_179 = vector.broadcast %mul3A_177 : vector<1x4x1024xf32> to vector<300x4x1024xf32>
      %sub3A_180 = arith.subf %sub3A_178, %sub3A_179 : vector<300x4x1024xf32>
      %abs3A = math.absf %sub3A_180 : vector<300x4x1024xf32>
      %get3A_181 = arith.constant 0 : index
      %get3A_182 = arith.constant 0 : index
      %get3A_183 = arith.constant 0 : index
      %get3A_184 = vector.load %arg4[%get3A_181, %get3A_182, %get3A_183] : memref<300x4x1xf32, #tpu.memory_space<vmem>>, vector<300x4x1xf32>
      %mul3A_185 = arith.constant 3.200000e+02 : f32
      %mul3A_186 = vector.broadcast %mul3A_185 : f32 to vector<300x4x1xf32>
      %mul3A_187 = arith.mulf %get3A_184, %mul3A_186 : vector<300x4x1xf32>
      %get3A_188 = arith.constant 0 : index
      %get3A_189 = arith.constant 0 : index
      %get3A_190 = arith.constant 0 : index
      %get3A_191 = vector.load %arg2[%get3A_188, %get3A_189, %get3A_190] : memref<1x4x1024xf32, #tpu.memory_space<vmem>>, vector<1x4x1024xf32>
      %mul3A_192 = arith.constant 3.200000e+02 : f32
      %mul3A_193 = vector.broadcast %mul3A_192 : f32 to vector<1x4x1024xf32>
      %mul3A_194 = arith.mulf %get3A_191, %mul3A_193 : vector<1x4x1024xf32>
      %sub3A_195 = vector.broadcast %mul3A_187 : vector<300x4x1xf32> to vector<300x4x1024xf32>
      %sub3A_196 = vector.broadcast %mul3A_194 : vector<1x4x1024xf32> to vector<300x4x1024xf32>
      %sub3A_197 = arith.subf %sub3A_195, %sub3A_196 : vector<300x4x1024xf32>
      %abs3A_198 = math.absf %sub3A_197 : vector<300x4x1024xf32>
      %add3A_199 = arith.addf %abs3A, %abs3A_198 : vector<300x4x1024xf32>
      %swap3A_200 = arith.constant 0 : index
      %swap3A_201 = arith.constant 0 : index
      %swap3A_202 = arith.constant 0 : index
      %swap3A_203 = vector.load %arg8[%swap3A_200, %swap3A_201, %swap3A_202] : memref<300x4x1024xf32, #tpu.memory_space<vmem>>, vector<300x4x1024xf32>
      tpu.vector_store %arg8[%swap3A_200, %swap3A_201, %swap3A_202], %add3A_199 {strides = array<i32>} : memref<300x4x1024xf32, #tpu.memory_space<vmem>>, vector<300x4x1024xf32>,
      %iota3A_204 = tpu.iota {dimensions = array<i32: 2>} : vector<1x1x1024xi32>
      %broadcast_in_dim3A_205 = arith.constant 0.000000e+00 : f32
      %broadcast_in_dim3A_206 = vector.broadcast %broadcast_in_dim3A_205 : f32 to vector<4x1024xf32>
      %broadcast_in_dim3A_207 = arith.constant -1.000000e+00 : f32
      %broadcast_in_dim3A_208 = vector.broadcast %broadcast_in_dim3A_207 : f32 to vector<4x384xf32>
      %scan3A = arith.constant 0 : i32
      %scan3A_209 = arith.constant 15 : i32
      %scan3A_210 = arith.addi %scan3A, %scan3A_209 : i32
      %scan3A_211 = arith.constant 1 : i32
      %scan3A_212:2 = scf.for %scan3A_217 = %scan3A to %scan3A_210 step %scan3A_211 iter_args(%scan3A_218 = %broadcast_in_dim3A_206, %scan3A_219 = %broadcast_in_dim3A_208) -> (vector<4x1024xf32>, vector<4x384xf32>)  : i32 {
        %mul3A_220 = arith.constant 20 : i32
        %mul3A_221 = arith.muli %scan3A_217, %mul3A_220 : i32
        %get3A_222 = arith.index_cast %mul3A_221 : i32 to index
        %get3A_223 = arith.constant 0 : index
        %get3A_224 = arith.constant 0 : index
        %get3A_225 = vector.load %arg8[%get3A_222, %get3A_223, %get3A_224] : memref<300x4x1024xf32, #tpu.memory_space<vmem>>, vector<20x4x1024xf32>
        %broadcast_in_dim3A_226 = vector.shape_cast %scan3A_218 : vector<4x1024xf32> to vector<1x4x1024xf32>
        %gt3A_227 = arith.constant 0.000000e+00 : f32
        %gt3A_228 = vector.broadcast %gt3A_227 : f32 to vector<1x4x1024xf32>
        %gt3A_229 = arith.cmpf ogt, %broadcast_in_dim3A_226, %gt3A_228 : vector<1x4x1024xf32>
        %jit3A = arith.constant 0x7F800000 : f32
        %broadcast_in_dim3A_230 = vector.shape_cast %gt3A_229 : vector<1x4x1024xi1> to vector<1x4x1024xi1>
        %broadcast_in_dim3A_231 = vector.broadcast %broadcast_in_dim3A_230 : vector<1x4x1024xi1> to vector<20x4x1024xi1>
        %broadcast_in_dim3A_232 = vector.broadcast %jit3A : f32 to vector<20x4x1024xf32>
        %select_n3A = arith.select %broadcast_in_dim3A_231, %broadcast_in_dim3A_232, %get3A_225 : vector<20x4x1024xi1>, vector<20x4x1024xf32>
        %reduce_min3A = arith.constant dense<0x7F800000> : vector<20x4xf32>
        %reduce_min3A_233 = vector.multi_reduction <minimumf>, %select_n3A, %reduce_min3A [2] : vector<20x4x1024xf32> to vector<20x4xf32>
        %broadcast_in_dim3A_234 = vector.shape_cast %reduce_min3A_233 : vector<20x4xf32> to vector<20x4x1xf32>
        %lt3A = arith.constant 1.200000e+01 : f32
        %lt3A_235 = vector.broadcast %lt3A : f32 to vector<20x4x1xf32>
        %lt3A_236 = arith.cmpf olt, %broadcast_in_dim3A_234, %lt3A_235 : vector<20x4x1xf32>
        %eq3A_237 = vector.broadcast %broadcast_in_dim3A_234 : vector<20x4x1xf32> to vector<20x4x1024xf32>
        %eq3A_238 = arith.cmpf oeq, %select_n3A, %eq3A_237 : vector<20x4x1024xf32>
        %and3A_239 = vector.broadcast %lt3A_236 : vector<20x4x1xi1> to vector<20x4x1024xi1>
        %and3A_240 = arith.andi %eq3A_238, %and3A_239 : vector<20x4x1024xi1>
        %jit3A_241 = arith.constant 1024 : i32
        %broadcast_in_dim3A_242 = vector.shape_cast %iota3A_204 : vector<1x1x1024xi32> to vector<1x1x1024xi32>
        %broadcast_in_dim3A_243 = vector.broadcast %broadcast_in_dim3A_242 : vector<1x1x1024xi32> to vector<20x4x1024xi32>
        %broadcast_in_dim3A_244 = vector.broadcast %jit3A_241 : i32 to vector<20x4x1024xi32>
        %select_n3A_245 = arith.select %and3A_240, %broadcast_in_dim3A_243, %broadcast_in_dim3A_244 : vector<20x4x1024xi1>, vector<20x4x1024xi32>
        %reduce_min3A_246 = arith.constant dense<2147483647> : vector<20x4xi32>
        %reduce_min3A_247 = vector.multi_reduction <minsi>, %select_n3A_245, %reduce_min3A_246 [2] : vector<20x4x1024xi32> to vector<20x4xi32>
        %broadcast_in_dim3A_248 = vector.shape_cast %reduce_min3A_247 : vector<20x4xi32> to vector<20x4x1xi32>
        %jit3A_249 = arith.constant 1.000000e+00 : f32
        %jit3A_250 = arith.constant 0.000000e+00 : f32
        %broadcast_in_dim3A_251 = vector.broadcast %jit3A_249 : f32 to vector<20x4x1xf32>
        %broadcast_in_dim3A_252 = vector.broadcast %jit3A_250 : f32 to vector<20x4x1xf32>
        %select_n3A_253 = arith.select %lt3A_236, %broadcast_in_dim3A_251, %broadcast_in_dim3A_252 : vector<20x4x1xi1>, vector<20x4x1xf32>
        %slice3A_254 = vector.extract_strided_slice %broadcast_in_dim3A_248 {offsets = [0, 0, 0], sizes = [1, 4, 1], strides = [1, 1, 1]} : vector<20x4x1xi32> to vector<1x4x1xi32>
        %squeeze3A = vector.shape_cast %slice3A_254 : vector<1x4x1xi32> to vector<4x1xi32>
        %slice3A_255 = vector.extract_strided_slice %select_n3A_253 {offsets = [0, 0, 0], sizes = [1, 4, 1], strides = [1, 1, 1]} : vector<20x4x1xf32> to vector<1x4x1xf32>
        %squeeze3A_256 = vector.shape_cast %slice3A_255 : vector<1x4x1xf32> to vector<4x1xf32>
        %broadcast_in_dim3A_257 = arith.constant 0.000000e+00 : f32
        %broadcast_in_dim3A_258 = vector.broadcast %broadcast_in_dim3A_257 : f32 to vector<4x1xf32>
        %mul3A_259 = arith.mulf %broadcast_in_dim3A_258, %squeeze3A_256 : vector<4x1xf32>
        %reduce_max3A = vector.shape_cast %mul3A_259 : vector<4x1xf32> to vector<1x4x1xf32>
        %reduce_max3A_260 = arith.constant dense<0xFF800000> : vector<1xf32>
        %reduce_max3A_261 = vector.multi_reduction <maximumf>, %reduce_max3A, %reduce_max3A_260 [1, 2] : vector<1x4x1xf32> to vector<1xf32>
        %reduce_max3A_262 = vector.shape_cast %reduce_max3A_261 : vector<1xf32> to vector<1x1x1xf32>
        %reduce_max3A_263 = vector.extract %reduce_max3A_262[0, 0, 0] : f32 from vector<1x1x1xf32>
        %gt3A_264 = arith.constant 0.000000e+00 : f32
        %gt3A_265 = arith.cmpf ogt, %reduce_max3A_263, %gt3A_264 : f32
        %convert_element_type3A_266 = arith.extui %gt3A_265 : i1 to i32
        %cond3A_267 = arith.constant 0 : i32
        %cond3A_268 = arith.cmpi ne, %convert_element_type3A_266, %cond3A_267 : i32
        %cond3A_269:2 = scf.if %cond3A_268 -> (vector<4x1xi32>, vector<4x1xf32>) {
          %add3A_2561 = arith.constant 0 : i32
          %add3A_2562 = arith.addi %mul3A_221, %add3A_2561 : i32
          %get3A_2563 = arith.index_cast %add3A_2562 : i32 to index
          %get3A_2564 = arith.constant 0 : index
          %get3A_2565 = arith.constant 0 : index
          %get3A_2566 = vector.load %arg8[%get3A_2563, %get3A_2564, %get3A_2565] : memref<300x4x1024xf32, #tpu.memory_space<vmem>>, vector<1x4x1024xf32>
          %reshape3A = vector.shape_cast %get3A_2566 : vector<1x4x1024xf32> to vector<4x1024xf32>
          %gt3A_2567 = arith.constant 0.000000e+00 : f32
          %gt3A_2568 = vector.broadcast %gt3A_2567 : f32 to vector<4x1024xf32>
          %gt3A_2569 = arith.cmpf ogt, %scan3A_218, %gt3A_2568 : vector<4x1024xf32>
          %jit3A_2570 = arith.constant 0x7F800000 : f32
          %broadcast_in_dim3A_2571 = vector.broadcast %jit3A_2570 : f32 to vector<4x1024xf32>
          %select_n3A_2572 = arith.select %gt3A_2569, %broadcast_in_dim3A_2571, %reshape3A : vector<4x1024xi1>, vector<4x1024xf32>
          %reduce_min3A_2573 = arith.constant dense<0x7F800000> : vector<4xf32>
          %reduce_min3A_2574 = vector.multi_reduction <minimumf>, %select_n3A_2572, %reduce_min3A_2573 [1] : vector<4x1024xf32> to vector<4xf32>
          %broadcast_in_dim3A_2575 = vector.shape_cast %reduce_min3A_2574 : vector<4xf32> to vector<4x1xf32>
          %lt3A_2576 = arith.constant 1.200000e+01 : f32
          %lt3A_2577 = vector.broadcast %lt3A_2576 : f32 to vector<4x1xf32>
          %lt3A_2578 = arith.cmpf olt, %broadcast_in_dim3A_2575, %lt3A_2577 : vector<4x1xf32>
          %eq3A_2579 = vector.broadcast %broadcast_in_dim3A_2575 : vector<4x1xf32> to vector<4x1024xf32>
          %eq3A_2580 = arith.cmpf oeq, %select_n3A_2572, %eq3A_2579 : vector<4x1024xf32>
          %and3A_2581 = vector.broadcast %lt3A_2578 : vector<4x1xi1> to vector<4x1024xi1>
          %and3A_2582 = arith.andi %eq3A_2580, %and3A_2581 : vector<4x1024xi1>
          %jit3A_2583 = arith.constant 1024 : i32
          %broadcast_in_dim3A_2584 = vector.shape_cast %iota3A : vector<1x1024xi32> to vector<1x1024xi32>
          %broadcast_in_dim3A_2585 = vector.broadcast %broadcast_in_dim3A_2584 : vector<1x1024xi32> to vector<4x1024xi32>
          %broadcast_in_dim3A_2586 = vector.broadcast %jit3A_2583 : i32 to vector<4x1024xi32>
          %select_n3A_2587 = arith.select %and3A_2582, %broadcast_in_dim3A_2585, %broadcast_in_dim3A_2586 : vector<4x1024xi1>, vector<4x1024xi32>
          %reduce_min3A_2588 = arith.constant dense<2147483647> : vector<4xi32>
          %reduce_min3A_2589 = vector.multi_reduction <minsi>, %select_n3A_2587, %reduce_min3A_2588 [1] : vector<4x1024xi32> to vector<4xi32>
          %broadcast_in_dim3A_2590 = vector.shape_cast %reduce_min3A_2589 : vector<4xi32> to vector<4x1xi32>
          %jit3A_2591 = arith.constant 1.000000e+00 : f32
          %jit3A_2592 = arith.constant 0.000000e+00 : f32
          %broadcast_in_dim3A_2593 = vector.broadcast %jit3A_2591 : f32 to vector<4x1xf32>
          %broadcast_in_dim3A_2594 = vector.broadcast %jit3A_2592 : f32 to vector<4x1xf32>
          %select_n3A_2595 = arith.select %lt3A_2578, %broadcast_in_dim3A_2593, %broadcast_in_dim3A_2594 : vector<4x1xi1>, vector<4x1xf32>
          scf.yield %broadcast_in_dim3A_2590, %select_n3A_2595 : vector<4x1xi32>, vector<4x1xf32>
        } else {
          scf.yield %squeeze3A, %squeeze3A_256 : vector<4x1xi32>, vector<4x1xf32>
        }
        %gt3A_270 = arith.constant 0.000000e+00 : f32
        %gt3A_271 = vector.broadcast %gt3A_270 : f32 to vector<4x1xf32>
        %gt3A_272 = arith.cmpf ogt, %mul3A_259, %gt3A_271 : vector<4x1xf32>
        %select_n3A_273 = arith.select %gt3A_272, %cond3A_269#0, %squeeze3A : vector<4x1xi1>, vector<4x1xi32>
        %select_n3A_274 = arith.select %gt3A_272, %cond3A_269#1, %squeeze3A_256 : vector<4x1xi1>, vector<4x1xf32>
        %gt3A_275 = arith.constant 0.000000e+00 : f32
        %gt3A_276 = vector.broadcast %gt3A_275 : f32 to vector<4x1xf32>
        %gt3A_277 = arith.cmpf ogt, %select_n3A_274, %gt3A_276 : vector<4x1xf32>
        %jit3A_278 = arith.constant 1024 : i32
        %broadcast_in_dim3A_279 = vector.broadcast %jit3A_278 : i32 to vector<4x1xi32>
        %select_n3A_280 = arith.select %gt3A_277, %select_n3A_273, %broadcast_in_dim3A_279 : vector<4x1xi1>, vector<4x1xi32>
        %eq3A_281 = vector.broadcast %iota3A : vector<1x1024xi32> to vector<4x1024xi32>
        %eq3A_282 = vector.broadcast %select_n3A_280 : vector<4x1xi32> to vector<4x1024xi32>
        %eq3A_283 = arith.cmpi eq, %eq3A_281, %eq3A_282 : vector<4x1024xi32>
        %jit3A_284 = arith.constant 1.000000e+00 : f32
        %broadcast_in_dim3A_285 = vector.broadcast %jit3A_284 : f32 to vector<4x1024xf32>
        %select_n3A_286 = arith.select %eq3A_283, %broadcast_in_dim3A_285, %scan3A_218 : vector<4x1024xi1>, vector<4x1024xf32>
        %add3A_287 = arith.constant 0 : i32
        %add3A_288 = arith.addi %mul3A_221, %add3A_287 : i32
        %eq3A_289 = vector.broadcast %add3A_288 : i32 to vector<1x384xi32>
        %eq3A_290 = arith.cmpi eq, %iota3A_0, %eq3A_289 : vector<1x384xi32>
        %gt3A_291 = arith.constant 0.000000e+00 : f32
        %gt3A_292 = vector.broadcast %gt3A_291 : f32 to vector<4x1xf32>
        %gt3A_293 = arith.cmpf ogt, %select_n3A_274, %gt3A_292 : vector<4x1xf32>
        %and3A_294 = vector.broadcast %eq3A_290 : vector<1x384xi1> to vector<4x384xi1>
        %and3A_295 = vector.broadcast %gt3A_293 : vector<4x1xi1> to vector<4x384xi1>
        %and3A_296 = arith.andi %and3A_294, %and3A_295 : vector<4x384xi1>
        %convert_element_type3A_297 = arith.sitofp %select_n3A_280 : vector<4x1xi32> to vector<4x1xf32>
        %broadcast_in_dim3A_298 = vector.shape_cast %convert_element_type3A_297 : vector<4x1xf32> to vector<4x1xf32>
        %broadcast_in_dim3A_299 = vector.broadcast %broadcast_in_dim3A_298 : vector<4x1xf32> to vector<4x384xf32>
        %select_n3A_300 = arith.select %and3A_296, %broadcast_in_dim3A_299, %scan3A_219 : vector<4x384xi1>, vector<4x384xf32>
        %slice3A_301 = vector.extract_strided_slice %broadcast_in_dim3A_248 {offsets = [1, 0, 0], sizes = [1, 4, 1], strides = [1, 1, 1]} : vector<20x4x1xi32> to vector<1x4x1xi32>
        %squeeze3A_302 = vector.shape_cast %slice3A_301 : vector<1x4x1xi32> to vector<4x1xi32>
        %slice3A_303 = vector.extract_strided_slice %select_n3A_253 {offsets = [1, 0, 0], sizes = [1, 4, 1], strides = [1, 1, 1]} : vector<20x4x1xf32> to vector<1x4x1xf32>
        %squeeze3A_304 = vector.shape_cast %slice3A_303 : vector<1x4x1xf32> to vector<4x1xf32>
        %broadcast_in_dim3A_305 = arith.constant 0.000000e+00 : f32
        %broadcast_in_dim3A_306 = vector.broadcast %broadcast_in_dim3A_305 : f32 to vector<4x1xf32>
        %eq3A_307 = arith.cmpi eq, %squeeze3A_302, %select_n3A_280 : vector<4x1xi32>
        %jit3A_308 = arith.constant 1.000000e+00 : f32
        %jit3A_309 = arith.constant 0.000000e+00 : f32
        %broadcast_in_dim3A_310 = vector.broadcast %jit3A_308 : f32 to vector<4x1xf32>
        %broadcast_in_dim3A_311 = vector.broadcast %jit3A_309 : f32 to vector<4x1xf32>
        %select_n3A_312 = arith.select %eq3A_307, %broadcast_in_dim3A_310, %broadcast_in_dim3A_311 : vector<4x1xi1>, vector<4x1xf32>
        %max3A = arith.maximumf %broadcast_in_dim3A_306, %select_n3A_312 : vector<4x1xf32>
        %mul3A_313 = arith.mulf %max3A, %squeeze3A_304 : vector<4x1xf32>
        %reduce_max3A_314 = vector.shape_cast %mul3A_313 : vector<4x1xf32> to vector<1x4x1xf32>
        %reduce_max3A_315 = arith.constant dense<0xFF800000> : vector<1xf32>
        %reduce_max3A_316 = vector.multi_reduction <maximumf>, %reduce_max3A_314, %reduce_max3A_315 [1, 2] : vector<1x4x1xf32> to vector<1xf32>
        %reduce_max3A_317 = vector.shape_cast %reduce_max3A_316 : vector<1xf32> to vector<1x1x1xf32>
        %reduce_max3A_318 = vector.extract %reduce_max3A_317[0, 0, 0] : f32 from vector<1x1x1xf32>
        %gt3A_319 = arith.constant 0.000000e+00 : f32
        %gt3A_320 = arith.cmpf ogt, %reduce_max3A_318, %gt3A_319 : f32
        %convert_element_type3A_321 = arith.extui %gt3A_320 : i1 to i32
        %cond3A_322 = arith.constant 0 : i32
        %cond3A_323 = arith.cmpi ne, %convert_element_type3A_321, %cond3A_322 : i32
        %cond3A_324:2 = scf.if %cond3A_323 -> (vector<4x1xi32>, vector<4x1xf32>) {
          %add3A_2561 = arith.constant 1 : i32
          %add3A_2562 = arith.addi %mul3A_221, %add3A_2561 : i32
          %get3A_2563 = arith.index_cast %add3A_2562 : i32 to index
          %get3A_2564 = arith.constant 0 : index
          %get3A_2565 = arith.constant 0 : index
          %get3A_2566 = vector.load %arg8[%get3A_2563, %get3A_2564, %get3A_2565] : memref<300x4x1024xf32, #tpu.memory_space<vmem>>, vector<1x4x1024xf32>
          %reshape3A = vector.shape_cast %get3A_2566 : vector<1x4x1024xf32> to vector<4x1024xf32>
          %gt3A_2567 = arith.constant 0.000000e+00 : f32
          %gt3A_2568 = vector.broadcast %gt3A_2567 : f32 to vector<4x1024xf32>
          %gt3A_2569 = arith.cmpf ogt, %select_n3A_286, %gt3A_2568 : vector<4x1024xf32>
          %jit3A_2570 = arith.constant 0x7F800000 : f32
          %broadcast_in_dim3A_2571 = vector.broadcast %jit3A_2570 : f32 to vector<4x1024xf32>
          %select_n3A_2572 = arith.select %gt3A_2569, %broadcast_in_dim3A_2571, %reshape3A : vector<4x1024xi1>, vector<4x1024xf32>
          %reduce_min3A_2573 = arith.constant dense<0x7F800000> : vector<4xf32>
          %reduce_min3A_2574 = vector.multi_reduction <minimumf>, %select_n3A_2572, %reduce_min3A_2573 [1] : vector<4x1024xf32> to vector<4xf32>
          %broadcast_in_dim3A_2575 = vector.shape_cast %reduce_min3A_2574 : vector<4xf32> to vector<4x1xf32>
          %lt3A_2576 = arith.constant 1.200000e+01 : f32
          %lt3A_2577 = vector.broadcast %lt3A_2576 : f32 to vector<4x1xf32>
          %lt3A_2578 = arith.cmpf olt, %broadcast_in_dim3A_2575, %lt3A_2577 : vector<4x1xf32>
          %eq3A_2579 = vector.broadcast %broadcast_in_dim3A_2575 : vector<4x1xf32> to vector<4x1024xf32>
          %eq3A_2580 = arith.cmpf oeq, %select_n3A_2572, %eq3A_2579 : vector<4x1024xf32>
          %and3A_2581 = vector.broadcast %lt3A_2578 : vector<4x1xi1> to vector<4x1024xi1>
          %and3A_2582 = arith.andi %eq3A_2580, %and3A_2581 : vector<4x1024xi1>
          %jit3A_2583 = arith.constant 1024 : i32
          %broadcast_in_dim3A_2584 = vector.shape_cast %iota3A : vector<1x1024xi32> to vector<1x1024xi32>
          %broadcast_in_dim3A_2585 = vector.broadcast %broadcast_in_dim3A_2584 : vector<1x1024xi32> to vector<4x1024xi32>
          %broadcast_in_dim3A_2586 = vector.broadcast %jit3A_2583 : i32 to vector<4x1024xi32>
          %select_n3A_2587 = arith.select %and3A_2582, %broadcast_in_dim3A_2585, %broadcast_in_dim3A_2586 : vector<4x1024xi1>, vector<4x1024xi32>
          %reduce_min3A_2588 = arith.constant dense<2147483647> : vector<4xi32>
          %reduce_min3A_2589 = vector.multi_reduction <minsi>, %select_n3A_2587, %reduce_min3A_2588 [1] : vector<4x1024xi32> to vector<4xi32>
          %broadcast_in_dim3A_2590 = vector.shape_cast %reduce_min3A_2589 : vector<4xi32> to vector<4x1xi32>
          %jit3A_2591 = arith.constant 1.000000e+00 : f32
          %jit3A_2592 = arith.constant 0.000000e+00 : f32
          %broadcast_in_dim3A_2593 = vector.broadcast %jit3A_2591 : f32 to vector<4x1xf32>
          %broadcast_in_dim3A_2594 = vector.broadcast %jit3A_2592 : f32 to vector<4x1xf32>
          %select_n3A_2595 = arith.select %lt3A_2578, %broadcast_in_dim3A_2593, %broadcast_in_dim3A_2594 : vector<4x1xi1>, vector<4x1xf32>
          scf.yield %broadcast_in_dim3A_2590, %select_n3A_2595 : vector<4x1xi32>, vector<4x1xf32>
        } else {
          scf.yield %squeeze3A_302, %squeeze3A_304 : vector<4x1xi32>, vector<4x1xf32>
        }
        %gt3A_325 = arith.constant 0.000000e+00 : f32
        %gt3A_326 = vector.broadcast %gt3A_325 : f32 to vector<4x1xf32>
        %gt3A_327 = arith.cmpf ogt, %mul3A_313, %gt3A_326 : vector<4x1xf32>
        %select_n3A_328 = arith.select %gt3A_327, %cond3A_324#0, %squeeze3A_302 : vector<4x1xi1>, vector<4x1xi32>
        %select_n3A_329 = arith.select %gt3A_327, %cond3A_324#1, %squeeze3A_304 : vector<4x1xi1>, vector<4x1xf32>
        %gt3A_330 = arith.constant 0.000000e+00 : f32
        %gt3A_331 = vector.broadcast %gt3A_330 : f32 to vector<4x1xf32>
        %gt3A_332 = arith.cmpf ogt, %select_n3A_329, %gt3A_331 : vector<4x1xf32>
        %jit3A_333 = arith.constant 1024 : i32
        %broadcast_in_dim3A_334 = vector.broadcast %jit3A_333 : i32 to vector<4x1xi32>
        %select_n3A_335 = arith.select %gt3A_332, %select_n3A_328, %broadcast_in_dim3A_334 : vector<4x1xi1>, vector<4x1xi32>
        %eq3A_336 = vector.broadcast %iota3A : vector<1x1024xi32> to vector<4x1024xi32>
        %eq3A_337 = vector.broadcast %select_n3A_335 : vector<4x1xi32> to vector<4x1024xi32>
        %eq3A_338 = arith.cmpi eq, %eq3A_336, %eq3A_337 : vector<4x1024xi32>
        %jit3A_339 = arith.constant 1.000000e+00 : f32
        %broadcast_in_dim3A_340 = vector.broadcast %jit3A_339 : f32 to vector<4x1024xf32>
        %select_n3A_341 = arith.select %eq3A_338, %broadcast_in_dim3A_340, %select_n3A_286 : vector<4x1024xi1>, vector<4x1024xf32>
        %add3A_342 = arith.constant 1 : i32
        %add3A_343 = arith.addi %mul3A_221, %add3A_342 : i32
        %eq3A_344 = vector.broadcast %add3A_343 : i32 to vector<1x384xi32>
        %eq3A_345 = arith.cmpi eq, %iota3A_0, %eq3A_344 : vector<1x384xi32>
        %gt3A_346 = arith.constant 0.000000e+00 : f32
        %gt3A_347 = vector.broadcast %gt3A_346 : f32 to vector<4x1xf32>
        %gt3A_348 = arith.cmpf ogt, %select_n3A_329, %gt3A_347 : vector<4x1xf32>
        %and3A_349 = vector.broadcast %eq3A_345 : vector<1x384xi1> to vector<4x384xi1>
        %and3A_350 = vector.broadcast %gt3A_348 : vector<4x1xi1> to vector<4x384xi1>
        %and3A_351 = arith.andi %and3A_349, %and3A_350 : vector<4x384xi1>
        %convert_element_type3A_352 = arith.sitofp %select_n3A_335 : vector<4x1xi32> to vector<4x1xf32>
        %broadcast_in_dim3A_353 = vector.shape_cast %convert_element_type3A_352 : vector<4x1xf32> to vector<4x1xf32>
        %broadcast_in_dim3A_354 = vector.broadcast %broadcast_in_dim3A_353 : vector<4x1xf32> to vector<4x384xf32>
        %select_n3A_355 = arith.select %and3A_351, %broadcast_in_dim3A_354, %select_n3A_300 : vector<4x384xi1>, vector<4x384xf32>
        %slice3A_356 = vector.extract_strided_slice %broadcast_in_dim3A_248 {offsets = [2, 0, 0], sizes = [1, 4, 1], strides = [1, 1, 1]} : vector<20x4x1xi32> to vector<1x4x1xi32>
        %squeeze3A_357 = vector.shape_cast %slice3A_356 : vector<1x4x1xi32> to vector<4x1xi32>
        %slice3A_358 = vector.extract_strided_slice %select_n3A_253 {offsets = [2, 0, 0], sizes = [1, 4, 1], strides = [1, 1, 1]} : vector<20x4x1xf32> to vector<1x4x1xf32>
        %squeeze3A_359 = vector.shape_cast %slice3A_358 : vector<1x4x1xf32> to vector<4x1xf32>
        %broadcast_in_dim3A_360 = arith.constant 0.000000e+00 : f32
        %broadcast_in_dim3A_361 = vector.broadcast %broadcast_in_dim3A_360 : f32 to vector<4x1xf32>
        %eq3A_362 = arith.cmpi eq, %squeeze3A_357, %select_n3A_280 : vector<4x1xi32>
        %jit3A_363 = arith.constant 1.000000e+00 : f32
        %jit3A_364 = arith.constant 0.000000e+00 : f32
        %broadcast_in_dim3A_365 = vector.broadcast %jit3A_363 : f32 to vector<4x1xf32>
        %broadcast_in_dim3A_366 = vector.broadcast %jit3A_364 : f32 to vector<4x1xf32>
        %select_n3A_367 = arith.select %eq3A_362, %broadcast_in_dim3A_365, %broadcast_in_dim3A_366 : vector<4x1xi1>, vector<4x1xf32>
        %max3A_368 = arith.maximumf %broadcast_in_dim3A_361, %select_n3A_367 : vector<4x1xf32>
        %eq3A_369 = arith.cmpi eq, %squeeze3A_357, %select_n3A_335 : vector<4x1xi32>
        %jit3A_370 = arith.constant 1.000000e+00 : f32
        %jit3A_371 = arith.constant 0.000000e+00 : f32
        %broadcast_in_dim3A_372 = vector.broadcast %jit3A_370 : f32 to vector<4x1xf32>
        %broadcast_in_dim3A_373 = vector.broadcast %jit3A_371 : f32 to vector<4x1xf32>
        %select_n3A_374 = arith.select %eq3A_369, %broadcast_in_dim3A_372, %broadcast_in_dim3A_373 : vector<4x1xi1>, vector<4x1xf32>
        %max3A_375 = arith.maximumf %max3A_368, %select_n3A_374 : vector<4x1xf32>
        %mul3A_376 = arith.mulf %max3A_375, %squeeze3A_359 : vector<4x1xf32>
        %reduce_max3A_377 = vector.shape_cast %mul3A_376 : vector<4x1xf32> to vector<1x4x1xf32>
        %reduce_max3A_378 = arith.constant dense<0xFF800000> : vector<1xf32>
        %reduce_max3A_379 = vector.multi_reduction <maximumf>, %reduce_max3A_377, %reduce_max3A_378 [1, 2] : vector<1x4x1xf32> to vector<1xf32>
        %reduce_max3A_380 = vector.shape_cast %reduce_max3A_379 : vector<1xf32> to vector<1x1x1xf32>
        %reduce_max3A_381 = vector.extract %reduce_max3A_380[0, 0, 0] : f32 from vector<1x1x1xf32>
        %gt3A_382 = arith.constant 0.000000e+00 : f32
        %gt3A_383 = arith.cmpf ogt, %reduce_max3A_381, %gt3A_382 : f32
        %convert_element_type3A_384 = arith.extui %gt3A_383 : i1 to i32
        %cond3A_385 = arith.constant 0 : i32
        %cond3A_386 = arith.cmpi ne, %convert_element_type3A_384, %cond3A_385 : i32
        %cond3A_387:2 = scf.if %cond3A_386 -> (vector<4x1xi32>, vector<4x1xf32>) {
          %add3A_2561 = arith.constant 2 : i32
          %add3A_2562 = arith.addi %mul3A_221, %add3A_2561 : i32
          %get3A_2563 = arith.index_cast %add3A_2562 : i32 to index
          %get3A_2564 = arith.constant 0 : index
          %get3A_2565 = arith.constant 0 : index
          %get3A_2566 = vector.load %arg8[%get3A_2563, %get3A_2564, %get3A_2565] : memref<300x4x1024xf32, #tpu.memory_space<vmem>>, vector<1x4x1024xf32>
          %reshape3A = vector.shape_cast %get3A_2566 : vector<1x4x1024xf32> to vector<4x1024xf32>
          %gt3A_2567 = arith.constant 0.000000e+00 : f32
          %gt3A_2568 = vector.broadcast %gt3A_2567 : f32 to vector<4x1024xf32>
          %gt3A_2569 = arith.cmpf ogt, %select_n3A_341, %gt3A_2568 : vector<4x1024xf32>
          %jit3A_2570 = arith.constant 0x7F800000 : f32
          %broadcast_in_dim3A_2571 = vector.broadcast %jit3A_2570 : f32 to vector<4x1024xf32>
          %select_n3A_2572 = arith.select %gt3A_2569, %broadcast_in_dim3A_2571, %reshape3A : vector<4x1024xi1>, vector<4x1024xf32>
          %reduce_min3A_2573 = arith.constant dense<0x7F800000> : vector<4xf32>
          %reduce_min3A_2574 = vector.multi_reduction <minimumf>, %select_n3A_2572, %reduce_min3A_2573 [1] : vector<4x1024xf32> to vector<4xf32>
          %broadcast_in_dim3A_2575 = vector.shape_cast %reduce_min3A_2574 : vector<4xf32> to vector<4x1xf32>
          %lt3A_2576 = arith.constant 1.200000e+01 : f32
          %lt3A_2577 = vector.broadcast %lt3A_2576 : f32 to vector<4x1xf32>
          %lt3A_2578 = arith.cmpf olt, %broadcast_in_dim3A_2575, %lt3A_2577 : vector<4x1xf32>
          %eq3A_2579 = vector.broadcast %broadcast_in_dim3A_2575 : vector<4x1xf32> to vector<4x1024xf32>
          %eq3A_2580 = arith.cmpf oeq, %select_n3A_2572, %eq3A_2579 : vector<4x1024xf32>
          %and3A_2581 = vector.broadcast %lt3A_2578 : vector<4x1xi1> to vector<4x1024xi1>
          %and3A_2582 = arith.andi %eq3A_2580, %and3A_2581 : vector<4x1024xi1>
          %jit3A_2583 = arith.constant 1024 : i32
          %broadcast_in_dim3A_2584 = vector.shape_cast %iota3A : vector<1x1024xi32> to vector<1x1024xi32>
          %broadcast_in_dim3A_2585 = vector.broadcast %broadcast_in_dim3A_2584 : vector<1x1024xi32> to vector<4x1024xi32>
          %broadcast_in_dim3A_2586 = vector.broadcast %jit3A_2583 : i32 to vector<4x1024xi32>
          %select_n3A_2587 = arith.select %and3A_2582, %broadcast_in_dim3A_2585, %broadcast_in_dim3A_2586 : vector<4x1024xi1>, vector<4x1024xi32>
          %reduce_min3A_2588 = arith.constant dense<2147483647> : vector<4xi32>
          %reduce_min3A_2589 = vector.multi_reduction <minsi>, %select_n3A_2587, %reduce_min3A_2588 [1] : vector<4x1024xi32> to vector<4xi32>
          %broadcast_in_dim3A_2590 = vector.shape_cast %reduce_min3A_2589 : vector<4xi32> to vector<4x1xi32>
          %jit3A_2591 = arith.constant 1.000000e+00 : f32
          %jit3A_2592 = arith.constant 0.000000e+00 : f32
          %broadcast_in_dim3A_2593 = vector.broadcast %jit3A_2591 : f32 to vector<4x1xf32>
          %broadcast_in_dim3A_2594 = vector.broadcast %jit3A_2592 : f32 to vector<4x1xf32>
          %select_n3A_2595 = arith.select %lt3A_2578, %broadcast_in_dim3A_2593, %broadcast_in_dim3A_2594 : vector<4x1xi1>, vector<4x1xf32>
          scf.yield %broadcast_in_dim3A_2590, %select_n3A_2595 : vector<4x1xi32>, vector<4x1xf32>
        } else {
          scf.yield %squeeze3A_357, %squeeze3A_359 : vector<4x1xi32>, vector<4x1xf32>
        }
        %gt3A_388 = arith.constant 0.000000e+00 : f32
        %gt3A_389 = vector.broadcast %gt3A_388 : f32 to vector<4x1xf32>
        %gt3A_390 = arith.cmpf ogt, %mul3A_376, %gt3A_389 : vector<4x1xf32>
        %select_n3A_391 = arith.select %gt3A_390, %cond3A_387#0, %squeeze3A_357 : vector<4x1xi1>, vector<4x1xi32>
        %select_n3A_392 = arith.select %gt3A_390, %cond3A_387#1, %squeeze3A_359 : vector<4x1xi1>, vector<4x1xf32>
        %gt3A_393 = arith.constant 0.000000e+00 : f32
        %gt3A_394 = vector.broadcast %gt3A_393 : f32 to vector<4x1xf32>
        %gt3A_395 = arith.cmpf ogt, %select_n3A_392, %gt3A_394 : vector<4x1xf32>
        %jit3A_396 = arith.constant 1024 : i32
        %broadcast_in_dim3A_397 = vector.broadcast %jit3A_396 : i32 to vector<4x1xi32>
        %select_n3A_398 = arith.select %gt3A_395, %select_n3A_391, %broadcast_in_dim3A_397 : vector<4x1xi1>, vector<4x1xi32>
        %eq3A_399 = vector.broadcast %iota3A : vector<1x1024xi32> to vector<4x1024xi32>
        %eq3A_400 = vector.broadcast %select_n3A_398 : vector<4x1xi32> to vector<4x1024xi32>
        %eq3A_401 = arith.cmpi eq, %eq3A_399, %eq3A_400 : vector<4x1024xi32>
        %jit3A_402 = arith.constant 1.000000e+00 : f32
        %broadcast_in_dim3A_403 = vector.broadcast %jit3A_402 : f32 to vector<4x1024xf32>
        %select_n3A_404 = arith.select %eq3A_401, %broadcast_in_dim3A_403, %select_n3A_341 : vector<4x1024xi1>, vector<4x1024xf32>
        %add3A_405 = arith.constant 2 : i32
        %add3A_406 = arith.addi %mul3A_221, %add3A_405 : i32
        %eq3A_407 = vector.broadcast %add3A_406 : i32 to vector<1x384xi32>
        %eq3A_408 = arith.cmpi eq, %iota3A_0, %eq3A_407 : vector<1x384xi32>
        %gt3A_409 = arith.constant 0.000000e+00 : f32
        %gt3A_410 = vector.broadcast %gt3A_409 : f32 to vector<4x1xf32>
        %gt3A_411 = arith.cmpf ogt, %select_n3A_392, %gt3A_410 : vector<4x1xf32>
        %and3A_412 = vector.broadcast %eq3A_408 : vector<1x384xi1> to vector<4x384xi1>
        %and3A_413 = vector.broadcast %gt3A_411 : vector<4x1xi1> to vector<4x384xi1>
        %and3A_414 = arith.andi %and3A_412, %and3A_413 : vector<4x384xi1>
        %convert_element_type3A_415 = arith.sitofp %select_n3A_398 : vector<4x1xi32> to vector<4x1xf32>
        %broadcast_in_dim3A_416 = vector.shape_cast %convert_element_type3A_415 : vector<4x1xf32> to vector<4x1xf32>
        %broadcast_in_dim3A_417 = vector.broadcast %broadcast_in_dim3A_416 : vector<4x1xf32> to vector<4x384xf32>
        %select_n3A_418 = arith.select %and3A_414, %broadcast_in_dim3A_417, %select_n3A_355 : vector<4x384xi1>, vector<4x384xf32>
        %slice3A_419 = vector.extract_strided_slice %broadcast_in_dim3A_248 {offsets = [3, 0, 0], sizes = [1, 4, 1], strides = [1, 1, 1]} : vector<20x4x1xi32> to vector<1x4x1xi32>
        %squeeze3A_420 = vector.shape_cast %slice3A_419 : vector<1x4x1xi32> to vector<4x1xi32>
        %slice3A_421 = vector.extract_strided_slice %select_n3A_253 {offsets = [3, 0, 0], sizes = [1, 4, 1], strides = [1, 1, 1]} : vector<20x4x1xf32> to vector<1x4x1xf32>
        %squeeze3A_422 = vector.shape_cast %slice3A_421 : vector<1x4x1xf32> to vector<4x1xf32>
        %broadcast_in_dim3A_423 = arith.constant 0.000000e+00 : f32
        %broadcast_in_dim3A_424 = vector.broadcast %broadcast_in_dim3A_423 : f32 to vector<4x1xf32>
        %eq3A_425 = arith.cmpi eq, %squeeze3A_420, %select_n3A_280 : vector<4x1xi32>
        %jit3A_426 = arith.constant 1.000000e+00 : f32
        %jit3A_427 = arith.constant 0.000000e+00 : f32
        %broadcast_in_dim3A_428 = vector.broadcast %jit3A_426 : f32 to vector<4x1xf32>
        %broadcast_in_dim3A_429 = vector.broadcast %jit3A_427 : f32 to vector<4x1xf32>
        %select_n3A_430 = arith.select %eq3A_425, %broadcast_in_dim3A_428, %broadcast_in_dim3A_429 : vector<4x1xi1>, vector<4x1xf32>
        %max3A_431 = arith.maximumf %broadcast_in_dim3A_424, %select_n3A_430 : vector<4x1xf32>
        %eq3A_432 = arith.cmpi eq, %squeeze3A_420, %select_n3A_335 : vector<4x1xi32>
        %jit3A_433 = arith.constant 1.000000e+00 : f32
        %jit3A_434 = arith.constant 0.000000e+00 : f32
        %broadcast_in_dim3A_435 = vector.broadcast %jit3A_433 : f32 to vector<4x1xf32>
        %broadcast_in_dim3A_436 = vector.broadcast %jit3A_434 : f32 to vector<4x1xf32>
        %select_n3A_437 = arith.select %eq3A_432, %broadcast_in_dim3A_435, %broadcast_in_dim3A_436 : vector<4x1xi1>, vector<4x1xf32>
        %max3A_438 = arith.maximumf %max3A_431, %select_n3A_437 : vector<4x1xf32>
        %eq3A_439 = arith.cmpi eq, %squeeze3A_420, %select_n3A_398 : vector<4x1xi32>
        %jit3A_440 = arith.constant 1.000000e+00 : f32
        %jit3A_441 = arith.constant 0.000000e+00 : f32
        %broadcast_in_dim3A_442 = vector.broadcast %jit3A_440 : f32 to vector<4x1xf32>
        %broadcast_in_dim3A_443 = vector.broadcast %jit3A_441 : f32 to vector<4x1xf32>
        %select_n3A_444 = arith.select %eq3A_439, %broadcast_in_dim3A_442, %broadcast_in_dim3A_443 : vector<4x1xi1>, vector<4x1xf32>
        %max3A_445 = arith.maximumf %max3A_438, %select_n3A_444 : vector<4x1xf32>
        %mul3A_446 = arith.mulf %max3A_445, %squeeze3A_422 : vector<4x1xf32>
        %reduce_max3A_447 = vector.shape_cast %mul3A_446 : vector<4x1xf32> to vector<1x4x1xf32>
        %reduce_max3A_448 = arith.constant dense<0xFF800000> : vector<1xf32>
        %reduce_max3A_449 = vector.multi_reduction <maximumf>, %reduce_max3A_447, %reduce_max3A_448 [1, 2] : vector<1x4x1xf32> to vector<1xf32>
        %reduce_max3A_450 = vector.shape_cast %reduce_max3A_449 : vector<1xf32> to vector<1x1x1xf32>
        %reduce_max3A_451 = vector.extract %reduce_max3A_450[0, 0, 0] : f32 from vector<1x1x1xf32>
        %gt3A_452 = arith.constant 0.000000e+00 : f32
        %gt3A_453 = arith.cmpf ogt, %reduce_max3A_451, %gt3A_452 : f32
        %convert_element_type3A_454 = arith.extui %gt3A_453 : i1 to i32
        %cond3A_455 = arith.constant 0 : i32
        %cond3A_456 = arith.cmpi ne, %convert_element_type3A_454, %cond3A_455 : i32
        %cond3A_457:2 = scf.if %cond3A_456 -> (vector<4x1xi32>, vector<4x1xf32>) {
          %add3A_2561 = arith.constant 3 : i32
          %add3A_2562 = arith.addi %mul3A_221, %add3A_2561 : i32
          %get3A_2563 = arith.index_cast %add3A_2562 : i32 to index
          %get3A_2564 = arith.constant 0 : index
          %get3A_2565 = arith.constant 0 : index
          %get3A_2566 = vector.load %arg8[%get3A_2563, %get3A_2564, %get3A_2565] : memref<300x4x1024xf32, #tpu.memory_space<vmem>>, vector<1x4x1024xf32>
          %reshape3A = vector.shape_cast %get3A_2566 : vector<1x4x1024xf32> to vector<4x1024xf32>
          %gt3A_2567 = arith.constant 0.000000e+00 : f32
          %gt3A_2568 = vector.broadcast %gt3A_2567 : f32 to vector<4x1024xf32>
          %gt3A_2569 = arith.cmpf ogt, %select_n3A_404, %gt3A_2568 : vector<4x1024xf32>
          %jit3A_2570 = arith.constant 0x7F800000 : f32
          %broadcast_in_dim3A_2571 = vector.broadcast %jit3A_2570 : f32 to vector<4x1024xf32>
          %select_n3A_2572 = arith.select %gt3A_2569, %broadcast_in_dim3A_2571, %reshape3A : vector<4x1024xi1>, vector<4x1024xf32>
          %reduce_min3A_2573 = arith.constant dense<0x7F800000> : vector<4xf32>
          %reduce_min3A_2574 = vector.multi_reduction <minimumf>, %select_n3A_2572, %reduce_min3A_2573 [1] : vector<4x1024xf32> to vector<4xf32>
          %broadcast_in_dim3A_2575 = vector.shape_cast %reduce_min3A_2574 : vector<4xf32> to vector<4x1xf32>
          %lt3A_2576 = arith.constant 1.200000e+01 : f32
          %lt3A_2577 = vector.broadcast %lt3A_2576 : f32 to vector<4x1xf32>
          %lt3A_2578 = arith.cmpf olt, %broadcast_in_dim3A_2575, %lt3A_2577 : vector<4x1xf32>
          %eq3A_2579 = vector.broadcast %broadcast_in_dim3A_2575 : vector<4x1xf32> to vector<4x1024xf32>
          %eq3A_2580 = arith.cmpf oeq, %select_n3A_2572, %eq3A_2579 : vector<4x1024xf32>
          %and3A_2581 = vector.broadcast %lt3A_2578 : vector<4x1xi1> to vector<4x1024xi1>
          %and3A_2582 = arith.andi %eq3A_2580, %and3A_2581 : vector<4x1024xi1>
          %jit3A_2583 = arith.constant 1024 : i32
          %broadcast_in_dim3A_2584 = vector.shape_cast %iota3A : vector<1x1024xi32> to vector<1x1024xi32>
          %broadcast_in_dim3A_2585 = vector.broadcast %broadcast_in_dim3A_2584 : vector<1x1024xi32> to vector<4x1024xi32>
          %broadcast_in_dim3A_2586 = vector.broadcast %jit3A_2583 : i32 to vector<4x1024xi32>
          %select_n3A_2587 = arith.select %and3A_2582, %broadcast_in_dim3A_2585, %broadcast_in_dim3A_2586 : vector<4x1024xi1>, vector<4x1024xi32>
          %reduce_min3A_2588 = arith.constant dense<2147483647> : vector<4xi32>
          %reduce_min3A_2589 = vector.multi_reduction <minsi>, %select_n3A_2587, %reduce_min3A_2588 [1] : vector<4x1024xi32> to vector<4xi32>
          %broadcast_in_dim3A_2590 = vector.shape_cast %reduce_min3A_2589 : vector<4xi32> to vector<4x1xi32>
          %jit3A_2591 = arith.constant 1.000000e+00 : f32
          %jit3A_2592 = arith.constant 0.000000e+00 : f32
          %broadcast_in_dim3A_2593 = vector.broadcast %jit3A_2591 : f32 to vector<4x1xf32>
          %broadcast_in_dim3A_2594 = vector.broadcast %jit3A_2592 : f32 to vector<4x1xf32>
          %select_n3A_2595 = arith.select %lt3A_2578, %broadcast_in_dim3A_2593, %broadcast_in_dim3A_2594 : vector<4x1xi1>, vector<4x1xf32>
          scf.yield %broadcast_in_dim3A_2590, %select_n3A_2595 : vector<4x1xi32>, vector<4x1xf32>
        } else {
          scf.yield %squeeze3A_420, %squeeze3A_422 : vector<4x1xi32>, vector<4x1xf32>
        }
        %gt3A_458 = arith.constant 0.000000e+00 : f32
        %gt3A_459 = vector.broadcast %gt3A_458 : f32 to vector<4x1xf32>
        %gt3A_460 = arith.cmpf ogt, %mul3A_446, %gt3A_459 : vector<4x1xf32>
        %select_n3A_461 = arith.select %gt3A_460, %cond3A_457#0, %squeeze3A_420 : vector<4x1xi1>, vector<4x1xi32>
        %select_n3A_462 = arith.select %gt3A_460, %cond3A_457#1, %squeeze3A_422 : vector<4x1xi1>, vector<4x1xf32>
        %gt3A_463 = arith.constant 0.000000e+00 : f32
        %gt3A_464 = vector.broadcast %gt3A_463 : f32 to vector<4x1xf32>
        %gt3A_465 = arith.cmpf ogt, %select_n3A_462, %gt3A_464 : vector<4x1xf32>
        %jit3A_466 = arith.constant 1024 : i32
        %broadcast_in_dim3A_467 = vector.broadcast %jit3A_466 : i32 to vector<4x1xi32>
        %select_n3A_468 = arith.select %gt3A_465, %select_n3A_461, %broadcast_in_dim3A_467 : vector<4x1xi1>, vector<4x1xi32>
        %eq3A_469 = vector.broadcast %iota3A : vector<1x1024xi32> to vector<4x1024xi32>
        %eq3A_470 = vector.broadcast %select_n3A_468 : vector<4x1xi32> to vector<4x1024xi32>
        %eq3A_471 = arith.cmpi eq, %eq3A_469, %eq3A_470 : vector<4x1024xi32>
        %jit3A_472 = arith.constant 1.000000e+00 : f32
        %broadcast_in_dim3A_473 = vector.broadcast %jit3A_472 : f32 to vector<4x1024xf32>
        %select_n3A_474 = arith.select %eq3A_471, %broadcast_in_dim3A_473, %select_n3A_404 : vector<4x1024xi1>, vector<4x1024xf32>
        %add3A_475 = arith.constant 3 : i32
        %add3A_476 = arith.addi %mul3A_221, %add3A_475 : i32
        %eq3A_477 = vector.broadcast %add3A_476 : i32 to vector<1x384xi32>
        %eq3A_478 = arith.cmpi eq, %iota3A_0, %eq3A_477 : vector<1x384xi32>
        %gt3A_479 = arith.constant 0.000000e+00 : f32
        %gt3A_480 = vector.broadcast %gt3A_479 : f32 to vector<4x1xf32>
        %gt3A_481 = arith.cmpf ogt, %select_n3A_462, %gt3A_480 : vector<4x1xf32>
        %and3A_482 = vector.broadcast %eq3A_478 : vector<1x384xi1> to vector<4x384xi1>
        %and3A_483 = vector.broadcast %gt3A_481 : vector<4x1xi1> to vector<4x384xi1>
        %and3A_484 = arith.andi %and3A_482, %and3A_483 : vector<4x384xi1>
        %convert_element_type3A_485 = arith.sitofp %select_n3A_468 : vector<4x1xi32> to vector<4x1xf32>
        %broadcast_in_dim3A_486 = vector.shape_cast %convert_element_type3A_485 : vector<4x1xf32> to vector<4x1xf32>
        %broadcast_in_dim3A_487 = vector.broadcast %broadcast_in_dim3A_486 : vector<4x1xf32> to vector<4x384xf32>
        %select_n3A_488 = arith.select %and3A_484, %broadcast_in_dim3A_487, %select_n3A_418 : vector<4x384xi1>, vector<4x384xf32>
        %slice3A_489 = vector.extract_strided_slice %broadcast_in_dim3A_248 {offsets = [4, 0, 0], sizes = [1, 4, 1], strides = [1, 1, 1]} : vector<20x4x1xi32> to vector<1x4x1xi32>
        %squeeze3A_490 = vector.shape_cast %slice3A_489 : vector<1x4x1xi32> to vector<4x1xi32>
        %slice3A_491 = vector.extract_strided_slice %select_n3A_253 {offsets = [4, 0, 0], sizes = [1, 4, 1], strides = [1, 1, 1]} : vector<20x4x1xf32> to vector<1x4x1xf32>
        %squeeze3A_492 = vector.shape_cast %slice3A_491 : vector<1x4x1xf32> to vector<4x1xf32>
        %broadcast_in_dim3A_493 = arith.constant 0.000000e+00 : f32
        %broadcast_in_dim3A_494 = vector.broadcast %broadcast_in_dim3A_493 : f32 to vector<4x1xf32>
        %eq3A_495 = arith.cmpi eq, %squeeze3A_490, %select_n3A_280 : vector<4x1xi32>
        %jit3A_496 = arith.constant 1.000000e+00 : f32
        %jit3A_497 = arith.constant 0.000000e+00 : f32
        %broadcast_in_dim3A_498 = vector.broadcast %jit3A_496 : f32 to vector<4x1xf32>
        %broadcast_in_dim3A_499 = vector.broadcast %jit3A_497 : f32 to vector<4x1xf32>
        %select_n3A_500 = arith.select %eq3A_495, %broadcast_in_dim3A_498, %broadcast_in_dim3A_499 : vector<4x1xi1>, vector<4x1xf32>
        %max3A_501 = arith.maximumf %broadcast_in_dim3A_494, %select_n3A_500 : vector<4x1xf32>
        %eq3A_502 = arith.cmpi eq, %squeeze3A_490, %select_n3A_335 : vector<4x1xi32>
        %jit3A_503 = arith.constant 1.000000e+00 : f32
        %jit3A_504 = arith.constant 0.000000e+00 : f32
        %broadcast_in_dim3A_505 = vector.broadcast %jit3A_503 : f32 to vector<4x1xf32>
        %broadcast_in_dim3A_506 = vector.broadcast %jit3A_504 : f32 to vector<4x1xf32>
        %select_n3A_507 = arith.select %eq3A_502, %broadcast_in_dim3A_505, %broadcast_in_dim3A_506 : vector<4x1xi1>, vector<4x1xf32>
        %max3A_508 = arith.maximumf %max3A_501, %select_n3A_507 : vector<4x1xf32>
        %eq3A_509 = arith.cmpi eq, %squeeze3A_490, %select_n3A_398 : vector<4x1xi32>
        %jit3A_510 = arith.constant 1.000000e+00 : f32
        %jit3A_511 = arith.constant 0.000000e+00 : f32
        %broadcast_in_dim3A_512 = vector.broadcast %jit3A_510 : f32 to vector<4x1xf32>
        %broadcast_in_dim3A_513 = vector.broadcast %jit3A_511 : f32 to vector<4x1xf32>
        %select_n3A_514 = arith.select %eq3A_509, %broadcast_in_dim3A_512, %broadcast_in_dim3A_513 : vector<4x1xi1>, vector<4x1xf32>
        %max3A_515 = arith.maximumf %max3A_508, %select_n3A_514 : vector<4x1xf32>
        %eq3A_516 = arith.cmpi eq, %squeeze3A_490, %select_n3A_468 : vector<4x1xi32>
        %jit3A_517 = arith.constant 1.000000e+00 : f32
        %jit3A_518 = arith.constant 0.000000e+00 : f32
        %broadcast_in_dim3A_519 = vector.broadcast %jit3A_517 : f32 to vector<4x1xf32>
        %broadcast_in_dim3A_520 = vector.broadcast %jit3A_518 : f32 to vector<4x1xf32>
        %select_n3A_521 = arith.select %eq3A_516, %broadcast_in_dim3A_519, %broadcast_in_dim3A_520 : vector<4x1xi1>, vector<4x1xf32>
        %max3A_522 = arith.maximumf %max3A_515, %select_n3A_521 : vector<4x1xf32>
        %mul3A_523 = arith.mulf %max3A_522, %squeeze3A_492 : vector<4x1xf32>
        %reduce_max3A_524 = vector.shape_cast %mul3A_523 : vector<4x1xf32> to vector<1x4x1xf32>
        %reduce_max3A_525 = arith.constant dense<0xFF800000> : vector<1xf32>
        %reduce_max3A_526 = vector.multi_reduction <maximumf>, %reduce_max3A_524, %reduce_max3A_525 [1, 2] : vector<1x4x1xf32> to vector<1xf32>
        %reduce_max3A_527 = vector.shape_cast %reduce_max3A_526 : vector<1xf32> to vector<1x1x1xf32>
        %reduce_max3A_528 = vector.extract %reduce_max3A_527[0, 0, 0] : f32 from vector<1x1x1xf32>
        %gt3A_529 = arith.constant 0.000000e+00 : f32
        %gt3A_530 = arith.cmpf ogt, %reduce_max3A_528, %gt3A_529 : f32
        %convert_element_type3A_531 = arith.extui %gt3A_530 : i1 to i32
        %cond3A_532 = arith.constant 0 : i32
        %cond3A_533 = arith.cmpi ne, %convert_element_type3A_531, %cond3A_532 : i32
        %cond3A_534:2 = scf.if %cond3A_533 -> (vector<4x1xi32>, vector<4x1xf32>) {
          %add3A_2561 = arith.constant 4 : i32
          %add3A_2562 = arith.addi %mul3A_221, %add3A_2561 : i32
          %get3A_2563 = arith.index_cast %add3A_2562 : i32 to index
          %get3A_2564 = arith.constant 0 : index
          %get3A_2565 = arith.constant 0 : index
          %get3A_2566 = vector.load %arg8[%get3A_2563, %get3A_2564, %get3A_2565] : memref<300x4x1024xf32, #tpu.memory_space<vmem>>, vector<1x4x1024xf32>
          %reshape3A = vector.shape_cast %get3A_2566 : vector<1x4x1024xf32> to vector<4x1024xf32>
          %gt3A_2567 = arith.constant 0.000000e+00 : f32
          %gt3A_2568 = vector.broadcast %gt3A_2567 : f32 to vector<4x1024xf32>
          %gt3A_2569 = arith.cmpf ogt, %select_n3A_474, %gt3A_2568 : vector<4x1024xf32>
          %jit3A_2570 = arith.constant 0x7F800000 : f32
          %broadcast_in_dim3A_2571 = vector.broadcast %jit3A_2570 : f32 to vector<4x1024xf32>
          %select_n3A_2572 = arith.select %gt3A_2569, %broadcast_in_dim3A_2571, %reshape3A : vector<4x1024xi1>, vector<4x1024xf32>
          %reduce_min3A_2573 = arith.constant dense<0x7F800000> : vector<4xf32>
          %reduce_min3A_2574 = vector.multi_reduction <minimumf>, %select_n3A_2572, %reduce_min3A_2573 [1] : vector<4x1024xf32> to vector<4xf32>
          %broadcast_in_dim3A_2575 = vector.shape_cast %reduce_min3A_2574 : vector<4xf32> to vector<4x1xf32>
          %lt3A_2576 = arith.constant 1.200000e+01 : f32
          %lt3A_2577 = vector.broadcast %lt3A_2576 : f32 to vector<4x1xf32>
          %lt3A_2578 = arith.cmpf olt, %broadcast_in_dim3A_2575, %lt3A_2577 : vector<4x1xf32>
          %eq3A_2579 = vector.broadcast %broadcast_in_dim3A_2575 : vector<4x1xf32> to vector<4x1024xf32>
          %eq3A_2580 = arith.cmpf oeq, %select_n3A_2572, %eq3A_2579 : vector<4x1024xf32>
          %and3A_2581 = vector.broadcast %lt3A_2578 : vector<4x1xi1> to vector<4x1024xi1>
          %and3A_2582 = arith.andi %eq3A_2580, %and3A_2581 : vector<4x1024xi1>
          %jit3A_2583 = arith.constant 1024 : i32
          %broadcast_in_dim3A_2584 = vector.shape_cast %iota3A : vector<1x1024xi32> to vector<1x1024xi32>
          %broadcast_in_dim3A_2585 = vector.broadcast %broadcast_in_dim3A_2584 : vector<1x1024xi32> to vector<4x1024xi32>
          %broadcast_in_dim3A_2586 = vector.broadcast %jit3A_2583 : i32 to vector<4x1024xi32>
          %select_n3A_2587 = arith.select %and3A_2582, %broadcast_in_dim3A_2585, %broadcast_in_dim3A_2586 : vector<4x1024xi1>, vector<4x1024xi32>
          %reduce_min3A_2588 = arith.constant dense<2147483647> : vector<4xi32>
          %reduce_min3A_2589 = vector.multi_reduction <minsi>, %select_n3A_2587, %reduce_min3A_2588 [1] : vector<4x1024xi32> to vector<4xi32>
          %broadcast_in_dim3A_2590 = vector.shape_cast %reduce_min3A_2589 : vector<4xi32> to vector<4x1xi32>
          %jit3A_2591 = arith.constant 1.000000e+00 : f32
          %jit3A_2592 = arith.constant 0.000000e+00 : f32
          %broadcast_in_dim3A_2593 = vector.broadcast %jit3A_2591 : f32 to vector<4x1xf32>
          %broadcast_in_dim3A_2594 = vector.broadcast %jit3A_2592 : f32 to vector<4x1xf32>
          %select_n3A_2595 = arith.select %lt3A_2578, %broadcast_in_dim3A_2593, %broadcast_in_dim3A_2594 : vector<4x1xi1>, vector<4x1xf32>
          scf.yield %broadcast_in_dim3A_2590, %select_n3A_2595 : vector<4x1xi32>, vector<4x1xf32>
        } else {
          scf.yield %squeeze3A_490, %squeeze3A_492 : vector<4x1xi32>, vector<4x1xf32>
        }
        %gt3A_535 = arith.constant 0.000000e+00 : f32
        %gt3A_536 = vector.broadcast %gt3A_535 : f32 to vector<4x1xf32>
        %gt3A_537 = arith.cmpf ogt, %mul3A_523, %gt3A_536 : vector<4x1xf32>
        %select_n3A_538 = arith.select %gt3A_537, %cond3A_534#0, %squeeze3A_490 : vector<4x1xi1>, vector<4x1xi32>
        %select_n3A_539 = arith.select %gt3A_537, %cond3A_534#1, %squeeze3A_492 : vector<4x1xi1>, vector<4x1xf32>
        %gt3A_540 = arith.constant 0.000000e+00 : f32
        %gt3A_541 = vector.broadcast %gt3A_540 : f32 to vector<4x1xf32>
        %gt3A_542 = arith.cmpf ogt, %select_n3A_539, %gt3A_541 : vector<4x1xf32>
        %jit3A_543 = arith.constant 1024 : i32
        %broadcast_in_dim3A_544 = vector.broadcast %jit3A_543 : i32 to vector<4x1xi32>
        %select_n3A_545 = arith.select %gt3A_542, %select_n3A_538, %broadcast_in_dim3A_544 : vector<4x1xi1>, vector<4x1xi32>
        %eq3A_546 = vector.broadcast %iota3A : vector<1x1024xi32> to vector<4x1024xi32>
        %eq3A_547 = vector.broadcast %select_n3A_545 : vector<4x1xi32> to vector<4x1024xi32>
        %eq3A_548 = arith.cmpi eq, %eq3A_546, %eq3A_547 : vector<4x1024xi32>
        %jit3A_549 = arith.constant 1.000000e+00 : f32
        %broadcast_in_dim3A_550 = vector.broadcast %jit3A_549 : f32 to vector<4x1024xf32>
        %select_n3A_551 = arith.select %eq3A_548, %broadcast_in_dim3A_550, %select_n3A_474 : vector<4x1024xi1>, vector<4x1024xf32>
        %add3A_552 = arith.constant 4 : i32
        %add3A_553 = arith.addi %mul3A_221, %add3A_552 : i32
        %eq3A_554 = vector.broadcast %add3A_553 : i32 to vector<1x384xi32>
        %eq3A_555 = arith.cmpi eq, %iota3A_0, %eq3A_554 : vector<1x384xi32>
        %gt3A_556 = arith.constant 0.000000e+00 : f32
        %gt3A_557 = vector.broadcast %gt3A_556 : f32 to vector<4x1xf32>
        %gt3A_558 = arith.cmpf ogt, %select_n3A_539, %gt3A_557 : vector<4x1xf32>
        %and3A_559 = vector.broadcast %eq3A_555 : vector<1x384xi1> to vector<4x384xi1>
        %and3A_560 = vector.broadcast %gt3A_558 : vector<4x1xi1> to vector<4x384xi1>
        %and3A_561 = arith.andi %and3A_559, %and3A_560 : vector<4x384xi1>
        %convert_element_type3A_562 = arith.sitofp %select_n3A_545 : vector<4x1xi32> to vector<4x1xf32>
        %broadcast_in_dim3A_563 = vector.shape_cast %convert_element_type3A_562 : vector<4x1xf32> to vector<4x1xf32>
        %broadcast_in_dim3A_564 = vector.broadcast %broadcast_in_dim3A_563 : vector<4x1xf32> to vector<4x384xf32>
        %select_n3A_565 = arith.select %and3A_561, %broadcast_in_dim3A_564, %select_n3A_488 : vector<4x384xi1>, vector<4x384xf32>
        %slice3A_566 = vector.extract_strided_slice %broadcast_in_dim3A_248 {offsets = [5, 0, 0], sizes = [1, 4, 1], strides = [1, 1, 1]} : vector<20x4x1xi32> to vector<1x4x1xi32>
        %squeeze3A_567 = vector.shape_cast %slice3A_566 : vector<1x4x1xi32> to vector<4x1xi32>
        %slice3A_568 = vector.extract_strided_slice %select_n3A_253 {offsets = [5, 0, 0], sizes = [1, 4, 1], strides = [1, 1, 1]} : vector<20x4x1xf32> to vector<1x4x1xf32>
        %squeeze3A_569 = vector.shape_cast %slice3A_568 : vector<1x4x1xf32> to vector<4x1xf32>
        %broadcast_in_dim3A_570 = arith.constant 0.000000e+00 : f32
        %broadcast_in_dim3A_571 = vector.broadcast %broadcast_in_dim3A_570 : f32 to vector<4x1xf32>
        %eq3A_572 = arith.cmpi eq, %squeeze3A_567, %select_n3A_280 : vector<4x1xi32>
        %jit3A_573 = arith.constant 1.000000e+00 : f32
        %jit3A_574 = arith.constant 0.000000e+00 : f32
        %broadcast_in_dim3A_575 = vector.broadcast %jit3A_573 : f32 to vector<4x1xf32>
        %broadcast_in_dim3A_576 = vector.broadcast %jit3A_574 : f32 to vector<4x1xf32>
        %select_n3A_577 = arith.select %eq3A_572, %broadcast_in_dim3A_575, %broadcast_in_dim3A_576 : vector<4x1xi1>, vector<4x1xf32>
        %max3A_578 = arith.maximumf %broadcast_in_dim3A_571, %select_n3A_577 : vector<4x1xf32>
        %eq3A_579 = arith.cmpi eq, %squeeze3A_567, %select_n3A_335 : vector<4x1xi32>
        %jit3A_580 = arith.constant 1.000000e+00 : f32
        %jit3A_581 = arith.constant 0.000000e+00 : f32
        %broadcast_in_dim3A_582 = vector.broadcast %jit3A_580 : f32 to vector<4x1xf32>
        %broadcast_in_dim3A_583 = vector.broadcast %jit3A_581 : f32 to vector<4x1xf32>
        %select_n3A_584 = arith.select %eq3A_579, %broadcast_in_dim3A_582, %broadcast_in_dim3A_583 : vector<4x1xi1>, vector<4x1xf32>
        %max3A_585 = arith.maximumf %max3A_578, %select_n3A_584 : vector<4x1xf32>
        %eq3A_586 = arith.cmpi eq, %squeeze3A_567, %select_n3A_398 : vector<4x1xi32>
        %jit3A_587 = arith.constant 1.000000e+00 : f32
        %jit3A_588 = arith.constant 0.000000e+00 : f32
        %broadcast_in_dim3A_589 = vector.broadcast %jit3A_587 : f32 to vector<4x1xf32>
        %broadcast_in_dim3A_590 = vector.broadcast %jit3A_588 : f32 to vector<4x1xf32>
        %select_n3A_591 = arith.select %eq3A_586, %broadcast_in_dim3A_589, %broadcast_in_dim3A_590 : vector<4x1xi1>, vector<4x1xf32>
        %max3A_592 = arith.maximumf %max3A_585, %select_n3A_591 : vector<4x1xf32>
        %eq3A_593 = arith.cmpi eq, %squeeze3A_567, %select_n3A_468 : vector<4x1xi32>
        %jit3A_594 = arith.constant 1.000000e+00 : f32
        %jit3A_595 = arith.constant 0.000000e+00 : f32
        %broadcast_in_dim3A_596 = vector.broadcast %jit3A_594 : f32 to vector<4x1xf32>
        %broadcast_in_dim3A_597 = vector.broadcast %jit3A_595 : f32 to vector<4x1xf32>
        %select_n3A_598 = arith.select %eq3A_593, %broadcast_in_dim3A_596, %broadcast_in_dim3A_597 : vector<4x1xi1>, vector<4x1xf32>
        %max3A_599 = arith.maximumf %max3A_592, %select_n3A_598 : vector<4x1xf32>
        %eq3A_600 = arith.cmpi eq, %squeeze3A_567, %select_n3A_545 : vector<4x1xi32>
        %jit3A_601 = arith.constant 1.000000e+00 : f32
        %jit3A_602 = arith.constant 0.000000e+00 : f32
        %broadcast_in_dim3A_603 = vector.broadcast %jit3A_601 : f32 to vector<4x1xf32>
        %broadcast_in_dim3A_604 = vector.broadcast %jit3A_602 : f32 to vector<4x1xf32>
        %select_n3A_605 = arith.select %eq3A_600, %broadcast_in_dim3A_603, %broadcast_in_dim3A_604 : vector<4x1xi1>, vector<4x1xf32>
        %max3A_606 = arith.maximumf %max3A_599, %select_n3A_605 : vector<4x1xf32>
        %mul3A_607 = arith.mulf %max3A_606, %squeeze3A_569 : vector<4x1xf32>
        %reduce_max3A_608 = vector.shape_cast %mul3A_607 : vector<4x1xf32> to vector<1x4x1xf32>
        %reduce_max3A_609 = arith.constant dense<0xFF800000> : vector<1xf32>
        %reduce_max3A_610 = vector.multi_reduction <maximumf>, %reduce_max3A_608, %reduce_max3A_609 [1, 2] : vector<1x4x1xf32> to vector<1xf32>
        %reduce_max3A_611 = vector.shape_cast %reduce_max3A_610 : vector<1xf32> to vector<1x1x1xf32>
        %reduce_max3A_612 = vector.extract %reduce_max3A_611[0, 0, 0] : f32 from vector<1x1x1xf32>
        %gt3A_613 = arith.constant 0.000000e+00 : f32
        %gt3A_614 = arith.cmpf ogt, %reduce_max3A_612, %gt3A_613 : f32
        %convert_element_type3A_615 = arith.extui %gt3A_614 : i1 to i32
        %cond3A_616 = arith.constant 0 : i32
        %cond3A_617 = arith.cmpi ne, %convert_element_type3A_615, %cond3A_616 : i32
        %cond3A_618:2 = scf.if %cond3A_617 -> (vector<4x1xi32>, vector<4x1xf32>) {
          %add3A_2561 = arith.constant 5 : i32
          %add3A_2562 = arith.addi %mul3A_221, %add3A_2561 : i32
          %get3A_2563 = arith.index_cast %add3A_2562 : i32 to index
          %get3A_2564 = arith.constant 0 : index
          %get3A_2565 = arith.constant 0 : index
          %get3A_2566 = vector.load %arg8[%get3A_2563, %get3A_2564, %get3A_2565] : memref<300x4x1024xf32, #tpu.memory_space<vmem>>, vector<1x4x1024xf32>
          %reshape3A = vector.shape_cast %get3A_2566 : vector<1x4x1024xf32> to vector<4x1024xf32>
          %gt3A_2567 = arith.constant 0.000000e+00 : f32
          %gt3A_2568 = vector.broadcast %gt3A_2567 : f32 to vector<4x1024xf32>
          %gt3A_2569 = arith.cmpf ogt, %select_n3A_551, %gt3A_2568 : vector<4x1024xf32>
          %jit3A_2570 = arith.constant 0x7F800000 : f32
          %broadcast_in_dim3A_2571 = vector.broadcast %jit3A_2570 : f32 to vector<4x1024xf32>
          %select_n3A_2572 = arith.select %gt3A_2569, %broadcast_in_dim3A_2571, %reshape3A : vector<4x1024xi1>, vector<4x1024xf32>
          %reduce_min3A_2573 = arith.constant dense<0x7F800000> : vector<4xf32>
          %reduce_min3A_2574 = vector.multi_reduction <minimumf>, %select_n3A_2572, %reduce_min3A_2573 [1] : vector<4x1024xf32> to vector<4xf32>
          %broadcast_in_dim3A_2575 = vector.shape_cast %reduce_min3A_2574 : vector<4xf32> to vector<4x1xf32>
          %lt3A_2576 = arith.constant 1.200000e+01 : f32
          %lt3A_2577 = vector.broadcast %lt3A_2576 : f32 to vector<4x1xf32>
          %lt3A_2578 = arith.cmpf olt, %broadcast_in_dim3A_2575, %lt3A_2577 : vector<4x1xf32>
          %eq3A_2579 = vector.broadcast %broadcast_in_dim3A_2575 : vector<4x1xf32> to vector<4x1024xf32>
          %eq3A_2580 = arith.cmpf oeq, %select_n3A_2572, %eq3A_2579 : vector<4x1024xf32>
          %and3A_2581 = vector.broadcast %lt3A_2578 : vector<4x1xi1> to vector<4x1024xi1>
          %and3A_2582 = arith.andi %eq3A_2580, %and3A_2581 : vector<4x1024xi1>
          %jit3A_2583 = arith.constant 1024 : i32
          %broadcast_in_dim3A_2584 = vector.shape_cast %iota3A : vector<1x1024xi32> to vector<1x1024xi32>
          %broadcast_in_dim3A_2585 = vector.broadcast %broadcast_in_dim3A_2584 : vector<1x1024xi32> to vector<4x1024xi32>
          %broadcast_in_dim3A_2586 = vector.broadcast %jit3A_2583 : i32 to vector<4x1024xi32>
          %select_n3A_2587 = arith.select %and3A_2582, %broadcast_in_dim3A_2585, %broadcast_in_dim3A_2586 : vector<4x1024xi1>, vector<4x1024xi32>
          %reduce_min3A_2588 = arith.constant dense<2147483647> : vector<4xi32>
          %reduce_min3A_2589 = vector.multi_reduction <minsi>, %select_n3A_2587, %reduce_min3A_2588 [1] : vector<4x1024xi32> to vector<4xi32>
          %broadcast_in_dim3A_2590 = vector.shape_cast %reduce_min3A_2589 : vector<4xi32> to vector<4x1xi32>
          %jit3A_2591 = arith.constant 1.000000e+00 : f32
          %jit3A_2592 = arith.constant 0.000000e+00 : f32
          %broadcast_in_dim3A_2593 = vector.broadcast %jit3A_2591 : f32 to vector<4x1xf32>
          %broadcast_in_dim3A_2594 = vector.broadcast %jit3A_2592 : f32 to vector<4x1xf32>
          %select_n3A_2595 = arith.select %lt3A_2578, %broadcast_in_dim3A_2593, %broadcast_in_dim3A_2594 : vector<4x1xi1>, vector<4x1xf32>
          scf.yield %broadcast_in_dim3A_2590, %select_n3A_2595 : vector<4x1xi32>, vector<4x1xf32>
        } else {
          scf.yield %squeeze3A_567, %squeeze3A_569 : vector<4x1xi32>, vector<4x1xf32>
        }
        %gt3A_619 = arith.constant 0.000000e+00 : f32
        %gt3A_620 = vector.broadcast %gt3A_619 : f32 to vector<4x1xf32>
        %gt3A_621 = arith.cmpf ogt, %mul3A_607, %gt3A_620 : vector<4x1xf32>
        %select_n3A_622 = arith.select %gt3A_621, %cond3A_618#0, %squeeze3A_567 : vector<4x1xi1>, vector<4x1xi32>
        %select_n3A_623 = arith.select %gt3A_621, %cond3A_618#1, %squeeze3A_569 : vector<4x1xi1>, vector<4x1xf32>
        %gt3A_624 = arith.constant 0.000000e+00 : f32
        %gt3A_625 = vector.broadcast %gt3A_624 : f32 to vector<4x1xf32>
        %gt3A_626 = arith.cmpf ogt, %select_n3A_623, %gt3A_625 : vector<4x1xf32>
        %jit3A_627 = arith.constant 1024 : i32
        %broadcast_in_dim3A_628 = vector.broadcast %jit3A_627 : i32 to vector<4x1xi32>
        %select_n3A_629 = arith.select %gt3A_626, %select_n3A_622, %broadcast_in_dim3A_628 : vector<4x1xi1>, vector<4x1xi32>
        %eq3A_630 = vector.broadcast %iota3A : vector<1x1024xi32> to vector<4x1024xi32>
        %eq3A_631 = vector.broadcast %select_n3A_629 : vector<4x1xi32> to vector<4x1024xi32>
        %eq3A_632 = arith.cmpi eq, %eq3A_630, %eq3A_631 : vector<4x1024xi32>
        %jit3A_633 = arith.constant 1.000000e+00 : f32
        %broadcast_in_dim3A_634 = vector.broadcast %jit3A_633 : f32 to vector<4x1024xf32>
        %select_n3A_635 = arith.select %eq3A_632, %broadcast_in_dim3A_634, %select_n3A_551 : vector<4x1024xi1>, vector<4x1024xf32>
        %add3A_636 = arith.constant 5 : i32
        %add3A_637 = arith.addi %mul3A_221, %add3A_636 : i32
        %eq3A_638 = vector.broadcast %add3A_637 : i32 to vector<1x384xi32>
        %eq3A_639 = arith.cmpi eq, %iota3A_0, %eq3A_638 : vector<1x384xi32>
        %gt3A_640 = arith.constant 0.000000e+00 : f32
        %gt3A_641 = vector.broadcast %gt3A_640 : f32 to vector<4x1xf32>
        %gt3A_642 = arith.cmpf ogt, %select_n3A_623, %gt3A_641 : vector<4x1xf32>
        %and3A_643 = vector.broadcast %eq3A_639 : vector<1x384xi1> to vector<4x384xi1>
        %and3A_644 = vector.broadcast %gt3A_642 : vector<4x1xi1> to vector<4x384xi1>
        %and3A_645 = arith.andi %and3A_643, %and3A_644 : vector<4x384xi1>
        %convert_element_type3A_646 = arith.sitofp %select_n3A_629 : vector<4x1xi32> to vector<4x1xf32>
        %broadcast_in_dim3A_647 = vector.shape_cast %convert_element_type3A_646 : vector<4x1xf32> to vector<4x1xf32>
        %broadcast_in_dim3A_648 = vector.broadcast %broadcast_in_dim3A_647 : vector<4x1xf32> to vector<4x384xf32>
        %select_n3A_649 = arith.select %and3A_645, %broadcast_in_dim3A_648, %select_n3A_565 : vector<4x384xi1>, vector<4x384xf32>
        %slice3A_650 = vector.extract_strided_slice %broadcast_in_dim3A_248 {offsets = [6, 0, 0], sizes = [1, 4, 1], strides = [1, 1, 1]} : vector<20x4x1xi32> to vector<1x4x1xi32>
        %squeeze3A_651 = vector.shape_cast %slice3A_650 : vector<1x4x1xi32> to vector<4x1xi32>
        %slice3A_652 = vector.extract_strided_slice %select_n3A_253 {offsets = [6, 0, 0], sizes = [1, 4, 1], strides = [1, 1, 1]} : vector<20x4x1xf32> to vector<1x4x1xf32>
        %squeeze3A_653 = vector.shape_cast %slice3A_652 : vector<1x4x1xf32> to vector<4x1xf32>
        %broadcast_in_dim3A_654 = arith.constant 0.000000e+00 : f32
        %broadcast_in_dim3A_655 = vector.broadcast %broadcast_in_dim3A_654 : f32 to vector<4x1xf32>
        %eq3A_656 = arith.cmpi eq, %squeeze3A_651, %select_n3A_280 : vector<4x1xi32>
        %jit3A_657 = arith.constant 1.000000e+00 : f32
        %jit3A_658 = arith.constant 0.000000e+00 : f32
        %broadcast_in_dim3A_659 = vector.broadcast %jit3A_657 : f32 to vector<4x1xf32>
        %broadcast_in_dim3A_660 = vector.broadcast %jit3A_658 : f32 to vector<4x1xf32>
        %select_n3A_661 = arith.select %eq3A_656, %broadcast_in_dim3A_659, %broadcast_in_dim3A_660 : vector<4x1xi1>, vector<4x1xf32>
        %max3A_662 = arith.maximumf %broadcast_in_dim3A_655, %select_n3A_661 : vector<4x1xf32>
        %eq3A_663 = arith.cmpi eq, %squeeze3A_651, %select_n3A_335 : vector<4x1xi32>
        %jit3A_664 = arith.constant 1.000000e+00 : f32
        %jit3A_665 = arith.constant 0.000000e+00 : f32
        %broadcast_in_dim3A_666 = vector.broadcast %jit3A_664 : f32 to vector<4x1xf32>
        %broadcast_in_dim3A_667 = vector.broadcast %jit3A_665 : f32 to vector<4x1xf32>
        %select_n3A_668 = arith.select %eq3A_663, %broadcast_in_dim3A_666, %broadcast_in_dim3A_667 : vector<4x1xi1>, vector<4x1xf32>
        %max3A_669 = arith.maximumf %max3A_662, %select_n3A_668 : vector<4x1xf32>
        %eq3A_670 = arith.cmpi eq, %squeeze3A_651, %select_n3A_398 : vector<4x1xi32>
        %jit3A_671 = arith.constant 1.000000e+00 : f32
        %jit3A_672 = arith.constant 0.000000e+00 : f32
        %broadcast_in_dim3A_673 = vector.broadcast %jit3A_671 : f32 to vector<4x1xf32>
        %broadcast_in_dim3A_674 = vector.broadcast %jit3A_672 : f32 to vector<4x1xf32>
        %select_n3A_675 = arith.select %eq3A_670, %broadcast_in_dim3A_673, %broadcast_in_dim3A_674 : vector<4x1xi1>, vector<4x1xf32>
        %max3A_676 = arith.maximumf %max3A_669, %select_n3A_675 : vector<4x1xf32>
        %eq3A_677 = arith.cmpi eq, %squeeze3A_651, %select_n3A_468 : vector<4x1xi32>
        %jit3A_678 = arith.constant 1.000000e+00 : f32
        %jit3A_679 = arith.constant 0.000000e+00 : f32
        %broadcast_in_dim3A_680 = vector.broadcast %jit3A_678 : f32 to vector<4x1xf32>
        %broadcast_in_dim3A_681 = vector.broadcast %jit3A_679 : f32 to vector<4x1xf32>
        %select_n3A_682 = arith.select %eq3A_677, %broadcast_in_dim3A_680, %broadcast_in_dim3A_681 : vector<4x1xi1>, vector<4x1xf32>
        %max3A_683 = arith.maximumf %max3A_676, %select_n3A_682 : vector<4x1xf32>
        %eq3A_684 = arith.cmpi eq, %squeeze3A_651, %select_n3A_545 : vector<4x1xi32>
        %jit3A_685 = arith.constant 1.000000e+00 : f32
        %jit3A_686 = arith.constant 0.000000e+00 : f32
        %broadcast_in_dim3A_687 = vector.broadcast %jit3A_685 : f32 to vector<4x1xf32>
        %broadcast_in_dim3A_688 = vector.broadcast %jit3A_686 : f32 to vector<4x1xf32>
        %select_n3A_689 = arith.select %eq3A_684, %broadcast_in_dim3A_687, %broadcast_in_dim3A_688 : vector<4x1xi1>, vector<4x1xf32>
        %max3A_690 = arith.maximumf %max3A_683, %select_n3A_689 : vector<4x1xf32>
        %eq3A_691 = arith.cmpi eq, %squeeze3A_651, %select_n3A_629 : vector<4x1xi32>
        %jit3A_692 = arith.constant 1.000000e+00 : f32
        %jit3A_693 = arith.constant 0.000000e+00 : f32
        %broadcast_in_dim3A_694 = vector.broadcast %jit3A_692 : f32 to vector<4x1xf32>
        %broadcast_in_dim3A_695 = vector.broadcast %jit3A_693 : f32 to vector<4x1xf32>
        %select_n3A_696 = arith.select %eq3A_691, %broadcast_in_dim3A_694, %broadcast_in_dim3A_695 : vector<4x1xi1>, vector<4x1xf32>
        %max3A_697 = arith.maximumf %max3A_690, %select_n3A_696 : vector<4x1xf32>
        %mul3A_698 = arith.mulf %max3A_697, %squeeze3A_653 : vector<4x1xf32>
        %reduce_max3A_699 = vector.shape_cast %mul3A_698 : vector<4x1xf32> to vector<1x4x1xf32>
        %reduce_max3A_700 = arith.constant dense<0xFF800000> : vector<1xf32>
        %reduce_max3A_701 = vector.multi_reduction <maximumf>, %reduce_max3A_699, %reduce_max3A_700 [1, 2] : vector<1x4x1xf32> to vector<1xf32>
        %reduce_max3A_702 = vector.shape_cast %reduce_max3A_701 : vector<1xf32> to vector<1x1x1xf32>
        %reduce_max3A_703 = vector.extract %reduce_max3A_702[0, 0, 0] : f32 from vector<1x1x1xf32>
        %gt3A_704 = arith.constant 0.000000e+00 : f32
        %gt3A_705 = arith.cmpf ogt, %reduce_max3A_703, %gt3A_704 : f32
        %convert_element_type3A_706 = arith.extui %gt3A_705 : i1 to i32
        %cond3A_707 = arith.constant 0 : i32
        %cond3A_708 = arith.cmpi ne, %convert_element_type3A_706, %cond3A_707 : i32
        %cond3A_709:2 = scf.if %cond3A_708 -> (vector<4x1xi32>, vector<4x1xf32>) {
          %add3A_2561 = arith.constant 6 : i32
          %add3A_2562 = arith.addi %mul3A_221, %add3A_2561 : i32
          %get3A_2563 = arith.index_cast %add3A_2562 : i32 to index
          %get3A_2564 = arith.constant 0 : index
          %get3A_2565 = arith.constant 0 : index
          %get3A_2566 = vector.load %arg8[%get3A_2563, %get3A_2564, %get3A_2565] : memref<300x4x1024xf32, #tpu.memory_space<vmem>>, vector<1x4x1024xf32>
          %reshape3A = vector.shape_cast %get3A_2566 : vector<1x4x1024xf32> to vector<4x1024xf32>
          %gt3A_2567 = arith.constant 0.000000e+00 : f32
          %gt3A_2568 = vector.broadcast %gt3A_2567 : f32 to vector<4x1024xf32>
          %gt3A_2569 = arith.cmpf ogt, %select_n3A_635, %gt3A_2568 : vector<4x1024xf32>
          %jit3A_2570 = arith.constant 0x7F800000 : f32
          %broadcast_in_dim3A_2571 = vector.broadcast %jit3A_2570 : f32 to vector<4x1024xf32>
          %select_n3A_2572 = arith.select %gt3A_2569, %broadcast_in_dim3A_2571, %reshape3A : vector<4x1024xi1>, vector<4x1024xf32>
          %reduce_min3A_2573 = arith.constant dense<0x7F800000> : vector<4xf32>
          %reduce_min3A_2574 = vector.multi_reduction <minimumf>, %select_n3A_2572, %reduce_min3A_2573 [1] : vector<4x1024xf32> to vector<4xf32>
          %broadcast_in_dim3A_2575 = vector.shape_cast %reduce_min3A_2574 : vector<4xf32> to vector<4x1xf32>
          %lt3A_2576 = arith.constant 1.200000e+01 : f32
          %lt3A_2577 = vector.broadcast %lt3A_2576 : f32 to vector<4x1xf32>
          %lt3A_2578 = arith.cmpf olt, %broadcast_in_dim3A_2575, %lt3A_2577 : vector<4x1xf32>
          %eq3A_2579 = vector.broadcast %broadcast_in_dim3A_2575 : vector<4x1xf32> to vector<4x1024xf32>
          %eq3A_2580 = arith.cmpf oeq, %select_n3A_2572, %eq3A_2579 : vector<4x1024xf32>
          %and3A_2581 = vector.broadcast %lt3A_2578 : vector<4x1xi1> to vector<4x1024xi1>
          %and3A_2582 = arith.andi %eq3A_2580, %and3A_2581 : vector<4x1024xi1>
          %jit3A_2583 = arith.constant 1024 : i32
          %broadcast_in_dim3A_2584 = vector.shape_cast %iota3A : vector<1x1024xi32> to vector<1x1024xi32>
          %broadcast_in_dim3A_2585 = vector.broadcast %broadcast_in_dim3A_2584 : vector<1x1024xi32> to vector<4x1024xi32>
          %broadcast_in_dim3A_2586 = vector.broadcast %jit3A_2583 : i32 to vector<4x1024xi32>
          %select_n3A_2587 = arith.select %and3A_2582, %broadcast_in_dim3A_2585, %broadcast_in_dim3A_2586 : vector<4x1024xi1>, vector<4x1024xi32>
          %reduce_min3A_2588 = arith.constant dense<2147483647> : vector<4xi32>
          %reduce_min3A_2589 = vector.multi_reduction <minsi>, %select_n3A_2587, %reduce_min3A_2588 [1] : vector<4x1024xi32> to vector<4xi32>
          %broadcast_in_dim3A_2590 = vector.shape_cast %reduce_min3A_2589 : vector<4xi32> to vector<4x1xi32>
          %jit3A_2591 = arith.constant 1.000000e+00 : f32
          %jit3A_2592 = arith.constant 0.000000e+00 : f32
          %broadcast_in_dim3A_2593 = vector.broadcast %jit3A_2591 : f32 to vector<4x1xf32>
          %broadcast_in_dim3A_2594 = vector.broadcast %jit3A_2592 : f32 to vector<4x1xf32>
          %select_n3A_2595 = arith.select %lt3A_2578, %broadcast_in_dim3A_2593, %broadcast_in_dim3A_2594 : vector<4x1xi1>, vector<4x1xf32>
          scf.yield %broadcast_in_dim3A_2590, %select_n3A_2595 : vector<4x1xi32>, vector<4x1xf32>
        } else {
          scf.yield %squeeze3A_651, %squeeze3A_653 : vector<4x1xi32>, vector<4x1xf32>
        }
        %gt3A_710 = arith.constant 0.000000e+00 : f32
        %gt3A_711 = vector.broadcast %gt3A_710 : f32 to vector<4x1xf32>
        %gt3A_712 = arith.cmpf ogt, %mul3A_698, %gt3A_711 : vector<4x1xf32>
        %select_n3A_713 = arith.select %gt3A_712, %cond3A_709#0, %squeeze3A_651 : vector<4x1xi1>, vector<4x1xi32>
        %select_n3A_714 = arith.select %gt3A_712, %cond3A_709#1, %squeeze3A_653 : vector<4x1xi1>, vector<4x1xf32>
        %gt3A_715 = arith.constant 0.000000e+00 : f32
        %gt3A_716 = vector.broadcast %gt3A_715 : f32 to vector<4x1xf32>
        %gt3A_717 = arith.cmpf ogt, %select_n3A_714, %gt3A_716 : vector<4x1xf32>
        %jit3A_718 = arith.constant 1024 : i32
        %broadcast_in_dim3A_719 = vector.broadcast %jit3A_718 : i32 to vector<4x1xi32>
        %select_n3A_720 = arith.select %gt3A_717, %select_n3A_713, %broadcast_in_dim3A_719 : vector<4x1xi1>, vector<4x1xi32>
        %eq3A_721 = vector.broadcast %iota3A : vector<1x1024xi32> to vector<4x1024xi32>
        %eq3A_722 = vector.broadcast %select_n3A_720 : vector<4x1xi32> to vector<4x1024xi32>
        %eq3A_723 = arith.cmpi eq, %eq3A_721, %eq3A_722 : vector<4x1024xi32>
        %jit3A_724 = arith.constant 1.000000e+00 : f32
        %broadcast_in_dim3A_725 = vector.broadcast %jit3A_724 : f32 to vector<4x1024xf32>
        %select_n3A_726 = arith.select %eq3A_723, %broadcast_in_dim3A_725, %select_n3A_635 : vector<4x1024xi1>, vector<4x1024xf32>
        %add3A_727 = arith.constant 6 : i32
        %add3A_728 = arith.addi %mul3A_221, %add3A_727 : i32
        %eq3A_729 = vector.broadcast %add3A_728 : i32 to vector<1x384xi32>
        %eq3A_730 = arith.cmpi eq, %iota3A_0, %eq3A_729 : vector<1x384xi32>
        %gt3A_731 = arith.constant 0.000000e+00 : f32
        %gt3A_732 = vector.broadcast %gt3A_731 : f32 to vector<4x1xf32>
        %gt3A_733 = arith.cmpf ogt, %select_n3A_714, %gt3A_732 : vector<4x1xf32>
        %and3A_734 = vector.broadcast %eq3A_730 : vector<1x384xi1> to vector<4x384xi1>
        %and3A_735 = vector.broadcast %gt3A_733 : vector<4x1xi1> to vector<4x384xi1>
        %and3A_736 = arith.andi %and3A_734, %and3A_735 : vector<4x384xi1>
        %convert_element_type3A_737 = arith.sitofp %select_n3A_720 : vector<4x1xi32> to vector<4x1xf32>
        %broadcast_in_dim3A_738 = vector.shape_cast %convert_element_type3A_737 : vector<4x1xf32> to vector<4x1xf32>
        %broadcast_in_dim3A_739 = vector.broadcast %broadcast_in_dim3A_738 : vector<4x1xf32> to vector<4x384xf32>
        %select_n3A_740 = arith.select %and3A_736, %broadcast_in_dim3A_739, %select_n3A_649 : vector<4x384xi1>, vector<4x384xf32>
        %slice3A_741 = vector.extract_strided_slice %broadcast_in_dim3A_248 {offsets = [7, 0, 0], sizes = [1, 4, 1], strides = [1, 1, 1]} : vector<20x4x1xi32> to vector<1x4x1xi32>
        %squeeze3A_742 = vector.shape_cast %slice3A_741 : vector<1x4x1xi32> to vector<4x1xi32>
        %slice3A_743 = vector.extract_strided_slice %select_n3A_253 {offsets = [7, 0, 0], sizes = [1, 4, 1], strides = [1, 1, 1]} : vector<20x4x1xf32> to vector<1x4x1xf32>
        %squeeze3A_744 = vector.shape_cast %slice3A_743 : vector<1x4x1xf32> to vector<4x1xf32>
        %broadcast_in_dim3A_745 = arith.constant 0.000000e+00 : f32
        %broadcast_in_dim3A_746 = vector.broadcast %broadcast_in_dim3A_745 : f32 to vector<4x1xf32>
        %eq3A_747 = arith.cmpi eq, %squeeze3A_742, %select_n3A_280 : vector<4x1xi32>
        %jit3A_748 = arith.constant 1.000000e+00 : f32
        %jit3A_749 = arith.constant 0.000000e+00 : f32
        %broadcast_in_dim3A_750 = vector.broadcast %jit3A_748 : f32 to vector<4x1xf32>
        %broadcast_in_dim3A_751 = vector.broadcast %jit3A_749 : f32 to vector<4x1xf32>
        %select_n3A_752 = arith.select %eq3A_747, %broadcast_in_dim3A_750, %broadcast_in_dim3A_751 : vector<4x1xi1>, vector<4x1xf32>
        %max3A_753 = arith.maximumf %broadcast_in_dim3A_746, %select_n3A_752 : vector<4x1xf32>
        %eq3A_754 = arith.cmpi eq, %squeeze3A_742, %select_n3A_335 : vector<4x1xi32>
        %jit3A_755 = arith.constant 1.000000e+00 : f32
        %jit3A_756 = arith.constant 0.000000e+00 : f32
        %broadcast_in_dim3A_757 = vector.broadcast %jit3A_755 : f32 to vector<4x1xf32>
        %broadcast_in_dim3A_758 = vector.broadcast %jit3A_756 : f32 to vector<4x1xf32>
        %select_n3A_759 = arith.select %eq3A_754, %broadcast_in_dim3A_757, %broadcast_in_dim3A_758 : vector<4x1xi1>, vector<4x1xf32>
        %max3A_760 = arith.maximumf %max3A_753, %select_n3A_759 : vector<4x1xf32>
        %eq3A_761 = arith.cmpi eq, %squeeze3A_742, %select_n3A_398 : vector<4x1xi32>
        %jit3A_762 = arith.constant 1.000000e+00 : f32
        %jit3A_763 = arith.constant 0.000000e+00 : f32
        %broadcast_in_dim3A_764 = vector.broadcast %jit3A_762 : f32 to vector<4x1xf32>
        %broadcast_in_dim3A_765 = vector.broadcast %jit3A_763 : f32 to vector<4x1xf32>
        %select_n3A_766 = arith.select %eq3A_761, %broadcast_in_dim3A_764, %broadcast_in_dim3A_765 : vector<4x1xi1>, vector<4x1xf32>
        %max3A_767 = arith.maximumf %max3A_760, %select_n3A_766 : vector<4x1xf32>
        %eq3A_768 = arith.cmpi eq, %squeeze3A_742, %select_n3A_468 : vector<4x1xi32>
        %jit3A_769 = arith.constant 1.000000e+00 : f32
        %jit3A_770 = arith.constant 0.000000e+00 : f32
        %broadcast_in_dim3A_771 = vector.broadcast %jit3A_769 : f32 to vector<4x1xf32>
        %broadcast_in_dim3A_772 = vector.broadcast %jit3A_770 : f32 to vector<4x1xf32>
        %select_n3A_773 = arith.select %eq3A_768, %broadcast_in_dim3A_771, %broadcast_in_dim3A_772 : vector<4x1xi1>, vector<4x1xf32>
        %max3A_774 = arith.maximumf %max3A_767, %select_n3A_773 : vector<4x1xf32>
        %eq3A_775 = arith.cmpi eq, %squeeze3A_742, %select_n3A_545 : vector<4x1xi32>
        %jit3A_776 = arith.constant 1.000000e+00 : f32
        %jit3A_777 = arith.constant 0.000000e+00 : f32
        %broadcast_in_dim3A_778 = vector.broadcast %jit3A_776 : f32 to vector<4x1xf32>
        %broadcast_in_dim3A_779 = vector.broadcast %jit3A_777 : f32 to vector<4x1xf32>
        %select_n3A_780 = arith.select %eq3A_775, %broadcast_in_dim3A_778, %broadcast_in_dim3A_779 : vector<4x1xi1>, vector<4x1xf32>
        %max3A_781 = arith.maximumf %max3A_774, %select_n3A_780 : vector<4x1xf32>
        %eq3A_782 = arith.cmpi eq, %squeeze3A_742, %select_n3A_629 : vector<4x1xi32>
        %jit3A_783 = arith.constant 1.000000e+00 : f32
        %jit3A_784 = arith.constant 0.000000e+00 : f32
        %broadcast_in_dim3A_785 = vector.broadcast %jit3A_783 : f32 to vector<4x1xf32>
        %broadcast_in_dim3A_786 = vector.broadcast %jit3A_784 : f32 to vector<4x1xf32>
        %select_n3A_787 = arith.select %eq3A_782, %broadcast_in_dim3A_785, %broadcast_in_dim3A_786 : vector<4x1xi1>, vector<4x1xf32>
        %max3A_788 = arith.maximumf %max3A_781, %select_n3A_787 : vector<4x1xf32>
        %eq3A_789 = arith.cmpi eq, %squeeze3A_742, %select_n3A_720 : vector<4x1xi32>
        %jit3A_790 = arith.constant 1.000000e+00 : f32
        %jit3A_791 = arith.constant 0.000000e+00 : f32
        %broadcast_in_dim3A_792 = vector.broadcast %jit3A_790 : f32 to vector<4x1xf32>
        %broadcast_in_dim3A_793 = vector.broadcast %jit3A_791 : f32 to vector<4x1xf32>
        %select_n3A_794 = arith.select %eq3A_789, %broadcast_in_dim3A_792, %broadcast_in_dim3A_793 : vector<4x1xi1>, vector<4x1xf32>
        %max3A_795 = arith.maximumf %max3A_788, %select_n3A_794 : vector<4x1xf32>
        %mul3A_796 = arith.mulf %max3A_795, %squeeze3A_744 : vector<4x1xf32>
        %reduce_max3A_797 = vector.shape_cast %mul3A_796 : vector<4x1xf32> to vector<1x4x1xf32>
        %reduce_max3A_798 = arith.constant dense<0xFF800000> : vector<1xf32>
        %reduce_max3A_799 = vector.multi_reduction <maximumf>, %reduce_max3A_797, %reduce_max3A_798 [1, 2] : vector<1x4x1xf32> to vector<1xf32>
        %reduce_max3A_800 = vector.shape_cast %reduce_max3A_799 : vector<1xf32> to vector<1x1x1xf32>
        %reduce_max3A_801 = vector.extract %reduce_max3A_800[0, 0, 0] : f32 from vector<1x1x1xf32>
        %gt3A_802 = arith.constant 0.000000e+00 : f32
        %gt3A_803 = arith.cmpf ogt, %reduce_max3A_801, %gt3A_802 : f32
        %convert_element_type3A_804 = arith.extui %gt3A_803 : i1 to i32
        %cond3A_805 = arith.constant 0 : i32
        %cond3A_806 = arith.cmpi ne, %convert_element_type3A_804, %cond3A_805 : i32
        %cond3A_807:2 = scf.if %cond3A_806 -> (vector<4x1xi32>, vector<4x1xf32>) {
          %add3A_2561 = arith.constant 7 : i32
          %add3A_2562 = arith.addi %mul3A_221, %add3A_2561 : i32
          %get3A_2563 = arith.index_cast %add3A_2562 : i32 to index
          %get3A_2564 = arith.constant 0 : index
          %get3A_2565 = arith.constant 0 : index
          %get3A_2566 = vector.load %arg8[%get3A_2563, %get3A_2564, %get3A_2565] : memref<300x4x1024xf32, #tpu.memory_space<vmem>>, vector<1x4x1024xf32>
          %reshape3A = vector.shape_cast %get3A_2566 : vector<1x4x1024xf32> to vector<4x1024xf32>
          %gt3A_2567 = arith.constant 0.000000e+00 : f32
          %gt3A_2568 = vector.broadcast %gt3A_2567 : f32 to vector<4x1024xf32>
          %gt3A_2569 = arith.cmpf ogt, %select_n3A_726, %gt3A_2568 : vector<4x1024xf32>
          %jit3A_2570 = arith.constant 0x7F800000 : f32
          %broadcast_in_dim3A_2571 = vector.broadcast %jit3A_2570 : f32 to vector<4x1024xf32>
          %select_n3A_2572 = arith.select %gt3A_2569, %broadcast_in_dim3A_2571, %reshape3A : vector<4x1024xi1>, vector<4x1024xf32>
          %reduce_min3A_2573 = arith.constant dense<0x7F800000> : vector<4xf32>
          %reduce_min3A_2574 = vector.multi_reduction <minimumf>, %select_n3A_2572, %reduce_min3A_2573 [1] : vector<4x1024xf32> to vector<4xf32>
          %broadcast_in_dim3A_2575 = vector.shape_cast %reduce_min3A_2574 : vector<4xf32> to vector<4x1xf32>
          %lt3A_2576 = arith.constant 1.200000e+01 : f32
          %lt3A_2577 = vector.broadcast %lt3A_2576 : f32 to vector<4x1xf32>
          %lt3A_2578 = arith.cmpf olt, %broadcast_in_dim3A_2575, %lt3A_2577 : vector<4x1xf32>
          %eq3A_2579 = vector.broadcast %broadcast_in_dim3A_2575 : vector<4x1xf32> to vector<4x1024xf32>
          %eq3A_2580 = arith.cmpf oeq, %select_n3A_2572, %eq3A_2579 : vector<4x1024xf32>
          %and3A_2581 = vector.broadcast %lt3A_2578 : vector<4x1xi1> to vector<4x1024xi1>
          %and3A_2582 = arith.andi %eq3A_2580, %and3A_2581 : vector<4x1024xi1>
          %jit3A_2583 = arith.constant 1024 : i32
          %broadcast_in_dim3A_2584 = vector.shape_cast %iota3A : vector<1x1024xi32> to vector<1x1024xi32>
          %broadcast_in_dim3A_2585 = vector.broadcast %broadcast_in_dim3A_2584 : vector<1x1024xi32> to vector<4x1024xi32>
          %broadcast_in_dim3A_2586 = vector.broadcast %jit3A_2583 : i32 to vector<4x1024xi32>
          %select_n3A_2587 = arith.select %and3A_2582, %broadcast_in_dim3A_2585, %broadcast_in_dim3A_2586 : vector<4x1024xi1>, vector<4x1024xi32>
          %reduce_min3A_2588 = arith.constant dense<2147483647> : vector<4xi32>
          %reduce_min3A_2589 = vector.multi_reduction <minsi>, %select_n3A_2587, %reduce_min3A_2588 [1] : vector<4x1024xi32> to vector<4xi32>
          %broadcast_in_dim3A_2590 = vector.shape_cast %reduce_min3A_2589 : vector<4xi32> to vector<4x1xi32>
          %jit3A_2591 = arith.constant 1.000000e+00 : f32
          %jit3A_2592 = arith.constant 0.000000e+00 : f32
          %broadcast_in_dim3A_2593 = vector.broadcast %jit3A_2591 : f32 to vector<4x1xf32>
          %broadcast_in_dim3A_2594 = vector.broadcast %jit3A_2592 : f32 to vector<4x1xf32>
          %select_n3A_2595 = arith.select %lt3A_2578, %broadcast_in_dim3A_2593, %broadcast_in_dim3A_2594 : vector<4x1xi1>, vector<4x1xf32>
          scf.yield %broadcast_in_dim3A_2590, %select_n3A_2595 : vector<4x1xi32>, vector<4x1xf32>
        } else {
          scf.yield %squeeze3A_742, %squeeze3A_744 : vector<4x1xi32>, vector<4x1xf32>
        }
        %gt3A_808 = arith.constant 0.000000e+00 : f32
        %gt3A_809 = vector.broadcast %gt3A_808 : f32 to vector<4x1xf32>
        %gt3A_810 = arith.cmpf ogt, %mul3A_796, %gt3A_809 : vector<4x1xf32>
        %select_n3A_811 = arith.select %gt3A_810, %cond3A_807#0, %squeeze3A_742 : vector<4x1xi1>, vector<4x1xi32>
        %select_n3A_812 = arith.select %gt3A_810, %cond3A_807#1, %squeeze3A_744 : vector<4x1xi1>, vector<4x1xf32>
        %gt3A_813 = arith.constant 0.000000e+00 : f32
        %gt3A_814 = vector.broadcast %gt3A_813 : f32 to vector<4x1xf32>
        %gt3A_815 = arith.cmpf ogt, %select_n3A_812, %gt3A_814 : vector<4x1xf32>
        %jit3A_816 = arith.constant 1024 : i32
        %broadcast_in_dim3A_817 = vector.broadcast %jit3A_816 : i32 to vector<4x1xi32>
        %select_n3A_818 = arith.select %gt3A_815, %select_n3A_811, %broadcast_in_dim3A_817 : vector<4x1xi1>, vector<4x1xi32>
        %eq3A_819 = vector.broadcast %iota3A : vector<1x1024xi32> to vector<4x1024xi32>
        %eq3A_820 = vector.broadcast %select_n3A_818 : vector<4x1xi32> to vector<4x1024xi32>
        %eq3A_821 = arith.cmpi eq, %eq3A_819, %eq3A_820 : vector<4x1024xi32>
        %jit3A_822 = arith.constant 1.000000e+00 : f32
        %broadcast_in_dim3A_823 = vector.broadcast %jit3A_822 : f32 to vector<4x1024xf32>
        %select_n3A_824 = arith.select %eq3A_821, %broadcast_in_dim3A_823, %select_n3A_726 : vector<4x1024xi1>, vector<4x1024xf32>
        %add3A_825 = arith.constant 7 : i32
        %add3A_826 = arith.addi %mul3A_221, %add3A_825 : i32
        %eq3A_827 = vector.broadcast %add3A_826 : i32 to vector<1x384xi32>
        %eq3A_828 = arith.cmpi eq, %iota3A_0, %eq3A_827 : vector<1x384xi32>
        %gt3A_829 = arith.constant 0.000000e+00 : f32
        %gt3A_830 = vector.broadcast %gt3A_829 : f32 to vector<4x1xf32>
        %gt3A_831 = arith.cmpf ogt, %select_n3A_812, %gt3A_830 : vector<4x1xf32>
        %and3A_832 = vector.broadcast %eq3A_828 : vector<1x384xi1> to vector<4x384xi1>
        %and3A_833 = vector.broadcast %gt3A_831 : vector<4x1xi1> to vector<4x384xi1>
        %and3A_834 = arith.andi %and3A_832, %and3A_833 : vector<4x384xi1>
        %convert_element_type3A_835 = arith.sitofp %select_n3A_818 : vector<4x1xi32> to vector<4x1xf32>
        %broadcast_in_dim3A_836 = vector.shape_cast %convert_element_type3A_835 : vector<4x1xf32> to vector<4x1xf32>
        %broadcast_in_dim3A_837 = vector.broadcast %broadcast_in_dim3A_836 : vector<4x1xf32> to vector<4x384xf32>
        %select_n3A_838 = arith.select %and3A_834, %broadcast_in_dim3A_837, %select_n3A_740 : vector<4x384xi1>, vector<4x384xf32>
        %slice3A_839 = vector.extract_strided_slice %broadcast_in_dim3A_248 {offsets = [8, 0, 0], sizes = [1, 4, 1], strides = [1, 1, 1]} : vector<20x4x1xi32> to vector<1x4x1xi32>
        %squeeze3A_840 = vector.shape_cast %slice3A_839 : vector<1x4x1xi32> to vector<4x1xi32>
        %slice3A_841 = vector.extract_strided_slice %select_n3A_253 {offsets = [8, 0, 0], sizes = [1, 4, 1], strides = [1, 1, 1]} : vector<20x4x1xf32> to vector<1x4x1xf32>
        %squeeze3A_842 = vector.shape_cast %slice3A_841 : vector<1x4x1xf32> to vector<4x1xf32>
        %broadcast_in_dim3A_843 = arith.constant 0.000000e+00 : f32
        %broadcast_in_dim3A_844 = vector.broadcast %broadcast_in_dim3A_843 : f32 to vector<4x1xf32>
        %eq3A_845 = arith.cmpi eq, %squeeze3A_840, %select_n3A_280 : vector<4x1xi32>
        %jit3A_846 = arith.constant 1.000000e+00 : f32
        %jit3A_847 = arith.constant 0.000000e+00 : f32
        %broadcast_in_dim3A_848 = vector.broadcast %jit3A_846 : f32 to vector<4x1xf32>
        %broadcast_in_dim3A_849 = vector.broadcast %jit3A_847 : f32 to vector<4x1xf32>
        %select_n3A_850 = arith.select %eq3A_845, %broadcast_in_dim3A_848, %broadcast_in_dim3A_849 : vector<4x1xi1>, vector<4x1xf32>
        %max3A_851 = arith.maximumf %broadcast_in_dim3A_844, %select_n3A_850 : vector<4x1xf32>
        %eq3A_852 = arith.cmpi eq, %squeeze3A_840, %select_n3A_335 : vector<4x1xi32>
        %jit3A_853 = arith.constant 1.000000e+00 : f32
        %jit3A_854 = arith.constant 0.000000e+00 : f32
        %broadcast_in_dim3A_855 = vector.broadcast %jit3A_853 : f32 to vector<4x1xf32>
        %broadcast_in_dim3A_856 = vector.broadcast %jit3A_854 : f32 to vector<4x1xf32>
        %select_n3A_857 = arith.select %eq3A_852, %broadcast_in_dim3A_855, %broadcast_in_dim3A_856 : vector<4x1xi1>, vector<4x1xf32>
        %max3A_858 = arith.maximumf %max3A_851, %select_n3A_857 : vector<4x1xf32>
        %eq3A_859 = arith.cmpi eq, %squeeze3A_840, %select_n3A_398 : vector<4x1xi32>
        %jit3A_860 = arith.constant 1.000000e+00 : f32
        %jit3A_861 = arith.constant 0.000000e+00 : f32
        %broadcast_in_dim3A_862 = vector.broadcast %jit3A_860 : f32 to vector<4x1xf32>
        %broadcast_in_dim3A_863 = vector.broadcast %jit3A_861 : f32 to vector<4x1xf32>
        %select_n3A_864 = arith.select %eq3A_859, %broadcast_in_dim3A_862, %broadcast_in_dim3A_863 : vector<4x1xi1>, vector<4x1xf32>
        %max3A_865 = arith.maximumf %max3A_858, %select_n3A_864 : vector<4x1xf32>
        %eq3A_866 = arith.cmpi eq, %squeeze3A_840, %select_n3A_468 : vector<4x1xi32>
        %jit3A_867 = arith.constant 1.000000e+00 : f32
        %jit3A_868 = arith.constant 0.000000e+00 : f32
        %broadcast_in_dim3A_869 = vector.broadcast %jit3A_867 : f32 to vector<4x1xf32>
        %broadcast_in_dim3A_870 = vector.broadcast %jit3A_868 : f32 to vector<4x1xf32>
        %select_n3A_871 = arith.select %eq3A_866, %broadcast_in_dim3A_869, %broadcast_in_dim3A_870 : vector<4x1xi1>, vector<4x1xf32>
        %max3A_872 = arith.maximumf %max3A_865, %select_n3A_871 : vector<4x1xf32>
        %eq3A_873 = arith.cmpi eq, %squeeze3A_840, %select_n3A_545 : vector<4x1xi32>
        %jit3A_874 = arith.constant 1.000000e+00 : f32
        %jit3A_875 = arith.constant 0.000000e+00 : f32
        %broadcast_in_dim3A_876 = vector.broadcast %jit3A_874 : f32 to vector<4x1xf32>
        %broadcast_in_dim3A_877 = vector.broadcast %jit3A_875 : f32 to vector<4x1xf32>
        %select_n3A_878 = arith.select %eq3A_873, %broadcast_in_dim3A_876, %broadcast_in_dim3A_877 : vector<4x1xi1>, vector<4x1xf32>
        %max3A_879 = arith.maximumf %max3A_872, %select_n3A_878 : vector<4x1xf32>
        %eq3A_880 = arith.cmpi eq, %squeeze3A_840, %select_n3A_629 : vector<4x1xi32>
        %jit3A_881 = arith.constant 1.000000e+00 : f32
        %jit3A_882 = arith.constant 0.000000e+00 : f32
        %broadcast_in_dim3A_883 = vector.broadcast %jit3A_881 : f32 to vector<4x1xf32>
        %broadcast_in_dim3A_884 = vector.broadcast %jit3A_882 : f32 to vector<4x1xf32>
        %select_n3A_885 = arith.select %eq3A_880, %broadcast_in_dim3A_883, %broadcast_in_dim3A_884 : vector<4x1xi1>, vector<4x1xf32>
        %max3A_886 = arith.maximumf %max3A_879, %select_n3A_885 : vector<4x1xf32>
        %eq3A_887 = arith.cmpi eq, %squeeze3A_840, %select_n3A_720 : vector<4x1xi32>
        %jit3A_888 = arith.constant 1.000000e+00 : f32
        %jit3A_889 = arith.constant 0.000000e+00 : f32
        %broadcast_in_dim3A_890 = vector.broadcast %jit3A_888 : f32 to vector<4x1xf32>
        %broadcast_in_dim3A_891 = vector.broadcast %jit3A_889 : f32 to vector<4x1xf32>
        %select_n3A_892 = arith.select %eq3A_887, %broadcast_in_dim3A_890, %broadcast_in_dim3A_891 : vector<4x1xi1>, vector<4x1xf32>
        %max3A_893 = arith.maximumf %max3A_886, %select_n3A_892 : vector<4x1xf32>
        %eq3A_894 = arith.cmpi eq, %squeeze3A_840, %select_n3A_818 : vector<4x1xi32>
        %jit3A_895 = arith.constant 1.000000e+00 : f32
        %jit3A_896 = arith.constant 0.000000e+00 : f32
        %broadcast_in_dim3A_897 = vector.broadcast %jit3A_895 : f32 to vector<4x1xf32>
        %broadcast_in_dim3A_898 = vector.broadcast %jit3A_896 : f32 to vector<4x1xf32>
        %select_n3A_899 = arith.select %eq3A_894, %broadcast_in_dim3A_897, %broadcast_in_dim3A_898 : vector<4x1xi1>, vector<4x1xf32>
        %max3A_900 = arith.maximumf %max3A_893, %select_n3A_899 : vector<4x1xf32>
        %mul3A_901 = arith.mulf %max3A_900, %squeeze3A_842 : vector<4x1xf32>
        %reduce_max3A_902 = vector.shape_cast %mul3A_901 : vector<4x1xf32> to vector<1x4x1xf32>
        %reduce_max3A_903 = arith.constant dense<0xFF800000> : vector<1xf32>
        %reduce_max3A_904 = vector.multi_reduction <maximumf>, %reduce_max3A_902, %reduce_max3A_903 [1, 2] : vector<1x4x1xf32> to vector<1xf32>
        %reduce_max3A_905 = vector.shape_cast %reduce_max3A_904 : vector<1xf32> to vector<1x1x1xf32>
        %reduce_max3A_906 = vector.extract %reduce_max3A_905[0, 0, 0] : f32 from vector<1x1x1xf32>
        %gt3A_907 = arith.constant 0.000000e+00 : f32
        %gt3A_908 = arith.cmpf ogt, %reduce_max3A_906, %gt3A_907 : f32
        %convert_element_type3A_909 = arith.extui %gt3A_908 : i1 to i32
        %cond3A_910 = arith.constant 0 : i32
        %cond3A_911 = arith.cmpi ne, %convert_element_type3A_909, %cond3A_910 : i32
        %cond3A_912:2 = scf.if %cond3A_911 -> (vector<4x1xi32>, vector<4x1xf32>) {
          %add3A_2561 = arith.constant 8 : i32
          %add3A_2562 = arith.addi %mul3A_221, %add3A_2561 : i32
          %get3A_2563 = arith.index_cast %add3A_2562 : i32 to index
          %get3A_2564 = arith.constant 0 : index
          %get3A_2565 = arith.constant 0 : index
          %get3A_2566 = vector.load %arg8[%get3A_2563, %get3A_2564, %get3A_2565] : memref<300x4x1024xf32, #tpu.memory_space<vmem>>, vector<1x4x1024xf32>
          %reshape3A = vector.shape_cast %get3A_2566 : vector<1x4x1024xf32> to vector<4x1024xf32>
          %gt3A_2567 = arith.constant 0.000000e+00 : f32
          %gt3A_2568 = vector.broadcast %gt3A_2567 : f32 to vector<4x1024xf32>
          %gt3A_2569 = arith.cmpf ogt, %select_n3A_824, %gt3A_2568 : vector<4x1024xf32>
          %jit3A_2570 = arith.constant 0x7F800000 : f32
          %broadcast_in_dim3A_2571 = vector.broadcast %jit3A_2570 : f32 to vector<4x1024xf32>
          %select_n3A_2572 = arith.select %gt3A_2569, %broadcast_in_dim3A_2571, %reshape3A : vector<4x1024xi1>, vector<4x1024xf32>
          %reduce_min3A_2573 = arith.constant dense<0x7F800000> : vector<4xf32>
          %reduce_min3A_2574 = vector.multi_reduction <minimumf>, %select_n3A_2572, %reduce_min3A_2573 [1] : vector<4x1024xf32> to vector<4xf32>
          %broadcast_in_dim3A_2575 = vector.shape_cast %reduce_min3A_2574 : vector<4xf32> to vector<4x1xf32>
          %lt3A_2576 = arith.constant 1.200000e+01 : f32
          %lt3A_2577 = vector.broadcast %lt3A_2576 : f32 to vector<4x1xf32>
          %lt3A_2578 = arith.cmpf olt, %broadcast_in_dim3A_2575, %lt3A_2577 : vector<4x1xf32>
          %eq3A_2579 = vector.broadcast %broadcast_in_dim3A_2575 : vector<4x1xf32> to vector<4x1024xf32>
          %eq3A_2580 = arith.cmpf oeq, %select_n3A_2572, %eq3A_2579 : vector<4x1024xf32>
          %and3A_2581 = vector.broadcast %lt3A_2578 : vector<4x1xi1> to vector<4x1024xi1>
          %and3A_2582 = arith.andi %eq3A_2580, %and3A_2581 : vector<4x1024xi1>
          %jit3A_2583 = arith.constant 1024 : i32
          %broadcast_in_dim3A_2584 = vector.shape_cast %iota3A : vector<1x1024xi32> to vector<1x1024xi32>
          %broadcast_in_dim3A_2585 = vector.broadcast %broadcast_in_dim3A_2584 : vector<1x1024xi32> to vector<4x1024xi32>
          %broadcast_in_dim3A_2586 = vector.broadcast %jit3A_2583 : i32 to vector<4x1024xi32>
          %select_n3A_2587 = arith.select %and3A_2582, %broadcast_in_dim3A_2585, %broadcast_in_dim3A_2586 : vector<4x1024xi1>, vector<4x1024xi32>
          %reduce_min3A_2588 = arith.constant dense<2147483647> : vector<4xi32>
          %reduce_min3A_2589 = vector.multi_reduction <minsi>, %select_n3A_2587, %reduce_min3A_2588 [1] : vector<4x1024xi32> to vector<4xi32>
          %broadcast_in_dim3A_2590 = vector.shape_cast %reduce_min3A_2589 : vector<4xi32> to vector<4x1xi32>
          %jit3A_2591 = arith.constant 1.000000e+00 : f32
          %jit3A_2592 = arith.constant 0.000000e+00 : f32
          %broadcast_in_dim3A_2593 = vector.broadcast %jit3A_2591 : f32 to vector<4x1xf32>
          %broadcast_in_dim3A_2594 = vector.broadcast %jit3A_2592 : f32 to vector<4x1xf32>
          %select_n3A_2595 = arith.select %lt3A_2578, %broadcast_in_dim3A_2593, %broadcast_in_dim3A_2594 : vector<4x1xi1>, vector<4x1xf32>
          scf.yield %broadcast_in_dim3A_2590, %select_n3A_2595 : vector<4x1xi32>, vector<4x1xf32>
        } else {
          scf.yield %squeeze3A_840, %squeeze3A_842 : vector<4x1xi32>, vector<4x1xf32>
        }
        %gt3A_913 = arith.constant 0.000000e+00 : f32
        %gt3A_914 = vector.broadcast %gt3A_913 : f32 to vector<4x1xf32>
        %gt3A_915 = arith.cmpf ogt, %mul3A_901, %gt3A_914 : vector<4x1xf32>
        %select_n3A_916 = arith.select %gt3A_915, %cond3A_912#0, %squeeze3A_840 : vector<4x1xi1>, vector<4x1xi32>
        %select_n3A_917 = arith.select %gt3A_915, %cond3A_912#1, %squeeze3A_842 : vector<4x1xi1>, vector<4x1xf32>
        %gt3A_918 = arith.constant 0.000000e+00 : f32
        %gt3A_919 = vector.broadcast %gt3A_918 : f32 to vector<4x1xf32>
        %gt3A_920 = arith.cmpf ogt, %select_n3A_917, %gt3A_919 : vector<4x1xf32>
        %jit3A_921 = arith.constant 1024 : i32
        %broadcast_in_dim3A_922 = vector.broadcast %jit3A_921 : i32 to vector<4x1xi32>
        %select_n3A_923 = arith.select %gt3A_920, %select_n3A_916, %broadcast_in_dim3A_922 : vector<4x1xi1>, vector<4x1xi32>
        %eq3A_924 = vector.broadcast %iota3A : vector<1x1024xi32> to vector<4x1024xi32>
        %eq3A_925 = vector.broadcast %select_n3A_923 : vector<4x1xi32> to vector<4x1024xi32>
        %eq3A_926 = arith.cmpi eq, %eq3A_924, %eq3A_925 : vector<4x1024xi32>
        %jit3A_927 = arith.constant 1.000000e+00 : f32
        %broadcast_in_dim3A_928 = vector.broadcast %jit3A_927 : f32 to vector<4x1024xf32>
        %select_n3A_929 = arith.select %eq3A_926, %broadcast_in_dim3A_928, %select_n3A_824 : vector<4x1024xi1>, vector<4x1024xf32>
        %add3A_930 = arith.constant 8 : i32
        %add3A_931 = arith.addi %mul3A_221, %add3A_930 : i32
        %eq3A_932 = vector.broadcast %add3A_931 : i32 to vector<1x384xi32>
        %eq3A_933 = arith.cmpi eq, %iota3A_0, %eq3A_932 : vector<1x384xi32>
        %gt3A_934 = arith.constant 0.000000e+00 : f32
        %gt3A_935 = vector.broadcast %gt3A_934 : f32 to vector<4x1xf32>
        %gt3A_936 = arith.cmpf ogt, %select_n3A_917, %gt3A_935 : vector<4x1xf32>
        %and3A_937 = vector.broadcast %eq3A_933 : vector<1x384xi1> to vector<4x384xi1>
        %and3A_938 = vector.broadcast %gt3A_936 : vector<4x1xi1> to vector<4x384xi1>
        %and3A_939 = arith.andi %and3A_937, %and3A_938 : vector<4x384xi1>
        %convert_element_type3A_940 = arith.sitofp %select_n3A_923 : vector<4x1xi32> to vector<4x1xf32>
        %broadcast_in_dim3A_941 = vector.shape_cast %convert_element_type3A_940 : vector<4x1xf32> to vector<4x1xf32>
        %broadcast_in_dim3A_942 = vector.broadcast %broadcast_in_dim3A_941 : vector<4x1xf32> to vector<4x384xf32>
        %select_n3A_943 = arith.select %and3A_939, %broadcast_in_dim3A_942, %select_n3A_838 : vector<4x384xi1>, vector<4x384xf32>
        %slice3A_944 = vector.extract_strided_slice %broadcast_in_dim3A_248 {offsets = [9, 0, 0], sizes = [1, 4, 1], strides = [1, 1, 1]} : vector<20x4x1xi32> to vector<1x4x1xi32>
        %squeeze3A_945 = vector.shape_cast %slice3A_944 : vector<1x4x1xi32> to vector<4x1xi32>
        %slice3A_946 = vector.extract_strided_slice %select_n3A_253 {offsets = [9, 0, 0], sizes = [1, 4, 1], strides = [1, 1, 1]} : vector<20x4x1xf32> to vector<1x4x1xf32>
        %squeeze3A_947 = vector.shape_cast %slice3A_946 : vector<1x4x1xf32> to vector<4x1xf32>
        %broadcast_in_dim3A_948 = arith.constant 0.000000e+00 : f32
        %broadcast_in_dim3A_949 = vector.broadcast %broadcast_in_dim3A_948 : f32 to vector<4x1xf32>
        %eq3A_950 = arith.cmpi eq, %squeeze3A_945, %select_n3A_280 : vector<4x1xi32>
        %jit3A_951 = arith.constant 1.000000e+00 : f32
        %jit3A_952 = arith.constant 0.000000e+00 : f32
        %broadcast_in_dim3A_953 = vector.broadcast %jit3A_951 : f32 to vector<4x1xf32>
        %broadcast_in_dim3A_954 = vector.broadcast %jit3A_952 : f32 to vector<4x1xf32>
        %select_n3A_955 = arith.select %eq3A_950, %broadcast_in_dim3A_953, %broadcast_in_dim3A_954 : vector<4x1xi1>, vector<4x1xf32>
        %max3A_956 = arith.maximumf %broadcast_in_dim3A_949, %select_n3A_955 : vector<4x1xf32>
        %eq3A_957 = arith.cmpi eq, %squeeze3A_945, %select_n3A_335 : vector<4x1xi32>
        %jit3A_958 = arith.constant 1.000000e+00 : f32
        %jit3A_959 = arith.constant 0.000000e+00 : f32
        %broadcast_in_dim3A_960 = vector.broadcast %jit3A_958 : f32 to vector<4x1xf32>
        %broadcast_in_dim3A_961 = vector.broadcast %jit3A_959 : f32 to vector<4x1xf32>
        %select_n3A_962 = arith.select %eq3A_957, %broadcast_in_dim3A_960, %broadcast_in_dim3A_961 : vector<4x1xi1>, vector<4x1xf32>
        %max3A_963 = arith.maximumf %max3A_956, %select_n3A_962 : vector<4x1xf32>
        %eq3A_964 = arith.cmpi eq, %squeeze3A_945, %select_n3A_398 : vector<4x1xi32>
        %jit3A_965 = arith.constant 1.000000e+00 : f32
        %jit3A_966 = arith.constant 0.000000e+00 : f32
        %broadcast_in_dim3A_967 = vector.broadcast %jit3A_965 : f32 to vector<4x1xf32>
        %broadcast_in_dim3A_968 = vector.broadcast %jit3A_966 : f32 to vector<4x1xf32>
        %select_n3A_969 = arith.select %eq3A_964, %broadcast_in_dim3A_967, %broadcast_in_dim3A_968 : vector<4x1xi1>, vector<4x1xf32>
        %max3A_970 = arith.maximumf %max3A_963, %select_n3A_969 : vector<4x1xf32>
        %eq3A_971 = arith.cmpi eq, %squeeze3A_945, %select_n3A_468 : vector<4x1xi32>
        %jit3A_972 = arith.constant 1.000000e+00 : f32
        %jit3A_973 = arith.constant 0.000000e+00 : f32
        %broadcast_in_dim3A_974 = vector.broadcast %jit3A_972 : f32 to vector<4x1xf32>
        %broadcast_in_dim3A_975 = vector.broadcast %jit3A_973 : f32 to vector<4x1xf32>
        %select_n3A_976 = arith.select %eq3A_971, %broadcast_in_dim3A_974, %broadcast_in_dim3A_975 : vector<4x1xi1>, vector<4x1xf32>
        %max3A_977 = arith.maximumf %max3A_970, %select_n3A_976 : vector<4x1xf32>
        %eq3A_978 = arith.cmpi eq, %squeeze3A_945, %select_n3A_545 : vector<4x1xi32>
        %jit3A_979 = arith.constant 1.000000e+00 : f32
        %jit3A_980 = arith.constant 0.000000e+00 : f32
        %broadcast_in_dim3A_981 = vector.broadcast %jit3A_979 : f32 to vector<4x1xf32>
        %broadcast_in_dim3A_982 = vector.broadcast %jit3A_980 : f32 to vector<4x1xf32>
        %select_n3A_983 = arith.select %eq3A_978, %broadcast_in_dim3A_981, %broadcast_in_dim3A_982 : vector<4x1xi1>, vector<4x1xf32>
        %max3A_984 = arith.maximumf %max3A_977, %select_n3A_983 : vector<4x1xf32>
        %eq3A_985 = arith.cmpi eq, %squeeze3A_945, %select_n3A_629 : vector<4x1xi32>
        %jit3A_986 = arith.constant 1.000000e+00 : f32
        %jit3A_987 = arith.constant 0.000000e+00 : f32
        %broadcast_in_dim3A_988 = vector.broadcast %jit3A_986 : f32 to vector<4x1xf32>
        %broadcast_in_dim3A_989 = vector.broadcast %jit3A_987 : f32 to vector<4x1xf32>
        %select_n3A_990 = arith.select %eq3A_985, %broadcast_in_dim3A_988, %broadcast_in_dim3A_989 : vector<4x1xi1>, vector<4x1xf32>
        %max3A_991 = arith.maximumf %max3A_984, %select_n3A_990 : vector<4x1xf32>
        %eq3A_992 = arith.cmpi eq, %squeeze3A_945, %select_n3A_720 : vector<4x1xi32>
        %jit3A_993 = arith.constant 1.000000e+00 : f32
        %jit3A_994 = arith.constant 0.000000e+00 : f32
        %broadcast_in_dim3A_995 = vector.broadcast %jit3A_993 : f32 to vector<4x1xf32>
        %broadcast_in_dim3A_996 = vector.broadcast %jit3A_994 : f32 to vector<4x1xf32>
        %select_n3A_997 = arith.select %eq3A_992, %broadcast_in_dim3A_995, %broadcast_in_dim3A_996 : vector<4x1xi1>, vector<4x1xf32>
        %max3A_998 = arith.maximumf %max3A_991, %select_n3A_997 : vector<4x1xf32>
        %eq3A_999 = arith.cmpi eq, %squeeze3A_945, %select_n3A_818 : vector<4x1xi32>
        %jit3A_1000 = arith.constant 1.000000e+00 : f32
        %jit3A_1001 = arith.constant 0.000000e+00 : f32
        %broadcast_in_dim3A_1002 = vector.broadcast %jit3A_1000 : f32 to vector<4x1xf32>
        %broadcast_in_dim3A_1003 = vector.broadcast %jit3A_1001 : f32 to vector<4x1xf32>
        %select_n3A_1004 = arith.select %eq3A_999, %broadcast_in_dim3A_1002, %broadcast_in_dim3A_1003 : vector<4x1xi1>, vector<4x1xf32>
        %max3A_1005 = arith.maximumf %max3A_998, %select_n3A_1004 : vector<4x1xf32>
        %eq3A_1006 = arith.cmpi eq, %squeeze3A_945, %select_n3A_923 : vector<4x1xi32>
        %jit3A_1007 = arith.constant 1.000000e+00 : f32
        %jit3A_1008 = arith.constant 0.000000e+00 : f32
        %broadcast_in_dim3A_1009 = vector.broadcast %jit3A_1007 : f32 to vector<4x1xf32>
        %broadcast_in_dim3A_1010 = vector.broadcast %jit3A_1008 : f32 to vector<4x1xf32>
        %select_n3A_1011 = arith.select %eq3A_1006, %broadcast_in_dim3A_1009, %broadcast_in_dim3A_1010 : vector<4x1xi1>, vector<4x1xf32>
        %max3A_1012 = arith.maximumf %max3A_1005, %select_n3A_1011 : vector<4x1xf32>
        %mul3A_1013 = arith.mulf %max3A_1012, %squeeze3A_947 : vector<4x1xf32>
        %reduce_max3A_1014 = vector.shape_cast %mul3A_1013 : vector<4x1xf32> to vector<1x4x1xf32>
        %reduce_max3A_1015 = arith.constant dense<0xFF800000> : vector<1xf32>
        %reduce_max3A_1016 = vector.multi_reduction <maximumf>, %reduce_max3A_1014, %reduce_max3A_1015 [1, 2] : vector<1x4x1xf32> to vector<1xf32>
        %reduce_max3A_1017 = vector.shape_cast %reduce_max3A_1016 : vector<1xf32> to vector<1x1x1xf32>
        %reduce_max3A_1018 = vector.extract %reduce_max3A_1017[0, 0, 0] : f32 from vector<1x1x1xf32>
        %gt3A_1019 = arith.constant 0.000000e+00 : f32
        %gt3A_1020 = arith.cmpf ogt, %reduce_max3A_1018, %gt3A_1019 : f32
        %convert_element_type3A_1021 = arith.extui %gt3A_1020 : i1 to i32
        %cond3A_1022 = arith.constant 0 : i32
        %cond3A_1023 = arith.cmpi ne, %convert_element_type3A_1021, %cond3A_1022 : i32
        %cond3A_1024:2 = scf.if %cond3A_1023 -> (vector<4x1xi32>, vector<4x1xf32>) {
          %add3A_2561 = arith.constant 9 : i32
          %add3A_2562 = arith.addi %mul3A_221, %add3A_2561 : i32
          %get3A_2563 = arith.index_cast %add3A_2562 : i32 to index
          %get3A_2564 = arith.constant 0 : index
          %get3A_2565 = arith.constant 0 : index
          %get3A_2566 = vector.load %arg8[%get3A_2563, %get3A_2564, %get3A_2565] : memref<300x4x1024xf32, #tpu.memory_space<vmem>>, vector<1x4x1024xf32>
          %reshape3A = vector.shape_cast %get3A_2566 : vector<1x4x1024xf32> to vector<4x1024xf32>
          %gt3A_2567 = arith.constant 0.000000e+00 : f32
          %gt3A_2568 = vector.broadcast %gt3A_2567 : f32 to vector<4x1024xf32>
          %gt3A_2569 = arith.cmpf ogt, %select_n3A_929, %gt3A_2568 : vector<4x1024xf32>
          %jit3A_2570 = arith.constant 0x7F800000 : f32
          %broadcast_in_dim3A_2571 = vector.broadcast %jit3A_2570 : f32 to vector<4x1024xf32>
          %select_n3A_2572 = arith.select %gt3A_2569, %broadcast_in_dim3A_2571, %reshape3A : vector<4x1024xi1>, vector<4x1024xf32>
          %reduce_min3A_2573 = arith.constant dense<0x7F800000> : vector<4xf32>
          %reduce_min3A_2574 = vector.multi_reduction <minimumf>, %select_n3A_2572, %reduce_min3A_2573 [1] : vector<4x1024xf32> to vector<4xf32>
          %broadcast_in_dim3A_2575 = vector.shape_cast %reduce_min3A_2574 : vector<4xf32> to vector<4x1xf32>
          %lt3A_2576 = arith.constant 1.200000e+01 : f32
          %lt3A_2577 = vector.broadcast %lt3A_2576 : f32 to vector<4x1xf32>
          %lt3A_2578 = arith.cmpf olt, %broadcast_in_dim3A_2575, %lt3A_2577 : vector<4x1xf32>
          %eq3A_2579 = vector.broadcast %broadcast_in_dim3A_2575 : vector<4x1xf32> to vector<4x1024xf32>
          %eq3A_2580 = arith.cmpf oeq, %select_n3A_2572, %eq3A_2579 : vector<4x1024xf32>
          %and3A_2581 = vector.broadcast %lt3A_2578 : vector<4x1xi1> to vector<4x1024xi1>
          %and3A_2582 = arith.andi %eq3A_2580, %and3A_2581 : vector<4x1024xi1>
          %jit3A_2583 = arith.constant 1024 : i32
          %broadcast_in_dim3A_2584 = vector.shape_cast %iota3A : vector<1x1024xi32> to vector<1x1024xi32>
          %broadcast_in_dim3A_2585 = vector.broadcast %broadcast_in_dim3A_2584 : vector<1x1024xi32> to vector<4x1024xi32>
          %broadcast_in_dim3A_2586 = vector.broadcast %jit3A_2583 : i32 to vector<4x1024xi32>
          %select_n3A_2587 = arith.select %and3A_2582, %broadcast_in_dim3A_2585, %broadcast_in_dim3A_2586 : vector<4x1024xi1>, vector<4x1024xi32>
          %reduce_min3A_2588 = arith.constant dense<2147483647> : vector<4xi32>
          %reduce_min3A_2589 = vector.multi_reduction <minsi>, %select_n3A_2587, %reduce_min3A_2588 [1] : vector<4x1024xi32> to vector<4xi32>
          %broadcast_in_dim3A_2590 = vector.shape_cast %reduce_min3A_2589 : vector<4xi32> to vector<4x1xi32>
          %jit3A_2591 = arith.constant 1.000000e+00 : f32
          %jit3A_2592 = arith.constant 0.000000e+00 : f32
          %broadcast_in_dim3A_2593 = vector.broadcast %jit3A_2591 : f32 to vector<4x1xf32>
          %broadcast_in_dim3A_2594 = vector.broadcast %jit3A_2592 : f32 to vector<4x1xf32>
          %select_n3A_2595 = arith.select %lt3A_2578, %broadcast_in_dim3A_2593, %broadcast_in_dim3A_2594 : vector<4x1xi1>, vector<4x1xf32>
          scf.yield %broadcast_in_dim3A_2590, %select_n3A_2595 : vector<4x1xi32>, vector<4x1xf32>
        } else {
          scf.yield %squeeze3A_945, %squeeze3A_947 : vector<4x1xi32>, vector<4x1xf32>
        }
        %gt3A_1025 = arith.constant 0.000000e+00 : f32
        %gt3A_1026 = vector.broadcast %gt3A_1025 : f32 to vector<4x1xf32>
        %gt3A_1027 = arith.cmpf ogt, %mul3A_1013, %gt3A_1026 : vector<4x1xf32>
        %select_n3A_1028 = arith.select %gt3A_1027, %cond3A_1024#0, %squeeze3A_945 : vector<4x1xi1>, vector<4x1xi32>
        %select_n3A_1029 = arith.select %gt3A_1027, %cond3A_1024#1, %squeeze3A_947 : vector<4x1xi1>, vector<4x1xf32>
        %gt3A_1030 = arith.constant 0.000000e+00 : f32
        %gt3A_1031 = vector.broadcast %gt3A_1030 : f32 to vector<4x1xf32>
        %gt3A_1032 = arith.cmpf ogt, %select_n3A_1029, %gt3A_1031 : vector<4x1xf32>
        %jit3A_1033 = arith.constant 1024 : i32
        %broadcast_in_dim3A_1034 = vector.broadcast %jit3A_1033 : i32 to vector<4x1xi32>
        %select_n3A_1035 = arith.select %gt3A_1032, %select_n3A_1028, %broadcast_in_dim3A_1034 : vector<4x1xi1>, vector<4x1xi32>
        %eq3A_1036 = vector.broadcast %iota3A : vector<1x1024xi32> to vector<4x1024xi32>
        %eq3A_1037 = vector.broadcast %select_n3A_1035 : vector<4x1xi32> to vector<4x1024xi32>
        %eq3A_1038 = arith.cmpi eq, %eq3A_1036, %eq3A_1037 : vector<4x1024xi32>
        %jit3A_1039 = arith.constant 1.000000e+00 : f32
        %broadcast_in_dim3A_1040 = vector.broadcast %jit3A_1039 : f32 to vector<4x1024xf32>
        %select_n3A_1041 = arith.select %eq3A_1038, %broadcast_in_dim3A_1040, %select_n3A_929 : vector<4x1024xi1>, vector<4x1024xf32>
        %add3A_1042 = arith.constant 9 : i32
        %add3A_1043 = arith.addi %mul3A_221, %add3A_1042 : i32
        %eq3A_1044 = vector.broadcast %add3A_1043 : i32 to vector<1x384xi32>
        %eq3A_1045 = arith.cmpi eq, %iota3A_0, %eq3A_1044 : vector<1x384xi32>
        %gt3A_1046 = arith.constant 0.000000e+00 : f32
        %gt3A_1047 = vector.broadcast %gt3A_1046 : f32 to vector<4x1xf32>
        %gt3A_1048 = arith.cmpf ogt, %select_n3A_1029, %gt3A_1047 : vector<4x1xf32>
        %and3A_1049 = vector.broadcast %eq3A_1045 : vector<1x384xi1> to vector<4x384xi1>
        %and3A_1050 = vector.broadcast %gt3A_1048 : vector<4x1xi1> to vector<4x384xi1>
        %and3A_1051 = arith.andi %and3A_1049, %and3A_1050 : vector<4x384xi1>
        %convert_element_type3A_1052 = arith.sitofp %select_n3A_1035 : vector<4x1xi32> to vector<4x1xf32>
        %broadcast_in_dim3A_1053 = vector.shape_cast %convert_element_type3A_1052 : vector<4x1xf32> to vector<4x1xf32>
        %broadcast_in_dim3A_1054 = vector.broadcast %broadcast_in_dim3A_1053 : vector<4x1xf32> to vector<4x384xf32>
        %select_n3A_1055 = arith.select %and3A_1051, %broadcast_in_dim3A_1054, %select_n3A_943 : vector<4x384xi1>, vector<4x384xf32>
        %slice3A_1056 = vector.extract_strided_slice %broadcast_in_dim3A_248 {offsets = [10, 0, 0], sizes = [1, 4, 1], strides = [1, 1, 1]} : vector<20x4x1xi32> to vector<1x4x1xi32>
        %squeeze3A_1057 = vector.shape_cast %slice3A_1056 : vector<1x4x1xi32> to vector<4x1xi32>
        %slice3A_1058 = vector.extract_strided_slice %select_n3A_253 {offsets = [10, 0, 0], sizes = [1, 4, 1], strides = [1, 1, 1]} : vector<20x4x1xf32> to vector<1x4x1xf32>
        %squeeze3A_1059 = vector.shape_cast %slice3A_1058 : vector<1x4x1xf32> to vector<4x1xf32>
        %broadcast_in_dim3A_1060 = arith.constant 0.000000e+00 : f32
        %broadcast_in_dim3A_1061 = vector.broadcast %broadcast_in_dim3A_1060 : f32 to vector<4x1xf32>
        %eq3A_1062 = arith.cmpi eq, %squeeze3A_1057, %select_n3A_280 : vector<4x1xi32>
        %jit3A_1063 = arith.constant 1.000000e+00 : f32
        %jit3A_1064 = arith.constant 0.000000e+00 : f32
        %broadcast_in_dim3A_1065 = vector.broadcast %jit3A_1063 : f32 to vector<4x1xf32>
        %broadcast_in_dim3A_1066 = vector.broadcast %jit3A_1064 : f32 to vector<4x1xf32>
        %select_n3A_1067 = arith.select %eq3A_1062, %broadcast_in_dim3A_1065, %broadcast_in_dim3A_1066 : vector<4x1xi1>, vector<4x1xf32>
        %max3A_1068 = arith.maximumf %broadcast_in_dim3A_1061, %select_n3A_1067 : vector<4x1xf32>
        %eq3A_1069 = arith.cmpi eq, %squeeze3A_1057, %select_n3A_335 : vector<4x1xi32>
        %jit3A_1070 = arith.constant 1.000000e+00 : f32
        %jit3A_1071 = arith.constant 0.000000e+00 : f32
        %broadcast_in_dim3A_1072 = vector.broadcast %jit3A_1070 : f32 to vector<4x1xf32>
        %broadcast_in_dim3A_1073 = vector.broadcast %jit3A_1071 : f32 to vector<4x1xf32>
        %select_n3A_1074 = arith.select %eq3A_1069, %broadcast_in_dim3A_1072, %broadcast_in_dim3A_1073 : vector<4x1xi1>, vector<4x1xf32>
        %max3A_1075 = arith.maximumf %max3A_1068, %select_n3A_1074 : vector<4x1xf32>
        %eq3A_1076 = arith.cmpi eq, %squeeze3A_1057, %select_n3A_398 : vector<4x1xi32>
        %jit3A_1077 = arith.constant 1.000000e+00 : f32
        %jit3A_1078 = arith.constant 0.000000e+00 : f32
        %broadcast_in_dim3A_1079 = vector.broadcast %jit3A_1077 : f32 to vector<4x1xf32>
        %broadcast_in_dim3A_1080 = vector.broadcast %jit3A_1078 : f32 to vector<4x1xf32>
        %select_n3A_1081 = arith.select %eq3A_1076, %broadcast_in_dim3A_1079, %broadcast_in_dim3A_1080 : vector<4x1xi1>, vector<4x1xf32>
        %max3A_1082 = arith.maximumf %max3A_1075, %select_n3A_1081 : vector<4x1xf32>
        %eq3A_1083 = arith.cmpi eq, %squeeze3A_1057, %select_n3A_468 : vector<4x1xi32>
        %jit3A_1084 = arith.constant 1.000000e+00 : f32
        %jit3A_1085 = arith.constant 0.000000e+00 : f32
        %broadcast_in_dim3A_1086 = vector.broadcast %jit3A_1084 : f32 to vector<4x1xf32>
        %broadcast_in_dim3A_1087 = vector.broadcast %jit3A_1085 : f32 to vector<4x1xf32>
        %select_n3A_1088 = arith.select %eq3A_1083, %broadcast_in_dim3A_1086, %broadcast_in_dim3A_1087 : vector<4x1xi1>, vector<4x1xf32>
        %max3A_1089 = arith.maximumf %max3A_1082, %select_n3A_1088 : vector<4x1xf32>
        %eq3A_1090 = arith.cmpi eq, %squeeze3A_1057, %select_n3A_545 : vector<4x1xi32>
        %jit3A_1091 = arith.constant 1.000000e+00 : f32
        %jit3A_1092 = arith.constant 0.000000e+00 : f32
        %broadcast_in_dim3A_1093 = vector.broadcast %jit3A_1091 : f32 to vector<4x1xf32>
        %broadcast_in_dim3A_1094 = vector.broadcast %jit3A_1092 : f32 to vector<4x1xf32>
        %select_n3A_1095 = arith.select %eq3A_1090, %broadcast_in_dim3A_1093, %broadcast_in_dim3A_1094 : vector<4x1xi1>, vector<4x1xf32>
        %max3A_1096 = arith.maximumf %max3A_1089, %select_n3A_1095 : vector<4x1xf32>
        %eq3A_1097 = arith.cmpi eq, %squeeze3A_1057, %select_n3A_629 : vector<4x1xi32>
        %jit3A_1098 = arith.constant 1.000000e+00 : f32
        %jit3A_1099 = arith.constant 0.000000e+00 : f32
        %broadcast_in_dim3A_1100 = vector.broadcast %jit3A_1098 : f32 to vector<4x1xf32>
        %broadcast_in_dim3A_1101 = vector.broadcast %jit3A_1099 : f32 to vector<4x1xf32>
        %select_n3A_1102 = arith.select %eq3A_1097, %broadcast_in_dim3A_1100, %broadcast_in_dim3A_1101 : vector<4x1xi1>, vector<4x1xf32>
        %max3A_1103 = arith.maximumf %max3A_1096, %select_n3A_1102 : vector<4x1xf32>
        %eq3A_1104 = arith.cmpi eq, %squeeze3A_1057, %select_n3A_720 : vector<4x1xi32>
        %jit3A_1105 = arith.constant 1.000000e+00 : f32
        %jit3A_1106 = arith.constant 0.000000e+00 : f32
        %broadcast_in_dim3A_1107 = vector.broadcast %jit3A_1105 : f32 to vector<4x1xf32>
        %broadcast_in_dim3A_1108 = vector.broadcast %jit3A_1106 : f32 to vector<4x1xf32>
        %select_n3A_1109 = arith.select %eq3A_1104, %broadcast_in_dim3A_1107, %broadcast_in_dim3A_1108 : vector<4x1xi1>, vector<4x1xf32>
        %max3A_1110 = arith.maximumf %max3A_1103, %select_n3A_1109 : vector<4x1xf32>
        %eq3A_1111 = arith.cmpi eq, %squeeze3A_1057, %select_n3A_818 : vector<4x1xi32>
        %jit3A_1112 = arith.constant 1.000000e+00 : f32
        %jit3A_1113 = arith.constant 0.000000e+00 : f32
        %broadcast_in_dim3A_1114 = vector.broadcast %jit3A_1112 : f32 to vector<4x1xf32>
        %broadcast_in_dim3A_1115 = vector.broadcast %jit3A_1113 : f32 to vector<4x1xf32>
        %select_n3A_1116 = arith.select %eq3A_1111, %broadcast_in_dim3A_1114, %broadcast_in_dim3A_1115 : vector<4x1xi1>, vector<4x1xf32>
        %max3A_1117 = arith.maximumf %max3A_1110, %select_n3A_1116 : vector<4x1xf32>
        %eq3A_1118 = arith.cmpi eq, %squeeze3A_1057, %select_n3A_923 : vector<4x1xi32>
        %jit3A_1119 = arith.constant 1.000000e+00 : f32
        %jit3A_1120 = arith.constant 0.000000e+00 : f32
        %broadcast_in_dim3A_1121 = vector.broadcast %jit3A_1119 : f32 to vector<4x1xf32>
        %broadcast_in_dim3A_1122 = vector.broadcast %jit3A_1120 : f32 to vector<4x1xf32>
        %select_n3A_1123 = arith.select %eq3A_1118, %broadcast_in_dim3A_1121, %broadcast_in_dim3A_1122 : vector<4x1xi1>, vector<4x1xf32>
        %max3A_1124 = arith.maximumf %max3A_1117, %select_n3A_1123 : vector<4x1xf32>
        %eq3A_1125 = arith.cmpi eq, %squeeze3A_1057, %select_n3A_1035 : vector<4x1xi32>
        %jit3A_1126 = arith.constant 1.000000e+00 : f32
        %jit3A_1127 = arith.constant 0.000000e+00 : f32
        %broadcast_in_dim3A_1128 = vector.broadcast %jit3A_1126 : f32 to vector<4x1xf32>
        %broadcast_in_dim3A_1129 = vector.broadcast %jit3A_1127 : f32 to vector<4x1xf32>
        %select_n3A_1130 = arith.select %eq3A_1125, %broadcast_in_dim3A_1128, %broadcast_in_dim3A_1129 : vector<4x1xi1>, vector<4x1xf32>
        %max3A_1131 = arith.maximumf %max3A_1124, %select_n3A_1130 : vector<4x1xf32>
        %mul3A_1132 = arith.mulf %max3A_1131, %squeeze3A_1059 : vector<4x1xf32>
        %reduce_max3A_1133 = vector.shape_cast %mul3A_1132 : vector<4x1xf32> to vector<1x4x1xf32>
        %reduce_max3A_1134 = arith.constant dense<0xFF800000> : vector<1xf32>
        %reduce_max3A_1135 = vector.multi_reduction <maximumf>, %reduce_max3A_1133, %reduce_max3A_1134 [1, 2] : vector<1x4x1xf32> to vector<1xf32>
        %reduce_max3A_1136 = vector.shape_cast %reduce_max3A_1135 : vector<1xf32> to vector<1x1x1xf32>
        %reduce_max3A_1137 = vector.extract %reduce_max3A_1136[0, 0, 0] : f32 from vector<1x1x1xf32>
        %gt3A_1138 = arith.constant 0.000000e+00 : f32
        %gt3A_1139 = arith.cmpf ogt, %reduce_max3A_1137, %gt3A_1138 : f32
        %convert_element_type3A_1140 = arith.extui %gt3A_1139 : i1 to i32
        %cond3A_1141 = arith.constant 0 : i32
        %cond3A_1142 = arith.cmpi ne, %convert_element_type3A_1140, %cond3A_1141 : i32
        %cond3A_1143:2 = scf.if %cond3A_1142 -> (vector<4x1xi32>, vector<4x1xf32>) {
          %add3A_2561 = arith.constant 10 : i32
          %add3A_2562 = arith.addi %mul3A_221, %add3A_2561 : i32
          %get3A_2563 = arith.index_cast %add3A_2562 : i32 to index
          %get3A_2564 = arith.constant 0 : index
          %get3A_2565 = arith.constant 0 : index
          %get3A_2566 = vector.load %arg8[%get3A_2563, %get3A_2564, %get3A_2565] : memref<300x4x1024xf32, #tpu.memory_space<vmem>>, vector<1x4x1024xf32>
          %reshape3A = vector.shape_cast %get3A_2566 : vector<1x4x1024xf32> to vector<4x1024xf32>
          %gt3A_2567 = arith.constant 0.000000e+00 : f32
          %gt3A_2568 = vector.broadcast %gt3A_2567 : f32 to vector<4x1024xf32>
          %gt3A_2569 = arith.cmpf ogt, %select_n3A_1041, %gt3A_2568 : vector<4x1024xf32>
          %jit3A_2570 = arith.constant 0x7F800000 : f32
          %broadcast_in_dim3A_2571 = vector.broadcast %jit3A_2570 : f32 to vector<4x1024xf32>
          %select_n3A_2572 = arith.select %gt3A_2569, %broadcast_in_dim3A_2571, %reshape3A : vector<4x1024xi1>, vector<4x1024xf32>
          %reduce_min3A_2573 = arith.constant dense<0x7F800000> : vector<4xf32>
          %reduce_min3A_2574 = vector.multi_reduction <minimumf>, %select_n3A_2572, %reduce_min3A_2573 [1] : vector<4x1024xf32> to vector<4xf32>
          %broadcast_in_dim3A_2575 = vector.shape_cast %reduce_min3A_2574 : vector<4xf32> to vector<4x1xf32>
          %lt3A_2576 = arith.constant 1.200000e+01 : f32
          %lt3A_2577 = vector.broadcast %lt3A_2576 : f32 to vector<4x1xf32>
          %lt3A_2578 = arith.cmpf olt, %broadcast_in_dim3A_2575, %lt3A_2577 : vector<4x1xf32>
          %eq3A_2579 = vector.broadcast %broadcast_in_dim3A_2575 : vector<4x1xf32> to vector<4x1024xf32>
          %eq3A_2580 = arith.cmpf oeq, %select_n3A_2572, %eq3A_2579 : vector<4x1024xf32>
          %and3A_2581 = vector.broadcast %lt3A_2578 : vector<4x1xi1> to vector<4x1024xi1>
          %and3A_2582 = arith.andi %eq3A_2580, %and3A_2581 : vector<4x1024xi1>
          %jit3A_2583 = arith.constant 1024 : i32
          %broadcast_in_dim3A_2584 = vector.shape_cast %iota3A : vector<1x1024xi32> to vector<1x1024xi32>
          %broadcast_in_dim3A_2585 = vector.broadcast %broadcast_in_dim3A_2584 : vector<1x1024xi32> to vector<4x1024xi32>
          %broadcast_in_dim3A_2586 = vector.broadcast %jit3A_2583 : i32 to vector<4x1024xi32>
          %select_n3A_2587 = arith.select %and3A_2582, %broadcast_in_dim3A_2585, %broadcast_in_dim3A_2586 : vector<4x1024xi1>, vector<4x1024xi32>
          %reduce_min3A_2588 = arith.constant dense<2147483647> : vector<4xi32>
          %reduce_min3A_2589 = vector.multi_reduction <minsi>, %select_n3A_2587, %reduce_min3A_2588 [1] : vector<4x1024xi32> to vector<4xi32>
          %broadcast_in_dim3A_2590 = vector.shape_cast %reduce_min3A_2589 : vector<4xi32> to vector<4x1xi32>
          %jit3A_2591 = arith.constant 1.000000e+00 : f32
          %jit3A_2592 = arith.constant 0.000000e+00 : f32
          %broadcast_in_dim3A_2593 = vector.broadcast %jit3A_2591 : f32 to vector<4x1xf32>
          %broadcast_in_dim3A_2594 = vector.broadcast %jit3A_2592 : f32 to vector<4x1xf32>
          %select_n3A_2595 = arith.select %lt3A_2578, %broadcast_in_dim3A_2593, %broadcast_in_dim3A_2594 : vector<4x1xi1>, vector<4x1xf32>
          scf.yield %broadcast_in_dim3A_2590, %select_n3A_2595 : vector<4x1xi32>, vector<4x1xf32>
        } else {
          scf.yield %squeeze3A_1057, %squeeze3A_1059 : vector<4x1xi32>, vector<4x1xf32>
        }
        %gt3A_1144 = arith.constant 0.000000e+00 : f32
        %gt3A_1145 = vector.broadcast %gt3A_1144 : f32 to vector<4x1xf32>
        %gt3A_1146 = arith.cmpf ogt, %mul3A_1132, %gt3A_1145 : vector<4x1xf32>
        %select_n3A_1147 = arith.select %gt3A_1146, %cond3A_1143#0, %squeeze3A_1057 : vector<4x1xi1>, vector<4x1xi32>
        %select_n3A_1148 = arith.select %gt3A_1146, %cond3A_1143#1, %squeeze3A_1059 : vector<4x1xi1>, vector<4x1xf32>
        %gt3A_1149 = arith.constant 0.000000e+00 : f32
        %gt3A_1150 = vector.broadcast %gt3A_1149 : f32 to vector<4x1xf32>
        %gt3A_1151 = arith.cmpf ogt, %select_n3A_1148, %gt3A_1150 : vector<4x1xf32>
        %jit3A_1152 = arith.constant 1024 : i32
        %broadcast_in_dim3A_1153 = vector.broadcast %jit3A_1152 : i32 to vector<4x1xi32>
        %select_n3A_1154 = arith.select %gt3A_1151, %select_n3A_1147, %broadcast_in_dim3A_1153 : vector<4x1xi1>, vector<4x1xi32>
        %eq3A_1155 = vector.broadcast %iota3A : vector<1x1024xi32> to vector<4x1024xi32>
        %eq3A_1156 = vector.broadcast %select_n3A_1154 : vector<4x1xi32> to vector<4x1024xi32>
        %eq3A_1157 = arith.cmpi eq, %eq3A_1155, %eq3A_1156 : vector<4x1024xi32>
        %jit3A_1158 = arith.constant 1.000000e+00 : f32
        %broadcast_in_dim3A_1159 = vector.broadcast %jit3A_1158 : f32 to vector<4x1024xf32>
        %select_n3A_1160 = arith.select %eq3A_1157, %broadcast_in_dim3A_1159, %select_n3A_1041 : vector<4x1024xi1>, vector<4x1024xf32>
        %add3A_1161 = arith.constant 10 : i32
        %add3A_1162 = arith.addi %mul3A_221, %add3A_1161 : i32
        %eq3A_1163 = vector.broadcast %add3A_1162 : i32 to vector<1x384xi32>
        %eq3A_1164 = arith.cmpi eq, %iota3A_0, %eq3A_1163 : vector<1x384xi32>
        %gt3A_1165 = arith.constant 0.000000e+00 : f32
        %gt3A_1166 = vector.broadcast %gt3A_1165 : f32 to vector<4x1xf32>
        %gt3A_1167 = arith.cmpf ogt, %select_n3A_1148, %gt3A_1166 : vector<4x1xf32>
        %and3A_1168 = vector.broadcast %eq3A_1164 : vector<1x384xi1> to vector<4x384xi1>
        %and3A_1169 = vector.broadcast %gt3A_1167 : vector<4x1xi1> to vector<4x384xi1>
        %and3A_1170 = arith.andi %and3A_1168, %and3A_1169 : vector<4x384xi1>
        %convert_element_type3A_1171 = arith.sitofp %select_n3A_1154 : vector<4x1xi32> to vector<4x1xf32>
        %broadcast_in_dim3A_1172 = vector.shape_cast %convert_element_type3A_1171 : vector<4x1xf32> to vector<4x1xf32>
        %broadcast_in_dim3A_1173 = vector.broadcast %broadcast_in_dim3A_1172 : vector<4x1xf32> to vector<4x384xf32>
        %select_n3A_1174 = arith.select %and3A_1170, %broadcast_in_dim3A_1173, %select_n3A_1055 : vector<4x384xi1>, vector<4x384xf32>
        %slice3A_1175 = vector.extract_strided_slice %broadcast_in_dim3A_248 {offsets = [11, 0, 0], sizes = [1, 4, 1], strides = [1, 1, 1]} : vector<20x4x1xi32> to vector<1x4x1xi32>
        %squeeze3A_1176 = vector.shape_cast %slice3A_1175 : vector<1x4x1xi32> to vector<4x1xi32>
        %slice3A_1177 = vector.extract_strided_slice %select_n3A_253 {offsets = [11, 0, 0], sizes = [1, 4, 1], strides = [1, 1, 1]} : vector<20x4x1xf32> to vector<1x4x1xf32>
        %squeeze3A_1178 = vector.shape_cast %slice3A_1177 : vector<1x4x1xf32> to vector<4x1xf32>
        %broadcast_in_dim3A_1179 = arith.constant 0.000000e+00 : f32
        %broadcast_in_dim3A_1180 = vector.broadcast %broadcast_in_dim3A_1179 : f32 to vector<4x1xf32>
        %eq3A_1181 = arith.cmpi eq, %squeeze3A_1176, %select_n3A_280 : vector<4x1xi32>
        %jit3A_1182 = arith.constant 1.000000e+00 : f32
        %jit3A_1183 = arith.constant 0.000000e+00 : f32
        %broadcast_in_dim3A_1184 = vector.broadcast %jit3A_1182 : f32 to vector<4x1xf32>
        %broadcast_in_dim3A_1185 = vector.broadcast %jit3A_1183 : f32 to vector<4x1xf32>
        %select_n3A_1186 = arith.select %eq3A_1181, %broadcast_in_dim3A_1184, %broadcast_in_dim3A_1185 : vector<4x1xi1>, vector<4x1xf32>
        %max3A_1187 = arith.maximumf %broadcast_in_dim3A_1180, %select_n3A_1186 : vector<4x1xf32>
        %eq3A_1188 = arith.cmpi eq, %squeeze3A_1176, %select_n3A_335 : vector<4x1xi32>
        %jit3A_1189 = arith.constant 1.000000e+00 : f32
        %jit3A_1190 = arith.constant 0.000000e+00 : f32
        %broadcast_in_dim3A_1191 = vector.broadcast %jit3A_1189 : f32 to vector<4x1xf32>
        %broadcast_in_dim3A_1192 = vector.broadcast %jit3A_1190 : f32 to vector<4x1xf32>
        %select_n3A_1193 = arith.select %eq3A_1188, %broadcast_in_dim3A_1191, %broadcast_in_dim3A_1192 : vector<4x1xi1>, vector<4x1xf32>
        %max3A_1194 = arith.maximumf %max3A_1187, %select_n3A_1193 : vector<4x1xf32>
        %eq3A_1195 = arith.cmpi eq, %squeeze3A_1176, %select_n3A_398 : vector<4x1xi32>
        %jit3A_1196 = arith.constant 1.000000e+00 : f32
        %jit3A_1197 = arith.constant 0.000000e+00 : f32
        %broadcast_in_dim3A_1198 = vector.broadcast %jit3A_1196 : f32 to vector<4x1xf32>
        %broadcast_in_dim3A_1199 = vector.broadcast %jit3A_1197 : f32 to vector<4x1xf32>
        %select_n3A_1200 = arith.select %eq3A_1195, %broadcast_in_dim3A_1198, %broadcast_in_dim3A_1199 : vector<4x1xi1>, vector<4x1xf32>
        %max3A_1201 = arith.maximumf %max3A_1194, %select_n3A_1200 : vector<4x1xf32>
        %eq3A_1202 = arith.cmpi eq, %squeeze3A_1176, %select_n3A_468 : vector<4x1xi32>
        %jit3A_1203 = arith.constant 1.000000e+00 : f32
        %jit3A_1204 = arith.constant 0.000000e+00 : f32
        %broadcast_in_dim3A_1205 = vector.broadcast %jit3A_1203 : f32 to vector<4x1xf32>
        %broadcast_in_dim3A_1206 = vector.broadcast %jit3A_1204 : f32 to vector<4x1xf32>
        %select_n3A_1207 = arith.select %eq3A_1202, %broadcast_in_dim3A_1205, %broadcast_in_dim3A_1206 : vector<4x1xi1>, vector<4x1xf32>
        %max3A_1208 = arith.maximumf %max3A_1201, %select_n3A_1207 : vector<4x1xf32>
        %eq3A_1209 = arith.cmpi eq, %squeeze3A_1176, %select_n3A_545 : vector<4x1xi32>
        %jit3A_1210 = arith.constant 1.000000e+00 : f32
        %jit3A_1211 = arith.constant 0.000000e+00 : f32
        %broadcast_in_dim3A_1212 = vector.broadcast %jit3A_1210 : f32 to vector<4x1xf32>
        %broadcast_in_dim3A_1213 = vector.broadcast %jit3A_1211 : f32 to vector<4x1xf32>
        %select_n3A_1214 = arith.select %eq3A_1209, %broadcast_in_dim3A_1212, %broadcast_in_dim3A_1213 : vector<4x1xi1>, vector<4x1xf32>
        %max3A_1215 = arith.maximumf %max3A_1208, %select_n3A_1214 : vector<4x1xf32>
        %eq3A_1216 = arith.cmpi eq, %squeeze3A_1176, %select_n3A_629 : vector<4x1xi32>
        %jit3A_1217 = arith.constant 1.000000e+00 : f32
        %jit3A_1218 = arith.constant 0.000000e+00 : f32
        %broadcast_in_dim3A_1219 = vector.broadcast %jit3A_1217 : f32 to vector<4x1xf32>
        %broadcast_in_dim3A_1220 = vector.broadcast %jit3A_1218 : f32 to vector<4x1xf32>
        %select_n3A_1221 = arith.select %eq3A_1216, %broadcast_in_dim3A_1219, %broadcast_in_dim3A_1220 : vector<4x1xi1>, vector<4x1xf32>
        %max3A_1222 = arith.maximumf %max3A_1215, %select_n3A_1221 : vector<4x1xf32>
        %eq3A_1223 = arith.cmpi eq, %squeeze3A_1176, %select_n3A_720 : vector<4x1xi32>
        %jit3A_1224 = arith.constant 1.000000e+00 : f32
        %jit3A_1225 = arith.constant 0.000000e+00 : f32
        %broadcast_in_dim3A_1226 = vector.broadcast %jit3A_1224 : f32 to vector<4x1xf32>
        %broadcast_in_dim3A_1227 = vector.broadcast %jit3A_1225 : f32 to vector<4x1xf32>
        %select_n3A_1228 = arith.select %eq3A_1223, %broadcast_in_dim3A_1226, %broadcast_in_dim3A_1227 : vector<4x1xi1>, vector<4x1xf32>
        %max3A_1229 = arith.maximumf %max3A_1222, %select_n3A_1228 : vector<4x1xf32>
        %eq3A_1230 = arith.cmpi eq, %squeeze3A_1176, %select_n3A_818 : vector<4x1xi32>
        %jit3A_1231 = arith.constant 1.000000e+00 : f32
        %jit3A_1232 = arith.constant 0.000000e+00 : f32
        %broadcast_in_dim3A_1233 = vector.broadcast %jit3A_1231 : f32 to vector<4x1xf32>
        %broadcast_in_dim3A_1234 = vector.broadcast %jit3A_1232 : f32 to vector<4x1xf32>
        %select_n3A_1235 = arith.select %eq3A_1230, %broadcast_in_dim3A_1233, %broadcast_in_dim3A_1234 : vector<4x1xi1>, vector<4x1xf32>
        %max3A_1236 = arith.maximumf %max3A_1229, %select_n3A_1235 : vector<4x1xf32>
        %eq3A_1237 = arith.cmpi eq, %squeeze3A_1176, %select_n3A_923 : vector<4x1xi32>
        %jit3A_1238 = arith.constant 1.000000e+00 : f32
        %jit3A_1239 = arith.constant 0.000000e+00 : f32
        %broadcast_in_dim3A_1240 = vector.broadcast %jit3A_1238 : f32 to vector<4x1xf32>
        %broadcast_in_dim3A_1241 = vector.broadcast %jit3A_1239 : f32 to vector<4x1xf32>
        %select_n3A_1242 = arith.select %eq3A_1237, %broadcast_in_dim3A_1240, %broadcast_in_dim3A_1241 : vector<4x1xi1>, vector<4x1xf32>
        %max3A_1243 = arith.maximumf %max3A_1236, %select_n3A_1242 : vector<4x1xf32>
        %eq3A_1244 = arith.cmpi eq, %squeeze3A_1176, %select_n3A_1035 : vector<4x1xi32>
        %jit3A_1245 = arith.constant 1.000000e+00 : f32
        %jit3A_1246 = arith.constant 0.000000e+00 : f32
        %broadcast_in_dim3A_1247 = vector.broadcast %jit3A_1245 : f32 to vector<4x1xf32>
        %broadcast_in_dim3A_1248 = vector.broadcast %jit3A_1246 : f32 to vector<4x1xf32>
        %select_n3A_1249 = arith.select %eq3A_1244, %broadcast_in_dim3A_1247, %broadcast_in_dim3A_1248 : vector<4x1xi1>, vector<4x1xf32>
        %max3A_1250 = arith.maximumf %max3A_1243, %select_n3A_1249 : vector<4x1xf32>
        %eq3A_1251 = arith.cmpi eq, %squeeze3A_1176, %select_n3A_1154 : vector<4x1xi32>
        %jit3A_1252 = arith.constant 1.000000e+00 : f32
        %jit3A_1253 = arith.constant 0.000000e+00 : f32
        %broadcast_in_dim3A_1254 = vector.broadcast %jit3A_1252 : f32 to vector<4x1xf32>
        %broadcast_in_dim3A_1255 = vector.broadcast %jit3A_1253 : f32 to vector<4x1xf32>
        %select_n3A_1256 = arith.select %eq3A_1251, %broadcast_in_dim3A_1254, %broadcast_in_dim3A_1255 : vector<4x1xi1>, vector<4x1xf32>
        %max3A_1257 = arith.maximumf %max3A_1250, %select_n3A_1256 : vector<4x1xf32>
        %mul3A_1258 = arith.mulf %max3A_1257, %squeeze3A_1178 : vector<4x1xf32>
        %reduce_max3A_1259 = vector.shape_cast %mul3A_1258 : vector<4x1xf32> to vector<1x4x1xf32>
        %reduce_max3A_1260 = arith.constant dense<0xFF800000> : vector<1xf32>
        %reduce_max3A_1261 = vector.multi_reduction <maximumf>, %reduce_max3A_1259, %reduce_max3A_1260 [1, 2] : vector<1x4x1xf32> to vector<1xf32>
        %reduce_max3A_1262 = vector.shape_cast %reduce_max3A_1261 : vector<1xf32> to vector<1x1x1xf32>
        %reduce_max3A_1263 = vector.extract %reduce_max3A_1262[0, 0, 0] : f32 from vector<1x1x1xf32>
        %gt3A_1264 = arith.constant 0.000000e+00 : f32
        %gt3A_1265 = arith.cmpf ogt, %reduce_max3A_1263, %gt3A_1264 : f32
        %convert_element_type3A_1266 = arith.extui %gt3A_1265 : i1 to i32
        %cond3A_1267 = arith.constant 0 : i32
        %cond3A_1268 = arith.cmpi ne, %convert_element_type3A_1266, %cond3A_1267 : i32
        %cond3A_1269:2 = scf.if %cond3A_1268 -> (vector<4x1xi32>, vector<4x1xf32>) {
          %add3A_2561 = arith.constant 11 : i32
          %add3A_2562 = arith.addi %mul3A_221, %add3A_2561 : i32
          %get3A_2563 = arith.index_cast %add3A_2562 : i32 to index
          %get3A_2564 = arith.constant 0 : index
          %get3A_2565 = arith.constant 0 : index
          %get3A_2566 = vector.load %arg8[%get3A_2563, %get3A_2564, %get3A_2565] : memref<300x4x1024xf32, #tpu.memory_space<vmem>>, vector<1x4x1024xf32>
          %reshape3A = vector.shape_cast %get3A_2566 : vector<1x4x1024xf32> to vector<4x1024xf32>
          %gt3A_2567 = arith.constant 0.000000e+00 : f32
          %gt3A_2568 = vector.broadcast %gt3A_2567 : f32 to vector<4x1024xf32>
          %gt3A_2569 = arith.cmpf ogt, %select_n3A_1160, %gt3A_2568 : vector<4x1024xf32>
          %jit3A_2570 = arith.constant 0x7F800000 : f32
          %broadcast_in_dim3A_2571 = vector.broadcast %jit3A_2570 : f32 to vector<4x1024xf32>
          %select_n3A_2572 = arith.select %gt3A_2569, %broadcast_in_dim3A_2571, %reshape3A : vector<4x1024xi1>, vector<4x1024xf32>
          %reduce_min3A_2573 = arith.constant dense<0x7F800000> : vector<4xf32>
          %reduce_min3A_2574 = vector.multi_reduction <minimumf>, %select_n3A_2572, %reduce_min3A_2573 [1] : vector<4x1024xf32> to vector<4xf32>
          %broadcast_in_dim3A_2575 = vector.shape_cast %reduce_min3A_2574 : vector<4xf32> to vector<4x1xf32>
          %lt3A_2576 = arith.constant 1.200000e+01 : f32
          %lt3A_2577 = vector.broadcast %lt3A_2576 : f32 to vector<4x1xf32>
          %lt3A_2578 = arith.cmpf olt, %broadcast_in_dim3A_2575, %lt3A_2577 : vector<4x1xf32>
          %eq3A_2579 = vector.broadcast %broadcast_in_dim3A_2575 : vector<4x1xf32> to vector<4x1024xf32>
          %eq3A_2580 = arith.cmpf oeq, %select_n3A_2572, %eq3A_2579 : vector<4x1024xf32>
          %and3A_2581 = vector.broadcast %lt3A_2578 : vector<4x1xi1> to vector<4x1024xi1>
          %and3A_2582 = arith.andi %eq3A_2580, %and3A_2581 : vector<4x1024xi1>
          %jit3A_2583 = arith.constant 1024 : i32
          %broadcast_in_dim3A_2584 = vector.shape_cast %iota3A : vector<1x1024xi32> to vector<1x1024xi32>
          %broadcast_in_dim3A_2585 = vector.broadcast %broadcast_in_dim3A_2584 : vector<1x1024xi32> to vector<4x1024xi32>
          %broadcast_in_dim3A_2586 = vector.broadcast %jit3A_2583 : i32 to vector<4x1024xi32>
          %select_n3A_2587 = arith.select %and3A_2582, %broadcast_in_dim3A_2585, %broadcast_in_dim3A_2586 : vector<4x1024xi1>, vector<4x1024xi32>
          %reduce_min3A_2588 = arith.constant dense<2147483647> : vector<4xi32>
          %reduce_min3A_2589 = vector.multi_reduction <minsi>, %select_n3A_2587, %reduce_min3A_2588 [1] : vector<4x1024xi32> to vector<4xi32>
          %broadcast_in_dim3A_2590 = vector.shape_cast %reduce_min3A_2589 : vector<4xi32> to vector<4x1xi32>
          %jit3A_2591 = arith.constant 1.000000e+00 : f32
          %jit3A_2592 = arith.constant 0.000000e+00 : f32
          %broadcast_in_dim3A_2593 = vector.broadcast %jit3A_2591 : f32 to vector<4x1xf32>
          %broadcast_in_dim3A_2594 = vector.broadcast %jit3A_2592 : f32 to vector<4x1xf32>
          %select_n3A_2595 = arith.select %lt3A_2578, %broadcast_in_dim3A_2593, %broadcast_in_dim3A_2594 : vector<4x1xi1>, vector<4x1xf32>
          scf.yield %broadcast_in_dim3A_2590, %select_n3A_2595 : vector<4x1xi32>, vector<4x1xf32>
        } else {
          scf.yield %squeeze3A_1176, %squeeze3A_1178 : vector<4x1xi32>, vector<4x1xf32>
        }
        %gt3A_1270 = arith.constant 0.000000e+00 : f32
        %gt3A_1271 = vector.broadcast %gt3A_1270 : f32 to vector<4x1xf32>
        %gt3A_1272 = arith.cmpf ogt, %mul3A_1258, %gt3A_1271 : vector<4x1xf32>
        %select_n3A_1273 = arith.select %gt3A_1272, %cond3A_1269#0, %squeeze3A_1176 : vector<4x1xi1>, vector<4x1xi32>
        %select_n3A_1274 = arith.select %gt3A_1272, %cond3A_1269#1, %squeeze3A_1178 : vector<4x1xi1>, vector<4x1xf32>
        %gt3A_1275 = arith.constant 0.000000e+00 : f32
        %gt3A_1276 = vector.broadcast %gt3A_1275 : f32 to vector<4x1xf32>
        %gt3A_1277 = arith.cmpf ogt, %select_n3A_1274, %gt3A_1276 : vector<4x1xf32>
        %jit3A_1278 = arith.constant 1024 : i32
        %broadcast_in_dim3A_1279 = vector.broadcast %jit3A_1278 : i32 to vector<4x1xi32>
        %select_n3A_1280 = arith.select %gt3A_1277, %select_n3A_1273, %broadcast_in_dim3A_1279 : vector<4x1xi1>, vector<4x1xi32>
        %eq3A_1281 = vector.broadcast %iota3A : vector<1x1024xi32> to vector<4x1024xi32>
        %eq3A_1282 = vector.broadcast %select_n3A_1280 : vector<4x1xi32> to vector<4x1024xi32>
        %eq3A_1283 = arith.cmpi eq, %eq3A_1281, %eq3A_1282 : vector<4x1024xi32>
        %jit3A_1284 = arith.constant 1.000000e+00 : f32
        %broadcast_in_dim3A_1285 = vector.broadcast %jit3A_1284 : f32 to vector<4x1024xf32>
        %select_n3A_1286 = arith.select %eq3A_1283, %broadcast_in_dim3A_1285, %select_n3A_1160 : vector<4x1024xi1>, vector<4x1024xf32>
        %add3A_1287 = arith.constant 11 : i32
        %add3A_1288 = arith.addi %mul3A_221, %add3A_1287 : i32
        %eq3A_1289 = vector.broadcast %add3A_1288 : i32 to vector<1x384xi32>
        %eq3A_1290 = arith.cmpi eq, %iota3A_0, %eq3A_1289 : vector<1x384xi32>
        %gt3A_1291 = arith.constant 0.000000e+00 : f32
        %gt3A_1292 = vector.broadcast %gt3A_1291 : f32 to vector<4x1xf32>
        %gt3A_1293 = arith.cmpf ogt, %select_n3A_1274, %gt3A_1292 : vector<4x1xf32>
        %and3A_1294 = vector.broadcast %eq3A_1290 : vector<1x384xi1> to vector<4x384xi1>
        %and3A_1295 = vector.broadcast %gt3A_1293 : vector<4x1xi1> to vector<4x384xi1>
        %and3A_1296 = arith.andi %and3A_1294, %and3A_1295 : vector<4x384xi1>
        %convert_element_type3A_1297 = arith.sitofp %select_n3A_1280 : vector<4x1xi32> to vector<4x1xf32>
        %broadcast_in_dim3A_1298 = vector.shape_cast %convert_element_type3A_1297 : vector<4x1xf32> to vector<4x1xf32>
        %broadcast_in_dim3A_1299 = vector.broadcast %broadcast_in_dim3A_1298 : vector<4x1xf32> to vector<4x384xf32>
        %select_n3A_1300 = arith.select %and3A_1296, %broadcast_in_dim3A_1299, %select_n3A_1174 : vector<4x384xi1>, vector<4x384xf32>
        %slice3A_1301 = vector.extract_strided_slice %broadcast_in_dim3A_248 {offsets = [12, 0, 0], sizes = [1, 4, 1], strides = [1, 1, 1]} : vector<20x4x1xi32> to vector<1x4x1xi32>
        %squeeze3A_1302 = vector.shape_cast %slice3A_1301 : vector<1x4x1xi32> to vector<4x1xi32>
        %slice3A_1303 = vector.extract_strided_slice %select_n3A_253 {offsets = [12, 0, 0], sizes = [1, 4, 1], strides = [1, 1, 1]} : vector<20x4x1xf32> to vector<1x4x1xf32>
        %squeeze3A_1304 = vector.shape_cast %slice3A_1303 : vector<1x4x1xf32> to vector<4x1xf32>
        %broadcast_in_dim3A_1305 = arith.constant 0.000000e+00 : f32
        %broadcast_in_dim3A_1306 = vector.broadcast %broadcast_in_dim3A_1305 : f32 to vector<4x1xf32>
        %eq3A_1307 = arith.cmpi eq, %squeeze3A_1302, %select_n3A_280 : vector<4x1xi32>
        %jit3A_1308 = arith.constant 1.000000e+00 : f32
        %jit3A_1309 = arith.constant 0.000000e+00 : f32
        %broadcast_in_dim3A_1310 = vector.broadcast %jit3A_1308 : f32 to vector<4x1xf32>
        %broadcast_in_dim3A_1311 = vector.broadcast %jit3A_1309 : f32 to vector<4x1xf32>
        %select_n3A_1312 = arith.select %eq3A_1307, %broadcast_in_dim3A_1310, %broadcast_in_dim3A_1311 : vector<4x1xi1>, vector<4x1xf32>
        %max3A_1313 = arith.maximumf %broadcast_in_dim3A_1306, %select_n3A_1312 : vector<4x1xf32>
        %eq3A_1314 = arith.cmpi eq, %squeeze3A_1302, %select_n3A_335 : vector<4x1xi32>
        %jit3A_1315 = arith.constant 1.000000e+00 : f32
        %jit3A_1316 = arith.constant 0.000000e+00 : f32
        %broadcast_in_dim3A_1317 = vector.broadcast %jit3A_1315 : f32 to vector<4x1xf32>
        %broadcast_in_dim3A_1318 = vector.broadcast %jit3A_1316 : f32 to vector<4x1xf32>
        %select_n3A_1319 = arith.select %eq3A_1314, %broadcast_in_dim3A_1317, %broadcast_in_dim3A_1318 : vector<4x1xi1>, vector<4x1xf32>
        %max3A_1320 = arith.maximumf %max3A_1313, %select_n3A_1319 : vector<4x1xf32>
        %eq3A_1321 = arith.cmpi eq, %squeeze3A_1302, %select_n3A_398 : vector<4x1xi32>
        %jit3A_1322 = arith.constant 1.000000e+00 : f32
        %jit3A_1323 = arith.constant 0.000000e+00 : f32
        %broadcast_in_dim3A_1324 = vector.broadcast %jit3A_1322 : f32 to vector<4x1xf32>
        %broadcast_in_dim3A_1325 = vector.broadcast %jit3A_1323 : f32 to vector<4x1xf32>
        %select_n3A_1326 = arith.select %eq3A_1321, %broadcast_in_dim3A_1324, %broadcast_in_dim3A_1325 : vector<4x1xi1>, vector<4x1xf32>
        %max3A_1327 = arith.maximumf %max3A_1320, %select_n3A_1326 : vector<4x1xf32>
        %eq3A_1328 = arith.cmpi eq, %squeeze3A_1302, %select_n3A_468 : vector<4x1xi32>
        %jit3A_1329 = arith.constant 1.000000e+00 : f32
        %jit3A_1330 = arith.constant 0.000000e+00 : f32
        %broadcast_in_dim3A_1331 = vector.broadcast %jit3A_1329 : f32 to vector<4x1xf32>
        %broadcast_in_dim3A_1332 = vector.broadcast %jit3A_1330 : f32 to vector<4x1xf32>
        %select_n3A_1333 = arith.select %eq3A_1328, %broadcast_in_dim3A_1331, %broadcast_in_dim3A_1332 : vector<4x1xi1>, vector<4x1xf32>
        %max3A_1334 = arith.maximumf %max3A_1327, %select_n3A_1333 : vector<4x1xf32>
        %eq3A_1335 = arith.cmpi eq, %squeeze3A_1302, %select_n3A_545 : vector<4x1xi32>
        %jit3A_1336 = arith.constant 1.000000e+00 : f32
        %jit3A_1337 = arith.constant 0.000000e+00 : f32
        %broadcast_in_dim3A_1338 = vector.broadcast %jit3A_1336 : f32 to vector<4x1xf32>
        %broadcast_in_dim3A_1339 = vector.broadcast %jit3A_1337 : f32 to vector<4x1xf32>
        %select_n3A_1340 = arith.select %eq3A_1335, %broadcast_in_dim3A_1338, %broadcast_in_dim3A_1339 : vector<4x1xi1>, vector<4x1xf32>
        %max3A_1341 = arith.maximumf %max3A_1334, %select_n3A_1340 : vector<4x1xf32>
        %eq3A_1342 = arith.cmpi eq, %squeeze3A_1302, %select_n3A_629 : vector<4x1xi32>
        %jit3A_1343 = arith.constant 1.000000e+00 : f32
        %jit3A_1344 = arith.constant 0.000000e+00 : f32
        %broadcast_in_dim3A_1345 = vector.broadcast %jit3A_1343 : f32 to vector<4x1xf32>
        %broadcast_in_dim3A_1346 = vector.broadcast %jit3A_1344 : f32 to vector<4x1xf32>
        %select_n3A_1347 = arith.select %eq3A_1342, %broadcast_in_dim3A_1345, %broadcast_in_dim3A_1346 : vector<4x1xi1>, vector<4x1xf32>
        %max3A_1348 = arith.maximumf %max3A_1341, %select_n3A_1347 : vector<4x1xf32>
        %eq3A_1349 = arith.cmpi eq, %squeeze3A_1302, %select_n3A_720 : vector<4x1xi32>
        %jit3A_1350 = arith.constant 1.000000e+00 : f32
        %jit3A_1351 = arith.constant 0.000000e+00 : f32
        %broadcast_in_dim3A_1352 = vector.broadcast %jit3A_1350 : f32 to vector<4x1xf32>
        %broadcast_in_dim3A_1353 = vector.broadcast %jit3A_1351 : f32 to vector<4x1xf32>
        %select_n3A_1354 = arith.select %eq3A_1349, %broadcast_in_dim3A_1352, %broadcast_in_dim3A_1353 : vector<4x1xi1>, vector<4x1xf32>
        %max3A_1355 = arith.maximumf %max3A_1348, %select_n3A_1354 : vector<4x1xf32>
        %eq3A_1356 = arith.cmpi eq, %squeeze3A_1302, %select_n3A_818 : vector<4x1xi32>
        %jit3A_1357 = arith.constant 1.000000e+00 : f32
        %jit3A_1358 = arith.constant 0.000000e+00 : f32
        %broadcast_in_dim3A_1359 = vector.broadcast %jit3A_1357 : f32 to vector<4x1xf32>
        %broadcast_in_dim3A_1360 = vector.broadcast %jit3A_1358 : f32 to vector<4x1xf32>
        %select_n3A_1361 = arith.select %eq3A_1356, %broadcast_in_dim3A_1359, %broadcast_in_dim3A_1360 : vector<4x1xi1>, vector<4x1xf32>
        %max3A_1362 = arith.maximumf %max3A_1355, %select_n3A_1361 : vector<4x1xf32>
        %eq3A_1363 = arith.cmpi eq, %squeeze3A_1302, %select_n3A_923 : vector<4x1xi32>
        %jit3A_1364 = arith.constant 1.000000e+00 : f32
        %jit3A_1365 = arith.constant 0.000000e+00 : f32
        %broadcast_in_dim3A_1366 = vector.broadcast %jit3A_1364 : f32 to vector<4x1xf32>
        %broadcast_in_dim3A_1367 = vector.broadcast %jit3A_1365 : f32 to vector<4x1xf32>
        %select_n3A_1368 = arith.select %eq3A_1363, %broadcast_in_dim3A_1366, %broadcast_in_dim3A_1367 : vector<4x1xi1>, vector<4x1xf32>
        %max3A_1369 = arith.maximumf %max3A_1362, %select_n3A_1368 : vector<4x1xf32>
        %eq3A_1370 = arith.cmpi eq, %squeeze3A_1302, %select_n3A_1035 : vector<4x1xi32>
        %jit3A_1371 = arith.constant 1.000000e+00 : f32
        %jit3A_1372 = arith.constant 0.000000e+00 : f32
        %broadcast_in_dim3A_1373 = vector.broadcast %jit3A_1371 : f32 to vector<4x1xf32>
        %broadcast_in_dim3A_1374 = vector.broadcast %jit3A_1372 : f32 to vector<4x1xf32>
        %select_n3A_1375 = arith.select %eq3A_1370, %broadcast_in_dim3A_1373, %broadcast_in_dim3A_1374 : vector<4x1xi1>, vector<4x1xf32>
        %max3A_1376 = arith.maximumf %max3A_1369, %select_n3A_1375 : vector<4x1xf32>
        %eq3A_1377 = arith.cmpi eq, %squeeze3A_1302, %select_n3A_1154 : vector<4x1xi32>
        %jit3A_1378 = arith.constant 1.000000e+00 : f32
        %jit3A_1379 = arith.constant 0.000000e+00 : f32
        %broadcast_in_dim3A_1380 = vector.broadcast %jit3A_1378 : f32 to vector<4x1xf32>
        %broadcast_in_dim3A_1381 = vector.broadcast %jit3A_1379 : f32 to vector<4x1xf32>
        %select_n3A_1382 = arith.select %eq3A_1377, %broadcast_in_dim3A_1380, %broadcast_in_dim3A_1381 : vector<4x1xi1>, vector<4x1xf32>
        %max3A_1383 = arith.maximumf %max3A_1376, %select_n3A_1382 : vector<4x1xf32>
        %eq3A_1384 = arith.cmpi eq, %squeeze3A_1302, %select_n3A_1280 : vector<4x1xi32>
        %jit3A_1385 = arith.constant 1.000000e+00 : f32
        %jit3A_1386 = arith.constant 0.000000e+00 : f32
        %broadcast_in_dim3A_1387 = vector.broadcast %jit3A_1385 : f32 to vector<4x1xf32>
        %broadcast_in_dim3A_1388 = vector.broadcast %jit3A_1386 : f32 to vector<4x1xf32>
        %select_n3A_1389 = arith.select %eq3A_1384, %broadcast_in_dim3A_1387, %broadcast_in_dim3A_1388 : vector<4x1xi1>, vector<4x1xf32>
        %max3A_1390 = arith.maximumf %max3A_1383, %select_n3A_1389 : vector<4x1xf32>
        %mul3A_1391 = arith.mulf %max3A_1390, %squeeze3A_1304 : vector<4x1xf32>
        %reduce_max3A_1392 = vector.shape_cast %mul3A_1391 : vector<4x1xf32> to vector<1x4x1xf32>
        %reduce_max3A_1393 = arith.constant dense<0xFF800000> : vector<1xf32>
        %reduce_max3A_1394 = vector.multi_reduction <maximumf>, %reduce_max3A_1392, %reduce_max3A_1393 [1, 2] : vector<1x4x1xf32> to vector<1xf32>
        %reduce_max3A_1395 = vector.shape_cast %reduce_max3A_1394 : vector<1xf32> to vector<1x1x1xf32>
        %reduce_max3A_1396 = vector.extract %reduce_max3A_1395[0, 0, 0] : f32 from vector<1x1x1xf32>
        %gt3A_1397 = arith.constant 0.000000e+00 : f32
        %gt3A_1398 = arith.cmpf ogt, %reduce_max3A_1396, %gt3A_1397 : f32
        %convert_element_type3A_1399 = arith.extui %gt3A_1398 : i1 to i32
        %cond3A_1400 = arith.constant 0 : i32
        %cond3A_1401 = arith.cmpi ne, %convert_element_type3A_1399, %cond3A_1400 : i32
        %cond3A_1402:2 = scf.if %cond3A_1401 -> (vector<4x1xi32>, vector<4x1xf32>) {
          %add3A_2561 = arith.constant 12 : i32
          %add3A_2562 = arith.addi %mul3A_221, %add3A_2561 : i32
          %get3A_2563 = arith.index_cast %add3A_2562 : i32 to index
          %get3A_2564 = arith.constant 0 : index
          %get3A_2565 = arith.constant 0 : index
          %get3A_2566 = vector.load %arg8[%get3A_2563, %get3A_2564, %get3A_2565] : memref<300x4x1024xf32, #tpu.memory_space<vmem>>, vector<1x4x1024xf32>
          %reshape3A = vector.shape_cast %get3A_2566 : vector<1x4x1024xf32> to vector<4x1024xf32>
          %gt3A_2567 = arith.constant 0.000000e+00 : f32
          %gt3A_2568 = vector.broadcast %gt3A_2567 : f32 to vector<4x1024xf32>
          %gt3A_2569 = arith.cmpf ogt, %select_n3A_1286, %gt3A_2568 : vector<4x1024xf32>
          %jit3A_2570 = arith.constant 0x7F800000 : f32
          %broadcast_in_dim3A_2571 = vector.broadcast %jit3A_2570 : f32 to vector<4x1024xf32>
          %select_n3A_2572 = arith.select %gt3A_2569, %broadcast_in_dim3A_2571, %reshape3A : vector<4x1024xi1>, vector<4x1024xf32>
          %reduce_min3A_2573 = arith.constant dense<0x7F800000> : vector<4xf32>
          %reduce_min3A_2574 = vector.multi_reduction <minimumf>, %select_n3A_2572, %reduce_min3A_2573 [1] : vector<4x1024xf32> to vector<4xf32>
          %broadcast_in_dim3A_2575 = vector.shape_cast %reduce_min3A_2574 : vector<4xf32> to vector<4x1xf32>
          %lt3A_2576 = arith.constant 1.200000e+01 : f32
          %lt3A_2577 = vector.broadcast %lt3A_2576 : f32 to vector<4x1xf32>
          %lt3A_2578 = arith.cmpf olt, %broadcast_in_dim3A_2575, %lt3A_2577 : vector<4x1xf32>
          %eq3A_2579 = vector.broadcast %broadcast_in_dim3A_2575 : vector<4x1xf32> to vector<4x1024xf32>
          %eq3A_2580 = arith.cmpf oeq, %select_n3A_2572, %eq3A_2579 : vector<4x1024xf32>
          %and3A_2581 = vector.broadcast %lt3A_2578 : vector<4x1xi1> to vector<4x1024xi1>
          %and3A_2582 = arith.andi %eq3A_2580, %and3A_2581 : vector<4x1024xi1>
          %jit3A_2583 = arith.constant 1024 : i32
          %broadcast_in_dim3A_2584 = vector.shape_cast %iota3A : vector<1x1024xi32> to vector<1x1024xi32>
          %broadcast_in_dim3A_2585 = vector.broadcast %broadcast_in_dim3A_2584 : vector<1x1024xi32> to vector<4x1024xi32>
          %broadcast_in_dim3A_2586 = vector.broadcast %jit3A_2583 : i32 to vector<4x1024xi32>
          %select_n3A_2587 = arith.select %and3A_2582, %broadcast_in_dim3A_2585, %broadcast_in_dim3A_2586 : vector<4x1024xi1>, vector<4x1024xi32>
          %reduce_min3A_2588 = arith.constant dense<2147483647> : vector<4xi32>
          %reduce_min3A_2589 = vector.multi_reduction <minsi>, %select_n3A_2587, %reduce_min3A_2588 [1] : vector<4x1024xi32> to vector<4xi32>
          %broadcast_in_dim3A_2590 = vector.shape_cast %reduce_min3A_2589 : vector<4xi32> to vector<4x1xi32>
          %jit3A_2591 = arith.constant 1.000000e+00 : f32
          %jit3A_2592 = arith.constant 0.000000e+00 : f32
          %broadcast_in_dim3A_2593 = vector.broadcast %jit3A_2591 : f32 to vector<4x1xf32>
          %broadcast_in_dim3A_2594 = vector.broadcast %jit3A_2592 : f32 to vector<4x1xf32>
          %select_n3A_2595 = arith.select %lt3A_2578, %broadcast_in_dim3A_2593, %broadcast_in_dim3A_2594 : vector<4x1xi1>, vector<4x1xf32>
          scf.yield %broadcast_in_dim3A_2590, %select_n3A_2595 : vector<4x1xi32>, vector<4x1xf32>
        } else {
          scf.yield %squeeze3A_1302, %squeeze3A_1304 : vector<4x1xi32>, vector<4x1xf32>
        }
        %gt3A_1403 = arith.constant 0.000000e+00 : f32
        %gt3A_1404 = vector.broadcast %gt3A_1403 : f32 to vector<4x1xf32>
        %gt3A_1405 = arith.cmpf ogt, %mul3A_1391, %gt3A_1404 : vector<4x1xf32>
        %select_n3A_1406 = arith.select %gt3A_1405, %cond3A_1402#0, %squeeze3A_1302 : vector<4x1xi1>, vector<4x1xi32>
        %select_n3A_1407 = arith.select %gt3A_1405, %cond3A_1402#1, %squeeze3A_1304 : vector<4x1xi1>, vector<4x1xf32>
        %gt3A_1408 = arith.constant 0.000000e+00 : f32
        %gt3A_1409 = vector.broadcast %gt3A_1408 : f32 to vector<4x1xf32>
        %gt3A_1410 = arith.cmpf ogt, %select_n3A_1407, %gt3A_1409 : vector<4x1xf32>
        %jit3A_1411 = arith.constant 1024 : i32
        %broadcast_in_dim3A_1412 = vector.broadcast %jit3A_1411 : i32 to vector<4x1xi32>
        %select_n3A_1413 = arith.select %gt3A_1410, %select_n3A_1406, %broadcast_in_dim3A_1412 : vector<4x1xi1>, vector<4x1xi32>
        %eq3A_1414 = vector.broadcast %iota3A : vector<1x1024xi32> to vector<4x1024xi32>
        %eq3A_1415 = vector.broadcast %select_n3A_1413 : vector<4x1xi32> to vector<4x1024xi32>
        %eq3A_1416 = arith.cmpi eq, %eq3A_1414, %eq3A_1415 : vector<4x1024xi32>
        %jit3A_1417 = arith.constant 1.000000e+00 : f32
        %broadcast_in_dim3A_1418 = vector.broadcast %jit3A_1417 : f32 to vector<4x1024xf32>
        %select_n3A_1419 = arith.select %eq3A_1416, %broadcast_in_dim3A_1418, %select_n3A_1286 : vector<4x1024xi1>, vector<4x1024xf32>
        %add3A_1420 = arith.constant 12 : i32
        %add3A_1421 = arith.addi %mul3A_221, %add3A_1420 : i32
        %eq3A_1422 = vector.broadcast %add3A_1421 : i32 to vector<1x384xi32>
        %eq3A_1423 = arith.cmpi eq, %iota3A_0, %eq3A_1422 : vector<1x384xi32>
        %gt3A_1424 = arith.constant 0.000000e+00 : f32
        %gt3A_1425 = vector.broadcast %gt3A_1424 : f32 to vector<4x1xf32>
        %gt3A_1426 = arith.cmpf ogt, %select_n3A_1407, %gt3A_1425 : vector<4x1xf32>
        %and3A_1427 = vector.broadcast %eq3A_1423 : vector<1x384xi1> to vector<4x384xi1>
        %and3A_1428 = vector.broadcast %gt3A_1426 : vector<4x1xi1> to vector<4x384xi1>
        %and3A_1429 = arith.andi %and3A_1427, %and3A_1428 : vector<4x384xi1>
        %convert_element_type3A_1430 = arith.sitofp %select_n3A_1413 : vector<4x1xi32> to vector<4x1xf32>
        %broadcast_in_dim3A_1431 = vector.shape_cast %convert_element_type3A_1430 : vector<4x1xf32> to vector<4x1xf32>
        %broadcast_in_dim3A_1432 = vector.broadcast %broadcast_in_dim3A_1431 : vector<4x1xf32> to vector<4x384xf32>
        %select_n3A_1433 = arith.select %and3A_1429, %broadcast_in_dim3A_1432, %select_n3A_1300 : vector<4x384xi1>, vector<4x384xf32>
        %slice3A_1434 = vector.extract_strided_slice %broadcast_in_dim3A_248 {offsets = [13, 0, 0], sizes = [1, 4, 1], strides = [1, 1, 1]} : vector<20x4x1xi32> to vector<1x4x1xi32>
        %squeeze3A_1435 = vector.shape_cast %slice3A_1434 : vector<1x4x1xi32> to vector<4x1xi32>
        %slice3A_1436 = vector.extract_strided_slice %select_n3A_253 {offsets = [13, 0, 0], sizes = [1, 4, 1], strides = [1, 1, 1]} : vector<20x4x1xf32> to vector<1x4x1xf32>
        %squeeze3A_1437 = vector.shape_cast %slice3A_1436 : vector<1x4x1xf32> to vector<4x1xf32>
        %broadcast_in_dim3A_1438 = arith.constant 0.000000e+00 : f32
        %broadcast_in_dim3A_1439 = vector.broadcast %broadcast_in_dim3A_1438 : f32 to vector<4x1xf32>
        %eq3A_1440 = arith.cmpi eq, %squeeze3A_1435, %select_n3A_280 : vector<4x1xi32>
        %jit3A_1441 = arith.constant 1.000000e+00 : f32
        %jit3A_1442 = arith.constant 0.000000e+00 : f32
        %broadcast_in_dim3A_1443 = vector.broadcast %jit3A_1441 : f32 to vector<4x1xf32>
        %broadcast_in_dim3A_1444 = vector.broadcast %jit3A_1442 : f32 to vector<4x1xf32>
        %select_n3A_1445 = arith.select %eq3A_1440, %broadcast_in_dim3A_1443, %broadcast_in_dim3A_1444 : vector<4x1xi1>, vector<4x1xf32>
        %max3A_1446 = arith.maximumf %broadcast_in_dim3A_1439, %select_n3A_1445 : vector<4x1xf32>
        %eq3A_1447 = arith.cmpi eq, %squeeze3A_1435, %select_n3A_335 : vector<4x1xi32>
        %jit3A_1448 = arith.constant 1.000000e+00 : f32
        %jit3A_1449 = arith.constant 0.000000e+00 : f32
        %broadcast_in_dim3A_1450 = vector.broadcast %jit3A_1448 : f32 to vector<4x1xf32>
        %broadcast_in_dim3A_1451 = vector.broadcast %jit3A_1449 : f32 to vector<4x1xf32>
        %select_n3A_1452 = arith.select %eq3A_1447, %broadcast_in_dim3A_1450, %broadcast_in_dim3A_1451 : vector<4x1xi1>, vector<4x1xf32>
        %max3A_1453 = arith.maximumf %max3A_1446, %select_n3A_1452 : vector<4x1xf32>
        %eq3A_1454 = arith.cmpi eq, %squeeze3A_1435, %select_n3A_398 : vector<4x1xi32>
        %jit3A_1455 = arith.constant 1.000000e+00 : f32
        %jit3A_1456 = arith.constant 0.000000e+00 : f32
        %broadcast_in_dim3A_1457 = vector.broadcast %jit3A_1455 : f32 to vector<4x1xf32>
        %broadcast_in_dim3A_1458 = vector.broadcast %jit3A_1456 : f32 to vector<4x1xf32>
        %select_n3A_1459 = arith.select %eq3A_1454, %broadcast_in_dim3A_1457, %broadcast_in_dim3A_1458 : vector<4x1xi1>, vector<4x1xf32>
        %max3A_1460 = arith.maximumf %max3A_1453, %select_n3A_1459 : vector<4x1xf32>
        %eq3A_1461 = arith.cmpi eq, %squeeze3A_1435, %select_n3A_468 : vector<4x1xi32>
        %jit3A_1462 = arith.constant 1.000000e+00 : f32
        %jit3A_1463 = arith.constant 0.000000e+00 : f32
        %broadcast_in_dim3A_1464 = vector.broadcast %jit3A_1462 : f32 to vector<4x1xf32>
        %broadcast_in_dim3A_1465 = vector.broadcast %jit3A_1463 : f32 to vector<4x1xf32>
        %select_n3A_1466 = arith.select %eq3A_1461, %broadcast_in_dim3A_1464, %broadcast_in_dim3A_1465 : vector<4x1xi1>, vector<4x1xf32>
        %max3A_1467 = arith.maximumf %max3A_1460, %select_n3A_1466 : vector<4x1xf32>
        %eq3A_1468 = arith.cmpi eq, %squeeze3A_1435, %select_n3A_545 : vector<4x1xi32>
        %jit3A_1469 = arith.constant 1.000000e+00 : f32
        %jit3A_1470 = arith.constant 0.000000e+00 : f32
        %broadcast_in_dim3A_1471 = vector.broadcast %jit3A_1469 : f32 to vector<4x1xf32>
        %broadcast_in_dim3A_1472 = vector.broadcast %jit3A_1470 : f32 to vector<4x1xf32>
        %select_n3A_1473 = arith.select %eq3A_1468, %broadcast_in_dim3A_1471, %broadcast_in_dim3A_1472 : vector<4x1xi1>, vector<4x1xf32>
        %max3A_1474 = arith.maximumf %max3A_1467, %select_n3A_1473 : vector<4x1xf32>
        %eq3A_1475 = arith.cmpi eq, %squeeze3A_1435, %select_n3A_629 : vector<4x1xi32>
        %jit3A_1476 = arith.constant 1.000000e+00 : f32
        %jit3A_1477 = arith.constant 0.000000e+00 : f32
        %broadcast_in_dim3A_1478 = vector.broadcast %jit3A_1476 : f32 to vector<4x1xf32>
        %broadcast_in_dim3A_1479 = vector.broadcast %jit3A_1477 : f32 to vector<4x1xf32>
        %select_n3A_1480 = arith.select %eq3A_1475, %broadcast_in_dim3A_1478, %broadcast_in_dim3A_1479 : vector<4x1xi1>, vector<4x1xf32>
        %max3A_1481 = arith.maximumf %max3A_1474, %select_n3A_1480 : vector<4x1xf32>
        %eq3A_1482 = arith.cmpi eq, %squeeze3A_1435, %select_n3A_720 : vector<4x1xi32>
        %jit3A_1483 = arith.constant 1.000000e+00 : f32
        %jit3A_1484 = arith.constant 0.000000e+00 : f32
        %broadcast_in_dim3A_1485 = vector.broadcast %jit3A_1483 : f32 to vector<4x1xf32>
        %broadcast_in_dim3A_1486 = vector.broadcast %jit3A_1484 : f32 to vector<4x1xf32>
        %select_n3A_1487 = arith.select %eq3A_1482, %broadcast_in_dim3A_1485, %broadcast_in_dim3A_1486 : vector<4x1xi1>, vector<4x1xf32>
        %max3A_1488 = arith.maximumf %max3A_1481, %select_n3A_1487 : vector<4x1xf32>
        %eq3A_1489 = arith.cmpi eq, %squeeze3A_1435, %select_n3A_818 : vector<4x1xi32>
        %jit3A_1490 = arith.constant 1.000000e+00 : f32
        %jit3A_1491 = arith.constant 0.000000e+00 : f32
        %broadcast_in_dim3A_1492 = vector.broadcast %jit3A_1490 : f32 to vector<4x1xf32>
        %broadcast_in_dim3A_1493 = vector.broadcast %jit3A_1491 : f32 to vector<4x1xf32>
        %select_n3A_1494 = arith.select %eq3A_1489, %broadcast_in_dim3A_1492, %broadcast_in_dim3A_1493 : vector<4x1xi1>, vector<4x1xf32>
        %max3A_1495 = arith.maximumf %max3A_1488, %select_n3A_1494 : vector<4x1xf32>
        %eq3A_1496 = arith.cmpi eq, %squeeze3A_1435, %select_n3A_923 : vector<4x1xi32>
        %jit3A_1497 = arith.constant 1.000000e+00 : f32
        %jit3A_1498 = arith.constant 0.000000e+00 : f32
        %broadcast_in_dim3A_1499 = vector.broadcast %jit3A_1497 : f32 to vector<4x1xf32>
        %broadcast_in_dim3A_1500 = vector.broadcast %jit3A_1498 : f32 to vector<4x1xf32>
        %select_n3A_1501 = arith.select %eq3A_1496, %broadcast_in_dim3A_1499, %broadcast_in_dim3A_1500 : vector<4x1xi1>, vector<4x1xf32>
        %max3A_1502 = arith.maximumf %max3A_1495, %select_n3A_1501 : vector<4x1xf32>
        %eq3A_1503 = arith.cmpi eq, %squeeze3A_1435, %select_n3A_1035 : vector<4x1xi32>
        %jit3A_1504 = arith.constant 1.000000e+00 : f32
        %jit3A_1505 = arith.constant 0.000000e+00 : f32
        %broadcast_in_dim3A_1506 = vector.broadcast %jit3A_1504 : f32 to vector<4x1xf32>
        %broadcast_in_dim3A_1507 = vector.broadcast %jit3A_1505 : f32 to vector<4x1xf32>
        %select_n3A_1508 = arith.select %eq3A_1503, %broadcast_in_dim3A_1506, %broadcast_in_dim3A_1507 : vector<4x1xi1>, vector<4x1xf32>
        %max3A_1509 = arith.maximumf %max3A_1502, %select_n3A_1508 : vector<4x1xf32>
        %eq3A_1510 = arith.cmpi eq, %squeeze3A_1435, %select_n3A_1154 : vector<4x1xi32>
        %jit3A_1511 = arith.constant 1.000000e+00 : f32
        %jit3A_1512 = arith.constant 0.000000e+00 : f32
        %broadcast_in_dim3A_1513 = vector.broadcast %jit3A_1511 : f32 to vector<4x1xf32>
        %broadcast_in_dim3A_1514 = vector.broadcast %jit3A_1512 : f32 to vector<4x1xf32>
        %select_n3A_1515 = arith.select %eq3A_1510, %broadcast_in_dim3A_1513, %broadcast_in_dim3A_1514 : vector<4x1xi1>, vector<4x1xf32>
        %max3A_1516 = arith.maximumf %max3A_1509, %select_n3A_1515 : vector<4x1xf32>
        %eq3A_1517 = arith.cmpi eq, %squeeze3A_1435, %select_n3A_1280 : vector<4x1xi32>
        %jit3A_1518 = arith.constant 1.000000e+00 : f32
        %jit3A_1519 = arith.constant 0.000000e+00 : f32
        %broadcast_in_dim3A_1520 = vector.broadcast %jit3A_1518 : f32 to vector<4x1xf32>
        %broadcast_in_dim3A_1521 = vector.broadcast %jit3A_1519 : f32 to vector<4x1xf32>
        %select_n3A_1522 = arith.select %eq3A_1517, %broadcast_in_dim3A_1520, %broadcast_in_dim3A_1521 : vector<4x1xi1>, vector<4x1xf32>
        %max3A_1523 = arith.maximumf %max3A_1516, %select_n3A_1522 : vector<4x1xf32>
        %eq3A_1524 = arith.cmpi eq, %squeeze3A_1435, %select_n3A_1413 : vector<4x1xi32>
        %jit3A_1525 = arith.constant 1.000000e+00 : f32
        %jit3A_1526 = arith.constant 0.000000e+00 : f32
        %broadcast_in_dim3A_1527 = vector.broadcast %jit3A_1525 : f32 to vector<4x1xf32>
        %broadcast_in_dim3A_1528 = vector.broadcast %jit3A_1526 : f32 to vector<4x1xf32>
        %select_n3A_1529 = arith.select %eq3A_1524, %broadcast_in_dim3A_1527, %broadcast_in_dim3A_1528 : vector<4x1xi1>, vector<4x1xf32>
        %max3A_1530 = arith.maximumf %max3A_1523, %select_n3A_1529 : vector<4x1xf32>
        %mul3A_1531 = arith.mulf %max3A_1530, %squeeze3A_1437 : vector<4x1xf32>
        %reduce_max3A_1532 = vector.shape_cast %mul3A_1531 : vector<4x1xf32> to vector<1x4x1xf32>
        %reduce_max3A_1533 = arith.constant dense<0xFF800000> : vector<1xf32>
        %reduce_max3A_1534 = vector.multi_reduction <maximumf>, %reduce_max3A_1532, %reduce_max3A_1533 [1, 2] : vector<1x4x1xf32> to vector<1xf32>
        %reduce_max3A_1535 = vector.shape_cast %reduce_max3A_1534 : vector<1xf32> to vector<1x1x1xf32>
        %reduce_max3A_1536 = vector.extract %reduce_max3A_1535[0, 0, 0] : f32 from vector<1x1x1xf32>
        %gt3A_1537 = arith.constant 0.000000e+00 : f32
        %gt3A_1538 = arith.cmpf ogt, %reduce_max3A_1536, %gt3A_1537 : f32
        %convert_element_type3A_1539 = arith.extui %gt3A_1538 : i1 to i32
        %cond3A_1540 = arith.constant 0 : i32
        %cond3A_1541 = arith.cmpi ne, %convert_element_type3A_1539, %cond3A_1540 : i32
        %cond3A_1542:2 = scf.if %cond3A_1541 -> (vector<4x1xi32>, vector<4x1xf32>) {
          %add3A_2561 = arith.constant 13 : i32
          %add3A_2562 = arith.addi %mul3A_221, %add3A_2561 : i32
          %get3A_2563 = arith.index_cast %add3A_2562 : i32 to index
          %get3A_2564 = arith.constant 0 : index
          %get3A_2565 = arith.constant 0 : index
          %get3A_2566 = vector.load %arg8[%get3A_2563, %get3A_2564, %get3A_2565] : memref<300x4x1024xf32, #tpu.memory_space<vmem>>, vector<1x4x1024xf32>
          %reshape3A = vector.shape_cast %get3A_2566 : vector<1x4x1024xf32> to vector<4x1024xf32>
          %gt3A_2567 = arith.constant 0.000000e+00 : f32
          %gt3A_2568 = vector.broadcast %gt3A_2567 : f32 to vector<4x1024xf32>
          %gt3A_2569 = arith.cmpf ogt, %select_n3A_1419, %gt3A_2568 : vector<4x1024xf32>
          %jit3A_2570 = arith.constant 0x7F800000 : f32
          %broadcast_in_dim3A_2571 = vector.broadcast %jit3A_2570 : f32 to vector<4x1024xf32>
          %select_n3A_2572 = arith.select %gt3A_2569, %broadcast_in_dim3A_2571, %reshape3A : vector<4x1024xi1>, vector<4x1024xf32>
          %reduce_min3A_2573 = arith.constant dense<0x7F800000> : vector<4xf32>
          %reduce_min3A_2574 = vector.multi_reduction <minimumf>, %select_n3A_2572, %reduce_min3A_2573 [1] : vector<4x1024xf32> to vector<4xf32>
          %broadcast_in_dim3A_2575 = vector.shape_cast %reduce_min3A_2574 : vector<4xf32> to vector<4x1xf32>
          %lt3A_2576 = arith.constant 1.200000e+01 : f32
          %lt3A_2577 = vector.broadcast %lt3A_2576 : f32 to vector<4x1xf32>
          %lt3A_2578 = arith.cmpf olt, %broadcast_in_dim3A_2575, %lt3A_2577 : vector<4x1xf32>
          %eq3A_2579 = vector.broadcast %broadcast_in_dim3A_2575 : vector<4x1xf32> to vector<4x1024xf32>
          %eq3A_2580 = arith.cmpf oeq, %select_n3A_2572, %eq3A_2579 : vector<4x1024xf32>
          %and3A_2581 = vector.broadcast %lt3A_2578 : vector<4x1xi1> to vector<4x1024xi1>
          %and3A_2582 = arith.andi %eq3A_2580, %and3A_2581 : vector<4x1024xi1>
          %jit3A_2583 = arith.constant 1024 : i32
          %broadcast_in_dim3A_2584 = vector.shape_cast %iota3A : vector<1x1024xi32> to vector<1x1024xi32>
          %broadcast_in_dim3A_2585 = vector.broadcast %broadcast_in_dim3A_2584 : vector<1x1024xi32> to vector<4x1024xi32>
          %broadcast_in_dim3A_2586 = vector.broadcast %jit3A_2583 : i32 to vector<4x1024xi32>
          %select_n3A_2587 = arith.select %and3A_2582, %broadcast_in_dim3A_2585, %broadcast_in_dim3A_2586 : vector<4x1024xi1>, vector<4x1024xi32>
          %reduce_min3A_2588 = arith.constant dense<2147483647> : vector<4xi32>
          %reduce_min3A_2589 = vector.multi_reduction <minsi>, %select_n3A_2587, %reduce_min3A_2588 [1] : vector<4x1024xi32> to vector<4xi32>
          %broadcast_in_dim3A_2590 = vector.shape_cast %reduce_min3A_2589 : vector<4xi32> to vector<4x1xi32>
          %jit3A_2591 = arith.constant 1.000000e+00 : f32
          %jit3A_2592 = arith.constant 0.000000e+00 : f32
          %broadcast_in_dim3A_2593 = vector.broadcast %jit3A_2591 : f32 to vector<4x1xf32>
          %broadcast_in_dim3A_2594 = vector.broadcast %jit3A_2592 : f32 to vector<4x1xf32>
          %select_n3A_2595 = arith.select %lt3A_2578, %broadcast_in_dim3A_2593, %broadcast_in_dim3A_2594 : vector<4x1xi1>, vector<4x1xf32>
          scf.yield %broadcast_in_dim3A_2590, %select_n3A_2595 : vector<4x1xi32>, vector<4x1xf32>
        } else {
          scf.yield %squeeze3A_1435, %squeeze3A_1437 : vector<4x1xi32>, vector<4x1xf32>
        }
        %gt3A_1543 = arith.constant 0.000000e+00 : f32
        %gt3A_1544 = vector.broadcast %gt3A_1543 : f32 to vector<4x1xf32>
        %gt3A_1545 = arith.cmpf ogt, %mul3A_1531, %gt3A_1544 : vector<4x1xf32>
        %select_n3A_1546 = arith.select %gt3A_1545, %cond3A_1542#0, %squeeze3A_1435 : vector<4x1xi1>, vector<4x1xi32>
        %select_n3A_1547 = arith.select %gt3A_1545, %cond3A_1542#1, %squeeze3A_1437 : vector<4x1xi1>, vector<4x1xf32>
        %gt3A_1548 = arith.constant 0.000000e+00 : f32
        %gt3A_1549 = vector.broadcast %gt3A_1548 : f32 to vector<4x1xf32>
        %gt3A_1550 = arith.cmpf ogt, %select_n3A_1547, %gt3A_1549 : vector<4x1xf32>
        %jit3A_1551 = arith.constant 1024 : i32
        %broadcast_in_dim3A_1552 = vector.broadcast %jit3A_1551 : i32 to vector<4x1xi32>
        %select_n3A_1553 = arith.select %gt3A_1550, %select_n3A_1546, %broadcast_in_dim3A_1552 : vector<4x1xi1>, vector<4x1xi32>
        %eq3A_1554 = vector.broadcast %iota3A : vector<1x1024xi32> to vector<4x1024xi32>
        %eq3A_1555 = vector.broadcast %select_n3A_1553 : vector<4x1xi32> to vector<4x1024xi32>
        %eq3A_1556 = arith.cmpi eq, %eq3A_1554, %eq3A_1555 : vector<4x1024xi32>
        %jit3A_1557 = arith.constant 1.000000e+00 : f32
        %broadcast_in_dim3A_1558 = vector.broadcast %jit3A_1557 : f32 to vector<4x1024xf32>
        %select_n3A_1559 = arith.select %eq3A_1556, %broadcast_in_dim3A_1558, %select_n3A_1419 : vector<4x1024xi1>, vector<4x1024xf32>
        %add3A_1560 = arith.constant 13 : i32
        %add3A_1561 = arith.addi %mul3A_221, %add3A_1560 : i32
        %eq3A_1562 = vector.broadcast %add3A_1561 : i32 to vector<1x384xi32>
        %eq3A_1563 = arith.cmpi eq, %iota3A_0, %eq3A_1562 : vector<1x384xi32>
        %gt3A_1564 = arith.constant 0.000000e+00 : f32
        %gt3A_1565 = vector.broadcast %gt3A_1564 : f32 to vector<4x1xf32>
        %gt3A_1566 = arith.cmpf ogt, %select_n3A_1547, %gt3A_1565 : vector<4x1xf32>
        %and3A_1567 = vector.broadcast %eq3A_1563 : vector<1x384xi1> to vector<4x384xi1>
        %and3A_1568 = vector.broadcast %gt3A_1566 : vector<4x1xi1> to vector<4x384xi1>
        %and3A_1569 = arith.andi %and3A_1567, %and3A_1568 : vector<4x384xi1>
        %convert_element_type3A_1570 = arith.sitofp %select_n3A_1553 : vector<4x1xi32> to vector<4x1xf32>
        %broadcast_in_dim3A_1571 = vector.shape_cast %convert_element_type3A_1570 : vector<4x1xf32> to vector<4x1xf32>
        %broadcast_in_dim3A_1572 = vector.broadcast %broadcast_in_dim3A_1571 : vector<4x1xf32> to vector<4x384xf32>
        %select_n3A_1573 = arith.select %and3A_1569, %broadcast_in_dim3A_1572, %select_n3A_1433 : vector<4x384xi1>, vector<4x384xf32>
        %slice3A_1574 = vector.extract_strided_slice %broadcast_in_dim3A_248 {offsets = [14, 0, 0], sizes = [1, 4, 1], strides = [1, 1, 1]} : vector<20x4x1xi32> to vector<1x4x1xi32>
        %squeeze3A_1575 = vector.shape_cast %slice3A_1574 : vector<1x4x1xi32> to vector<4x1xi32>
        %slice3A_1576 = vector.extract_strided_slice %select_n3A_253 {offsets = [14, 0, 0], sizes = [1, 4, 1], strides = [1, 1, 1]} : vector<20x4x1xf32> to vector<1x4x1xf32>
        %squeeze3A_1577 = vector.shape_cast %slice3A_1576 : vector<1x4x1xf32> to vector<4x1xf32>
        %broadcast_in_dim3A_1578 = arith.constant 0.000000e+00 : f32
        %broadcast_in_dim3A_1579 = vector.broadcast %broadcast_in_dim3A_1578 : f32 to vector<4x1xf32>
        %eq3A_1580 = arith.cmpi eq, %squeeze3A_1575, %select_n3A_280 : vector<4x1xi32>
        %jit3A_1581 = arith.constant 1.000000e+00 : f32
        %jit3A_1582 = arith.constant 0.000000e+00 : f32
        %broadcast_in_dim3A_1583 = vector.broadcast %jit3A_1581 : f32 to vector<4x1xf32>
        %broadcast_in_dim3A_1584 = vector.broadcast %jit3A_1582 : f32 to vector<4x1xf32>
        %select_n3A_1585 = arith.select %eq3A_1580, %broadcast_in_dim3A_1583, %broadcast_in_dim3A_1584 : vector<4x1xi1>, vector<4x1xf32>
        %max3A_1586 = arith.maximumf %broadcast_in_dim3A_1579, %select_n3A_1585 : vector<4x1xf32>
        %eq3A_1587 = arith.cmpi eq, %squeeze3A_1575, %select_n3A_335 : vector<4x1xi32>
        %jit3A_1588 = arith.constant 1.000000e+00 : f32
        %jit3A_1589 = arith.constant 0.000000e+00 : f32
        %broadcast_in_dim3A_1590 = vector.broadcast %jit3A_1588 : f32 to vector<4x1xf32>
        %broadcast_in_dim3A_1591 = vector.broadcast %jit3A_1589 : f32 to vector<4x1xf32>
        %select_n3A_1592 = arith.select %eq3A_1587, %broadcast_in_dim3A_1590, %broadcast_in_dim3A_1591 : vector<4x1xi1>, vector<4x1xf32>
        %max3A_1593 = arith.maximumf %max3A_1586, %select_n3A_1592 : vector<4x1xf32>
        %eq3A_1594 = arith.cmpi eq, %squeeze3A_1575, %select_n3A_398 : vector<4x1xi32>
        %jit3A_1595 = arith.constant 1.000000e+00 : f32
        %jit3A_1596 = arith.constant 0.000000e+00 : f32
        %broadcast_in_dim3A_1597 = vector.broadcast %jit3A_1595 : f32 to vector<4x1xf32>
        %broadcast_in_dim3A_1598 = vector.broadcast %jit3A_1596 : f32 to vector<4x1xf32>
        %select_n3A_1599 = arith.select %eq3A_1594, %broadcast_in_dim3A_1597, %broadcast_in_dim3A_1598 : vector<4x1xi1>, vector<4x1xf32>
        %max3A_1600 = arith.maximumf %max3A_1593, %select_n3A_1599 : vector<4x1xf32>
        %eq3A_1601 = arith.cmpi eq, %squeeze3A_1575, %select_n3A_468 : vector<4x1xi32>
        %jit3A_1602 = arith.constant 1.000000e+00 : f32
        %jit3A_1603 = arith.constant 0.000000e+00 : f32
        %broadcast_in_dim3A_1604 = vector.broadcast %jit3A_1602 : f32 to vector<4x1xf32>
        %broadcast_in_dim3A_1605 = vector.broadcast %jit3A_1603 : f32 to vector<4x1xf32>
        %select_n3A_1606 = arith.select %eq3A_1601, %broadcast_in_dim3A_1604, %broadcast_in_dim3A_1605 : vector<4x1xi1>, vector<4x1xf32>
        %max3A_1607 = arith.maximumf %max3A_1600, %select_n3A_1606 : vector<4x1xf32>
        %eq3A_1608 = arith.cmpi eq, %squeeze3A_1575, %select_n3A_545 : vector<4x1xi32>
        %jit3A_1609 = arith.constant 1.000000e+00 : f32
        %jit3A_1610 = arith.constant 0.000000e+00 : f32
        %broadcast_in_dim3A_1611 = vector.broadcast %jit3A_1609 : f32 to vector<4x1xf32>
        %broadcast_in_dim3A_1612 = vector.broadcast %jit3A_1610 : f32 to vector<4x1xf32>
        %select_n3A_1613 = arith.select %eq3A_1608, %broadcast_in_dim3A_1611, %broadcast_in_dim3A_1612 : vector<4x1xi1>, vector<4x1xf32>
        %max3A_1614 = arith.maximumf %max3A_1607, %select_n3A_1613 : vector<4x1xf32>
        %eq3A_1615 = arith.cmpi eq, %squeeze3A_1575, %select_n3A_629 : vector<4x1xi32>
        %jit3A_1616 = arith.constant 1.000000e+00 : f32
        %jit3A_1617 = arith.constant 0.000000e+00 : f32
        %broadcast_in_dim3A_1618 = vector.broadcast %jit3A_1616 : f32 to vector<4x1xf32>
        %broadcast_in_dim3A_1619 = vector.broadcast %jit3A_1617 : f32 to vector<4x1xf32>
        %select_n3A_1620 = arith.select %eq3A_1615, %broadcast_in_dim3A_1618, %broadcast_in_dim3A_1619 : vector<4x1xi1>, vector<4x1xf32>
        %max3A_1621 = arith.maximumf %max3A_1614, %select_n3A_1620 : vector<4x1xf32>
        %eq3A_1622 = arith.cmpi eq, %squeeze3A_1575, %select_n3A_720 : vector<4x1xi32>
        %jit3A_1623 = arith.constant 1.000000e+00 : f32
        %jit3A_1624 = arith.constant 0.000000e+00 : f32
        %broadcast_in_dim3A_1625 = vector.broadcast %jit3A_1623 : f32 to vector<4x1xf32>
        %broadcast_in_dim3A_1626 = vector.broadcast %jit3A_1624 : f32 to vector<4x1xf32>
        %select_n3A_1627 = arith.select %eq3A_1622, %broadcast_in_dim3A_1625, %broadcast_in_dim3A_1626 : vector<4x1xi1>, vector<4x1xf32>
        %max3A_1628 = arith.maximumf %max3A_1621, %select_n3A_1627 : vector<4x1xf32>
        %eq3A_1629 = arith.cmpi eq, %squeeze3A_1575, %select_n3A_818 : vector<4x1xi32>
        %jit3A_1630 = arith.constant 1.000000e+00 : f32
        %jit3A_1631 = arith.constant 0.000000e+00 : f32
        %broadcast_in_dim3A_1632 = vector.broadcast %jit3A_1630 : f32 to vector<4x1xf32>
        %broadcast_in_dim3A_1633 = vector.broadcast %jit3A_1631 : f32 to vector<4x1xf32>
        %select_n3A_1634 = arith.select %eq3A_1629, %broadcast_in_dim3A_1632, %broadcast_in_dim3A_1633 : vector<4x1xi1>, vector<4x1xf32>
        %max3A_1635 = arith.maximumf %max3A_1628, %select_n3A_1634 : vector<4x1xf32>
        %eq3A_1636 = arith.cmpi eq, %squeeze3A_1575, %select_n3A_923 : vector<4x1xi32>
        %jit3A_1637 = arith.constant 1.000000e+00 : f32
        %jit3A_1638 = arith.constant 0.000000e+00 : f32
        %broadcast_in_dim3A_1639 = vector.broadcast %jit3A_1637 : f32 to vector<4x1xf32>
        %broadcast_in_dim3A_1640 = vector.broadcast %jit3A_1638 : f32 to vector<4x1xf32>
        %select_n3A_1641 = arith.select %eq3A_1636, %broadcast_in_dim3A_1639, %broadcast_in_dim3A_1640 : vector<4x1xi1>, vector<4x1xf32>
        %max3A_1642 = arith.maximumf %max3A_1635, %select_n3A_1641 : vector<4x1xf32>
        %eq3A_1643 = arith.cmpi eq, %squeeze3A_1575, %select_n3A_1035 : vector<4x1xi32>
        %jit3A_1644 = arith.constant 1.000000e+00 : f32
        %jit3A_1645 = arith.constant 0.000000e+00 : f32
        %broadcast_in_dim3A_1646 = vector.broadcast %jit3A_1644 : f32 to vector<4x1xf32>
        %broadcast_in_dim3A_1647 = vector.broadcast %jit3A_1645 : f32 to vector<4x1xf32>
        %select_n3A_1648 = arith.select %eq3A_1643, %broadcast_in_dim3A_1646, %broadcast_in_dim3A_1647 : vector<4x1xi1>, vector<4x1xf32>
        %max3A_1649 = arith.maximumf %max3A_1642, %select_n3A_1648 : vector<4x1xf32>
        %eq3A_1650 = arith.cmpi eq, %squeeze3A_1575, %select_n3A_1154 : vector<4x1xi32>
        %jit3A_1651 = arith.constant 1.000000e+00 : f32
        %jit3A_1652 = arith.constant 0.000000e+00 : f32
        %broadcast_in_dim3A_1653 = vector.broadcast %jit3A_1651 : f32 to vector<4x1xf32>
        %broadcast_in_dim3A_1654 = vector.broadcast %jit3A_1652 : f32 to vector<4x1xf32>
        %select_n3A_1655 = arith.select %eq3A_1650, %broadcast_in_dim3A_1653, %broadcast_in_dim3A_1654 : vector<4x1xi1>, vector<4x1xf32>
        %max3A_1656 = arith.maximumf %max3A_1649, %select_n3A_1655 : vector<4x1xf32>
        %eq3A_1657 = arith.cmpi eq, %squeeze3A_1575, %select_n3A_1280 : vector<4x1xi32>
        %jit3A_1658 = arith.constant 1.000000e+00 : f32
        %jit3A_1659 = arith.constant 0.000000e+00 : f32
        %broadcast_in_dim3A_1660 = vector.broadcast %jit3A_1658 : f32 to vector<4x1xf32>
        %broadcast_in_dim3A_1661 = vector.broadcast %jit3A_1659 : f32 to vector<4x1xf32>
        %select_n3A_1662 = arith.select %eq3A_1657, %broadcast_in_dim3A_1660, %broadcast_in_dim3A_1661 : vector<4x1xi1>, vector<4x1xf32>
        %max3A_1663 = arith.maximumf %max3A_1656, %select_n3A_1662 : vector<4x1xf32>
        %eq3A_1664 = arith.cmpi eq, %squeeze3A_1575, %select_n3A_1413 : vector<4x1xi32>
        %jit3A_1665 = arith.constant 1.000000e+00 : f32
        %jit3A_1666 = arith.constant 0.000000e+00 : f32
        %broadcast_in_dim3A_1667 = vector.broadcast %jit3A_1665 : f32 to vector<4x1xf32>
        %broadcast_in_dim3A_1668 = vector.broadcast %jit3A_1666 : f32 to vector<4x1xf32>
        %select_n3A_1669 = arith.select %eq3A_1664, %broadcast_in_dim3A_1667, %broadcast_in_dim3A_1668 : vector<4x1xi1>, vector<4x1xf32>
        %max3A_1670 = arith.maximumf %max3A_1663, %select_n3A_1669 : vector<4x1xf32>
        %eq3A_1671 = arith.cmpi eq, %squeeze3A_1575, %select_n3A_1553 : vector<4x1xi32>
        %jit3A_1672 = arith.constant 1.000000e+00 : f32
        %jit3A_1673 = arith.constant 0.000000e+00 : f32
        %broadcast_in_dim3A_1674 = vector.broadcast %jit3A_1672 : f32 to vector<4x1xf32>
        %broadcast_in_dim3A_1675 = vector.broadcast %jit3A_1673 : f32 to vector<4x1xf32>
        %select_n3A_1676 = arith.select %eq3A_1671, %broadcast_in_dim3A_1674, %broadcast_in_dim3A_1675 : vector<4x1xi1>, vector<4x1xf32>
        %max3A_1677 = arith.maximumf %max3A_1670, %select_n3A_1676 : vector<4x1xf32>
        %mul3A_1678 = arith.mulf %max3A_1677, %squeeze3A_1577 : vector<4x1xf32>
        %reduce_max3A_1679 = vector.shape_cast %mul3A_1678 : vector<4x1xf32> to vector<1x4x1xf32>
        %reduce_max3A_1680 = arith.constant dense<0xFF800000> : vector<1xf32>
        %reduce_max3A_1681 = vector.multi_reduction <maximumf>, %reduce_max3A_1679, %reduce_max3A_1680 [1, 2] : vector<1x4x1xf32> to vector<1xf32>
        %reduce_max3A_1682 = vector.shape_cast %reduce_max3A_1681 : vector<1xf32> to vector<1x1x1xf32>
        %reduce_max3A_1683 = vector.extract %reduce_max3A_1682[0, 0, 0] : f32 from vector<1x1x1xf32>
        %gt3A_1684 = arith.constant 0.000000e+00 : f32
        %gt3A_1685 = arith.cmpf ogt, %reduce_max3A_1683, %gt3A_1684 : f32
        %convert_element_type3A_1686 = arith.extui %gt3A_1685 : i1 to i32
        %cond3A_1687 = arith.constant 0 : i32
        %cond3A_1688 = arith.cmpi ne, %convert_element_type3A_1686, %cond3A_1687 : i32
        %cond3A_1689:2 = scf.if %cond3A_1688 -> (vector<4x1xi32>, vector<4x1xf32>) {
          %add3A_2561 = arith.constant 14 : i32
          %add3A_2562 = arith.addi %mul3A_221, %add3A_2561 : i32
          %get3A_2563 = arith.index_cast %add3A_2562 : i32 to index
          %get3A_2564 = arith.constant 0 : index
          %get3A_2565 = arith.constant 0 : index
          %get3A_2566 = vector.load %arg8[%get3A_2563, %get3A_2564, %get3A_2565] : memref<300x4x1024xf32, #tpu.memory_space<vmem>>, vector<1x4x1024xf32>
          %reshape3A = vector.shape_cast %get3A_2566 : vector<1x4x1024xf32> to vector<4x1024xf32>
          %gt3A_2567 = arith.constant 0.000000e+00 : f32
          %gt3A_2568 = vector.broadcast %gt3A_2567 : f32 to vector<4x1024xf32>
          %gt3A_2569 = arith.cmpf ogt, %select_n3A_1559, %gt3A_2568 : vector<4x1024xf32>
          %jit3A_2570 = arith.constant 0x7F800000 : f32
          %broadcast_in_dim3A_2571 = vector.broadcast %jit3A_2570 : f32 to vector<4x1024xf32>
          %select_n3A_2572 = arith.select %gt3A_2569, %broadcast_in_dim3A_2571, %reshape3A : vector<4x1024xi1>, vector<4x1024xf32>
          %reduce_min3A_2573 = arith.constant dense<0x7F800000> : vector<4xf32>
          %reduce_min3A_2574 = vector.multi_reduction <minimumf>, %select_n3A_2572, %reduce_min3A_2573 [1] : vector<4x1024xf32> to vector<4xf32>
          %broadcast_in_dim3A_2575 = vector.shape_cast %reduce_min3A_2574 : vector<4xf32> to vector<4x1xf32>
          %lt3A_2576 = arith.constant 1.200000e+01 : f32
          %lt3A_2577 = vector.broadcast %lt3A_2576 : f32 to vector<4x1xf32>
          %lt3A_2578 = arith.cmpf olt, %broadcast_in_dim3A_2575, %lt3A_2577 : vector<4x1xf32>
          %eq3A_2579 = vector.broadcast %broadcast_in_dim3A_2575 : vector<4x1xf32> to vector<4x1024xf32>
          %eq3A_2580 = arith.cmpf oeq, %select_n3A_2572, %eq3A_2579 : vector<4x1024xf32>
          %and3A_2581 = vector.broadcast %lt3A_2578 : vector<4x1xi1> to vector<4x1024xi1>
          %and3A_2582 = arith.andi %eq3A_2580, %and3A_2581 : vector<4x1024xi1>
          %jit3A_2583 = arith.constant 1024 : i32
          %broadcast_in_dim3A_2584 = vector.shape_cast %iota3A : vector<1x1024xi32> to vector<1x1024xi32>
          %broadcast_in_dim3A_2585 = vector.broadcast %broadcast_in_dim3A_2584 : vector<1x1024xi32> to vector<4x1024xi32>
          %broadcast_in_dim3A_2586 = vector.broadcast %jit3A_2583 : i32 to vector<4x1024xi32>
          %select_n3A_2587 = arith.select %and3A_2582, %broadcast_in_dim3A_2585, %broadcast_in_dim3A_2586 : vector<4x1024xi1>, vector<4x1024xi32>
          %reduce_min3A_2588 = arith.constant dense<2147483647> : vector<4xi32>
          %reduce_min3A_2589 = vector.multi_reduction <minsi>, %select_n3A_2587, %reduce_min3A_2588 [1] : vector<4x1024xi32> to vector<4xi32>
          %broadcast_in_dim3A_2590 = vector.shape_cast %reduce_min3A_2589 : vector<4xi32> to vector<4x1xi32>
          %jit3A_2591 = arith.constant 1.000000e+00 : f32
          %jit3A_2592 = arith.constant 0.000000e+00 : f32
          %broadcast_in_dim3A_2593 = vector.broadcast %jit3A_2591 : f32 to vector<4x1xf32>
          %broadcast_in_dim3A_2594 = vector.broadcast %jit3A_2592 : f32 to vector<4x1xf32>
          %select_n3A_2595 = arith.select %lt3A_2578, %broadcast_in_dim3A_2593, %broadcast_in_dim3A_2594 : vector<4x1xi1>, vector<4x1xf32>
          scf.yield %broadcast_in_dim3A_2590, %select_n3A_2595 : vector<4x1xi32>, vector<4x1xf32>
        } else {
          scf.yield %squeeze3A_1575, %squeeze3A_1577 : vector<4x1xi32>, vector<4x1xf32>
        }
        %gt3A_1690 = arith.constant 0.000000e+00 : f32
        %gt3A_1691 = vector.broadcast %gt3A_1690 : f32 to vector<4x1xf32>
        %gt3A_1692 = arith.cmpf ogt, %mul3A_1678, %gt3A_1691 : vector<4x1xf32>
        %select_n3A_1693 = arith.select %gt3A_1692, %cond3A_1689#0, %squeeze3A_1575 : vector<4x1xi1>, vector<4x1xi32>
        %select_n3A_1694 = arith.select %gt3A_1692, %cond3A_1689#1, %squeeze3A_1577 : vector<4x1xi1>, vector<4x1xf32>
        %gt3A_1695 = arith.constant 0.000000e+00 : f32
        %gt3A_1696 = vector.broadcast %gt3A_1695 : f32 to vector<4x1xf32>
        %gt3A_1697 = arith.cmpf ogt, %select_n3A_1694, %gt3A_1696 : vector<4x1xf32>
        %jit3A_1698 = arith.constant 1024 : i32
        %broadcast_in_dim3A_1699 = vector.broadcast %jit3A_1698 : i32 to vector<4x1xi32>
        %select_n3A_1700 = arith.select %gt3A_1697, %select_n3A_1693, %broadcast_in_dim3A_1699 : vector<4x1xi1>, vector<4x1xi32>
        %eq3A_1701 = vector.broadcast %iota3A : vector<1x1024xi32> to vector<4x1024xi32>
        %eq3A_1702 = vector.broadcast %select_n3A_1700 : vector<4x1xi32> to vector<4x1024xi32>
        %eq3A_1703 = arith.cmpi eq, %eq3A_1701, %eq3A_1702 : vector<4x1024xi32>
        %jit3A_1704 = arith.constant 1.000000e+00 : f32
        %broadcast_in_dim3A_1705 = vector.broadcast %jit3A_1704 : f32 to vector<4x1024xf32>
        %select_n3A_1706 = arith.select %eq3A_1703, %broadcast_in_dim3A_1705, %select_n3A_1559 : vector<4x1024xi1>, vector<4x1024xf32>
        %add3A_1707 = arith.constant 14 : i32
        %add3A_1708 = arith.addi %mul3A_221, %add3A_1707 : i32
        %eq3A_1709 = vector.broadcast %add3A_1708 : i32 to vector<1x384xi32>
        %eq3A_1710 = arith.cmpi eq, %iota3A_0, %eq3A_1709 : vector<1x384xi32>
        %gt3A_1711 = arith.constant 0.000000e+00 : f32
        %gt3A_1712 = vector.broadcast %gt3A_1711 : f32 to vector<4x1xf32>
        %gt3A_1713 = arith.cmpf ogt, %select_n3A_1694, %gt3A_1712 : vector<4x1xf32>
        %and3A_1714 = vector.broadcast %eq3A_1710 : vector<1x384xi1> to vector<4x384xi1>
        %and3A_1715 = vector.broadcast %gt3A_1713 : vector<4x1xi1> to vector<4x384xi1>
        %and3A_1716 = arith.andi %and3A_1714, %and3A_1715 : vector<4x384xi1>
        %convert_element_type3A_1717 = arith.sitofp %select_n3A_1700 : vector<4x1xi32> to vector<4x1xf32>
        %broadcast_in_dim3A_1718 = vector.shape_cast %convert_element_type3A_1717 : vector<4x1xf32> to vector<4x1xf32>
        %broadcast_in_dim3A_1719 = vector.broadcast %broadcast_in_dim3A_1718 : vector<4x1xf32> to vector<4x384xf32>
        %select_n3A_1720 = arith.select %and3A_1716, %broadcast_in_dim3A_1719, %select_n3A_1573 : vector<4x384xi1>, vector<4x384xf32>
        %slice3A_1721 = vector.extract_strided_slice %broadcast_in_dim3A_248 {offsets = [15, 0, 0], sizes = [1, 4, 1], strides = [1, 1, 1]} : vector<20x4x1xi32> to vector<1x4x1xi32>
        %squeeze3A_1722 = vector.shape_cast %slice3A_1721 : vector<1x4x1xi32> to vector<4x1xi32>
        %slice3A_1723 = vector.extract_strided_slice %select_n3A_253 {offsets = [15, 0, 0], sizes = [1, 4, 1], strides = [1, 1, 1]} : vector<20x4x1xf32> to vector<1x4x1xf32>
        %squeeze3A_1724 = vector.shape_cast %slice3A_1723 : vector<1x4x1xf32> to vector<4x1xf32>
        %broadcast_in_dim3A_1725 = arith.constant 0.000000e+00 : f32
        %broadcast_in_dim3A_1726 = vector.broadcast %broadcast_in_dim3A_1725 : f32 to vector<4x1xf32>
        %eq3A_1727 = arith.cmpi eq, %squeeze3A_1722, %select_n3A_280 : vector<4x1xi32>
        %jit3A_1728 = arith.constant 1.000000e+00 : f32
        %jit3A_1729 = arith.constant 0.000000e+00 : f32
        %broadcast_in_dim3A_1730 = vector.broadcast %jit3A_1728 : f32 to vector<4x1xf32>
        %broadcast_in_dim3A_1731 = vector.broadcast %jit3A_1729 : f32 to vector<4x1xf32>
        %select_n3A_1732 = arith.select %eq3A_1727, %broadcast_in_dim3A_1730, %broadcast_in_dim3A_1731 : vector<4x1xi1>, vector<4x1xf32>
        %max3A_1733 = arith.maximumf %broadcast_in_dim3A_1726, %select_n3A_1732 : vector<4x1xf32>
        %eq3A_1734 = arith.cmpi eq, %squeeze3A_1722, %select_n3A_335 : vector<4x1xi32>
        %jit3A_1735 = arith.constant 1.000000e+00 : f32
        %jit3A_1736 = arith.constant 0.000000e+00 : f32
        %broadcast_in_dim3A_1737 = vector.broadcast %jit3A_1735 : f32 to vector<4x1xf32>
        %broadcast_in_dim3A_1738 = vector.broadcast %jit3A_1736 : f32 to vector<4x1xf32>
        %select_n3A_1739 = arith.select %eq3A_1734, %broadcast_in_dim3A_1737, %broadcast_in_dim3A_1738 : vector<4x1xi1>, vector<4x1xf32>
        %max3A_1740 = arith.maximumf %max3A_1733, %select_n3A_1739 : vector<4x1xf32>
        %eq3A_1741 = arith.cmpi eq, %squeeze3A_1722, %select_n3A_398 : vector<4x1xi32>
        %jit3A_1742 = arith.constant 1.000000e+00 : f32
        %jit3A_1743 = arith.constant 0.000000e+00 : f32
        %broadcast_in_dim3A_1744 = vector.broadcast %jit3A_1742 : f32 to vector<4x1xf32>
        %broadcast_in_dim3A_1745 = vector.broadcast %jit3A_1743 : f32 to vector<4x1xf32>
        %select_n3A_1746 = arith.select %eq3A_1741, %broadcast_in_dim3A_1744, %broadcast_in_dim3A_1745 : vector<4x1xi1>, vector<4x1xf32>
        %max3A_1747 = arith.maximumf %max3A_1740, %select_n3A_1746 : vector<4x1xf32>
        %eq3A_1748 = arith.cmpi eq, %squeeze3A_1722, %select_n3A_468 : vector<4x1xi32>
        %jit3A_1749 = arith.constant 1.000000e+00 : f32
        %jit3A_1750 = arith.constant 0.000000e+00 : f32
        %broadcast_in_dim3A_1751 = vector.broadcast %jit3A_1749 : f32 to vector<4x1xf32>
        %broadcast_in_dim3A_1752 = vector.broadcast %jit3A_1750 : f32 to vector<4x1xf32>
        %select_n3A_1753 = arith.select %eq3A_1748, %broadcast_in_dim3A_1751, %broadcast_in_dim3A_1752 : vector<4x1xi1>, vector<4x1xf32>
        %max3A_1754 = arith.maximumf %max3A_1747, %select_n3A_1753 : vector<4x1xf32>
        %eq3A_1755 = arith.cmpi eq, %squeeze3A_1722, %select_n3A_545 : vector<4x1xi32>
        %jit3A_1756 = arith.constant 1.000000e+00 : f32
        %jit3A_1757 = arith.constant 0.000000e+00 : f32
        %broadcast_in_dim3A_1758 = vector.broadcast %jit3A_1756 : f32 to vector<4x1xf32>
        %broadcast_in_dim3A_1759 = vector.broadcast %jit3A_1757 : f32 to vector<4x1xf32>
        %select_n3A_1760 = arith.select %eq3A_1755, %broadcast_in_dim3A_1758, %broadcast_in_dim3A_1759 : vector<4x1xi1>, vector<4x1xf32>
        %max3A_1761 = arith.maximumf %max3A_1754, %select_n3A_1760 : vector<4x1xf32>
        %eq3A_1762 = arith.cmpi eq, %squeeze3A_1722, %select_n3A_629 : vector<4x1xi32>
        %jit3A_1763 = arith.constant 1.000000e+00 : f32
        %jit3A_1764 = arith.constant 0.000000e+00 : f32
        %broadcast_in_dim3A_1765 = vector.broadcast %jit3A_1763 : f32 to vector<4x1xf32>
        %broadcast_in_dim3A_1766 = vector.broadcast %jit3A_1764 : f32 to vector<4x1xf32>
        %select_n3A_1767 = arith.select %eq3A_1762, %broadcast_in_dim3A_1765, %broadcast_in_dim3A_1766 : vector<4x1xi1>, vector<4x1xf32>
        %max3A_1768 = arith.maximumf %max3A_1761, %select_n3A_1767 : vector<4x1xf32>
        %eq3A_1769 = arith.cmpi eq, %squeeze3A_1722, %select_n3A_720 : vector<4x1xi32>
        %jit3A_1770 = arith.constant 1.000000e+00 : f32
        %jit3A_1771 = arith.constant 0.000000e+00 : f32
        %broadcast_in_dim3A_1772 = vector.broadcast %jit3A_1770 : f32 to vector<4x1xf32>
        %broadcast_in_dim3A_1773 = vector.broadcast %jit3A_1771 : f32 to vector<4x1xf32>
        %select_n3A_1774 = arith.select %eq3A_1769, %broadcast_in_dim3A_1772, %broadcast_in_dim3A_1773 : vector<4x1xi1>, vector<4x1xf32>
        %max3A_1775 = arith.maximumf %max3A_1768, %select_n3A_1774 : vector<4x1xf32>
        %eq3A_1776 = arith.cmpi eq, %squeeze3A_1722, %select_n3A_818 : vector<4x1xi32>
        %jit3A_1777 = arith.constant 1.000000e+00 : f32
        %jit3A_1778 = arith.constant 0.000000e+00 : f32
        %broadcast_in_dim3A_1779 = vector.broadcast %jit3A_1777 : f32 to vector<4x1xf32>
        %broadcast_in_dim3A_1780 = vector.broadcast %jit3A_1778 : f32 to vector<4x1xf32>
        %select_n3A_1781 = arith.select %eq3A_1776, %broadcast_in_dim3A_1779, %broadcast_in_dim3A_1780 : vector<4x1xi1>, vector<4x1xf32>
        %max3A_1782 = arith.maximumf %max3A_1775, %select_n3A_1781 : vector<4x1xf32>
        %eq3A_1783 = arith.cmpi eq, %squeeze3A_1722, %select_n3A_923 : vector<4x1xi32>
        %jit3A_1784 = arith.constant 1.000000e+00 : f32
        %jit3A_1785 = arith.constant 0.000000e+00 : f32
        %broadcast_in_dim3A_1786 = vector.broadcast %jit3A_1784 : f32 to vector<4x1xf32>
        %broadcast_in_dim3A_1787 = vector.broadcast %jit3A_1785 : f32 to vector<4x1xf32>
        %select_n3A_1788 = arith.select %eq3A_1783, %broadcast_in_dim3A_1786, %broadcast_in_dim3A_1787 : vector<4x1xi1>, vector<4x1xf32>
        %max3A_1789 = arith.maximumf %max3A_1782, %select_n3A_1788 : vector<4x1xf32>
        %eq3A_1790 = arith.cmpi eq, %squeeze3A_1722, %select_n3A_1035 : vector<4x1xi32>
        %jit3A_1791 = arith.constant 1.000000e+00 : f32
        %jit3A_1792 = arith.constant 0.000000e+00 : f32
        %broadcast_in_dim3A_1793 = vector.broadcast %jit3A_1791 : f32 to vector<4x1xf32>
        %broadcast_in_dim3A_1794 = vector.broadcast %jit3A_1792 : f32 to vector<4x1xf32>
        %select_n3A_1795 = arith.select %eq3A_1790, %broadcast_in_dim3A_1793, %broadcast_in_dim3A_1794 : vector<4x1xi1>, vector<4x1xf32>
        %max3A_1796 = arith.maximumf %max3A_1789, %select_n3A_1795 : vector<4x1xf32>
        %eq3A_1797 = arith.cmpi eq, %squeeze3A_1722, %select_n3A_1154 : vector<4x1xi32>
        %jit3A_1798 = arith.constant 1.000000e+00 : f32
        %jit3A_1799 = arith.constant 0.000000e+00 : f32
        %broadcast_in_dim3A_1800 = vector.broadcast %jit3A_1798 : f32 to vector<4x1xf32>
        %broadcast_in_dim3A_1801 = vector.broadcast %jit3A_1799 : f32 to vector<4x1xf32>
        %select_n3A_1802 = arith.select %eq3A_1797, %broadcast_in_dim3A_1800, %broadcast_in_dim3A_1801 : vector<4x1xi1>, vector<4x1xf32>
        %max3A_1803 = arith.maximumf %max3A_1796, %select_n3A_1802 : vector<4x1xf32>
        %eq3A_1804 = arith.cmpi eq, %squeeze3A_1722, %select_n3A_1280 : vector<4x1xi32>
        %jit3A_1805 = arith.constant 1.000000e+00 : f32
        %jit3A_1806 = arith.constant 0.000000e+00 : f32
        %broadcast_in_dim3A_1807 = vector.broadcast %jit3A_1805 : f32 to vector<4x1xf32>
        %broadcast_in_dim3A_1808 = vector.broadcast %jit3A_1806 : f32 to vector<4x1xf32>
        %select_n3A_1809 = arith.select %eq3A_1804, %broadcast_in_dim3A_1807, %broadcast_in_dim3A_1808 : vector<4x1xi1>, vector<4x1xf32>
        %max3A_1810 = arith.maximumf %max3A_1803, %select_n3A_1809 : vector<4x1xf32>
        %eq3A_1811 = arith.cmpi eq, %squeeze3A_1722, %select_n3A_1413 : vector<4x1xi32>
        %jit3A_1812 = arith.constant 1.000000e+00 : f32
        %jit3A_1813 = arith.constant 0.000000e+00 : f32
        %broadcast_in_dim3A_1814 = vector.broadcast %jit3A_1812 : f32 to vector<4x1xf32>
        %broadcast_in_dim3A_1815 = vector.broadcast %jit3A_1813 : f32 to vector<4x1xf32>
        %select_n3A_1816 = arith.select %eq3A_1811, %broadcast_in_dim3A_1814, %broadcast_in_dim3A_1815 : vector<4x1xi1>, vector<4x1xf32>
        %max3A_1817 = arith.maximumf %max3A_1810, %select_n3A_1816 : vector<4x1xf32>
        %eq3A_1818 = arith.cmpi eq, %squeeze3A_1722, %select_n3A_1553 : vector<4x1xi32>
        %jit3A_1819 = arith.constant 1.000000e+00 : f32
        %jit3A_1820 = arith.constant 0.000000e+00 : f32
        %broadcast_in_dim3A_1821 = vector.broadcast %jit3A_1819 : f32 to vector<4x1xf32>
        %broadcast_in_dim3A_1822 = vector.broadcast %jit3A_1820 : f32 to vector<4x1xf32>
        %select_n3A_1823 = arith.select %eq3A_1818, %broadcast_in_dim3A_1821, %broadcast_in_dim3A_1822 : vector<4x1xi1>, vector<4x1xf32>
        %max3A_1824 = arith.maximumf %max3A_1817, %select_n3A_1823 : vector<4x1xf32>
        %eq3A_1825 = arith.cmpi eq, %squeeze3A_1722, %select_n3A_1700 : vector<4x1xi32>
        %jit3A_1826 = arith.constant 1.000000e+00 : f32
        %jit3A_1827 = arith.constant 0.000000e+00 : f32
        %broadcast_in_dim3A_1828 = vector.broadcast %jit3A_1826 : f32 to vector<4x1xf32>
        %broadcast_in_dim3A_1829 = vector.broadcast %jit3A_1827 : f32 to vector<4x1xf32>
        %select_n3A_1830 = arith.select %eq3A_1825, %broadcast_in_dim3A_1828, %broadcast_in_dim3A_1829 : vector<4x1xi1>, vector<4x1xf32>
        %max3A_1831 = arith.maximumf %max3A_1824, %select_n3A_1830 : vector<4x1xf32>
        %mul3A_1832 = arith.mulf %max3A_1831, %squeeze3A_1724 : vector<4x1xf32>
        %reduce_max3A_1833 = vector.shape_cast %mul3A_1832 : vector<4x1xf32> to vector<1x4x1xf32>
        %reduce_max3A_1834 = arith.constant dense<0xFF800000> : vector<1xf32>
        %reduce_max3A_1835 = vector.multi_reduction <maximumf>, %reduce_max3A_1833, %reduce_max3A_1834 [1, 2] : vector<1x4x1xf32> to vector<1xf32>
        %reduce_max3A_1836 = vector.shape_cast %reduce_max3A_1835 : vector<1xf32> to vector<1x1x1xf32>
        %reduce_max3A_1837 = vector.extract %reduce_max3A_1836[0, 0, 0] : f32 from vector<1x1x1xf32>
        %gt3A_1838 = arith.constant 0.000000e+00 : f32
        %gt3A_1839 = arith.cmpf ogt, %reduce_max3A_1837, %gt3A_1838 : f32
        %convert_element_type3A_1840 = arith.extui %gt3A_1839 : i1 to i32
        %cond3A_1841 = arith.constant 0 : i32
        %cond3A_1842 = arith.cmpi ne, %convert_element_type3A_1840, %cond3A_1841 : i32
        %cond3A_1843:2 = scf.if %cond3A_1842 -> (vector<4x1xi32>, vector<4x1xf32>) {
          %add3A_2561 = arith.constant 15 : i32
          %add3A_2562 = arith.addi %mul3A_221, %add3A_2561 : i32
          %get3A_2563 = arith.index_cast %add3A_2562 : i32 to index
          %get3A_2564 = arith.constant 0 : index
          %get3A_2565 = arith.constant 0 : index
          %get3A_2566 = vector.load %arg8[%get3A_2563, %get3A_2564, %get3A_2565] : memref<300x4x1024xf32, #tpu.memory_space<vmem>>, vector<1x4x1024xf32>
          %reshape3A = vector.shape_cast %get3A_2566 : vector<1x4x1024xf32> to vector<4x1024xf32>
          %gt3A_2567 = arith.constant 0.000000e+00 : f32
          %gt3A_2568 = vector.broadcast %gt3A_2567 : f32 to vector<4x1024xf32>
          %gt3A_2569 = arith.cmpf ogt, %select_n3A_1706, %gt3A_2568 : vector<4x1024xf32>
          %jit3A_2570 = arith.constant 0x7F800000 : f32
          %broadcast_in_dim3A_2571 = vector.broadcast %jit3A_2570 : f32 to vector<4x1024xf32>
          %select_n3A_2572 = arith.select %gt3A_2569, %broadcast_in_dim3A_2571, %reshape3A : vector<4x1024xi1>, vector<4x1024xf32>
          %reduce_min3A_2573 = arith.constant dense<0x7F800000> : vector<4xf32>
          %reduce_min3A_2574 = vector.multi_reduction <minimumf>, %select_n3A_2572, %reduce_min3A_2573 [1] : vector<4x1024xf32> to vector<4xf32>
          %broadcast_in_dim3A_2575 = vector.shape_cast %reduce_min3A_2574 : vector<4xf32> to vector<4x1xf32>
          %lt3A_2576 = arith.constant 1.200000e+01 : f32
          %lt3A_2577 = vector.broadcast %lt3A_2576 : f32 to vector<4x1xf32>
          %lt3A_2578 = arith.cmpf olt, %broadcast_in_dim3A_2575, %lt3A_2577 : vector<4x1xf32>
          %eq3A_2579 = vector.broadcast %broadcast_in_dim3A_2575 : vector<4x1xf32> to vector<4x1024xf32>
          %eq3A_2580 = arith.cmpf oeq, %select_n3A_2572, %eq3A_2579 : vector<4x1024xf32>
          %and3A_2581 = vector.broadcast %lt3A_2578 : vector<4x1xi1> to vector<4x1024xi1>
          %and3A_2582 = arith.andi %eq3A_2580, %and3A_2581 : vector<4x1024xi1>
          %jit3A_2583 = arith.constant 1024 : i32
          %broadcast_in_dim3A_2584 = vector.shape_cast %iota3A : vector<1x1024xi32> to vector<1x1024xi32>
          %broadcast_in_dim3A_2585 = vector.broadcast %broadcast_in_dim3A_2584 : vector<1x1024xi32> to vector<4x1024xi32>
          %broadcast_in_dim3A_2586 = vector.broadcast %jit3A_2583 : i32 to vector<4x1024xi32>
          %select_n3A_2587 = arith.select %and3A_2582, %broadcast_in_dim3A_2585, %broadcast_in_dim3A_2586 : vector<4x1024xi1>, vector<4x1024xi32>
          %reduce_min3A_2588 = arith.constant dense<2147483647> : vector<4xi32>
          %reduce_min3A_2589 = vector.multi_reduction <minsi>, %select_n3A_2587, %reduce_min3A_2588 [1] : vector<4x1024xi32> to vector<4xi32>
          %broadcast_in_dim3A_2590 = vector.shape_cast %reduce_min3A_2589 : vector<4xi32> to vector<4x1xi32>
          %jit3A_2591 = arith.constant 1.000000e+00 : f32
          %jit3A_2592 = arith.constant 0.000000e+00 : f32
          %broadcast_in_dim3A_2593 = vector.broadcast %jit3A_2591 : f32 to vector<4x1xf32>
          %broadcast_in_dim3A_2594 = vector.broadcast %jit3A_2592 : f32 to vector<4x1xf32>
          %select_n3A_2595 = arith.select %lt3A_2578, %broadcast_in_dim3A_2593, %broadcast_in_dim3A_2594 : vector<4x1xi1>, vector<4x1xf32>
          scf.yield %broadcast_in_dim3A_2590, %select_n3A_2595 : vector<4x1xi32>, vector<4x1xf32>
        } else {
          scf.yield %squeeze3A_1722, %squeeze3A_1724 : vector<4x1xi32>, vector<4x1xf32>
        }
        %gt3A_1844 = arith.constant 0.000000e+00 : f32
        %gt3A_1845 = vector.broadcast %gt3A_1844 : f32 to vector<4x1xf32>
        %gt3A_1846 = arith.cmpf ogt, %mul3A_1832, %gt3A_1845 : vector<4x1xf32>
        %select_n3A_1847 = arith.select %gt3A_1846, %cond3A_1843#0, %squeeze3A_1722 : vector<4x1xi1>, vector<4x1xi32>
        %select_n3A_1848 = arith.select %gt3A_1846, %cond3A_1843#1, %squeeze3A_1724 : vector<4x1xi1>, vector<4x1xf32>
        %gt3A_1849 = arith.constant 0.000000e+00 : f32
        %gt3A_1850 = vector.broadcast %gt3A_1849 : f32 to vector<4x1xf32>
        %gt3A_1851 = arith.cmpf ogt, %select_n3A_1848, %gt3A_1850 : vector<4x1xf32>
        %jit3A_1852 = arith.constant 1024 : i32
        %broadcast_in_dim3A_1853 = vector.broadcast %jit3A_1852 : i32 to vector<4x1xi32>
        %select_n3A_1854 = arith.select %gt3A_1851, %select_n3A_1847, %broadcast_in_dim3A_1853 : vector<4x1xi1>, vector<4x1xi32>
        %eq3A_1855 = vector.broadcast %iota3A : vector<1x1024xi32> to vector<4x1024xi32>
        %eq3A_1856 = vector.broadcast %select_n3A_1854 : vector<4x1xi32> to vector<4x1024xi32>
        %eq3A_1857 = arith.cmpi eq, %eq3A_1855, %eq3A_1856 : vector<4x1024xi32>
        %jit3A_1858 = arith.constant 1.000000e+00 : f32
        %broadcast_in_dim3A_1859 = vector.broadcast %jit3A_1858 : f32 to vector<4x1024xf32>
        %select_n3A_1860 = arith.select %eq3A_1857, %broadcast_in_dim3A_1859, %select_n3A_1706 : vector<4x1024xi1>, vector<4x1024xf32>
        %add3A_1861 = arith.constant 15 : i32
        %add3A_1862 = arith.addi %mul3A_221, %add3A_1861 : i32
        %eq3A_1863 = vector.broadcast %add3A_1862 : i32 to vector<1x384xi32>
        %eq3A_1864 = arith.cmpi eq, %iota3A_0, %eq3A_1863 : vector<1x384xi32>
        %gt3A_1865 = arith.constant 0.000000e+00 : f32
        %gt3A_1866 = vector.broadcast %gt3A_1865 : f32 to vector<4x1xf32>
        %gt3A_1867 = arith.cmpf ogt, %select_n3A_1848, %gt3A_1866 : vector<4x1xf32>
        %and3A_1868 = vector.broadcast %eq3A_1864 : vector<1x384xi1> to vector<4x384xi1>
        %and3A_1869 = vector.broadcast %gt3A_1867 : vector<4x1xi1> to vector<4x384xi1>
        %and3A_1870 = arith.andi %and3A_1868, %and3A_1869 : vector<4x384xi1>
        %convert_element_type3A_1871 = arith.sitofp %select_n3A_1854 : vector<4x1xi32> to vector<4x1xf32>
        %broadcast_in_dim3A_1872 = vector.shape_cast %convert_element_type3A_1871 : vector<4x1xf32> to vector<4x1xf32>
        %broadcast_in_dim3A_1873 = vector.broadcast %broadcast_in_dim3A_1872 : vector<4x1xf32> to vector<4x384xf32>
        %select_n3A_1874 = arith.select %and3A_1870, %broadcast_in_dim3A_1873, %select_n3A_1720 : vector<4x384xi1>, vector<4x384xf32>
        %slice3A_1875 = vector.extract_strided_slice %broadcast_in_dim3A_248 {offsets = [16, 0, 0], sizes = [1, 4, 1], strides = [1, 1, 1]} : vector<20x4x1xi32> to vector<1x4x1xi32>
        %squeeze3A_1876 = vector.shape_cast %slice3A_1875 : vector<1x4x1xi32> to vector<4x1xi32>
        %slice3A_1877 = vector.extract_strided_slice %select_n3A_253 {offsets = [16, 0, 0], sizes = [1, 4, 1], strides = [1, 1, 1]} : vector<20x4x1xf32> to vector<1x4x1xf32>
        %squeeze3A_1878 = vector.shape_cast %slice3A_1877 : vector<1x4x1xf32> to vector<4x1xf32>
        %broadcast_in_dim3A_1879 = arith.constant 0.000000e+00 : f32
        %broadcast_in_dim3A_1880 = vector.broadcast %broadcast_in_dim3A_1879 : f32 to vector<4x1xf32>
        %eq3A_1881 = arith.cmpi eq, %squeeze3A_1876, %select_n3A_280 : vector<4x1xi32>
        %jit3A_1882 = arith.constant 1.000000e+00 : f32
        %jit3A_1883 = arith.constant 0.000000e+00 : f32
        %broadcast_in_dim3A_1884 = vector.broadcast %jit3A_1882 : f32 to vector<4x1xf32>
        %broadcast_in_dim3A_1885 = vector.broadcast %jit3A_1883 : f32 to vector<4x1xf32>
        %select_n3A_1886 = arith.select %eq3A_1881, %broadcast_in_dim3A_1884, %broadcast_in_dim3A_1885 : vector<4x1xi1>, vector<4x1xf32>
        %max3A_1887 = arith.maximumf %broadcast_in_dim3A_1880, %select_n3A_1886 : vector<4x1xf32>
        %eq3A_1888 = arith.cmpi eq, %squeeze3A_1876, %select_n3A_335 : vector<4x1xi32>
        %jit3A_1889 = arith.constant 1.000000e+00 : f32
        %jit3A_1890 = arith.constant 0.000000e+00 : f32
        %broadcast_in_dim3A_1891 = vector.broadcast %jit3A_1889 : f32 to vector<4x1xf32>
        %broadcast_in_dim3A_1892 = vector.broadcast %jit3A_1890 : f32 to vector<4x1xf32>
        %select_n3A_1893 = arith.select %eq3A_1888, %broadcast_in_dim3A_1891, %broadcast_in_dim3A_1892 : vector<4x1xi1>, vector<4x1xf32>
        %max3A_1894 = arith.maximumf %max3A_1887, %select_n3A_1893 : vector<4x1xf32>
        %eq3A_1895 = arith.cmpi eq, %squeeze3A_1876, %select_n3A_398 : vector<4x1xi32>
        %jit3A_1896 = arith.constant 1.000000e+00 : f32
        %jit3A_1897 = arith.constant 0.000000e+00 : f32
        %broadcast_in_dim3A_1898 = vector.broadcast %jit3A_1896 : f32 to vector<4x1xf32>
        %broadcast_in_dim3A_1899 = vector.broadcast %jit3A_1897 : f32 to vector<4x1xf32>
        %select_n3A_1900 = arith.select %eq3A_1895, %broadcast_in_dim3A_1898, %broadcast_in_dim3A_1899 : vector<4x1xi1>, vector<4x1xf32>
        %max3A_1901 = arith.maximumf %max3A_1894, %select_n3A_1900 : vector<4x1xf32>
        %eq3A_1902 = arith.cmpi eq, %squeeze3A_1876, %select_n3A_468 : vector<4x1xi32>
        %jit3A_1903 = arith.constant 1.000000e+00 : f32
        %jit3A_1904 = arith.constant 0.000000e+00 : f32
        %broadcast_in_dim3A_1905 = vector.broadcast %jit3A_1903 : f32 to vector<4x1xf32>
        %broadcast_in_dim3A_1906 = vector.broadcast %jit3A_1904 : f32 to vector<4x1xf32>
        %select_n3A_1907 = arith.select %eq3A_1902, %broadcast_in_dim3A_1905, %broadcast_in_dim3A_1906 : vector<4x1xi1>, vector<4x1xf32>
        %max3A_1908 = arith.maximumf %max3A_1901, %select_n3A_1907 : vector<4x1xf32>
        %eq3A_1909 = arith.cmpi eq, %squeeze3A_1876, %select_n3A_545 : vector<4x1xi32>
        %jit3A_1910 = arith.constant 1.000000e+00 : f32
        %jit3A_1911 = arith.constant 0.000000e+00 : f32
        %broadcast_in_dim3A_1912 = vector.broadcast %jit3A_1910 : f32 to vector<4x1xf32>
        %broadcast_in_dim3A_1913 = vector.broadcast %jit3A_1911 : f32 to vector<4x1xf32>
        %select_n3A_1914 = arith.select %eq3A_1909, %broadcast_in_dim3A_1912, %broadcast_in_dim3A_1913 : vector<4x1xi1>, vector<4x1xf32>
        %max3A_1915 = arith.maximumf %max3A_1908, %select_n3A_1914 : vector<4x1xf32>
        %eq3A_1916 = arith.cmpi eq, %squeeze3A_1876, %select_n3A_629 : vector<4x1xi32>
        %jit3A_1917 = arith.constant 1.000000e+00 : f32
        %jit3A_1918 = arith.constant 0.000000e+00 : f32
        %broadcast_in_dim3A_1919 = vector.broadcast %jit3A_1917 : f32 to vector<4x1xf32>
        %broadcast_in_dim3A_1920 = vector.broadcast %jit3A_1918 : f32 to vector<4x1xf32>
        %select_n3A_1921 = arith.select %eq3A_1916, %broadcast_in_dim3A_1919, %broadcast_in_dim3A_1920 : vector<4x1xi1>, vector<4x1xf32>
        %max3A_1922 = arith.maximumf %max3A_1915, %select_n3A_1921 : vector<4x1xf32>
        %eq3A_1923 = arith.cmpi eq, %squeeze3A_1876, %select_n3A_720 : vector<4x1xi32>
        %jit3A_1924 = arith.constant 1.000000e+00 : f32
        %jit3A_1925 = arith.constant 0.000000e+00 : f32
        %broadcast_in_dim3A_1926 = vector.broadcast %jit3A_1924 : f32 to vector<4x1xf32>
        %broadcast_in_dim3A_1927 = vector.broadcast %jit3A_1925 : f32 to vector<4x1xf32>
        %select_n3A_1928 = arith.select %eq3A_1923, %broadcast_in_dim3A_1926, %broadcast_in_dim3A_1927 : vector<4x1xi1>, vector<4x1xf32>
        %max3A_1929 = arith.maximumf %max3A_1922, %select_n3A_1928 : vector<4x1xf32>
        %eq3A_1930 = arith.cmpi eq, %squeeze3A_1876, %select_n3A_818 : vector<4x1xi32>
        %jit3A_1931 = arith.constant 1.000000e+00 : f32
        %jit3A_1932 = arith.constant 0.000000e+00 : f32
        %broadcast_in_dim3A_1933 = vector.broadcast %jit3A_1931 : f32 to vector<4x1xf32>
        %broadcast_in_dim3A_1934 = vector.broadcast %jit3A_1932 : f32 to vector<4x1xf32>
        %select_n3A_1935 = arith.select %eq3A_1930, %broadcast_in_dim3A_1933, %broadcast_in_dim3A_1934 : vector<4x1xi1>, vector<4x1xf32>
        %max3A_1936 = arith.maximumf %max3A_1929, %select_n3A_1935 : vector<4x1xf32>
        %eq3A_1937 = arith.cmpi eq, %squeeze3A_1876, %select_n3A_923 : vector<4x1xi32>
        %jit3A_1938 = arith.constant 1.000000e+00 : f32
        %jit3A_1939 = arith.constant 0.000000e+00 : f32
        %broadcast_in_dim3A_1940 = vector.broadcast %jit3A_1938 : f32 to vector<4x1xf32>
        %broadcast_in_dim3A_1941 = vector.broadcast %jit3A_1939 : f32 to vector<4x1xf32>
        %select_n3A_1942 = arith.select %eq3A_1937, %broadcast_in_dim3A_1940, %broadcast_in_dim3A_1941 : vector<4x1xi1>, vector<4x1xf32>
        %max3A_1943 = arith.maximumf %max3A_1936, %select_n3A_1942 : vector<4x1xf32>
        %eq3A_1944 = arith.cmpi eq, %squeeze3A_1876, %select_n3A_1035 : vector<4x1xi32>
        %jit3A_1945 = arith.constant 1.000000e+00 : f32
        %jit3A_1946 = arith.constant 0.000000e+00 : f32
        %broadcast_in_dim3A_1947 = vector.broadcast %jit3A_1945 : f32 to vector<4x1xf32>
        %broadcast_in_dim3A_1948 = vector.broadcast %jit3A_1946 : f32 to vector<4x1xf32>
        %select_n3A_1949 = arith.select %eq3A_1944, %broadcast_in_dim3A_1947, %broadcast_in_dim3A_1948 : vector<4x1xi1>, vector<4x1xf32>
        %max3A_1950 = arith.maximumf %max3A_1943, %select_n3A_1949 : vector<4x1xf32>
        %eq3A_1951 = arith.cmpi eq, %squeeze3A_1876, %select_n3A_1154 : vector<4x1xi32>
        %jit3A_1952 = arith.constant 1.000000e+00 : f32
        %jit3A_1953 = arith.constant 0.000000e+00 : f32
        %broadcast_in_dim3A_1954 = vector.broadcast %jit3A_1952 : f32 to vector<4x1xf32>
        %broadcast_in_dim3A_1955 = vector.broadcast %jit3A_1953 : f32 to vector<4x1xf32>
        %select_n3A_1956 = arith.select %eq3A_1951, %broadcast_in_dim3A_1954, %broadcast_in_dim3A_1955 : vector<4x1xi1>, vector<4x1xf32>
        %max3A_1957 = arith.maximumf %max3A_1950, %select_n3A_1956 : vector<4x1xf32>
        %eq3A_1958 = arith.cmpi eq, %squeeze3A_1876, %select_n3A_1280 : vector<4x1xi32>
        %jit3A_1959 = arith.constant 1.000000e+00 : f32
        %jit3A_1960 = arith.constant 0.000000e+00 : f32
        %broadcast_in_dim3A_1961 = vector.broadcast %jit3A_1959 : f32 to vector<4x1xf32>
        %broadcast_in_dim3A_1962 = vector.broadcast %jit3A_1960 : f32 to vector<4x1xf32>
        %select_n3A_1963 = arith.select %eq3A_1958, %broadcast_in_dim3A_1961, %broadcast_in_dim3A_1962 : vector<4x1xi1>, vector<4x1xf32>
        %max3A_1964 = arith.maximumf %max3A_1957, %select_n3A_1963 : vector<4x1xf32>
        %eq3A_1965 = arith.cmpi eq, %squeeze3A_1876, %select_n3A_1413 : vector<4x1xi32>
        %jit3A_1966 = arith.constant 1.000000e+00 : f32
        %jit3A_1967 = arith.constant 0.000000e+00 : f32
        %broadcast_in_dim3A_1968 = vector.broadcast %jit3A_1966 : f32 to vector<4x1xf32>
        %broadcast_in_dim3A_1969 = vector.broadcast %jit3A_1967 : f32 to vector<4x1xf32>
        %select_n3A_1970 = arith.select %eq3A_1965, %broadcast_in_dim3A_1968, %broadcast_in_dim3A_1969 : vector<4x1xi1>, vector<4x1xf32>
        %max3A_1971 = arith.maximumf %max3A_1964, %select_n3A_1970 : vector<4x1xf32>
        %eq3A_1972 = arith.cmpi eq, %squeeze3A_1876, %select_n3A_1553 : vector<4x1xi32>
        %jit3A_1973 = arith.constant 1.000000e+00 : f32
        %jit3A_1974 = arith.constant 0.000000e+00 : f32
        %broadcast_in_dim3A_1975 = vector.broadcast %jit3A_1973 : f32 to vector<4x1xf32>
        %broadcast_in_dim3A_1976 = vector.broadcast %jit3A_1974 : f32 to vector<4x1xf32>
        %select_n3A_1977 = arith.select %eq3A_1972, %broadcast_in_dim3A_1975, %broadcast_in_dim3A_1976 : vector<4x1xi1>, vector<4x1xf32>
        %max3A_1978 = arith.maximumf %max3A_1971, %select_n3A_1977 : vector<4x1xf32>
        %eq3A_1979 = arith.cmpi eq, %squeeze3A_1876, %select_n3A_1700 : vector<4x1xi32>
        %jit3A_1980 = arith.constant 1.000000e+00 : f32
        %jit3A_1981 = arith.constant 0.000000e+00 : f32
        %broadcast_in_dim3A_1982 = vector.broadcast %jit3A_1980 : f32 to vector<4x1xf32>
        %broadcast_in_dim3A_1983 = vector.broadcast %jit3A_1981 : f32 to vector<4x1xf32>
        %select_n3A_1984 = arith.select %eq3A_1979, %broadcast_in_dim3A_1982, %broadcast_in_dim3A_1983 : vector<4x1xi1>, vector<4x1xf32>
        %max3A_1985 = arith.maximumf %max3A_1978, %select_n3A_1984 : vector<4x1xf32>
        %eq3A_1986 = arith.cmpi eq, %squeeze3A_1876, %select_n3A_1854 : vector<4x1xi32>
        %jit3A_1987 = arith.constant 1.000000e+00 : f32
        %jit3A_1988 = arith.constant 0.000000e+00 : f32
        %broadcast_in_dim3A_1989 = vector.broadcast %jit3A_1987 : f32 to vector<4x1xf32>
        %broadcast_in_dim3A_1990 = vector.broadcast %jit3A_1988 : f32 to vector<4x1xf32>
        %select_n3A_1991 = arith.select %eq3A_1986, %broadcast_in_dim3A_1989, %broadcast_in_dim3A_1990 : vector<4x1xi1>, vector<4x1xf32>
        %max3A_1992 = arith.maximumf %max3A_1985, %select_n3A_1991 : vector<4x1xf32>
        %mul3A_1993 = arith.mulf %max3A_1992, %squeeze3A_1878 : vector<4x1xf32>
        %reduce_max3A_1994 = vector.shape_cast %mul3A_1993 : vector<4x1xf32> to vector<1x4x1xf32>
        %reduce_max3A_1995 = arith.constant dense<0xFF800000> : vector<1xf32>
        %reduce_max3A_1996 = vector.multi_reduction <maximumf>, %reduce_max3A_1994, %reduce_max3A_1995 [1, 2] : vector<1x4x1xf32> to vector<1xf32>
        %reduce_max3A_1997 = vector.shape_cast %reduce_max3A_1996 : vector<1xf32> to vector<1x1x1xf32>
        %reduce_max3A_1998 = vector.extract %reduce_max3A_1997[0, 0, 0] : f32 from vector<1x1x1xf32>
        %gt3A_1999 = arith.constant 0.000000e+00 : f32
        %gt3A_2000 = arith.cmpf ogt, %reduce_max3A_1998, %gt3A_1999 : f32
        %convert_element_type3A_2001 = arith.extui %gt3A_2000 : i1 to i32
        %cond3A_2002 = arith.constant 0 : i32
        %cond3A_2003 = arith.cmpi ne, %convert_element_type3A_2001, %cond3A_2002 : i32
        %cond3A_2004:2 = scf.if %cond3A_2003 -> (vector<4x1xi32>, vector<4x1xf32>) {
          %add3A_2561 = arith.constant 16 : i32
          %add3A_2562 = arith.addi %mul3A_221, %add3A_2561 : i32
          %get3A_2563 = arith.index_cast %add3A_2562 : i32 to index
          %get3A_2564 = arith.constant 0 : index
          %get3A_2565 = arith.constant 0 : index
          %get3A_2566 = vector.load %arg8[%get3A_2563, %get3A_2564, %get3A_2565] : memref<300x4x1024xf32, #tpu.memory_space<vmem>>, vector<1x4x1024xf32>
          %reshape3A = vector.shape_cast %get3A_2566 : vector<1x4x1024xf32> to vector<4x1024xf32>
          %gt3A_2567 = arith.constant 0.000000e+00 : f32
          %gt3A_2568 = vector.broadcast %gt3A_2567 : f32 to vector<4x1024xf32>
          %gt3A_2569 = arith.cmpf ogt, %select_n3A_1860, %gt3A_2568 : vector<4x1024xf32>
          %jit3A_2570 = arith.constant 0x7F800000 : f32
          %broadcast_in_dim3A_2571 = vector.broadcast %jit3A_2570 : f32 to vector<4x1024xf32>
          %select_n3A_2572 = arith.select %gt3A_2569, %broadcast_in_dim3A_2571, %reshape3A : vector<4x1024xi1>, vector<4x1024xf32>
          %reduce_min3A_2573 = arith.constant dense<0x7F800000> : vector<4xf32>
          %reduce_min3A_2574 = vector.multi_reduction <minimumf>, %select_n3A_2572, %reduce_min3A_2573 [1] : vector<4x1024xf32> to vector<4xf32>
          %broadcast_in_dim3A_2575 = vector.shape_cast %reduce_min3A_2574 : vector<4xf32> to vector<4x1xf32>
          %lt3A_2576 = arith.constant 1.200000e+01 : f32
          %lt3A_2577 = vector.broadcast %lt3A_2576 : f32 to vector<4x1xf32>
          %lt3A_2578 = arith.cmpf olt, %broadcast_in_dim3A_2575, %lt3A_2577 : vector<4x1xf32>
          %eq3A_2579 = vector.broadcast %broadcast_in_dim3A_2575 : vector<4x1xf32> to vector<4x1024xf32>
          %eq3A_2580 = arith.cmpf oeq, %select_n3A_2572, %eq3A_2579 : vector<4x1024xf32>
          %and3A_2581 = vector.broadcast %lt3A_2578 : vector<4x1xi1> to vector<4x1024xi1>
          %and3A_2582 = arith.andi %eq3A_2580, %and3A_2581 : vector<4x1024xi1>
          %jit3A_2583 = arith.constant 1024 : i32
          %broadcast_in_dim3A_2584 = vector.shape_cast %iota3A : vector<1x1024xi32> to vector<1x1024xi32>
          %broadcast_in_dim3A_2585 = vector.broadcast %broadcast_in_dim3A_2584 : vector<1x1024xi32> to vector<4x1024xi32>
          %broadcast_in_dim3A_2586 = vector.broadcast %jit3A_2583 : i32 to vector<4x1024xi32>
          %select_n3A_2587 = arith.select %and3A_2582, %broadcast_in_dim3A_2585, %broadcast_in_dim3A_2586 : vector<4x1024xi1>, vector<4x1024xi32>
          %reduce_min3A_2588 = arith.constant dense<2147483647> : vector<4xi32>
          %reduce_min3A_2589 = vector.multi_reduction <minsi>, %select_n3A_2587, %reduce_min3A_2588 [1] : vector<4x1024xi32> to vector<4xi32>
          %broadcast_in_dim3A_2590 = vector.shape_cast %reduce_min3A_2589 : vector<4xi32> to vector<4x1xi32>
          %jit3A_2591 = arith.constant 1.000000e+00 : f32
          %jit3A_2592 = arith.constant 0.000000e+00 : f32
          %broadcast_in_dim3A_2593 = vector.broadcast %jit3A_2591 : f32 to vector<4x1xf32>
          %broadcast_in_dim3A_2594 = vector.broadcast %jit3A_2592 : f32 to vector<4x1xf32>
          %select_n3A_2595 = arith.select %lt3A_2578, %broadcast_in_dim3A_2593, %broadcast_in_dim3A_2594 : vector<4x1xi1>, vector<4x1xf32>
          scf.yield %broadcast_in_dim3A_2590, %select_n3A_2595 : vector<4x1xi32>, vector<4x1xf32>
        } else {
          scf.yield %squeeze3A_1876, %squeeze3A_1878 : vector<4x1xi32>, vector<4x1xf32>
        }
        %gt3A_2005 = arith.constant 0.000000e+00 : f32
        %gt3A_2006 = vector.broadcast %gt3A_2005 : f32 to vector<4x1xf32>
        %gt3A_2007 = arith.cmpf ogt, %mul3A_1993, %gt3A_2006 : vector<4x1xf32>
        %select_n3A_2008 = arith.select %gt3A_2007, %cond3A_2004#0, %squeeze3A_1876 : vector<4x1xi1>, vector<4x1xi32>
        %select_n3A_2009 = arith.select %gt3A_2007, %cond3A_2004#1, %squeeze3A_1878 : vector<4x1xi1>, vector<4x1xf32>
        %gt3A_2010 = arith.constant 0.000000e+00 : f32
        %gt3A_2011 = vector.broadcast %gt3A_2010 : f32 to vector<4x1xf32>
        %gt3A_2012 = arith.cmpf ogt, %select_n3A_2009, %gt3A_2011 : vector<4x1xf32>
        %jit3A_2013 = arith.constant 1024 : i32
        %broadcast_in_dim3A_2014 = vector.broadcast %jit3A_2013 : i32 to vector<4x1xi32>
        %select_n3A_2015 = arith.select %gt3A_2012, %select_n3A_2008, %broadcast_in_dim3A_2014 : vector<4x1xi1>, vector<4x1xi32>
        %eq3A_2016 = vector.broadcast %iota3A : vector<1x1024xi32> to vector<4x1024xi32>
        %eq3A_2017 = vector.broadcast %select_n3A_2015 : vector<4x1xi32> to vector<4x1024xi32>
        %eq3A_2018 = arith.cmpi eq, %eq3A_2016, %eq3A_2017 : vector<4x1024xi32>
        %jit3A_2019 = arith.constant 1.000000e+00 : f32
        %broadcast_in_dim3A_2020 = vector.broadcast %jit3A_2019 : f32 to vector<4x1024xf32>
        %select_n3A_2021 = arith.select %eq3A_2018, %broadcast_in_dim3A_2020, %select_n3A_1860 : vector<4x1024xi1>, vector<4x1024xf32>
        %add3A_2022 = arith.constant 16 : i32
        %add3A_2023 = arith.addi %mul3A_221, %add3A_2022 : i32
        %eq3A_2024 = vector.broadcast %add3A_2023 : i32 to vector<1x384xi32>
        %eq3A_2025 = arith.cmpi eq, %iota3A_0, %eq3A_2024 : vector<1x384xi32>
        %gt3A_2026 = arith.constant 0.000000e+00 : f32
        %gt3A_2027 = vector.broadcast %gt3A_2026 : f32 to vector<4x1xf32>
        %gt3A_2028 = arith.cmpf ogt, %select_n3A_2009, %gt3A_2027 : vector<4x1xf32>
        %and3A_2029 = vector.broadcast %eq3A_2025 : vector<1x384xi1> to vector<4x384xi1>
        %and3A_2030 = vector.broadcast %gt3A_2028 : vector<4x1xi1> to vector<4x384xi1>
        %and3A_2031 = arith.andi %and3A_2029, %and3A_2030 : vector<4x384xi1>
        %convert_element_type3A_2032 = arith.sitofp %select_n3A_2015 : vector<4x1xi32> to vector<4x1xf32>
        %broadcast_in_dim3A_2033 = vector.shape_cast %convert_element_type3A_2032 : vector<4x1xf32> to vector<4x1xf32>
        %broadcast_in_dim3A_2034 = vector.broadcast %broadcast_in_dim3A_2033 : vector<4x1xf32> to vector<4x384xf32>
        %select_n3A_2035 = arith.select %and3A_2031, %broadcast_in_dim3A_2034, %select_n3A_1874 : vector<4x384xi1>, vector<4x384xf32>
        %slice3A_2036 = vector.extract_strided_slice %broadcast_in_dim3A_248 {offsets = [17, 0, 0], sizes = [1, 4, 1], strides = [1, 1, 1]} : vector<20x4x1xi32> to vector<1x4x1xi32>
        %squeeze3A_2037 = vector.shape_cast %slice3A_2036 : vector<1x4x1xi32> to vector<4x1xi32>
        %slice3A_2038 = vector.extract_strided_slice %select_n3A_253 {offsets = [17, 0, 0], sizes = [1, 4, 1], strides = [1, 1, 1]} : vector<20x4x1xf32> to vector<1x4x1xf32>
        %squeeze3A_2039 = vector.shape_cast %slice3A_2038 : vector<1x4x1xf32> to vector<4x1xf32>
        %broadcast_in_dim3A_2040 = arith.constant 0.000000e+00 : f32
        %broadcast_in_dim3A_2041 = vector.broadcast %broadcast_in_dim3A_2040 : f32 to vector<4x1xf32>
        %eq3A_2042 = arith.cmpi eq, %squeeze3A_2037, %select_n3A_280 : vector<4x1xi32>
        %jit3A_2043 = arith.constant 1.000000e+00 : f32
        %jit3A_2044 = arith.constant 0.000000e+00 : f32
        %broadcast_in_dim3A_2045 = vector.broadcast %jit3A_2043 : f32 to vector<4x1xf32>
        %broadcast_in_dim3A_2046 = vector.broadcast %jit3A_2044 : f32 to vector<4x1xf32>
        %select_n3A_2047 = arith.select %eq3A_2042, %broadcast_in_dim3A_2045, %broadcast_in_dim3A_2046 : vector<4x1xi1>, vector<4x1xf32>
        %max3A_2048 = arith.maximumf %broadcast_in_dim3A_2041, %select_n3A_2047 : vector<4x1xf32>
        %eq3A_2049 = arith.cmpi eq, %squeeze3A_2037, %select_n3A_335 : vector<4x1xi32>
        %jit3A_2050 = arith.constant 1.000000e+00 : f32
        %jit3A_2051 = arith.constant 0.000000e+00 : f32
        %broadcast_in_dim3A_2052 = vector.broadcast %jit3A_2050 : f32 to vector<4x1xf32>
        %broadcast_in_dim3A_2053 = vector.broadcast %jit3A_2051 : f32 to vector<4x1xf32>
        %select_n3A_2054 = arith.select %eq3A_2049, %broadcast_in_dim3A_2052, %broadcast_in_dim3A_2053 : vector<4x1xi1>, vector<4x1xf32>
        %max3A_2055 = arith.maximumf %max3A_2048, %select_n3A_2054 : vector<4x1xf32>
        %eq3A_2056 = arith.cmpi eq, %squeeze3A_2037, %select_n3A_398 : vector<4x1xi32>
        %jit3A_2057 = arith.constant 1.000000e+00 : f32
        %jit3A_2058 = arith.constant 0.000000e+00 : f32
        %broadcast_in_dim3A_2059 = vector.broadcast %jit3A_2057 : f32 to vector<4x1xf32>
        %broadcast_in_dim3A_2060 = vector.broadcast %jit3A_2058 : f32 to vector<4x1xf32>
        %select_n3A_2061 = arith.select %eq3A_2056, %broadcast_in_dim3A_2059, %broadcast_in_dim3A_2060 : vector<4x1xi1>, vector<4x1xf32>
        %max3A_2062 = arith.maximumf %max3A_2055, %select_n3A_2061 : vector<4x1xf32>
        %eq3A_2063 = arith.cmpi eq, %squeeze3A_2037, %select_n3A_468 : vector<4x1xi32>
        %jit3A_2064 = arith.constant 1.000000e+00 : f32
        %jit3A_2065 = arith.constant 0.000000e+00 : f32
        %broadcast_in_dim3A_2066 = vector.broadcast %jit3A_2064 : f32 to vector<4x1xf32>
        %broadcast_in_dim3A_2067 = vector.broadcast %jit3A_2065 : f32 to vector<4x1xf32>
        %select_n3A_2068 = arith.select %eq3A_2063, %broadcast_in_dim3A_2066, %broadcast_in_dim3A_2067 : vector<4x1xi1>, vector<4x1xf32>
        %max3A_2069 = arith.maximumf %max3A_2062, %select_n3A_2068 : vector<4x1xf32>
        %eq3A_2070 = arith.cmpi eq, %squeeze3A_2037, %select_n3A_545 : vector<4x1xi32>
        %jit3A_2071 = arith.constant 1.000000e+00 : f32
        %jit3A_2072 = arith.constant 0.000000e+00 : f32
        %broadcast_in_dim3A_2073 = vector.broadcast %jit3A_2071 : f32 to vector<4x1xf32>
        %broadcast_in_dim3A_2074 = vector.broadcast %jit3A_2072 : f32 to vector<4x1xf32>
        %select_n3A_2075 = arith.select %eq3A_2070, %broadcast_in_dim3A_2073, %broadcast_in_dim3A_2074 : vector<4x1xi1>, vector<4x1xf32>
        %max3A_2076 = arith.maximumf %max3A_2069, %select_n3A_2075 : vector<4x1xf32>
        %eq3A_2077 = arith.cmpi eq, %squeeze3A_2037, %select_n3A_629 : vector<4x1xi32>
        %jit3A_2078 = arith.constant 1.000000e+00 : f32
        %jit3A_2079 = arith.constant 0.000000e+00 : f32
        %broadcast_in_dim3A_2080 = vector.broadcast %jit3A_2078 : f32 to vector<4x1xf32>
        %broadcast_in_dim3A_2081 = vector.broadcast %jit3A_2079 : f32 to vector<4x1xf32>
        %select_n3A_2082 = arith.select %eq3A_2077, %broadcast_in_dim3A_2080, %broadcast_in_dim3A_2081 : vector<4x1xi1>, vector<4x1xf32>
        %max3A_2083 = arith.maximumf %max3A_2076, %select_n3A_2082 : vector<4x1xf32>
        %eq3A_2084 = arith.cmpi eq, %squeeze3A_2037, %select_n3A_720 : vector<4x1xi32>
        %jit3A_2085 = arith.constant 1.000000e+00 : f32
        %jit3A_2086 = arith.constant 0.000000e+00 : f32
        %broadcast_in_dim3A_2087 = vector.broadcast %jit3A_2085 : f32 to vector<4x1xf32>
        %broadcast_in_dim3A_2088 = vector.broadcast %jit3A_2086 : f32 to vector<4x1xf32>
        %select_n3A_2089 = arith.select %eq3A_2084, %broadcast_in_dim3A_2087, %broadcast_in_dim3A_2088 : vector<4x1xi1>, vector<4x1xf32>
        %max3A_2090 = arith.maximumf %max3A_2083, %select_n3A_2089 : vector<4x1xf32>
        %eq3A_2091 = arith.cmpi eq, %squeeze3A_2037, %select_n3A_818 : vector<4x1xi32>
        %jit3A_2092 = arith.constant 1.000000e+00 : f32
        %jit3A_2093 = arith.constant 0.000000e+00 : f32
        %broadcast_in_dim3A_2094 = vector.broadcast %jit3A_2092 : f32 to vector<4x1xf32>
        %broadcast_in_dim3A_2095 = vector.broadcast %jit3A_2093 : f32 to vector<4x1xf32>
        %select_n3A_2096 = arith.select %eq3A_2091, %broadcast_in_dim3A_2094, %broadcast_in_dim3A_2095 : vector<4x1xi1>, vector<4x1xf32>
        %max3A_2097 = arith.maximumf %max3A_2090, %select_n3A_2096 : vector<4x1xf32>
        %eq3A_2098 = arith.cmpi eq, %squeeze3A_2037, %select_n3A_923 : vector<4x1xi32>
        %jit3A_2099 = arith.constant 1.000000e+00 : f32
        %jit3A_2100 = arith.constant 0.000000e+00 : f32
        %broadcast_in_dim3A_2101 = vector.broadcast %jit3A_2099 : f32 to vector<4x1xf32>
        %broadcast_in_dim3A_2102 = vector.broadcast %jit3A_2100 : f32 to vector<4x1xf32>
        %select_n3A_2103 = arith.select %eq3A_2098, %broadcast_in_dim3A_2101, %broadcast_in_dim3A_2102 : vector<4x1xi1>, vector<4x1xf32>
        %max3A_2104 = arith.maximumf %max3A_2097, %select_n3A_2103 : vector<4x1xf32>
        %eq3A_2105 = arith.cmpi eq, %squeeze3A_2037, %select_n3A_1035 : vector<4x1xi32>
        %jit3A_2106 = arith.constant 1.000000e+00 : f32
        %jit3A_2107 = arith.constant 0.000000e+00 : f32
        %broadcast_in_dim3A_2108 = vector.broadcast %jit3A_2106 : f32 to vector<4x1xf32>
        %broadcast_in_dim3A_2109 = vector.broadcast %jit3A_2107 : f32 to vector<4x1xf32>
        %select_n3A_2110 = arith.select %eq3A_2105, %broadcast_in_dim3A_2108, %broadcast_in_dim3A_2109 : vector<4x1xi1>, vector<4x1xf32>
        %max3A_2111 = arith.maximumf %max3A_2104, %select_n3A_2110 : vector<4x1xf32>
        %eq3A_2112 = arith.cmpi eq, %squeeze3A_2037, %select_n3A_1154 : vector<4x1xi32>
        %jit3A_2113 = arith.constant 1.000000e+00 : f32
        %jit3A_2114 = arith.constant 0.000000e+00 : f32
        %broadcast_in_dim3A_2115 = vector.broadcast %jit3A_2113 : f32 to vector<4x1xf32>
        %broadcast_in_dim3A_2116 = vector.broadcast %jit3A_2114 : f32 to vector<4x1xf32>
        %select_n3A_2117 = arith.select %eq3A_2112, %broadcast_in_dim3A_2115, %broadcast_in_dim3A_2116 : vector<4x1xi1>, vector<4x1xf32>
        %max3A_2118 = arith.maximumf %max3A_2111, %select_n3A_2117 : vector<4x1xf32>
        %eq3A_2119 = arith.cmpi eq, %squeeze3A_2037, %select_n3A_1280 : vector<4x1xi32>
        %jit3A_2120 = arith.constant 1.000000e+00 : f32
        %jit3A_2121 = arith.constant 0.000000e+00 : f32
        %broadcast_in_dim3A_2122 = vector.broadcast %jit3A_2120 : f32 to vector<4x1xf32>
        %broadcast_in_dim3A_2123 = vector.broadcast %jit3A_2121 : f32 to vector<4x1xf32>
        %select_n3A_2124 = arith.select %eq3A_2119, %broadcast_in_dim3A_2122, %broadcast_in_dim3A_2123 : vector<4x1xi1>, vector<4x1xf32>
        %max3A_2125 = arith.maximumf %max3A_2118, %select_n3A_2124 : vector<4x1xf32>
        %eq3A_2126 = arith.cmpi eq, %squeeze3A_2037, %select_n3A_1413 : vector<4x1xi32>
        %jit3A_2127 = arith.constant 1.000000e+00 : f32
        %jit3A_2128 = arith.constant 0.000000e+00 : f32
        %broadcast_in_dim3A_2129 = vector.broadcast %jit3A_2127 : f32 to vector<4x1xf32>
        %broadcast_in_dim3A_2130 = vector.broadcast %jit3A_2128 : f32 to vector<4x1xf32>
        %select_n3A_2131 = arith.select %eq3A_2126, %broadcast_in_dim3A_2129, %broadcast_in_dim3A_2130 : vector<4x1xi1>, vector<4x1xf32>
        %max3A_2132 = arith.maximumf %max3A_2125, %select_n3A_2131 : vector<4x1xf32>
        %eq3A_2133 = arith.cmpi eq, %squeeze3A_2037, %select_n3A_1553 : vector<4x1xi32>
        %jit3A_2134 = arith.constant 1.000000e+00 : f32
        %jit3A_2135 = arith.constant 0.000000e+00 : f32
        %broadcast_in_dim3A_2136 = vector.broadcast %jit3A_2134 : f32 to vector<4x1xf32>
        %broadcast_in_dim3A_2137 = vector.broadcast %jit3A_2135 : f32 to vector<4x1xf32>
        %select_n3A_2138 = arith.select %eq3A_2133, %broadcast_in_dim3A_2136, %broadcast_in_dim3A_2137 : vector<4x1xi1>, vector<4x1xf32>
        %max3A_2139 = arith.maximumf %max3A_2132, %select_n3A_2138 : vector<4x1xf32>
        %eq3A_2140 = arith.cmpi eq, %squeeze3A_2037, %select_n3A_1700 : vector<4x1xi32>
        %jit3A_2141 = arith.constant 1.000000e+00 : f32
        %jit3A_2142 = arith.constant 0.000000e+00 : f32
        %broadcast_in_dim3A_2143 = vector.broadcast %jit3A_2141 : f32 to vector<4x1xf32>
        %broadcast_in_dim3A_2144 = vector.broadcast %jit3A_2142 : f32 to vector<4x1xf32>
        %select_n3A_2145 = arith.select %eq3A_2140, %broadcast_in_dim3A_2143, %broadcast_in_dim3A_2144 : vector<4x1xi1>, vector<4x1xf32>
        %max3A_2146 = arith.maximumf %max3A_2139, %select_n3A_2145 : vector<4x1xf32>
        %eq3A_2147 = arith.cmpi eq, %squeeze3A_2037, %select_n3A_1854 : vector<4x1xi32>
        %jit3A_2148 = arith.constant 1.000000e+00 : f32
        %jit3A_2149 = arith.constant 0.000000e+00 : f32
        %broadcast_in_dim3A_2150 = vector.broadcast %jit3A_2148 : f32 to vector<4x1xf32>
        %broadcast_in_dim3A_2151 = vector.broadcast %jit3A_2149 : f32 to vector<4x1xf32>
        %select_n3A_2152 = arith.select %eq3A_2147, %broadcast_in_dim3A_2150, %broadcast_in_dim3A_2151 : vector<4x1xi1>, vector<4x1xf32>
        %max3A_2153 = arith.maximumf %max3A_2146, %select_n3A_2152 : vector<4x1xf32>
        %eq3A_2154 = arith.cmpi eq, %squeeze3A_2037, %select_n3A_2015 : vector<4x1xi32>
        %jit3A_2155 = arith.constant 1.000000e+00 : f32
        %jit3A_2156 = arith.constant 0.000000e+00 : f32
        %broadcast_in_dim3A_2157 = vector.broadcast %jit3A_2155 : f32 to vector<4x1xf32>
        %broadcast_in_dim3A_2158 = vector.broadcast %jit3A_2156 : f32 to vector<4x1xf32>
        %select_n3A_2159 = arith.select %eq3A_2154, %broadcast_in_dim3A_2157, %broadcast_in_dim3A_2158 : vector<4x1xi1>, vector<4x1xf32>
        %max3A_2160 = arith.maximumf %max3A_2153, %select_n3A_2159 : vector<4x1xf32>
        %mul3A_2161 = arith.mulf %max3A_2160, %squeeze3A_2039 : vector<4x1xf32>
        %reduce_max3A_2162 = vector.shape_cast %mul3A_2161 : vector<4x1xf32> to vector<1x4x1xf32>
        %reduce_max3A_2163 = arith.constant dense<0xFF800000> : vector<1xf32>
        %reduce_max3A_2164 = vector.multi_reduction <maximumf>, %reduce_max3A_2162, %reduce_max3A_2163 [1, 2] : vector<1x4x1xf32> to vector<1xf32>
        %reduce_max3A_2165 = vector.shape_cast %reduce_max3A_2164 : vector<1xf32> to vector<1x1x1xf32>
        %reduce_max3A_2166 = vector.extract %reduce_max3A_2165[0, 0, 0] : f32 from vector<1x1x1xf32>
        %gt3A_2167 = arith.constant 0.000000e+00 : f32
        %gt3A_2168 = arith.cmpf ogt, %reduce_max3A_2166, %gt3A_2167 : f32
        %convert_element_type3A_2169 = arith.extui %gt3A_2168 : i1 to i32
        %cond3A_2170 = arith.constant 0 : i32
        %cond3A_2171 = arith.cmpi ne, %convert_element_type3A_2169, %cond3A_2170 : i32
        %cond3A_2172:2 = scf.if %cond3A_2171 -> (vector<4x1xi32>, vector<4x1xf32>) {
          %add3A_2561 = arith.constant 17 : i32
          %add3A_2562 = arith.addi %mul3A_221, %add3A_2561 : i32
          %get3A_2563 = arith.index_cast %add3A_2562 : i32 to index
          %get3A_2564 = arith.constant 0 : index
          %get3A_2565 = arith.constant 0 : index
          %get3A_2566 = vector.load %arg8[%get3A_2563, %get3A_2564, %get3A_2565] : memref<300x4x1024xf32, #tpu.memory_space<vmem>>, vector<1x4x1024xf32>
          %reshape3A = vector.shape_cast %get3A_2566 : vector<1x4x1024xf32> to vector<4x1024xf32>
          %gt3A_2567 = arith.constant 0.000000e+00 : f32
          %gt3A_2568 = vector.broadcast %gt3A_2567 : f32 to vector<4x1024xf32>
          %gt3A_2569 = arith.cmpf ogt, %select_n3A_2021, %gt3A_2568 : vector<4x1024xf32>
          %jit3A_2570 = arith.constant 0x7F800000 : f32
          %broadcast_in_dim3A_2571 = vector.broadcast %jit3A_2570 : f32 to vector<4x1024xf32>
          %select_n3A_2572 = arith.select %gt3A_2569, %broadcast_in_dim3A_2571, %reshape3A : vector<4x1024xi1>, vector<4x1024xf32>
          %reduce_min3A_2573 = arith.constant dense<0x7F800000> : vector<4xf32>
          %reduce_min3A_2574 = vector.multi_reduction <minimumf>, %select_n3A_2572, %reduce_min3A_2573 [1] : vector<4x1024xf32> to vector<4xf32>
          %broadcast_in_dim3A_2575 = vector.shape_cast %reduce_min3A_2574 : vector<4xf32> to vector<4x1xf32>
          %lt3A_2576 = arith.constant 1.200000e+01 : f32
          %lt3A_2577 = vector.broadcast %lt3A_2576 : f32 to vector<4x1xf32>
          %lt3A_2578 = arith.cmpf olt, %broadcast_in_dim3A_2575, %lt3A_2577 : vector<4x1xf32>
          %eq3A_2579 = vector.broadcast %broadcast_in_dim3A_2575 : vector<4x1xf32> to vector<4x1024xf32>
          %eq3A_2580 = arith.cmpf oeq, %select_n3A_2572, %eq3A_2579 : vector<4x1024xf32>
          %and3A_2581 = vector.broadcast %lt3A_2578 : vector<4x1xi1> to vector<4x1024xi1>
          %and3A_2582 = arith.andi %eq3A_2580, %and3A_2581 : vector<4x1024xi1>
          %jit3A_2583 = arith.constant 1024 : i32
          %broadcast_in_dim3A_2584 = vector.shape_cast %iota3A : vector<1x1024xi32> to vector<1x1024xi32>
          %broadcast_in_dim3A_2585 = vector.broadcast %broadcast_in_dim3A_2584 : vector<1x1024xi32> to vector<4x1024xi32>
          %broadcast_in_dim3A_2586 = vector.broadcast %jit3A_2583 : i32 to vector<4x1024xi32>
          %select_n3A_2587 = arith.select %and3A_2582, %broadcast_in_dim3A_2585, %broadcast_in_dim3A_2586 : vector<4x1024xi1>, vector<4x1024xi32>
          %reduce_min3A_2588 = arith.constant dense<2147483647> : vector<4xi32>
          %reduce_min3A_2589 = vector.multi_reduction <minsi>, %select_n3A_2587, %reduce_min3A_2588 [1] : vector<4x1024xi32> to vector<4xi32>
          %broadcast_in_dim3A_2590 = vector.shape_cast %reduce_min3A_2589 : vector<4xi32> to vector<4x1xi32>
          %jit3A_2591 = arith.constant 1.000000e+00 : f32
          %jit3A_2592 = arith.constant 0.000000e+00 : f32
          %broadcast_in_dim3A_2593 = vector.broadcast %jit3A_2591 : f32 to vector<4x1xf32>
          %broadcast_in_dim3A_2594 = vector.broadcast %jit3A_2592 : f32 to vector<4x1xf32>
          %select_n3A_2595 = arith.select %lt3A_2578, %broadcast_in_dim3A_2593, %broadcast_in_dim3A_2594 : vector<4x1xi1>, vector<4x1xf32>
          scf.yield %broadcast_in_dim3A_2590, %select_n3A_2595 : vector<4x1xi32>, vector<4x1xf32>
        } else {
          scf.yield %squeeze3A_2037, %squeeze3A_2039 : vector<4x1xi32>, vector<4x1xf32>
        }
        %gt3A_2173 = arith.constant 0.000000e+00 : f32
        %gt3A_2174 = vector.broadcast %gt3A_2173 : f32 to vector<4x1xf32>
        %gt3A_2175 = arith.cmpf ogt, %mul3A_2161, %gt3A_2174 : vector<4x1xf32>
        %select_n3A_2176 = arith.select %gt3A_2175, %cond3A_2172#0, %squeeze3A_2037 : vector<4x1xi1>, vector<4x1xi32>
        %select_n3A_2177 = arith.select %gt3A_2175, %cond3A_2172#1, %squeeze3A_2039 : vector<4x1xi1>, vector<4x1xf32>
        %gt3A_2178 = arith.constant 0.000000e+00 : f32
        %gt3A_2179 = vector.broadcast %gt3A_2178 : f32 to vector<4x1xf32>
        %gt3A_2180 = arith.cmpf ogt, %select_n3A_2177, %gt3A_2179 : vector<4x1xf32>
        %jit3A_2181 = arith.constant 1024 : i32
        %broadcast_in_dim3A_2182 = vector.broadcast %jit3A_2181 : i32 to vector<4x1xi32>
        %select_n3A_2183 = arith.select %gt3A_2180, %select_n3A_2176, %broadcast_in_dim3A_2182 : vector<4x1xi1>, vector<4x1xi32>
        %eq3A_2184 = vector.broadcast %iota3A : vector<1x1024xi32> to vector<4x1024xi32>
        %eq3A_2185 = vector.broadcast %select_n3A_2183 : vector<4x1xi32> to vector<4x1024xi32>
        %eq3A_2186 = arith.cmpi eq, %eq3A_2184, %eq3A_2185 : vector<4x1024xi32>
        %jit3A_2187 = arith.constant 1.000000e+00 : f32
        %broadcast_in_dim3A_2188 = vector.broadcast %jit3A_2187 : f32 to vector<4x1024xf32>
        %select_n3A_2189 = arith.select %eq3A_2186, %broadcast_in_dim3A_2188, %select_n3A_2021 : vector<4x1024xi1>, vector<4x1024xf32>
        %add3A_2190 = arith.constant 17 : i32
        %add3A_2191 = arith.addi %mul3A_221, %add3A_2190 : i32
        %eq3A_2192 = vector.broadcast %add3A_2191 : i32 to vector<1x384xi32>
        %eq3A_2193 = arith.cmpi eq, %iota3A_0, %eq3A_2192 : vector<1x384xi32>
        %gt3A_2194 = arith.constant 0.000000e+00 : f32
        %gt3A_2195 = vector.broadcast %gt3A_2194 : f32 to vector<4x1xf32>
        %gt3A_2196 = arith.cmpf ogt, %select_n3A_2177, %gt3A_2195 : vector<4x1xf32>
        %and3A_2197 = vector.broadcast %eq3A_2193 : vector<1x384xi1> to vector<4x384xi1>
        %and3A_2198 = vector.broadcast %gt3A_2196 : vector<4x1xi1> to vector<4x384xi1>
        %and3A_2199 = arith.andi %and3A_2197, %and3A_2198 : vector<4x384xi1>
        %convert_element_type3A_2200 = arith.sitofp %select_n3A_2183 : vector<4x1xi32> to vector<4x1xf32>
        %broadcast_in_dim3A_2201 = vector.shape_cast %convert_element_type3A_2200 : vector<4x1xf32> to vector<4x1xf32>
        %broadcast_in_dim3A_2202 = vector.broadcast %broadcast_in_dim3A_2201 : vector<4x1xf32> to vector<4x384xf32>
        %select_n3A_2203 = arith.select %and3A_2199, %broadcast_in_dim3A_2202, %select_n3A_2035 : vector<4x384xi1>, vector<4x384xf32>
        %slice3A_2204 = vector.extract_strided_slice %broadcast_in_dim3A_248 {offsets = [18, 0, 0], sizes = [1, 4, 1], strides = [1, 1, 1]} : vector<20x4x1xi32> to vector<1x4x1xi32>
        %squeeze3A_2205 = vector.shape_cast %slice3A_2204 : vector<1x4x1xi32> to vector<4x1xi32>
        %slice3A_2206 = vector.extract_strided_slice %select_n3A_253 {offsets = [18, 0, 0], sizes = [1, 4, 1], strides = [1, 1, 1]} : vector<20x4x1xf32> to vector<1x4x1xf32>
        %squeeze3A_2207 = vector.shape_cast %slice3A_2206 : vector<1x4x1xf32> to vector<4x1xf32>
        %broadcast_in_dim3A_2208 = arith.constant 0.000000e+00 : f32
        %broadcast_in_dim3A_2209 = vector.broadcast %broadcast_in_dim3A_2208 : f32 to vector<4x1xf32>
        %eq3A_2210 = arith.cmpi eq, %squeeze3A_2205, %select_n3A_280 : vector<4x1xi32>
        %jit3A_2211 = arith.constant 1.000000e+00 : f32
        %jit3A_2212 = arith.constant 0.000000e+00 : f32
        %broadcast_in_dim3A_2213 = vector.broadcast %jit3A_2211 : f32 to vector<4x1xf32>
        %broadcast_in_dim3A_2214 = vector.broadcast %jit3A_2212 : f32 to vector<4x1xf32>
        %select_n3A_2215 = arith.select %eq3A_2210, %broadcast_in_dim3A_2213, %broadcast_in_dim3A_2214 : vector<4x1xi1>, vector<4x1xf32>
        %max3A_2216 = arith.maximumf %broadcast_in_dim3A_2209, %select_n3A_2215 : vector<4x1xf32>
        %eq3A_2217 = arith.cmpi eq, %squeeze3A_2205, %select_n3A_335 : vector<4x1xi32>
        %jit3A_2218 = arith.constant 1.000000e+00 : f32
        %jit3A_2219 = arith.constant 0.000000e+00 : f32
        %broadcast_in_dim3A_2220 = vector.broadcast %jit3A_2218 : f32 to vector<4x1xf32>
        %broadcast_in_dim3A_2221 = vector.broadcast %jit3A_2219 : f32 to vector<4x1xf32>
        %select_n3A_2222 = arith.select %eq3A_2217, %broadcast_in_dim3A_2220, %broadcast_in_dim3A_2221 : vector<4x1xi1>, vector<4x1xf32>
        %max3A_2223 = arith.maximumf %max3A_2216, %select_n3A_2222 : vector<4x1xf32>
        %eq3A_2224 = arith.cmpi eq, %squeeze3A_2205, %select_n3A_398 : vector<4x1xi32>
        %jit3A_2225 = arith.constant 1.000000e+00 : f32
        %jit3A_2226 = arith.constant 0.000000e+00 : f32
        %broadcast_in_dim3A_2227 = vector.broadcast %jit3A_2225 : f32 to vector<4x1xf32>
        %broadcast_in_dim3A_2228 = vector.broadcast %jit3A_2226 : f32 to vector<4x1xf32>
        %select_n3A_2229 = arith.select %eq3A_2224, %broadcast_in_dim3A_2227, %broadcast_in_dim3A_2228 : vector<4x1xi1>, vector<4x1xf32>
        %max3A_2230 = arith.maximumf %max3A_2223, %select_n3A_2229 : vector<4x1xf32>
        %eq3A_2231 = arith.cmpi eq, %squeeze3A_2205, %select_n3A_468 : vector<4x1xi32>
        %jit3A_2232 = arith.constant 1.000000e+00 : f32
        %jit3A_2233 = arith.constant 0.000000e+00 : f32
        %broadcast_in_dim3A_2234 = vector.broadcast %jit3A_2232 : f32 to vector<4x1xf32>
        %broadcast_in_dim3A_2235 = vector.broadcast %jit3A_2233 : f32 to vector<4x1xf32>
        %select_n3A_2236 = arith.select %eq3A_2231, %broadcast_in_dim3A_2234, %broadcast_in_dim3A_2235 : vector<4x1xi1>, vector<4x1xf32>
        %max3A_2237 = arith.maximumf %max3A_2230, %select_n3A_2236 : vector<4x1xf32>
        %eq3A_2238 = arith.cmpi eq, %squeeze3A_2205, %select_n3A_545 : vector<4x1xi32>
        %jit3A_2239 = arith.constant 1.000000e+00 : f32
        %jit3A_2240 = arith.constant 0.000000e+00 : f32
        %broadcast_in_dim3A_2241 = vector.broadcast %jit3A_2239 : f32 to vector<4x1xf32>
        %broadcast_in_dim3A_2242 = vector.broadcast %jit3A_2240 : f32 to vector<4x1xf32>
        %select_n3A_2243 = arith.select %eq3A_2238, %broadcast_in_dim3A_2241, %broadcast_in_dim3A_2242 : vector<4x1xi1>, vector<4x1xf32>
        %max3A_2244 = arith.maximumf %max3A_2237, %select_n3A_2243 : vector<4x1xf32>
        %eq3A_2245 = arith.cmpi eq, %squeeze3A_2205, %select_n3A_629 : vector<4x1xi32>
        %jit3A_2246 = arith.constant 1.000000e+00 : f32
        %jit3A_2247 = arith.constant 0.000000e+00 : f32
        %broadcast_in_dim3A_2248 = vector.broadcast %jit3A_2246 : f32 to vector<4x1xf32>
        %broadcast_in_dim3A_2249 = vector.broadcast %jit3A_2247 : f32 to vector<4x1xf32>
        %select_n3A_2250 = arith.select %eq3A_2245, %broadcast_in_dim3A_2248, %broadcast_in_dim3A_2249 : vector<4x1xi1>, vector<4x1xf32>
        %max3A_2251 = arith.maximumf %max3A_2244, %select_n3A_2250 : vector<4x1xf32>
        %eq3A_2252 = arith.cmpi eq, %squeeze3A_2205, %select_n3A_720 : vector<4x1xi32>
        %jit3A_2253 = arith.constant 1.000000e+00 : f32
        %jit3A_2254 = arith.constant 0.000000e+00 : f32
        %broadcast_in_dim3A_2255 = vector.broadcast %jit3A_2253 : f32 to vector<4x1xf32>
        %broadcast_in_dim3A_2256 = vector.broadcast %jit3A_2254 : f32 to vector<4x1xf32>
        %select_n3A_2257 = arith.select %eq3A_2252, %broadcast_in_dim3A_2255, %broadcast_in_dim3A_2256 : vector<4x1xi1>, vector<4x1xf32>
        %max3A_2258 = arith.maximumf %max3A_2251, %select_n3A_2257 : vector<4x1xf32>
        %eq3A_2259 = arith.cmpi eq, %squeeze3A_2205, %select_n3A_818 : vector<4x1xi32>
        %jit3A_2260 = arith.constant 1.000000e+00 : f32
        %jit3A_2261 = arith.constant 0.000000e+00 : f32
        %broadcast_in_dim3A_2262 = vector.broadcast %jit3A_2260 : f32 to vector<4x1xf32>
        %broadcast_in_dim3A_2263 = vector.broadcast %jit3A_2261 : f32 to vector<4x1xf32>
        %select_n3A_2264 = arith.select %eq3A_2259, %broadcast_in_dim3A_2262, %broadcast_in_dim3A_2263 : vector<4x1xi1>, vector<4x1xf32>
        %max3A_2265 = arith.maximumf %max3A_2258, %select_n3A_2264 : vector<4x1xf32>
        %eq3A_2266 = arith.cmpi eq, %squeeze3A_2205, %select_n3A_923 : vector<4x1xi32>
        %jit3A_2267 = arith.constant 1.000000e+00 : f32
        %jit3A_2268 = arith.constant 0.000000e+00 : f32
        %broadcast_in_dim3A_2269 = vector.broadcast %jit3A_2267 : f32 to vector<4x1xf32>
        %broadcast_in_dim3A_2270 = vector.broadcast %jit3A_2268 : f32 to vector<4x1xf32>
        %select_n3A_2271 = arith.select %eq3A_2266, %broadcast_in_dim3A_2269, %broadcast_in_dim3A_2270 : vector<4x1xi1>, vector<4x1xf32>
        %max3A_2272 = arith.maximumf %max3A_2265, %select_n3A_2271 : vector<4x1xf32>
        %eq3A_2273 = arith.cmpi eq, %squeeze3A_2205, %select_n3A_1035 : vector<4x1xi32>
        %jit3A_2274 = arith.constant 1.000000e+00 : f32
        %jit3A_2275 = arith.constant 0.000000e+00 : f32
        %broadcast_in_dim3A_2276 = vector.broadcast %jit3A_2274 : f32 to vector<4x1xf32>
        %broadcast_in_dim3A_2277 = vector.broadcast %jit3A_2275 : f32 to vector<4x1xf32>
        %select_n3A_2278 = arith.select %eq3A_2273, %broadcast_in_dim3A_2276, %broadcast_in_dim3A_2277 : vector<4x1xi1>, vector<4x1xf32>
        %max3A_2279 = arith.maximumf %max3A_2272, %select_n3A_2278 : vector<4x1xf32>
        %eq3A_2280 = arith.cmpi eq, %squeeze3A_2205, %select_n3A_1154 : vector<4x1xi32>
        %jit3A_2281 = arith.constant 1.000000e+00 : f32
        %jit3A_2282 = arith.constant 0.000000e+00 : f32
        %broadcast_in_dim3A_2283 = vector.broadcast %jit3A_2281 : f32 to vector<4x1xf32>
        %broadcast_in_dim3A_2284 = vector.broadcast %jit3A_2282 : f32 to vector<4x1xf32>
        %select_n3A_2285 = arith.select %eq3A_2280, %broadcast_in_dim3A_2283, %broadcast_in_dim3A_2284 : vector<4x1xi1>, vector<4x1xf32>
        %max3A_2286 = arith.maximumf %max3A_2279, %select_n3A_2285 : vector<4x1xf32>
        %eq3A_2287 = arith.cmpi eq, %squeeze3A_2205, %select_n3A_1280 : vector<4x1xi32>
        %jit3A_2288 = arith.constant 1.000000e+00 : f32
        %jit3A_2289 = arith.constant 0.000000e+00 : f32
        %broadcast_in_dim3A_2290 = vector.broadcast %jit3A_2288 : f32 to vector<4x1xf32>
        %broadcast_in_dim3A_2291 = vector.broadcast %jit3A_2289 : f32 to vector<4x1xf32>
        %select_n3A_2292 = arith.select %eq3A_2287, %broadcast_in_dim3A_2290, %broadcast_in_dim3A_2291 : vector<4x1xi1>, vector<4x1xf32>
        %max3A_2293 = arith.maximumf %max3A_2286, %select_n3A_2292 : vector<4x1xf32>
        %eq3A_2294 = arith.cmpi eq, %squeeze3A_2205, %select_n3A_1413 : vector<4x1xi32>
        %jit3A_2295 = arith.constant 1.000000e+00 : f32
        %jit3A_2296 = arith.constant 0.000000e+00 : f32
        %broadcast_in_dim3A_2297 = vector.broadcast %jit3A_2295 : f32 to vector<4x1xf32>
        %broadcast_in_dim3A_2298 = vector.broadcast %jit3A_2296 : f32 to vector<4x1xf32>
        %select_n3A_2299 = arith.select %eq3A_2294, %broadcast_in_dim3A_2297, %broadcast_in_dim3A_2298 : vector<4x1xi1>, vector<4x1xf32>
        %max3A_2300 = arith.maximumf %max3A_2293, %select_n3A_2299 : vector<4x1xf32>
        %eq3A_2301 = arith.cmpi eq, %squeeze3A_2205, %select_n3A_1553 : vector<4x1xi32>
        %jit3A_2302 = arith.constant 1.000000e+00 : f32
        %jit3A_2303 = arith.constant 0.000000e+00 : f32
        %broadcast_in_dim3A_2304 = vector.broadcast %jit3A_2302 : f32 to vector<4x1xf32>
        %broadcast_in_dim3A_2305 = vector.broadcast %jit3A_2303 : f32 to vector<4x1xf32>
        %select_n3A_2306 = arith.select %eq3A_2301, %broadcast_in_dim3A_2304, %broadcast_in_dim3A_2305 : vector<4x1xi1>, vector<4x1xf32>
        %max3A_2307 = arith.maximumf %max3A_2300, %select_n3A_2306 : vector<4x1xf32>
        %eq3A_2308 = arith.cmpi eq, %squeeze3A_2205, %select_n3A_1700 : vector<4x1xi32>
        %jit3A_2309 = arith.constant 1.000000e+00 : f32
        %jit3A_2310 = arith.constant 0.000000e+00 : f32
        %broadcast_in_dim3A_2311 = vector.broadcast %jit3A_2309 : f32 to vector<4x1xf32>
        %broadcast_in_dim3A_2312 = vector.broadcast %jit3A_2310 : f32 to vector<4x1xf32>
        %select_n3A_2313 = arith.select %eq3A_2308, %broadcast_in_dim3A_2311, %broadcast_in_dim3A_2312 : vector<4x1xi1>, vector<4x1xf32>
        %max3A_2314 = arith.maximumf %max3A_2307, %select_n3A_2313 : vector<4x1xf32>
        %eq3A_2315 = arith.cmpi eq, %squeeze3A_2205, %select_n3A_1854 : vector<4x1xi32>
        %jit3A_2316 = arith.constant 1.000000e+00 : f32
        %jit3A_2317 = arith.constant 0.000000e+00 : f32
        %broadcast_in_dim3A_2318 = vector.broadcast %jit3A_2316 : f32 to vector<4x1xf32>
        %broadcast_in_dim3A_2319 = vector.broadcast %jit3A_2317 : f32 to vector<4x1xf32>
        %select_n3A_2320 = arith.select %eq3A_2315, %broadcast_in_dim3A_2318, %broadcast_in_dim3A_2319 : vector<4x1xi1>, vector<4x1xf32>
        %max3A_2321 = arith.maximumf %max3A_2314, %select_n3A_2320 : vector<4x1xf32>
        %eq3A_2322 = arith.cmpi eq, %squeeze3A_2205, %select_n3A_2015 : vector<4x1xi32>
        %jit3A_2323 = arith.constant 1.000000e+00 : f32
        %jit3A_2324 = arith.constant 0.000000e+00 : f32
        %broadcast_in_dim3A_2325 = vector.broadcast %jit3A_2323 : f32 to vector<4x1xf32>
        %broadcast_in_dim3A_2326 = vector.broadcast %jit3A_2324 : f32 to vector<4x1xf32>
        %select_n3A_2327 = arith.select %eq3A_2322, %broadcast_in_dim3A_2325, %broadcast_in_dim3A_2326 : vector<4x1xi1>, vector<4x1xf32>
        %max3A_2328 = arith.maximumf %max3A_2321, %select_n3A_2327 : vector<4x1xf32>
        %eq3A_2329 = arith.cmpi eq, %squeeze3A_2205, %select_n3A_2183 : vector<4x1xi32>
        %jit3A_2330 = arith.constant 1.000000e+00 : f32
        %jit3A_2331 = arith.constant 0.000000e+00 : f32
        %broadcast_in_dim3A_2332 = vector.broadcast %jit3A_2330 : f32 to vector<4x1xf32>
        %broadcast_in_dim3A_2333 = vector.broadcast %jit3A_2331 : f32 to vector<4x1xf32>
        %select_n3A_2334 = arith.select %eq3A_2329, %broadcast_in_dim3A_2332, %broadcast_in_dim3A_2333 : vector<4x1xi1>, vector<4x1xf32>
        %max3A_2335 = arith.maximumf %max3A_2328, %select_n3A_2334 : vector<4x1xf32>
        %mul3A_2336 = arith.mulf %max3A_2335, %squeeze3A_2207 : vector<4x1xf32>
        %reduce_max3A_2337 = vector.shape_cast %mul3A_2336 : vector<4x1xf32> to vector<1x4x1xf32>
        %reduce_max3A_2338 = arith.constant dense<0xFF800000> : vector<1xf32>
        %reduce_max3A_2339 = vector.multi_reduction <maximumf>, %reduce_max3A_2337, %reduce_max3A_2338 [1, 2] : vector<1x4x1xf32> to vector<1xf32>
        %reduce_max3A_2340 = vector.shape_cast %reduce_max3A_2339 : vector<1xf32> to vector<1x1x1xf32>
        %reduce_max3A_2341 = vector.extract %reduce_max3A_2340[0, 0, 0] : f32 from vector<1x1x1xf32>
        %gt3A_2342 = arith.constant 0.000000e+00 : f32
        %gt3A_2343 = arith.cmpf ogt, %reduce_max3A_2341, %gt3A_2342 : f32
        %convert_element_type3A_2344 = arith.extui %gt3A_2343 : i1 to i32
        %cond3A_2345 = arith.constant 0 : i32
        %cond3A_2346 = arith.cmpi ne, %convert_element_type3A_2344, %cond3A_2345 : i32
        %cond3A_2347:2 = scf.if %cond3A_2346 -> (vector<4x1xi32>, vector<4x1xf32>) {
          %add3A_2561 = arith.constant 18 : i32
          %add3A_2562 = arith.addi %mul3A_221, %add3A_2561 : i32
          %get3A_2563 = arith.index_cast %add3A_2562 : i32 to index
          %get3A_2564 = arith.constant 0 : index
          %get3A_2565 = arith.constant 0 : index
          %get3A_2566 = vector.load %arg8[%get3A_2563, %get3A_2564, %get3A_2565] : memref<300x4x1024xf32, #tpu.memory_space<vmem>>, vector<1x4x1024xf32>
          %reshape3A = vector.shape_cast %get3A_2566 : vector<1x4x1024xf32> to vector<4x1024xf32>
          %gt3A_2567 = arith.constant 0.000000e+00 : f32
          %gt3A_2568 = vector.broadcast %gt3A_2567 : f32 to vector<4x1024xf32>
          %gt3A_2569 = arith.cmpf ogt, %select_n3A_2189, %gt3A_2568 : vector<4x1024xf32>
          %jit3A_2570 = arith.constant 0x7F800000 : f32
          %broadcast_in_dim3A_2571 = vector.broadcast %jit3A_2570 : f32 to vector<4x1024xf32>
          %select_n3A_2572 = arith.select %gt3A_2569, %broadcast_in_dim3A_2571, %reshape3A : vector<4x1024xi1>, vector<4x1024xf32>
          %reduce_min3A_2573 = arith.constant dense<0x7F800000> : vector<4xf32>
          %reduce_min3A_2574 = vector.multi_reduction <minimumf>, %select_n3A_2572, %reduce_min3A_2573 [1] : vector<4x1024xf32> to vector<4xf32>
          %broadcast_in_dim3A_2575 = vector.shape_cast %reduce_min3A_2574 : vector<4xf32> to vector<4x1xf32>
          %lt3A_2576 = arith.constant 1.200000e+01 : f32
          %lt3A_2577 = vector.broadcast %lt3A_2576 : f32 to vector<4x1xf32>
          %lt3A_2578 = arith.cmpf olt, %broadcast_in_dim3A_2575, %lt3A_2577 : vector<4x1xf32>
          %eq3A_2579 = vector.broadcast %broadcast_in_dim3A_2575 : vector<4x1xf32> to vector<4x1024xf32>
          %eq3A_2580 = arith.cmpf oeq, %select_n3A_2572, %eq3A_2579 : vector<4x1024xf32>
          %and3A_2581 = vector.broadcast %lt3A_2578 : vector<4x1xi1> to vector<4x1024xi1>
          %and3A_2582 = arith.andi %eq3A_2580, %and3A_2581 : vector<4x1024xi1>
          %jit3A_2583 = arith.constant 1024 : i32
          %broadcast_in_dim3A_2584 = vector.shape_cast %iota3A : vector<1x1024xi32> to vector<1x1024xi32>
          %broadcast_in_dim3A_2585 = vector.broadcast %broadcast_in_dim3A_2584 : vector<1x1024xi32> to vector<4x1024xi32>
          %broadcast_in_dim3A_2586 = vector.broadcast %jit3A_2583 : i32 to vector<4x1024xi32>
          %select_n3A_2587 = arith.select %and3A_2582, %broadcast_in_dim3A_2585, %broadcast_in_dim3A_2586 : vector<4x1024xi1>, vector<4x1024xi32>
          %reduce_min3A_2588 = arith.constant dense<2147483647> : vector<4xi32>
          %reduce_min3A_2589 = vector.multi_reduction <minsi>, %select_n3A_2587, %reduce_min3A_2588 [1] : vector<4x1024xi32> to vector<4xi32>
          %broadcast_in_dim3A_2590 = vector.shape_cast %reduce_min3A_2589 : vector<4xi32> to vector<4x1xi32>
          %jit3A_2591 = arith.constant 1.000000e+00 : f32
          %jit3A_2592 = arith.constant 0.000000e+00 : f32
          %broadcast_in_dim3A_2593 = vector.broadcast %jit3A_2591 : f32 to vector<4x1xf32>
          %broadcast_in_dim3A_2594 = vector.broadcast %jit3A_2592 : f32 to vector<4x1xf32>
          %select_n3A_2595 = arith.select %lt3A_2578, %broadcast_in_dim3A_2593, %broadcast_in_dim3A_2594 : vector<4x1xi1>, vector<4x1xf32>
          scf.yield %broadcast_in_dim3A_2590, %select_n3A_2595 : vector<4x1xi32>, vector<4x1xf32>
        } else {
          scf.yield %squeeze3A_2205, %squeeze3A_2207 : vector<4x1xi32>, vector<4x1xf32>
        }
        %gt3A_2348 = arith.constant 0.000000e+00 : f32
        %gt3A_2349 = vector.broadcast %gt3A_2348 : f32 to vector<4x1xf32>
        %gt3A_2350 = arith.cmpf ogt, %mul3A_2336, %gt3A_2349 : vector<4x1xf32>
        %select_n3A_2351 = arith.select %gt3A_2350, %cond3A_2347#0, %squeeze3A_2205 : vector<4x1xi1>, vector<4x1xi32>
        %select_n3A_2352 = arith.select %gt3A_2350, %cond3A_2347#1, %squeeze3A_2207 : vector<4x1xi1>, vector<4x1xf32>
        %gt3A_2353 = arith.constant 0.000000e+00 : f32
        %gt3A_2354 = vector.broadcast %gt3A_2353 : f32 to vector<4x1xf32>
        %gt3A_2355 = arith.cmpf ogt, %select_n3A_2352, %gt3A_2354 : vector<4x1xf32>
        %jit3A_2356 = arith.constant 1024 : i32
        %broadcast_in_dim3A_2357 = vector.broadcast %jit3A_2356 : i32 to vector<4x1xi32>
        %select_n3A_2358 = arith.select %gt3A_2355, %select_n3A_2351, %broadcast_in_dim3A_2357 : vector<4x1xi1>, vector<4x1xi32>
        %eq3A_2359 = vector.broadcast %iota3A : vector<1x1024xi32> to vector<4x1024xi32>
        %eq3A_2360 = vector.broadcast %select_n3A_2358 : vector<4x1xi32> to vector<4x1024xi32>
        %eq3A_2361 = arith.cmpi eq, %eq3A_2359, %eq3A_2360 : vector<4x1024xi32>
        %jit3A_2362 = arith.constant 1.000000e+00 : f32
        %broadcast_in_dim3A_2363 = vector.broadcast %jit3A_2362 : f32 to vector<4x1024xf32>
        %select_n3A_2364 = arith.select %eq3A_2361, %broadcast_in_dim3A_2363, %select_n3A_2189 : vector<4x1024xi1>, vector<4x1024xf32>
        %add3A_2365 = arith.constant 18 : i32
        %add3A_2366 = arith.addi %mul3A_221, %add3A_2365 : i32
        %eq3A_2367 = vector.broadcast %add3A_2366 : i32 to vector<1x384xi32>
        %eq3A_2368 = arith.cmpi eq, %iota3A_0, %eq3A_2367 : vector<1x384xi32>
        %gt3A_2369 = arith.constant 0.000000e+00 : f32
        %gt3A_2370 = vector.broadcast %gt3A_2369 : f32 to vector<4x1xf32>
        %gt3A_2371 = arith.cmpf ogt, %select_n3A_2352, %gt3A_2370 : vector<4x1xf32>
        %and3A_2372 = vector.broadcast %eq3A_2368 : vector<1x384xi1> to vector<4x384xi1>
        %and3A_2373 = vector.broadcast %gt3A_2371 : vector<4x1xi1> to vector<4x384xi1>
        %and3A_2374 = arith.andi %and3A_2372, %and3A_2373 : vector<4x384xi1>
        %convert_element_type3A_2375 = arith.sitofp %select_n3A_2358 : vector<4x1xi32> to vector<4x1xf32>
        %broadcast_in_dim3A_2376 = vector.shape_cast %convert_element_type3A_2375 : vector<4x1xf32> to vector<4x1xf32>
        %broadcast_in_dim3A_2377 = vector.broadcast %broadcast_in_dim3A_2376 : vector<4x1xf32> to vector<4x384xf32>
        %select_n3A_2378 = arith.select %and3A_2374, %broadcast_in_dim3A_2377, %select_n3A_2203 : vector<4x384xi1>, vector<4x384xf32>
        %slice3A_2379 = vector.extract_strided_slice %broadcast_in_dim3A_248 {offsets = [19, 0, 0], sizes = [1, 4, 1], strides = [1, 1, 1]} : vector<20x4x1xi32> to vector<1x4x1xi32>
        %squeeze3A_2380 = vector.shape_cast %slice3A_2379 : vector<1x4x1xi32> to vector<4x1xi32>
        %slice3A_2381 = vector.extract_strided_slice %select_n3A_253 {offsets = [19, 0, 0], sizes = [1, 4, 1], strides = [1, 1, 1]} : vector<20x4x1xf32> to vector<1x4x1xf32>
        %squeeze3A_2382 = vector.shape_cast %slice3A_2381 : vector<1x4x1xf32> to vector<4x1xf32>
        %broadcast_in_dim3A_2383 = arith.constant 0.000000e+00 : f32
        %broadcast_in_dim3A_2384 = vector.broadcast %broadcast_in_dim3A_2383 : f32 to vector<4x1xf32>
        %eq3A_2385 = arith.cmpi eq, %squeeze3A_2380, %select_n3A_280 : vector<4x1xi32>
        %jit3A_2386 = arith.constant 1.000000e+00 : f32
        %jit3A_2387 = arith.constant 0.000000e+00 : f32
        %broadcast_in_dim3A_2388 = vector.broadcast %jit3A_2386 : f32 to vector<4x1xf32>
        %broadcast_in_dim3A_2389 = vector.broadcast %jit3A_2387 : f32 to vector<4x1xf32>
        %select_n3A_2390 = arith.select %eq3A_2385, %broadcast_in_dim3A_2388, %broadcast_in_dim3A_2389 : vector<4x1xi1>, vector<4x1xf32>
        %max3A_2391 = arith.maximumf %broadcast_in_dim3A_2384, %select_n3A_2390 : vector<4x1xf32>
        %eq3A_2392 = arith.cmpi eq, %squeeze3A_2380, %select_n3A_335 : vector<4x1xi32>
        %jit3A_2393 = arith.constant 1.000000e+00 : f32
        %jit3A_2394 = arith.constant 0.000000e+00 : f32
        %broadcast_in_dim3A_2395 = vector.broadcast %jit3A_2393 : f32 to vector<4x1xf32>
        %broadcast_in_dim3A_2396 = vector.broadcast %jit3A_2394 : f32 to vector<4x1xf32>
        %select_n3A_2397 = arith.select %eq3A_2392, %broadcast_in_dim3A_2395, %broadcast_in_dim3A_2396 : vector<4x1xi1>, vector<4x1xf32>
        %max3A_2398 = arith.maximumf %max3A_2391, %select_n3A_2397 : vector<4x1xf32>
        %eq3A_2399 = arith.cmpi eq, %squeeze3A_2380, %select_n3A_398 : vector<4x1xi32>
        %jit3A_2400 = arith.constant 1.000000e+00 : f32
        %jit3A_2401 = arith.constant 0.000000e+00 : f32
        %broadcast_in_dim3A_2402 = vector.broadcast %jit3A_2400 : f32 to vector<4x1xf32>
        %broadcast_in_dim3A_2403 = vector.broadcast %jit3A_2401 : f32 to vector<4x1xf32>
        %select_n3A_2404 = arith.select %eq3A_2399, %broadcast_in_dim3A_2402, %broadcast_in_dim3A_2403 : vector<4x1xi1>, vector<4x1xf32>
        %max3A_2405 = arith.maximumf %max3A_2398, %select_n3A_2404 : vector<4x1xf32>
        %eq3A_2406 = arith.cmpi eq, %squeeze3A_2380, %select_n3A_468 : vector<4x1xi32>
        %jit3A_2407 = arith.constant 1.000000e+00 : f32
        %jit3A_2408 = arith.constant 0.000000e+00 : f32
        %broadcast_in_dim3A_2409 = vector.broadcast %jit3A_2407 : f32 to vector<4x1xf32>
        %broadcast_in_dim3A_2410 = vector.broadcast %jit3A_2408 : f32 to vector<4x1xf32>
        %select_n3A_2411 = arith.select %eq3A_2406, %broadcast_in_dim3A_2409, %broadcast_in_dim3A_2410 : vector<4x1xi1>, vector<4x1xf32>
        %max3A_2412 = arith.maximumf %max3A_2405, %select_n3A_2411 : vector<4x1xf32>
        %eq3A_2413 = arith.cmpi eq, %squeeze3A_2380, %select_n3A_545 : vector<4x1xi32>
        %jit3A_2414 = arith.constant 1.000000e+00 : f32
        %jit3A_2415 = arith.constant 0.000000e+00 : f32
        %broadcast_in_dim3A_2416 = vector.broadcast %jit3A_2414 : f32 to vector<4x1xf32>
        %broadcast_in_dim3A_2417 = vector.broadcast %jit3A_2415 : f32 to vector<4x1xf32>
        %select_n3A_2418 = arith.select %eq3A_2413, %broadcast_in_dim3A_2416, %broadcast_in_dim3A_2417 : vector<4x1xi1>, vector<4x1xf32>
        %max3A_2419 = arith.maximumf %max3A_2412, %select_n3A_2418 : vector<4x1xf32>
        %eq3A_2420 = arith.cmpi eq, %squeeze3A_2380, %select_n3A_629 : vector<4x1xi32>
        %jit3A_2421 = arith.constant 1.000000e+00 : f32
        %jit3A_2422 = arith.constant 0.000000e+00 : f32
        %broadcast_in_dim3A_2423 = vector.broadcast %jit3A_2421 : f32 to vector<4x1xf32>
        %broadcast_in_dim3A_2424 = vector.broadcast %jit3A_2422 : f32 to vector<4x1xf32>
        %select_n3A_2425 = arith.select %eq3A_2420, %broadcast_in_dim3A_2423, %broadcast_in_dim3A_2424 : vector<4x1xi1>, vector<4x1xf32>
        %max3A_2426 = arith.maximumf %max3A_2419, %select_n3A_2425 : vector<4x1xf32>
        %eq3A_2427 = arith.cmpi eq, %squeeze3A_2380, %select_n3A_720 : vector<4x1xi32>
        %jit3A_2428 = arith.constant 1.000000e+00 : f32
        %jit3A_2429 = arith.constant 0.000000e+00 : f32
        %broadcast_in_dim3A_2430 = vector.broadcast %jit3A_2428 : f32 to vector<4x1xf32>
        %broadcast_in_dim3A_2431 = vector.broadcast %jit3A_2429 : f32 to vector<4x1xf32>
        %select_n3A_2432 = arith.select %eq3A_2427, %broadcast_in_dim3A_2430, %broadcast_in_dim3A_2431 : vector<4x1xi1>, vector<4x1xf32>
        %max3A_2433 = arith.maximumf %max3A_2426, %select_n3A_2432 : vector<4x1xf32>
        %eq3A_2434 = arith.cmpi eq, %squeeze3A_2380, %select_n3A_818 : vector<4x1xi32>
        %jit3A_2435 = arith.constant 1.000000e+00 : f32
        %jit3A_2436 = arith.constant 0.000000e+00 : f32
        %broadcast_in_dim3A_2437 = vector.broadcast %jit3A_2435 : f32 to vector<4x1xf32>
        %broadcast_in_dim3A_2438 = vector.broadcast %jit3A_2436 : f32 to vector<4x1xf32>
        %select_n3A_2439 = arith.select %eq3A_2434, %broadcast_in_dim3A_2437, %broadcast_in_dim3A_2438 : vector<4x1xi1>, vector<4x1xf32>
        %max3A_2440 = arith.maximumf %max3A_2433, %select_n3A_2439 : vector<4x1xf32>
        %eq3A_2441 = arith.cmpi eq, %squeeze3A_2380, %select_n3A_923 : vector<4x1xi32>
        %jit3A_2442 = arith.constant 1.000000e+00 : f32
        %jit3A_2443 = arith.constant 0.000000e+00 : f32
        %broadcast_in_dim3A_2444 = vector.broadcast %jit3A_2442 : f32 to vector<4x1xf32>
        %broadcast_in_dim3A_2445 = vector.broadcast %jit3A_2443 : f32 to vector<4x1xf32>
        %select_n3A_2446 = arith.select %eq3A_2441, %broadcast_in_dim3A_2444, %broadcast_in_dim3A_2445 : vector<4x1xi1>, vector<4x1xf32>
        %max3A_2447 = arith.maximumf %max3A_2440, %select_n3A_2446 : vector<4x1xf32>
        %eq3A_2448 = arith.cmpi eq, %squeeze3A_2380, %select_n3A_1035 : vector<4x1xi32>
        %jit3A_2449 = arith.constant 1.000000e+00 : f32
        %jit3A_2450 = arith.constant 0.000000e+00 : f32
        %broadcast_in_dim3A_2451 = vector.broadcast %jit3A_2449 : f32 to vector<4x1xf32>
        %broadcast_in_dim3A_2452 = vector.broadcast %jit3A_2450 : f32 to vector<4x1xf32>
        %select_n3A_2453 = arith.select %eq3A_2448, %broadcast_in_dim3A_2451, %broadcast_in_dim3A_2452 : vector<4x1xi1>, vector<4x1xf32>
        %max3A_2454 = arith.maximumf %max3A_2447, %select_n3A_2453 : vector<4x1xf32>
        %eq3A_2455 = arith.cmpi eq, %squeeze3A_2380, %select_n3A_1154 : vector<4x1xi32>
        %jit3A_2456 = arith.constant 1.000000e+00 : f32
        %jit3A_2457 = arith.constant 0.000000e+00 : f32
        %broadcast_in_dim3A_2458 = vector.broadcast %jit3A_2456 : f32 to vector<4x1xf32>
        %broadcast_in_dim3A_2459 = vector.broadcast %jit3A_2457 : f32 to vector<4x1xf32>
        %select_n3A_2460 = arith.select %eq3A_2455, %broadcast_in_dim3A_2458, %broadcast_in_dim3A_2459 : vector<4x1xi1>, vector<4x1xf32>
        %max3A_2461 = arith.maximumf %max3A_2454, %select_n3A_2460 : vector<4x1xf32>
        %eq3A_2462 = arith.cmpi eq, %squeeze3A_2380, %select_n3A_1280 : vector<4x1xi32>
        %jit3A_2463 = arith.constant 1.000000e+00 : f32
        %jit3A_2464 = arith.constant 0.000000e+00 : f32
        %broadcast_in_dim3A_2465 = vector.broadcast %jit3A_2463 : f32 to vector<4x1xf32>
        %broadcast_in_dim3A_2466 = vector.broadcast %jit3A_2464 : f32 to vector<4x1xf32>
        %select_n3A_2467 = arith.select %eq3A_2462, %broadcast_in_dim3A_2465, %broadcast_in_dim3A_2466 : vector<4x1xi1>, vector<4x1xf32>
        %max3A_2468 = arith.maximumf %max3A_2461, %select_n3A_2467 : vector<4x1xf32>
        %eq3A_2469 = arith.cmpi eq, %squeeze3A_2380, %select_n3A_1413 : vector<4x1xi32>
        %jit3A_2470 = arith.constant 1.000000e+00 : f32
        %jit3A_2471 = arith.constant 0.000000e+00 : f32
        %broadcast_in_dim3A_2472 = vector.broadcast %jit3A_2470 : f32 to vector<4x1xf32>
        %broadcast_in_dim3A_2473 = vector.broadcast %jit3A_2471 : f32 to vector<4x1xf32>
        %select_n3A_2474 = arith.select %eq3A_2469, %broadcast_in_dim3A_2472, %broadcast_in_dim3A_2473 : vector<4x1xi1>, vector<4x1xf32>
        %max3A_2475 = arith.maximumf %max3A_2468, %select_n3A_2474 : vector<4x1xf32>
        %eq3A_2476 = arith.cmpi eq, %squeeze3A_2380, %select_n3A_1553 : vector<4x1xi32>
        %jit3A_2477 = arith.constant 1.000000e+00 : f32
        %jit3A_2478 = arith.constant 0.000000e+00 : f32
        %broadcast_in_dim3A_2479 = vector.broadcast %jit3A_2477 : f32 to vector<4x1xf32>
        %broadcast_in_dim3A_2480 = vector.broadcast %jit3A_2478 : f32 to vector<4x1xf32>
        %select_n3A_2481 = arith.select %eq3A_2476, %broadcast_in_dim3A_2479, %broadcast_in_dim3A_2480 : vector<4x1xi1>, vector<4x1xf32>
        %max3A_2482 = arith.maximumf %max3A_2475, %select_n3A_2481 : vector<4x1xf32>
        %eq3A_2483 = arith.cmpi eq, %squeeze3A_2380, %select_n3A_1700 : vector<4x1xi32>
        %jit3A_2484 = arith.constant 1.000000e+00 : f32
        %jit3A_2485 = arith.constant 0.000000e+00 : f32
        %broadcast_in_dim3A_2486 = vector.broadcast %jit3A_2484 : f32 to vector<4x1xf32>
        %broadcast_in_dim3A_2487 = vector.broadcast %jit3A_2485 : f32 to vector<4x1xf32>
        %select_n3A_2488 = arith.select %eq3A_2483, %broadcast_in_dim3A_2486, %broadcast_in_dim3A_2487 : vector<4x1xi1>, vector<4x1xf32>
        %max3A_2489 = arith.maximumf %max3A_2482, %select_n3A_2488 : vector<4x1xf32>
        %eq3A_2490 = arith.cmpi eq, %squeeze3A_2380, %select_n3A_1854 : vector<4x1xi32>
        %jit3A_2491 = arith.constant 1.000000e+00 : f32
        %jit3A_2492 = arith.constant 0.000000e+00 : f32
        %broadcast_in_dim3A_2493 = vector.broadcast %jit3A_2491 : f32 to vector<4x1xf32>
        %broadcast_in_dim3A_2494 = vector.broadcast %jit3A_2492 : f32 to vector<4x1xf32>
        %select_n3A_2495 = arith.select %eq3A_2490, %broadcast_in_dim3A_2493, %broadcast_in_dim3A_2494 : vector<4x1xi1>, vector<4x1xf32>
        %max3A_2496 = arith.maximumf %max3A_2489, %select_n3A_2495 : vector<4x1xf32>
        %eq3A_2497 = arith.cmpi eq, %squeeze3A_2380, %select_n3A_2015 : vector<4x1xi32>
        %jit3A_2498 = arith.constant 1.000000e+00 : f32
        %jit3A_2499 = arith.constant 0.000000e+00 : f32
        %broadcast_in_dim3A_2500 = vector.broadcast %jit3A_2498 : f32 to vector<4x1xf32>
        %broadcast_in_dim3A_2501 = vector.broadcast %jit3A_2499 : f32 to vector<4x1xf32>
        %select_n3A_2502 = arith.select %eq3A_2497, %broadcast_in_dim3A_2500, %broadcast_in_dim3A_2501 : vector<4x1xi1>, vector<4x1xf32>
        %max3A_2503 = arith.maximumf %max3A_2496, %select_n3A_2502 : vector<4x1xf32>
        %eq3A_2504 = arith.cmpi eq, %squeeze3A_2380, %select_n3A_2183 : vector<4x1xi32>
        %jit3A_2505 = arith.constant 1.000000e+00 : f32
        %jit3A_2506 = arith.constant 0.000000e+00 : f32
        %broadcast_in_dim3A_2507 = vector.broadcast %jit3A_2505 : f32 to vector<4x1xf32>
        %broadcast_in_dim3A_2508 = vector.broadcast %jit3A_2506 : f32 to vector<4x1xf32>
        %select_n3A_2509 = arith.select %eq3A_2504, %broadcast_in_dim3A_2507, %broadcast_in_dim3A_2508 : vector<4x1xi1>, vector<4x1xf32>
        %max3A_2510 = arith.maximumf %max3A_2503, %select_n3A_2509 : vector<4x1xf32>
        %eq3A_2511 = arith.cmpi eq, %squeeze3A_2380, %select_n3A_2358 : vector<4x1xi32>
        %jit3A_2512 = arith.constant 1.000000e+00 : f32
        %jit3A_2513 = arith.constant 0.000000e+00 : f32
        %broadcast_in_dim3A_2514 = vector.broadcast %jit3A_2512 : f32 to vector<4x1xf32>
        %broadcast_in_dim3A_2515 = vector.broadcast %jit3A_2513 : f32 to vector<4x1xf32>
        %select_n3A_2516 = arith.select %eq3A_2511, %broadcast_in_dim3A_2514, %broadcast_in_dim3A_2515 : vector<4x1xi1>, vector<4x1xf32>
        %max3A_2517 = arith.maximumf %max3A_2510, %select_n3A_2516 : vector<4x1xf32>
        %mul3A_2518 = arith.mulf %max3A_2517, %squeeze3A_2382 : vector<4x1xf32>
        %reduce_max3A_2519 = vector.shape_cast %mul3A_2518 : vector<4x1xf32> to vector<1x4x1xf32>
        %reduce_max3A_2520 = arith.constant dense<0xFF800000> : vector<1xf32>
        %reduce_max3A_2521 = vector.multi_reduction <maximumf>, %reduce_max3A_2519, %reduce_max3A_2520 [1, 2] : vector<1x4x1xf32> to vector<1xf32>
        %reduce_max3A_2522 = vector.shape_cast %reduce_max3A_2521 : vector<1xf32> to vector<1x1x1xf32>
        %reduce_max3A_2523 = vector.extract %reduce_max3A_2522[0, 0, 0] : f32 from vector<1x1x1xf32>
        %gt3A_2524 = arith.constant 0.000000e+00 : f32
        %gt3A_2525 = arith.cmpf ogt, %reduce_max3A_2523, %gt3A_2524 : f32
        %convert_element_type3A_2526 = arith.extui %gt3A_2525 : i1 to i32
        %cond3A_2527 = arith.constant 0 : i32
        %cond3A_2528 = arith.cmpi ne, %convert_element_type3A_2526, %cond3A_2527 : i32
        %cond3A_2529:2 = scf.if %cond3A_2528 -> (vector<4x1xi32>, vector<4x1xf32>) {
          %add3A_2561 = arith.constant 19 : i32
          %add3A_2562 = arith.addi %mul3A_221, %add3A_2561 : i32
          %get3A_2563 = arith.index_cast %add3A_2562 : i32 to index
          %get3A_2564 = arith.constant 0 : index
          %get3A_2565 = arith.constant 0 : index
          %get3A_2566 = vector.load %arg8[%get3A_2563, %get3A_2564, %get3A_2565] : memref<300x4x1024xf32, #tpu.memory_space<vmem>>, vector<1x4x1024xf32>
          %reshape3A = vector.shape_cast %get3A_2566 : vector<1x4x1024xf32> to vector<4x1024xf32>
          %gt3A_2567 = arith.constant 0.000000e+00 : f32
          %gt3A_2568 = vector.broadcast %gt3A_2567 : f32 to vector<4x1024xf32>
          %gt3A_2569 = arith.cmpf ogt, %select_n3A_2364, %gt3A_2568 : vector<4x1024xf32>
          %jit3A_2570 = arith.constant 0x7F800000 : f32
          %broadcast_in_dim3A_2571 = vector.broadcast %jit3A_2570 : f32 to vector<4x1024xf32>
          %select_n3A_2572 = arith.select %gt3A_2569, %broadcast_in_dim3A_2571, %reshape3A : vector<4x1024xi1>, vector<4x1024xf32>
          %reduce_min3A_2573 = arith.constant dense<0x7F800000> : vector<4xf32>
          %reduce_min3A_2574 = vector.multi_reduction <minimumf>, %select_n3A_2572, %reduce_min3A_2573 [1] : vector<4x1024xf32> to vector<4xf32>
          %broadcast_in_dim3A_2575 = vector.shape_cast %reduce_min3A_2574 : vector<4xf32> to vector<4x1xf32>
          %lt3A_2576 = arith.constant 1.200000e+01 : f32
          %lt3A_2577 = vector.broadcast %lt3A_2576 : f32 to vector<4x1xf32>
          %lt3A_2578 = arith.cmpf olt, %broadcast_in_dim3A_2575, %lt3A_2577 : vector<4x1xf32>
          %eq3A_2579 = vector.broadcast %broadcast_in_dim3A_2575 : vector<4x1xf32> to vector<4x1024xf32>
          %eq3A_2580 = arith.cmpf oeq, %select_n3A_2572, %eq3A_2579 : vector<4x1024xf32>
          %and3A_2581 = vector.broadcast %lt3A_2578 : vector<4x1xi1> to vector<4x1024xi1>
          %and3A_2582 = arith.andi %eq3A_2580, %and3A_2581 : vector<4x1024xi1>
          %jit3A_2583 = arith.constant 1024 : i32
          %broadcast_in_dim3A_2584 = vector.shape_cast %iota3A : vector<1x1024xi32> to vector<1x1024xi32>
          %broadcast_in_dim3A_2585 = vector.broadcast %broadcast_in_dim3A_2584 : vector<1x1024xi32> to vector<4x1024xi32>
          %broadcast_in_dim3A_2586 = vector.broadcast %jit3A_2583 : i32 to vector<4x1024xi32>
          %select_n3A_2587 = arith.select %and3A_2582, %broadcast_in_dim3A_2585, %broadcast_in_dim3A_2586 : vector<4x1024xi1>, vector<4x1024xi32>
          %reduce_min3A_2588 = arith.constant dense<2147483647> : vector<4xi32>
          %reduce_min3A_2589 = vector.multi_reduction <minsi>, %select_n3A_2587, %reduce_min3A_2588 [1] : vector<4x1024xi32> to vector<4xi32>
          %broadcast_in_dim3A_2590 = vector.shape_cast %reduce_min3A_2589 : vector<4xi32> to vector<4x1xi32>
          %jit3A_2591 = arith.constant 1.000000e+00 : f32
          %jit3A_2592 = arith.constant 0.000000e+00 : f32
          %broadcast_in_dim3A_2593 = vector.broadcast %jit3A_2591 : f32 to vector<4x1xf32>
          %broadcast_in_dim3A_2594 = vector.broadcast %jit3A_2592 : f32 to vector<4x1xf32>
          %select_n3A_2595 = arith.select %lt3A_2578, %broadcast_in_dim3A_2593, %broadcast_in_dim3A_2594 : vector<4x1xi1>, vector<4x1xf32>
          scf.yield %broadcast_in_dim3A_2590, %select_n3A_2595 : vector<4x1xi32>, vector<4x1xf32>
        } else {
          scf.yield %squeeze3A_2380, %squeeze3A_2382 : vector<4x1xi32>, vector<4x1xf32>
        }
        %gt3A_2530 = arith.constant 0.000000e+00 : f32
        %gt3A_2531 = vector.broadcast %gt3A_2530 : f32 to vector<4x1xf32>
        %gt3A_2532 = arith.cmpf ogt, %mul3A_2518, %gt3A_2531 : vector<4x1xf32>
        %select_n3A_2533 = arith.select %gt3A_2532, %cond3A_2529#0, %squeeze3A_2380 : vector<4x1xi1>, vector<4x1xi32>
        %select_n3A_2534 = arith.select %gt3A_2532, %cond3A_2529#1, %squeeze3A_2382 : vector<4x1xi1>, vector<4x1xf32>
        %gt3A_2535 = arith.constant 0.000000e+00 : f32
        %gt3A_2536 = vector.broadcast %gt3A_2535 : f32 to vector<4x1xf32>
        %gt3A_2537 = arith.cmpf ogt, %select_n3A_2534, %gt3A_2536 : vector<4x1xf32>
        %jit3A_2538 = arith.constant 1024 : i32
        %broadcast_in_dim3A_2539 = vector.broadcast %jit3A_2538 : i32 to vector<4x1xi32>
        %select_n3A_2540 = arith.select %gt3A_2537, %select_n3A_2533, %broadcast_in_dim3A_2539 : vector<4x1xi1>, vector<4x1xi32>
        %eq3A_2541 = vector.broadcast %iota3A : vector<1x1024xi32> to vector<4x1024xi32>
        %eq3A_2542 = vector.broadcast %select_n3A_2540 : vector<4x1xi32> to vector<4x1024xi32>
        %eq3A_2543 = arith.cmpi eq, %eq3A_2541, %eq3A_2542 : vector<4x1024xi32>
        %jit3A_2544 = arith.constant 1.000000e+00 : f32
        %broadcast_in_dim3A_2545 = vector.broadcast %jit3A_2544 : f32 to vector<4x1024xf32>
        %select_n3A_2546 = arith.select %eq3A_2543, %broadcast_in_dim3A_2545, %select_n3A_2364 : vector<4x1024xi1>, vector<4x1024xf32>
        %add3A_2547 = arith.constant 19 : i32
        %add3A_2548 = arith.addi %mul3A_221, %add3A_2547 : i32
        %eq3A_2549 = vector.broadcast %add3A_2548 : i32 to vector<1x384xi32>
        %eq3A_2550 = arith.cmpi eq, %iota3A_0, %eq3A_2549 : vector<1x384xi32>
        %gt3A_2551 = arith.constant 0.000000e+00 : f32
        %gt3A_2552 = vector.broadcast %gt3A_2551 : f32 to vector<4x1xf32>
        %gt3A_2553 = arith.cmpf ogt, %select_n3A_2534, %gt3A_2552 : vector<4x1xf32>
        %and3A_2554 = vector.broadcast %eq3A_2550 : vector<1x384xi1> to vector<4x384xi1>
        %and3A_2555 = vector.broadcast %gt3A_2553 : vector<4x1xi1> to vector<4x384xi1>
        %and3A_2556 = arith.andi %and3A_2554, %and3A_2555 : vector<4x384xi1>
        %convert_element_type3A_2557 = arith.sitofp %select_n3A_2540 : vector<4x1xi32> to vector<4x1xf32>
        %broadcast_in_dim3A_2558 = vector.shape_cast %convert_element_type3A_2557 : vector<4x1xf32> to vector<4x1xf32>
        %broadcast_in_dim3A_2559 = vector.broadcast %broadcast_in_dim3A_2558 : vector<4x1xf32> to vector<4x384xf32>
        %select_n3A_2560 = arith.select %and3A_2556, %broadcast_in_dim3A_2559, %select_n3A_2378 : vector<4x384xi1>, vector<4x384xf32>
        scf.yield %select_n3A_2546, %select_n3A_2560 : vector<4x1024xf32>, vector<4x384xf32>
      }
      %scan3A_213 = arith.constant 15 : i32
      %swap3A_214 = arith.constant 0 : index
      %swap3A_215 = arith.constant 0 : index
      %swap3A_216 = vector.load %arg9[%swap3A_214, %swap3A_215] : memref<4x384xf32, #tpu.memory_space<vmem>>, vector<4x384xf32>
      tpu.vector_store %arg9[%swap3A_214, %swap3A_215], %scan3A_212#1 {strides = array<i32>} : memref<4x384xf32, #tpu.memory_space<vmem>>, vector<4x384xf32>,
    } else {
    }
    %iota3A_3 = tpu.iota {dimensions = array<i32: 0>} : vector<384x384xi32>
    %iota3A_4 = tpu.iota {dimensions = array<i32: 1>} : vector<384x384xi32>
    %eq3A_5 = arith.cmpi eq, %iota3A_3, %iota3A_4 : vector<384x384xi32>
    %convert_element_type3A_6 = arith.extui %eq3A_5 : vector<384x384xi1> to vector<384x384xi32>
    %convert_element_type3A_7 = arith.sitofp %convert_element_type3A_6 : vector<384x384xi32> to vector<384x384xf32>
    %get3A = arith.index_cast %arg0 : i32 to index
    %get3A_8 = arith.constant 0 : index
    %get3A_9 = vector.load %arg9[%get3A, %get3A_8] : memref<4x384xf32, #tpu.memory_space<vmem>>, vector<1x384xf32>
    %ge3A = arith.constant 0.000000e+00 : f32
    %ge3A_10 = vector.broadcast %ge3A : f32 to vector<1x384xf32>
    %ge3A_11 = arith.cmpf oge, %get3A_9, %ge3A_10 : vector<1x384xf32>
    %convert_element_type3A_12 = arith.extui %ge3A_11 : vector<1x384xi1> to vector<1x384xi32>
    %convert_element_type3A_13 = arith.sitofp %convert_element_type3A_12 : vector<1x384xi32> to vector<1x384xf32>
    %iota3A_14 = tpu.iota {dimensions = array<i32: 0>} : vector<1024x1xi32>
    %convert_element_type3A_15 = arith.sitofp %iota3A_14 : vector<1024x1xi32> to vector<1024x1xf32>
    %eq3A_16 = vector.broadcast %convert_element_type3A_15 : vector<1024x1xf32> to vector<1024x384xf32>
    %eq3A_17 = vector.broadcast %get3A_9 : vector<1x384xf32> to vector<1024x384xf32>
    %eq3A_18 = arith.cmpf oeq, %eq3A_16, %eq3A_17 : vector<1024x384xf32>
    %convert_element_type3A_19 = arith.extui %eq3A_18 : vector<1024x384xi1> to vector<1024x384xi32>
    %convert_element_type3A_20 = arith.sitofp %convert_element_type3A_19 : vector<1024x384xi32> to vector<1024x384xf32>
    %convert_element_type3A_21 = arith.truncf %convert_element_type3A_20 : vector<1024x384xf32> to vector<1024x384xbf16>
    %get3A_22 = arith.constant 0 : index
    %get3A_23 = arith.constant 0 : index
    %get3A_24 = arith.constant 0 : index
    %get3A_25 = vector.load %arg5[%get3A_22, %get3A_23, %get3A_24] : memref<1x3000x1xi32, #tpu.memory_space<vmem>>, vector<1x3000x1xi32>
    %get3A_26 = vector.shape_cast %get3A_25 : vector<1x3000x1xi32> to vector<3000x1xi32>
    %get3A_27 = arith.constant 0 : index
    %get3A_28 = arith.constant 0 : index
    %get3A_29 = arith.constant 0 : index
    %get3A_30 = vector.load %arg6[%get3A_27, %get3A_28, %get3A_29] : memref<1x3000x1xi32, #tpu.memory_space<vmem>>, vector<1x3000x1xi32>
    %get3A_31 = vector.shape_cast %get3A_30 : vector<1x3000x1xi32> to vector<3000x1xi32>
    %eq3A_32 = vector.broadcast %get3A_26 : vector<3000x1xi32> to vector<3000x384xi32>
    %eq3A_33 = vector.broadcast %iota3A_0 : vector<1x384xi32> to vector<3000x384xi32>
    %eq3A_34 = arith.cmpi eq, %eq3A_32, %eq3A_33 : vector<3000x384xi32>
    %convert_element_type3A_35 = arith.extui %eq3A_34 : vector<3000x384xi1> to vector<3000x384xi32>
    %convert_element_type3A_36 = arith.sitofp %convert_element_type3A_35 : vector<3000x384xi32> to vector<3000x384xf32>
    %convert_element_type3A_37 = arith.truncf %convert_element_type3A_36 : vector<3000x384xf32> to vector<3000x384xbf16>
    %eq3A_38 = vector.broadcast %get3A_31 : vector<3000x1xi32> to vector<3000x384xi32>
    %eq3A_39 = vector.broadcast %iota3A_0 : vector<1x384xi32> to vector<3000x384xi32>
    %eq3A_40 = arith.cmpi eq, %eq3A_38, %eq3A_39 : vector<3000x384xi32>
    %convert_element_type3A_41 = arith.extui %eq3A_40 : vector<3000x384xi1> to vector<3000x384xi32>
    %convert_element_type3A_42 = arith.sitofp %convert_element_type3A_41 : vector<3000x384xi32> to vector<3000x384xf32>
    %convert_element_type3A_43 = arith.truncf %convert_element_type3A_42 : vector<3000x384xf32> to vector<3000x384xbf16>
    %dot_general3A = arith.constant dense<0.000000e+00> : vector<384x384xf32>
    %dot_general3A_44 = tpu.matmul %convert_element_type3A_37, %convert_element_type3A_43, %dot_general3A {dimension_numbers = #tpu.dot_dimension_numbers<[0], [0], [1], [1], [0, 1, 1, 1], [], []>, transpose_lhs_hint = false} : vector<3000x384xbf16>, vector<3000x384xbf16>, vector<384x384xf32> -> vector<384x384xf32>
    %min3A = arith.constant 1.000000e+00 : f32
    %min3A_45 = vector.broadcast %min3A : f32 to vector<384x384xf32>
    %min3A_46 = arith.minimumf %dot_general3A_44, %min3A_45 : vector<384x384xf32>
    %broadcast_in_dim3A = arith.constant 1.000000e+00 : f32
    %broadcast_in_dim3A_47 = vector.broadcast %broadcast_in_dim3A : f32 to vector<384x1xf32>
    %dot_general3A_48 = arith.constant dense<0.000000e+00> : vector<384x1xf32>
    %dot_general3A_49 = tpu.matmul %min3A_46, %broadcast_in_dim3A_47, %dot_general3A_48 {dimension_numbers = #tpu.dot_dimension_numbers<[1], [0], [0], [1], [0, 0, 1, 1], [], []>, transpose_lhs_hint = false} : vector<384x384xf32>, vector<384x1xf32>, vector<384x1xf32> -> vector<384x1xf32>
    %dot_general3A_50 = arith.constant dense<0.000000e+00> : vector<384x1xf32>
    %dot_general3A_51 = tpu.matmul %min3A_46, %broadcast_in_dim3A_47, %dot_general3A_50 {dimension_numbers = #tpu.dot_dimension_numbers<[0], [0], [1], [1], [0, 1, 1, 1], [], []>, transpose_lhs_hint = false} : vector<384x384xf32>, vector<384x1xf32>, vector<384x1xf32> -> vector<384x1xf32>
    %add3A = arith.addf %dot_general3A_49, %dot_general3A_51 : vector<384x1xf32>
    %gt3A = arith.constant 0.000000e+00 : f32
    %gt3A_52 = vector.broadcast %gt3A : f32 to vector<384x1xf32>
    %gt3A_53 = arith.cmpf ogt, %add3A, %gt3A_52 : vector<384x1xf32>
    %convert_element_type3A_54 = arith.extui %gt3A_53 : vector<384x1xi1> to vector<384x1xi32>
    %convert_element_type3A_55 = arith.sitofp %convert_element_type3A_54 : vector<384x1xi32> to vector<384x1xf32>
    %le3A = arith.cmpi sle, %iota3A_4, %iota3A_3 : vector<384x384xi32>
    %convert_element_type3A_56 = arith.extui %le3A : vector<384x384xi1> to vector<384x384xi32>
    %convert_element_type3A_57 = arith.sitofp %convert_element_type3A_56 : vector<384x384xi32> to vector<384x384xf32>
    %dot_general3A_58 = arith.constant dense<0.000000e+00> : vector<384x1xf32>
    %dot_general3A_59 = tpu.matmul %convert_element_type3A_57, %convert_element_type3A_55, %dot_general3A_58 {dimension_numbers = #tpu.dot_dimension_numbers<[1], [0], [0], [1], [0, 0, 1, 1], [], []>, transpose_lhs_hint = false} : vector<384x384xf32>, vector<384x1xf32>, vector<384x1xf32> -> vector<384x1xf32>
    %sub3A = arith.constant 1.000000e+00 : f32
    %sub3A_60 = vector.broadcast %sub3A : f32 to vector<384x1xf32>
    %sub3A_61 = arith.subf %dot_general3A_59, %sub3A_60 : vector<384x1xf32>
    %convert_element_type3A_62 = arith.sitofp %iota3A_0 : vector<1x384xi32> to vector<1x384xf32>
    %eq3A_63 = vector.broadcast %sub3A_61 : vector<384x1xf32> to vector<384x384xf32>
    %eq3A_64 = vector.broadcast %convert_element_type3A_62 : vector<1x384xf32> to vector<384x384xf32>
    %eq3A_65 = arith.cmpf oeq, %eq3A_63, %eq3A_64 : vector<384x384xf32>
    %gt3A_66 = arith.constant 0.000000e+00 : f32
    %gt3A_67 = vector.broadcast %gt3A_66 : f32 to vector<384x1xf32>
    %gt3A_68 = arith.cmpf ogt, %convert_element_type3A_55, %gt3A_67 : vector<384x1xf32>
    %and3A = vector.broadcast %gt3A_68 : vector<384x1xi1> to vector<384x384xi1>
    %and3A_69 = arith.andi %eq3A_65, %and3A : vector<384x384xi1>
    %convert_element_type3A_70 = arith.extui %and3A_69 : vector<384x384xi1> to vector<384x384xi32>
    %convert_element_type3A_71 = arith.sitofp %convert_element_type3A_70 : vector<384x384xi32> to vector<384x384xf32>
    %convert_element_type3A_72 = arith.truncf %convert_element_type3A_71 : vector<384x384xf32> to vector<384x384xbf16>
    %convert_element_type3A_73 = arith.truncf %min3A_46 : vector<384x384xf32> to vector<384x384xbf16>
    %dot_general3A_74 = arith.constant dense<0.000000e+00> : vector<384x384xf32>
    %dot_general3A_75 = tpu.matmul %convert_element_type3A_72, %convert_element_type3A_73, %dot_general3A_74 {dimension_numbers = #tpu.dot_dimension_numbers<[0], [0], [1], [1], [0, 1, 1, 1], [], []>, transpose_lhs_hint = false} : vector<384x384xbf16>, vector<384x384xbf16>, vector<384x384xf32> -> vector<384x384xf32>
    %convert_element_type3A_76 = arith.truncf %dot_general3A_75 : vector<384x384xf32> to vector<384x384xbf16>
    %dot_general3A_77 = arith.constant dense<0.000000e+00> : vector<384x384xf32>
    %dot_general3A_78 = tpu.matmul %convert_element_type3A_76, %convert_element_type3A_72, %dot_general3A_77 {dimension_numbers = #tpu.dot_dimension_numbers<[1], [0], [0], [1], [0, 0, 1, 1], [], []>, transpose_lhs_hint = false} : vector<384x384xbf16>, vector<384x384xbf16>, vector<384x384xf32> -> vector<384x384xf32>
    %min3A_79 = arith.constant 1.000000e+00 : f32
    %min3A_80 = vector.broadcast %min3A_79 : f32 to vector<384x384xf32>
    %min3A_81 = arith.minimumf %dot_general3A_78, %min3A_80 : vector<384x384xf32>
    %sub3A_82 = arith.constant 1.000000e+00 : f32
    %sub3A_83 = vector.broadcast %sub3A_82 : f32 to vector<1x384xf32>
    %sub3A_84 = arith.subf %sub3A_83, %convert_element_type3A_13 : vector<1x384xf32>
    %mul3A = vector.broadcast %sub3A_84 : vector<1x384xf32> to vector<384x384xf32>
    %mul3A_85 = arith.mulf %min3A_81, %mul3A : vector<384x384xf32>
    %add3A_86 = arith.addf %mul3A_85, %convert_element_type3A_7 : vector<384x384xf32>
    %min3A_87 = arith.constant 1.000000e+00 : f32
    %min3A_88 = vector.broadcast %min3A_87 : f32 to vector<384x384xf32>
    %min3A_89 = arith.minimumf %add3A_86, %min3A_88 : vector<384x384xf32>
    %convert_element_type3A_90 = arith.truncf %min3A_89 : vector<384x384xf32> to vector<384x384xbf16>
    %dot_general3A_91 = arith.constant dense<0.000000e+00> : vector<384x384xf32>
    %dot_general3A_92 = tpu.matmul %convert_element_type3A_90, %convert_element_type3A_90, %dot_general3A_91 {dimension_numbers = #tpu.dot_dimension_numbers<[1], [0], [0], [1], [0, 0, 1, 1], [], []>, transpose_lhs_hint = false} : vector<384x384xbf16>, vector<384x384xbf16>, vector<384x384xf32> -> vector<384x384xf32>
    %min3A_93 = arith.constant 1.000000e+00 : f32
    %min3A_94 = vector.broadcast %min3A_93 : f32 to vector<384x384xf32>
    %min3A_95 = arith.minimumf %dot_general3A_92, %min3A_94 : vector<384x384xf32>
    %convert_element_type3A_96 = arith.truncf %min3A_95 : vector<384x384xf32> to vector<384x384xbf16>
    %dot_general3A_97 = arith.constant dense<0.000000e+00> : vector<384x384xf32>
    %dot_general3A_98 = tpu.matmul %convert_element_type3A_96, %convert_element_type3A_96, %dot_general3A_97 {dimension_numbers = #tpu.dot_dimension_numbers<[1], [0], [0], [1], [0, 0, 1, 1], [], []>, transpose_lhs_hint = false} : vector<384x384xbf16>, vector<384x384xbf16>, vector<384x384xf32> -> vector<384x384xf32>
    %min3A_99 = arith.constant 1.000000e+00 : f32
    %min3A_100 = vector.broadcast %min3A_99 : f32 to vector<384x384xf32>
    %min3A_101 = arith.minimumf %dot_general3A_98, %min3A_100 : vector<384x384xf32>
    %convert_element_type3A_102 = arith.truncf %min3A_101 : vector<384x384xf32> to vector<384x384xbf16>
    %dot_general3A_103 = arith.constant dense<0.000000e+00> : vector<384x384xf32>
    %dot_general3A_104 = tpu.matmul %convert_element_type3A_102, %convert_element_type3A_102, %dot_general3A_103 {dimension_numbers = #tpu.dot_dimension_numbers<[1], [0], [0], [1], [0, 0, 1, 1], [], []>, transpose_lhs_hint = false} : vector<384x384xbf16>, vector<384x384xbf16>, vector<384x384xf32> -> vector<384x384xf32>
    %min3A_105 = arith.constant 1.000000e+00 : f32
    %min3A_106 = vector.broadcast %min3A_105 : f32 to vector<384x384xf32>
    %min3A_107 = arith.minimumf %dot_general3A_104, %min3A_106 : vector<384x384xf32>
    %convert_element_type3A_108 = arith.truncf %min3A_107 : vector<384x384xf32> to vector<384x384xbf16>
    %dot_general3A_109 = arith.constant dense<0.000000e+00> : vector<384x384xf32>
    %dot_general3A_110 = tpu.matmul %convert_element_type3A_108, %convert_element_type3A_108, %dot_general3A_109 {dimension_numbers = #tpu.dot_dimension_numbers<[1], [0], [0], [1], [0, 0, 1, 1], [], []>, transpose_lhs_hint = false} : vector<384x384xbf16>, vector<384x384xbf16>, vector<384x384xf32> -> vector<384x384xf32>
    %min3A_111 = arith.constant 1.000000e+00 : f32
    %min3A_112 = vector.broadcast %min3A_111 : f32 to vector<384x384xf32>
    %min3A_113 = arith.minimumf %dot_general3A_110, %min3A_112 : vector<384x384xf32>
    %convert_element_type3A_114 = arith.truncf %min3A_113 : vector<384x384xf32> to vector<384x384xbf16>
    %dot_general3A_115 = arith.constant dense<0.000000e+00> : vector<384x384xf32>
    %dot_general3A_116 = tpu.matmul %convert_element_type3A_114, %convert_element_type3A_114, %dot_general3A_115 {dimension_numbers = #tpu.dot_dimension_numbers<[1], [0], [0], [1], [0, 0, 1, 1], [], []>, transpose_lhs_hint = false} : vector<384x384xbf16>, vector<384x384xbf16>, vector<384x384xf32> -> vector<384x384xf32>
    %min3A_117 = arith.constant 1.000000e+00 : f32
    %min3A_118 = vector.broadcast %min3A_117 : f32 to vector<384x384xf32>
    %min3A_119 = arith.minimumf %dot_general3A_116, %min3A_118 : vector<384x384xf32>
    %convert_element_type3A_120 = arith.truncf %min3A_119 : vector<384x384xf32> to vector<384x384xbf16>
    %dot_general3A_121 = arith.constant dense<0.000000e+00> : vector<384x384xf32>
    %dot_general3A_122 = tpu.matmul %convert_element_type3A_120, %convert_element_type3A_120, %dot_general3A_121 {dimension_numbers = #tpu.dot_dimension_numbers<[1], [0], [0], [1], [0, 0, 1, 1], [], []>, transpose_lhs_hint = false} : vector<384x384xbf16>, vector<384x384xbf16>, vector<384x384xf32> -> vector<384x384xf32>
    %min3A_123 = arith.constant 1.000000e+00 : f32
    %min3A_124 = vector.broadcast %min3A_123 : f32 to vector<384x384xf32>
    %min3A_125 = arith.minimumf %dot_general3A_122, %min3A_124 : vector<384x384xf32>
    %convert_element_type3A_126 = arith.truncf %min3A_125 : vector<384x384xf32> to vector<384x384xbf16>
    %dot_general3A_127 = arith.constant dense<0.000000e+00> : vector<384x384xf32>
    %dot_general3A_128 = tpu.matmul %convert_element_type3A_126, %convert_element_type3A_126, %dot_general3A_127 {dimension_numbers = #tpu.dot_dimension_numbers<[1], [0], [0], [1], [0, 0, 1, 1], [], []>, transpose_lhs_hint = false} : vector<384x384xbf16>, vector<384x384xbf16>, vector<384x384xf32> -> vector<384x384xf32>
    %min3A_129 = arith.constant 1.000000e+00 : f32
    %min3A_130 = vector.broadcast %min3A_129 : f32 to vector<384x384xf32>
    %min3A_131 = arith.minimumf %dot_general3A_128, %min3A_130 : vector<384x384xf32>
    %convert_element_type3A_132 = arith.truncf %min3A_131 : vector<384x384xf32> to vector<384x384xbf16>
    %dot_general3A_133 = arith.constant dense<0.000000e+00> : vector<384x384xf32>
    %dot_general3A_134 = tpu.matmul %convert_element_type3A_132, %convert_element_type3A_132, %dot_general3A_133 {dimension_numbers = #tpu.dot_dimension_numbers<[1], [0], [0], [1], [0, 0, 1, 1], [], []>, transpose_lhs_hint = false} : vector<384x384xbf16>, vector<384x384xbf16>, vector<384x384xf32> -> vector<384x384xf32>
    %min3A_135 = arith.constant 1.000000e+00 : f32
    %min3A_136 = vector.broadcast %min3A_135 : f32 to vector<384x384xf32>
    %min3A_137 = arith.minimumf %dot_general3A_134, %min3A_136 : vector<384x384xf32>
    %convert_element_type3A_138 = arith.truncf %min3A_137 : vector<384x384xf32> to vector<384x384xbf16>
    %dot_general3A_139 = arith.constant dense<0.000000e+00> : vector<384x384xf32>
    %dot_general3A_140 = tpu.matmul %convert_element_type3A_138, %convert_element_type3A_138, %dot_general3A_139 {dimension_numbers = #tpu.dot_dimension_numbers<[1], [0], [0], [1], [0, 0, 1, 1], [], []>, transpose_lhs_hint = false} : vector<384x384xbf16>, vector<384x384xbf16>, vector<384x384xf32> -> vector<384x384xf32>
    %min3A_141 = arith.constant 1.000000e+00 : f32
    %min3A_142 = vector.broadcast %min3A_141 : f32 to vector<384x384xf32>
    %min3A_143 = arith.minimumf %dot_general3A_140, %min3A_142 : vector<384x384xf32>
    %convert_element_type3A_144 = arith.truncf %min3A_143 : vector<384x384xf32> to vector<384x384xbf16>
    %convert_element_type3A_145 = arith.truncf %min3A_81 : vector<384x384xf32> to vector<384x384xbf16>
    %dot_general3A_146 = arith.constant dense<0.000000e+00> : vector<384x384xf32>
    %dot_general3A_147 = tpu.matmul %convert_element_type3A_144, %convert_element_type3A_145, %dot_general3A_146 {dimension_numbers = #tpu.dot_dimension_numbers<[1], [0], [0], [1], [0, 0, 1, 1], [], []>, transpose_lhs_hint = false} : vector<384x384xbf16>, vector<384x384xbf16>, vector<384x384xf32> -> vector<384x384xf32>
    %gt3A_148 = arith.constant 0.000000e+00 : f32
    %gt3A_149 = vector.broadcast %gt3A_148 : f32 to vector<384x384xf32>
    %gt3A_150 = arith.cmpf ogt, %dot_general3A_147, %gt3A_149 : vector<384x384xf32>
    %convert_element_type3A_151 = arith.extui %gt3A_150 : vector<384x384xi1> to vector<384x384xi32>
    %convert_element_type3A_152 = arith.sitofp %convert_element_type3A_151 : vector<384x384xi32> to vector<384x384xf32>
    %convert_element_type3A_153 = arith.truncf %convert_element_type3A_152 : vector<384x384xf32> to vector<384x384xbf16>
    %dot_general3A_154 = arith.constant dense<0.000000e+00> : vector<1024x384xf32>
    %dot_general3A_155 = tpu.matmul %convert_element_type3A_21, %convert_element_type3A_153, %dot_general3A_154 {dimension_numbers = #tpu.dot_dimension_numbers<[1], [0], [0], [1], [0, 0, 1, 1], [], []>, transpose_lhs_hint = false} : vector<1024x384xbf16>, vector<384x384xbf16>, vector<1024x384xf32> -> vector<1024x384xf32>
    %convert_element_type3A_156 = arith.truncf %dot_general3A_155 : vector<1024x384xf32> to vector<1024x384xbf16>
    %dot_general3A_157 = arith.constant dense<0.000000e+00> : vector<1024x1024xf32>
    %dot_general3A_158 = tpu.matmul %convert_element_type3A_156, %convert_element_type3A_21, %dot_general3A_157 {dimension_numbers = #tpu.dot_dimension_numbers<[1], [1], [0], [0], [0, 0, 1, 0], [], []>, transpose_lhs_hint = false} : vector<1024x384xbf16>, vector<1024x384xbf16>, vector<1024x1024xf32> -> vector<1024x1024xf32>
    %slice3A = vector.extract_strided_slice %dot_general3A_158 {offsets = [0, 0], sizes = [1000, 1000], strides = [1, 1]} : vector<1024x1024xf32> to vector<1000x1000xf32>
    %swap3A = arith.constant 0 : index
    %swap3A_159 = arith.constant 0 : index
    %swap3A_160 = arith.constant 0 : index
    %swap3A_161 = vector.load %arg7[%swap3A, %swap3A_159, %swap3A_160] : memref<1x1000x1000xf32, #tpu.memory_space<vmem>>, vector<1x1000x1000xf32>
    %swap3A_162 = vector.shape_cast %swap3A_161 : vector<1x1000x1000xf32> to vector<1000x1000xf32>
    %swap3A_163 = vector.shape_cast %slice3A : vector<1000x1000xf32> to vector<1x1000x1000xf32>
    tpu.vector_store %arg7[%swap3A, %swap3A_159, %swap3A_160], %swap3A_163 {strides = array<i32>} : memref<1x1000x1000xf32, #tpu.memory_space<vmem>>, vector<1x1000x1000xf32>,
    return
  }
  func.func @transform_0(%arg0: i32) -> (i32, i32, i32) {
    %c0_i32 = arith.constant 0 : i32
    %c0_i32_0 = arith.constant 0 : i32
    %c0_i32_1 = arith.constant 0 : i32
    %c0_i32_2 = arith.constant 0 : i32
    return %c0_i32, %c0_i32_0, %c0_i32_1 : i32, i32, i32
  }
  func.func @transform_1(%arg0: i32) -> (i32, i32, i32) {
    %c0_i32 = arith.constant 0 : i32
    %c0_i32_0 = arith.constant 0 : i32
    %c0_i32_1 = arith.constant 0 : i32
    %c0_i32_2 = arith.constant 0 : i32
    return %c0_i32, %c0_i32_0, %c0_i32_1 : i32, i32, i32
  }
  func.func @transform_2(%arg0: i32) -> (i32, i32, i32) {
    %c0_i32 = arith.constant 0 : i32
    %c0_i32_0 = arith.constant 0 : i32
    %c0_i32_1 = arith.constant 0 : i32
    %c0_i32_2 = arith.constant 0 : i32
    return %c0_i32, %c0_i32_0, %c0_i32_1 : i32, i32, i32
  }
  func.func @transform_3(%arg0: i32) -> (i32, i32, i32) {
    %c0_i32 = arith.constant 0 : i32
    %c0_i32_0 = arith.constant 0 : i32
    %c0_i32_1 = arith.constant 0 : i32
    %c0_i32_2 = arith.constant 0 : i32
    return %c0_i32, %c0_i32_0, %c0_i32_1 : i32, i32, i32
  }
  func.func @transform_4(%arg0: i32) -> (i32, i32, i32) {
    %c0_i32 = arith.constant 0 : i32
    %c0_i32_0 = arith.constant 0 : i32
    %c0_i32_1 = arith.constant 0 : i32
    return %arg0, %c0_i32, %c0_i32_0 : i32, i32, i32
  }
  func.func @transform_5(%arg0: i32) -> (i32, i32, i32) {
    %c0_i32 = arith.constant 0 : i32
    %c0_i32_0 = arith.constant 0 : i32
    %c0_i32_1 = arith.constant 0 : i32
    return %arg0, %c0_i32, %c0_i32_0 : i32, i32, i32
  }
  func.func @transform_6(%arg0: i32) -> (i32, i32, i32) {
    %c0_i32 = arith.constant 0 : i32
    %c0_i32_0 = arith.constant 0 : i32
    %c0_i32_1 = arith.constant 0 : i32
    return %arg0, %c0_i32, %c0_i32_0 : i32, i32, i32
  }
}

</mosaic_0001>

<sc_bundles>
// kernel: kernel.4.cloned.1.call-start
scs
__scs_entry_jumppad:
0x0: {  	(pc) =	sbr.rel $0x88, $3  }
0x1: {  	(tag) =	ssettag $0x0;
	lr =	simm.s32 $0x1  }
0x2: {  	[smem:$0x3F9E] =	sst lr;
	_ =	strace $0xD0000000  }
0x3: {  	_ = 	snop  }
0x4: {  	_ = 	snop  }
0x5: {  	_ = 	snop  }
0x6: {  	_ = 	snop  }
0x7: {  	_ = 	snop  }
__scs_overlays_trampoline_lowered:
0x8: {  	[smem:$0x3FAD] =	sst s0  }
0x9: {  	[smem:$0x3FAE] =	sst s1  }
0xa: {  	[smem:$0x3FAF] =	sst s2  }
0xb: {  	[smem:$0x3FB0] =	sst s3  }
0xc: {  	[smem:$0x3FB1] =	sst s4  }
0xd: {  	[smem:$0x3FB2] =	sst s5  }
0xe: {  	[smem:$0x3FB3] =	sst s6  }
0xf: {  	[smem:$0x3FB4] =	sst s7  }
0x10: {  	[smem:$0x3FB5] =	sst s8  }
0x11: {  	[smem:$0x3FB6] =	sst s9;
	s0 =	simm.s32 @!p0 $0x0  }
0x12: {  	s1 =	sld [smem:$0x3F9C];
	s0 =	simm.s32 @p0 $0x1  }
0x13: {  	[smem:$0x3FB7] =	sst s0;
	s0 =	simm.s32 @!p1 $0x0  }
0x14: {  	s2 =	sld [smem:$0x3F9B];
	s0 =	simm.s32 @p1 $0x1  }
0x15: {  	[smem:$0x3FB8] =	sst s0;
	s0 =	simm.s32 @!p2 $0x0  }
0x16: {  	s3 =	sld [smem:$0x3FDB];
	s0 =	simm.s32 @p2 $0x1  }
0x17: {  	s4 =	simm.s32 $0x1BF5;
	[smem:$0x3FBA] =	sst s0  }
0x18: {  	s0 =	sld [smem:$0x3F9D];
	_ =	swait.ge [sflag:s4], $0x0  }
0x19: {  	s7 =	sld [smem:$0x3F9E]  }
0x1a: {  	s8 =	sadd.s32 $0xFFFFE003, lr  }
0x1b: {  	s9 =	sadd.s32 $0xFFFFFEF7, lr;
	s5 =	simm.s32 $0xFFFFFFFF;
	p2 =	slt.u32 s8, $0xFFFFF086  }
0x1c: {  	p1 =	slt.u32 s9, $0xF7A;
	s5 =	simm.s32 @!p2 $0x0  }
0x1d: {  	s5 =	simm.s32 @p1 $0x1;
	p0 =	seq.s32 s7, s2  }
0x1e: {  	s7 =	smul.u32 @!p0 $0xF7A, s2;
	p2 =	seq.s32 @!p0 s5, $0x0  }
0x1f: {  	s9 =	smul.u32 $0xF7A, s1;
	s8 =	simm.s32 @!p0 $0x1BF5;
	p2 =	por !p2, p0  }
0x20: {  	[sflag:s8] =	ssyncset.s32 @!p0 $0xFFFFF086;
	s6 =	sadd.s32 @!p0 s3, s7;
	s7 =	simm.s32 @!p0 $0x108  }
0x21: {  	s3 =	sadd.s32 s3, s9;
	s6 =	sadd.s32 @!p0 $0x88, s6;
	s7 =	simm.s32 @p2 $0x1082  }
0x22: {  	[simem:s7], [sflag:s8] =	dma.local @!p0 [hbm:s6], $0xF7A  }
0x23: {  	s9 =	sor.u32 $0xD0000000, s2;
	s6 =	simm.s32 $0x108;
	_ =	swait.ge @!p0 [sflag:s8], $0x0  }
0x24: {  	s3 =	sadd.s32 $0x88, s3;
	s6 =	simm.s32 @!p1 $0x1082;
	[sflag:s4] =	ssyncset.s32 $0xFFFFF086  }
0x25: {  	[simem:s6], [sflag:s4] =	dma.local [hbm:s3], $0xF7A  }
0x26: {  	[smem:$0x3F9E] =	sst s1;
	(tag) =	ssettag s2;
	_ =	strace s9  }
0x27: {  	s1 =	sld [smem:$0x3FAE]  }
0x28: {  	s2 =	sld [smem:$0x3FAF]  }
0x29: {  	s4 =	sld [smem:$0x3FB1]  }
0x2a: {  	p0 =	seq.s32 s5, $0x0;
	s5 =	sld [smem:$0x3FB2]  }
0x2b: {  	s6 =	sld [smem:$0x3FB3]  }
0x2c: {  	s7 =	sld [smem:$0x3FB4]  }
0x2d: {  	s3 =	simm.s32 $0x108;
	s8 =	sld [smem:$0x3FB5]  }
0x2e: {  	s3 =	simm.s32 @!p0 $0x1082;
	s9 =	sld [smem:$0x3FB6]  }
0x2f: {  	lr =	sadd.s32 s0, s3;
	s0 =	sld [smem:$0x3FAD]  }
0x30: {  	s3 =	sld [smem:$0x3FB0]  }
0x31: {  	[smem:$0x3FB9] =	sst s10  }
0x32: {  	s10 =	sld [smem:$0x3FB7];
	_ =	sdelay $0x3  }
0x33: {  	p0 =	seq.s32 s10, $0x1;
	s10 =	sld [smem:$0x3FB9];
	_ =	sdelay $0x3  }
0x34: {  	[smem:$0x3FB9] =	sst s10  }
0x35: {  	s10 =	sld [smem:$0x3FB8];
	_ =	sdelay $0x3  }
0x36: {  	p1 =	seq.s32 s10, $0x1;
	s10 =	sld [smem:$0x3FB9];
	_ =	sdelay $0x3  }
0x37: {  	[smem:$0x3FB9] =	sst s10  }
0x38: {  	s10 =	sld [smem:$0x3FBA]  }
0x39: {  	_ = 	snop;
	(pc) =	sbr.ind lr, $3  }
0x3a: {  	_ = 	snop  }
0x3b: {  	_ = 	snop  }
0x3c: {  	p2 =	seq.s32 s10, $0x1;
	s10 =	sld [smem:$0x3FB9]  }
0x3d: {  	_ =	shalt  }
0x3e: {  	_ =	shalt  }
0x3f: {  	_ =	shalt  }
0x40: {  	_ =	shalt  }
0x41: {  	_ =	shalt  }
0x42: {  	_ =	shalt  }
0x43: {  	_ =	shalt  }
0x44: {  	_ =	shalt  }
0x45: {  	_ =	shalt  }
0x46: {  	_ =	shalt  }
0x47: {  	_ =	shalt  }
0x48: {  	_ =	shalt  }
0x49: {  	_ =	shalt  }
0x4a: {  	_ =	shalt  }
0x4b: {  	_ =	shalt  }
0x4c: {  	_ =	shalt  }
0x4d: {  	_ =	shalt  }
0x4e: {  	_ =	shalt  }
0x4f: {  	_ =	shalt  }
0x50: {  	_ =	shalt  }
0x51: {  	_ =	shalt  }
0x52: {  	_ =	shalt  }
0x53: {  	_ =	shalt  }
0x54: {  	_ =	shalt  }
0x55: {  	_ =	shalt  }
0x56: {  	_ =	shalt  }
0x57: {  	_ =	shalt  }
0x58: {  	_ =	shalt  }
0x59: {  	_ =	shalt  }
0x5a: {  	_ =	shalt  }
0x5b: {  	_ =	shalt  }
0x5c: {  	_ =	shalt  }
0x5d: {  	_ =	shalt  }
0x5e: {  	_ =	shalt  }
0x5f: {  	_ =	shalt  }
0x60: {  	_ =	shalt  }
0x61: {  	_ =	shalt  }
0x62: {  	_ =	shalt  }
0x63: {  	_ =	shalt  }
0x64: {  	_ =	shalt  }
0x65: {  	_ =	shalt  }
0x66: {  	_ =	shalt  }
0x67: {  	_ =	shalt  }
0x68: {  	_ =	shalt  }
0x69: {  	_ =	shalt  }
0x6a: {  	_ =	shalt  }
0x6b: {  	_ =	shalt  }
0x6c: {  	_ =	shalt  }
0x6d: {  	_ =	shalt  }
0x6e: {  	_ =	shalt  }
0x6f: {  	_ =	shalt  }
0x70: {  	_ =	shalt  }
0x71: {  	_ =	shalt  }
0x72: {  	_ =	shalt  }
0x73: {  	_ =	shalt  }
0x74: {  	_ =	shalt  }
0x75: {  	_ =	shalt  }
0x76: {  	_ =	shalt  }
0x77: {  	_ =	shalt  }
0x78: {  	_ =	shalt  }
0x79: {  	_ =	shalt  }
0x7a: {  	_ =	shalt  }
0x7b: {  	_ =	shalt  }
0x7c: {  	_ =	shalt  }
0x7d: {  	_ =	shalt  }
0x7e: {  	_ =	shalt  }
0x7f: {  	_ =	shalt  }
0x80: {  	_ =	shalt  }
0x81: {  	_ =	shalt  }
0x82: {  	_ =	shalt  }
0x83: {  	_ =	shalt  }
0x84: {  	_ =	shalt  }
0x85: {  	_ =	shalt  }
0x86: {  	_ =	shalt  }
0x87: {  	_ =	shalt  }
.Lfunc_end0:
.L_simem_size_0:
called_computation_lowered:
.L_overlay_start_0:
0x88: {  	s2 =	sld [smem:$0x3FD9]  }
0x89: {  	s3 =	sld [smem:$0x3FFE];
	_ =	sdelay $0x1  }
0x8a: {  	s1 =	srdreg.scid  }
0x8b: {  	s0 =	sand.u32 $0x1, s1  }
0x8c: {  	s14 =	sshll.u32 s0, $0xA;
	s2 =	sadd.s32 s3, s2  }
0x8d: {  	s2 =	sadd.s32 s2, s14  }
0x8e: {  	[smem:$0x3FC5] =	sst s2  }
0x8f: {  	_ = 	snop  }
0x90: {  	s2 =	sld [smem:$0x3FD0];
	_ =	sdelay $0x2  }
0x91: {  	s15 =	simm.s32 $0xA;
	s4 =	simm.s32 $0x10  }
0x92: {  	[smem:s4], [sflag:s15] =	dma.local [hbm:s2], $0x1  }
0x93: {  	_ =	swait.eq [sflag:s15], $0x1  }
0x94: {  	[sflag:s15] =	ssyncset.done $0x0  }
0x95: {  	[sflag:s15] =	ssyncadd.s32 $0xFFFFFFFF  }
0x96: {  	s16 =	sld [smem:$0x11];
	(tm) =	ssettm $0x1  }
0x97: {  	s17 =	sld [smem:$0x3FFB];
	_ =	sdelay $0x3  }
0x98: {  	_ =	strace s17  }
0x99: {  	s3 =	sld [smem:$0x3FFC];
	_ =	sdelay $0x3  }
0x9a: {  	_ =	strace s3  }
0x9b: {  	s3 =	sld [smem:$0x3FFD];
	_ =	sdelay $0x3  }
0x9c: {  	_ =	strace s3  }
0x9d: {  	_ =	strace $0x8FFFFFFF  }
0x9e: {  	s18 =	sld [smem:$0x3FDB];
	_ =	sdelay $0x1  }
0x9f: {  	s19 =	simm.s32 $_scs_section_size  }
0xa0: {  	s5 =	simm.s32 $_size__tile_overlayer_lowered;
	s6 =	simm.s32 $_tile_overlayer_lowered  }
0xa1: {  	s22 =	simm.s32 $0x1BFF;
	s21 =	sshll.u32 s6, $0x1;
	s3 =	sadd.s32 s19, s18  }
0xa2: {  	s7 =	simm.s32 $0x0;
	s20 =	sshll.u32 s5, $0x1;
	s5 =	sadd.s32 s21, s3  }
0xa3: {  	[timem:s7], [sflag:s22] =	dma.local [hbm:s5], s20  }
0xa4: {  	_ =	swait.ge [sflag:s22], s20  }
0xa5: {  	s4 =	ssub.s32 $0x0, s20;
	[sflag:s22] =	ssyncset.done $0x0  }
0xa6: {  	[sflag:s22] =	ssyncadd.s32 s4;
	_ =	sdelay $0x1  }
0xa7: {  	s23 =	simm.s32 $0x1B8B  }
0xa8: {  	_ =	swait.ge [sflag:s23], $0x1  }
0xa9: {  	[sflag:s23] =	ssyncset.done $0x0  }
0xaa: {  	s25 =	simm.s32 $0x1B8E;
	s24 =	sld [smem:$0x3FFE];
	[sflag:s23] =	ssyncadd.s32 $0xFFFFFFFF  }
0xab: {  	s26 =	simm.s32 $execute0_lowered;
	[smem:$0x3FD2] =	sst s25  }
0xac: {  	s5 =	sshll.u32 s26, $0x1;
	_ =	strace $0x80000046;
	[dreg:$0x1] =	wrdreg $0xFFFFFFFF  }
0xad: {  	s28 =	simm.s32 $_size_execute0_lowered;
	s3 =	sadd.s32 s3, s5;
	[dreg:$0x0] =	wrdreg $0x0  }
0xae: {  	s5 =	sshll.u32 s28, $0x1;
	[dreg:$0x2] =	wrdreg s3  }
0xaf: {  	[dreg:$0x3] =	wrdreg s5  }
0xb0: {  	[dreg:$0x4] =	wrdreg $0xC0  }
0xb1: {  	_ =	task [dreg:s7], $0x5FFFF  }
0xb2: {  	[dreg:$0x1] =	wrdreg $0xFFFFFFFF  }
0xb3: {  	[dreg:$0x0] =	wrdreg $0x60  }
0xb4: {  	[dreg:$0x2] =	wrdreg s24  }
0xb5: {  	[dreg:$0x3] =	wrdreg s16  }
0xb6: {  	[dreg:$0x4] =	wrdreg $0x9  }
0xb7: {  	_ =	task.clear_ibuf [dreg:s7], $0x5FFFF;
	_ =	strace $0x90000046  }
0xb8: {  	s29 =	simm.s32 $0x9;
	_ =	strace $0x80000048  }
0xb9: {  	_ =	swait.ge [sflag:s29], $0x1  }
0xba: {  	[sflag:s29] =	ssyncadd.s32 $0xFFFFFFFF  }
0xbb: {  	_ =	strace $0x90000048  }
0xbc: {  	_ =	sfence  }
0xbd: {  	s30 =	sld [smem:$0x0];
	_ =	sdelay $0x2  }
0xbe: {  	s31 =	sshll.u32 s1, $0xD;
	s1 =	sshrl.u32 s1, $0x2  }
0xbf: {  	s3 =	sand.u32 $0x4000, s31;
	s1 =	sadd.s32 s1, s30  }
0xc0: {  	s0 =	sor.u32 s3, s0;
	s1 =	sshll.u32 s1, $0x11  }
0xc1: {  	s0 =	sor.u32 s1, s0  }
0xc2: {  	s0 =	sadd.s32 $0x8F2B, s0  }
0xc3: {  	[sflag:s0] =	ssyncadd.remote.s32 $0x1  }
0xc4: {  	_ =	sfence.sel $0xFFFF  }
0xc5: {  	[dreg:$0x0] =	wrdreg $0xFFFFFFFF;
	(pc) =	sbr.abs _section_cstart, $3  }
0xc6: {  	[dreg:$0x1] =	wrdreg $0xFFFFFFFF  }
0xc7: {  	_ =	task.clear_ibuf [dreg:s7], $0x2FFFF;
	_ =	strace $0x9FFFFFFF  }
0xc8: {  	(tm) =	ssettm $0x7FFFFFFF  }
0xc9: {  	_ =	shalt  }
tec
execute0_lowered:
.L_overlay_start_1:
0x0: {  	(tag) =	ssettag $0x1  }
0x1: {  	s1 =	srdreg.scid;
	s0 =	stileid.u32  }
0x2: {  	s13 =	sand.u32 $0x1, s1;
	s4 =	sshll.u32 s0, $0x1  }
0x3: {  	s4 =	sor.u32 s13, s4  }
0x4: {  	p0 =	sgt.u32 s4, $0x18  }
.Ltmp0:
0x5: {  	_ = 	snop;
	(pc) =	sbr.rel @p0 .LBB2_4-.Ltmp0, $4  }
0x6: {  	s3 =	rddreg [dreg:$0x0]  }
0x7: {  	s5 =	rddreg [dreg:$0x1];
	s2 =	simm.s32 $0x0  }
0x8: {  	[smem:$0x7FF] =	sst s2  }
0x9: {  	s1 =	rddreg [dreg:$0x2];
	_ =	strace $0x80000047  }
0xa: {  	s3 =	sadd.s32 $0x1400, s3;
	s6 =	smul.u32 $0x28000, s4;
	s4 =	simm.s32 $0x1  }
0xb: {  	[tilespmem:s2], [sflag:$0x1] =	stream.linear.gather [hbm4b:s3+s2], $0x4000, $0x38;
	[tilespmem:$0x4000] =	vst v63  }
0xc: {  	_ =	swait.ge [sflag:s4], $0x4000  }
0xd: {  	s6 =	sshrl.u32 s6, $0x3;
	[sflag:s4] =	ssyncset.done $0x0  }
0xe: {  	s5 =	sadd.s32 s5, s6;
	[sflag:s4] =	ssyncadd.s32 $0xFFFFC000  }
0xf: {  	[hbm4b:s5+s2] =	stream.linear.scatter [tilespmem:s2], [sflag:$0x1], $0x4000, $0x38;
	[tilespmem:$0x4000] =	vst v63  }
0x10: {  	_ =	swait.ge [sflag:s4], $0x4000  }
0x11: {  	[sflag:s4] =	ssyncset.done $0x0  }
0x12: {  	s6 =	sadd.s32 $0x800, s5;
	[sflag:s4] =	ssyncadd.s32 $0xFFFFC000  }
0x13: {  	[hbm4b:s6+s2] =	stream.linear.scatter [tilespmem:s2], [sflag:$0x1], $0x4000, $0x38;
	[tilespmem:$0x4000] =	vst v63  }
0x14: {  	_ =	swait.ge [sflag:s4], $0x4000  }
0x15: {  	[sflag:s4] =	ssyncset.done $0x0  }
0x16: {  	s7 =	sadd.s32 $0x1000, s5;
	[sflag:s4] =	ssyncadd.s32 $0xFFFFC000  }
0x17: {  	[hbm4b:s7+s2] =	stream.linear.scatter [tilespmem:s2], [sflag:$0x1], $0x4000, $0x38;
	[tilespmem:$0x4000] =	vst v63  }
0x18: {  	_ =	swait.ge [sflag:s4], $0x4000  }
0x19: {  	[sflag:s4] =	ssyncset.done $0x0  }
0x1a: {  	s8 =	sadd.s32 $0x1800, s5;
	[sflag:s4] =	ssyncadd.s32 $0xFFFFC000  }
0x1b: {  	[hbm4b:s8+s2] =	stream.linear.scatter [tilespmem:s2], [sflag:$0x1], $0x4000, $0x38;
	[tilespmem:$0x4000] =	vst v63  }
0x1c: {  	_ =	swait.ge [sflag:s4], $0x4000  }
0x1d: {  	[sflag:s4] =	ssyncset.done $0x0  }
0x1e: {  	s9 =	sadd.s32 $0x2000, s5;
	[sflag:s4] =	ssyncadd.s32 $0xFFFFC000  }
0x1f: {  	[hbm4b:s9+s2] =	stream.linear.scatter [tilespmem:s2], [sflag:$0x1], $0x4000, $0x38;
	[tilespmem:$0x4000] =	vst v63  }
0x20: {  	_ =	swait.ge [sflag:s4], $0x4000  }
0x21: {  	[sflag:s4] =	ssyncset.done $0x0  }
0x22: {  	s10 =	sadd.s32 $0x2800, s5;
	[sflag:s4] =	ssyncadd.s32 $0xFFFFC000  }
0x23: {  	[hbm4b:s10+s2] =	stream.linear.scatter [tilespmem:s2], [sflag:$0x1], $0x4000, $0x38;
	[tilespmem:$0x4000] =	vst v63  }
0x24: {  	_ =	swait.ge [sflag:s4], $0x4000  }
0x25: {  	[sflag:s4] =	ssyncset.done $0x0  }
0x26: {  	s11 =	sadd.s32 $0x3000, s5;
	[sflag:s4] =	ssyncadd.s32 $0xFFFFC000  }
0x27: {  	[hbm4b:s11+s2] =	stream.linear.scatter [tilespmem:s2], [sflag:$0x1], $0x4000, $0x38;
	[tilespmem:$0x4000] =	vst v63  }
0x28: {  	_ =	swait.ge [sflag:s4], $0x4000  }
0x29: {  	[sflag:s4] =	ssyncset.done $0x0  }
0x2a: {  	s14 =	ssub.s32 $0x2, s13;
	s12 =	sadd.s32 $0x3800, s5;
	[sflag:s4] =	ssyncadd.s32 $0xFFFFC000  }
0x2b: {  	[hbm4b:s12+s2] =	stream.linear.scatter [tilespmem:s2], [sflag:$0x1], $0x4000, $0x38;
	[tilespmem:$0x4000] =	vst v63  }
0x2c: {  	s15 =	sshrl.u32 s14, $0x1;
	_ =	swait.ge [sflag:s4], $0x4000  }
0x2d: {  	s14 =	ssub.s32 s14, s15;
	[sflag:s4] =	ssyncset.done $0x0  }
0x2e: {  	s15 =	smax.u32 s14, $0x1;
	s13 =	sadd.s32 $0x4000, s5;
	[sflag:s4] =	ssyncadd.s32 $0xFFFFC000  }
0x2f: {  	[hbm4b:s13+s2] =	stream.linear.scatter [tilespmem:s2], [sflag:$0x1], $0x4000, $0x38;
	[tilespmem:$0x4000] =	vst v63  }
0x30: {  	p0 =	sne.s32 s15, $0x1;
	_ =	swait.ge [sflag:s4], $0x4000  }
.Ltmp1:
0x31: {  	[sflag:s4] =	ssyncset.done $0x0;
	(pc) =	sbr.rel @!p0 .LBB2_3-.Ltmp1, $4  }
0x32: {  	s14 =	sadd.s32 $0x4800, s5;
	[sflag:s4] =	ssyncadd.s32 $0xFFFFC000  }
0x33: {  	[hbm4b:s14+s2] =	stream.linear.scatter [tilespmem:s2], [sflag:$0x1], $0x4000, $0x38;
	[tilespmem:$0x4000] =	vst v63  }
0x34: {  	_ =	swait.ge [sflag:s4], $0x4000  }
0x35: {  	s15 =	sadd.s32 $0xFFFFFFFF, s15;
	[sflag:s4] =	ssyncset.done $0x0  }
.LBB2_2:
0x36: {  	p0 =	sne.s32 s15, $0x1;
	s15 =	sadd.s32 $0xFFFFFFFF, s15;
	[sflag:s4] =	ssyncadd.s32 $0xFFFFC000  }
0x37: {  	[tilespmem:s2], [sflag:$0x1] =	stream.linear.gather [hbm4b:s3+s2], $0x4000, $0x38;
	[tilespmem:$0x4000] =	vst v63  }
0x38: {  	_ =	swait.ge [sflag:s4], $0x4000  }
0x39: {  	[sflag:s4] =	ssyncset.done $0x0  }
0x3a: {  	[sflag:s4] =	ssyncadd.s32 $0xFFFFC000  }
0x3b: {  	[hbm4b:s5+s2] =	stream.linear.scatter [tilespmem:s2], [sflag:$0x1], $0x4000, $0x38;
	[tilespmem:$0x4000] =	vst v63  }
0x3c: {  	_ =	swait.ge [sflag:s4], $0x4000  }
0x3d: {  	[sflag:s4] =	ssyncset.done $0x0  }
0x3e: {  	[sflag:s4] =	ssyncadd.s32 $0xFFFFC000  }
0x3f: {  	[hbm4b:s6+s2] =	stream.linear.scatter [tilespmem:s2], [sflag:$0x1], $0x4000, $0x38;
	[tilespmem:$0x4000] =	vst v63  }
0x40: {  	_ =	swait.ge [sflag:s4], $0x4000  }
0x41: {  	[sflag:s4] =	ssyncset.done $0x0  }
0x42: {  	[sflag:s4] =	ssyncadd.s32 $0xFFFFC000  }
0x43: {  	[hbm4b:s7+s2] =	stream.linear.scatter [tilespmem:s2], [sflag:$0x1], $0x4000, $0x38;
	[tilespmem:$0x4000] =	vst v63  }
0x44: {  	_ =	swait.ge [sflag:s4], $0x4000  }
0x45: {  	[sflag:s4] =	ssyncset.done $0x0  }
0x46: {  	[sflag:s4] =	ssyncadd.s32 $0xFFFFC000  }
0x47: {  	[hbm4b:s8+s2] =	stream.linear.scatter [tilespmem:s2], [sflag:$0x1], $0x4000, $0x38;
	[tilespmem:$0x4000] =	vst v63  }
0x48: {  	_ =	swait.ge [sflag:s4], $0x4000  }
0x49: {  	[sflag:s4] =	ssyncset.done $0x0  }
0x4a: {  	[sflag:s4] =	ssyncadd.s32 $0xFFFFC000  }
0x4b: {  	[hbm4b:s9+s2] =	stream.linear.scatter [tilespmem:s2], [sflag:$0x1], $0x4000, $0x38;
	[tilespmem:$0x4000] =	vst v63  }
0x4c: {  	_ =	swait.ge [sflag:s4], $0x4000  }
0x4d: {  	[sflag:s4] =	ssyncset.done $0x0  }
0x4e: {  	[sflag:s4] =	ssyncadd.s32 $0xFFFFC000  }
0x4f: {  	[hbm4b:s10+s2] =	stream.linear.scatter [tilespmem:s2], [sflag:$0x1], $0x4000, $0x38;
	[tilespmem:$0x4000] =	vst v63  }
0x50: {  	_ =	swait.ge [sflag:s4], $0x4000  }
0x51: {  	[sflag:s4] =	ssyncset.done $0x0  }
0x52: {  	[sflag:s4] =	ssyncadd.s32 $0xFFFFC000  }
0x53: {  	[hbm4b:s11+s2] =	stream.linear.scatter [tilespmem:s2], [sflag:$0x1], $0x4000, $0x38;
	[tilespmem:$0x4000] =	vst v63  }
0x54: {  	_ =	swait.ge [sflag:s4], $0x4000  }
0x55: {  	[sflag:s4] =	ssyncset.done $0x0  }
0x56: {  	[sflag:s4] =	ssyncadd.s32 $0xFFFFC000  }
0x57: {  	[hbm4b:s12+s2] =	stream.linear.scatter [tilespmem:s2], [sflag:$0x1], $0x4000, $0x38;
	[tilespmem:$0x4000] =	vst v63  }
0x58: {  	_ =	swait.ge [sflag:s4], $0x4000  }
0x59: {  	[sflag:s4] =	ssyncset.done $0x0  }
0x5a: {  	[sflag:s4] =	ssyncadd.s32 $0xFFFFC000  }
0x5b: {  	[hbm4b:s13+s2] =	stream.linear.scatter [tilespmem:s2], [sflag:$0x1], $0x4000, $0x38;
	[tilespmem:$0x4000] =	vst v63  }
0x5c: {  	_ =	swait.ge [sflag:s4], $0x4000  }
.Ltmp2:
0x5d: {  	[sflag:s4] =	ssyncset.done $0x0;
	(pc) =	sbr.rel @p0 .LBB2_2-.Ltmp2, $4  }
0x5e: {  	[sflag:s4] =	ssyncadd.s32 $0xFFFFC000  }
0x5f: {  	[hbm4b:s14+s2] =	stream.linear.scatter [tilespmem:s2], [sflag:$0x1], $0x4000, $0x38;
	[tilespmem:$0x4000] =	vst v63  }
0x60: {  	_ =	swait.ge [sflag:s4], $0x4000  }
0x61: {  	[sflag:s4] =	ssyncset.done $0x0  }
.LBB2_3:
0x62: {  	[sflag:s4] =	ssyncadd.s32 $0xFFFFC000  }
.LBB2_4:
0x63: {  	_ =	sfence.sel $0x180000  }
0x64: {  	[bflag:$0x0] =	sbarrier.arrive $0xFFFF  }
0x65: {  	p0 =	sne.s32 s0, $0x0;
	_ =	strace $0x90000047  }
0x66: {  	s0 =	sadd.s32 @!p0 $0x100000, s1;
	[bflag:$0x2] =	sbarrier.arrive $0xFFFF  }
0x67: {  	[sflag:s0] =	ssyncadd.tile.s32 @!p0 $0x1;
	_ =	shalt  }
.Lfunc_end2:
_tile_overlayer_lowered:
.L_overlay_start_2:
0x68: {  	(tag) =	ssettag $0x2  }
0x69: {  	s0 =	rddreg [dreg:$0x0];
	s2 =	stileid.u32  }
0x6a: {  	s1 =	rddreg [dreg:$0x1];
	p0 =	sne.s32 s2, $0x0  }
0x6b: {  	s3 =	rddreg [dreg:$0x2];
	[bflag:$0x3] =	sbarrier.arrive $0xFFFF;
	s2 =	simm.s32 @!p0 $0x1C01  }
0x6c: {  	[timem:s3], [sflag:s2] =	dma.local @!p0 [hbm:s0], s1  }
0x6d: {  	s0 =	simm.s32 @!p0 $0x1  }
0x6e: {  	_ =	swait.ge @!p0 [sflag:s0], s1  }
0x6f: {  	s1 =	ssub.s32 @!p0 $0x0, s1;
	[sflag:s0] =	ssyncset.done @!p0 $0x0  }
0x70: {  	[sflag:s0] =	ssyncadd.s32 @!p0 s1  }
0x71: {  	[bflag:$0x3] =	sbarrier.arrive $0xFFFF  }
0x72: {  	_ =	shalt  }

</sc_bundles>
